<compile_context>
chip_gen: v7x
topology: tpu7x:2x2x1
jax: 0.10.2.dev20260603
libtpu: 0.0.44.dev20260713+nightly
codegen_flags: <defaults>
</compile_context>

<pallas_src>
import functools

import jax
import jax.numpy as jnp
from jax import lax
from jax.experimental import pallas as pl
from jax.experimental.pallas import tpu as pltpu
from jax.experimental.pallas import tpu_sc as plsc

N_NODES = 10000
N_EDGES = 320000
D = 128

NC, NS = 2, 16
HALF = N_NODES // NC
ACC_R = HALF + 8

DEG_W = 16
DEG_CH = 80
DEG_EPT = N_EDGES // NS
DEG_NCH = DEG_EPT // DEG_CH
DRPT = 624
DTAIL = N_NODES - NS * DRPT

EPT = N_EDGES // NS
CH = 128
NCHMAX = 158
EPAD = NCHMAX * CH
ZR = 8
ARPT = 312
ATAIL = HALF - NS * ARPT

_sc_mesh = plsc.VectorSubcoreMesh(core_axis_name="c", subcore_axis_name="s")


HR = 128
HPT = HR // NS


@functools.partial(
    pl.kernel,
    out_type=jax.ShapeDtypeStruct((NC, HR, 128), jnp.float32),
    mesh=_sc_mesh,
    scratch_types=[
        pltpu.VMEM((DEG_EPT,), jnp.int32),
        pltpu.VMEM((HR, 128), jnp.float32),
        pltpu.VMEM((HPT, 128), jnp.float32),
        pltpu.VMEM((HPT, 128), jnp.float32),
        pltpu.VMEM_SHARED((NS, HR, 128), jnp.float32),
    ],
    compiler_params=pltpu.CompilerParams(needs_layout_passes=False),
)
def _deg_kernel(edges_hbm, out_hbm, idx_v, hist_v, acc_v, buf_v, stage_sh):
    cid = lax.axis_index("c")
    sid = lax.axis_index("s")

    one16 = jnp.ones((16,), jnp.float32)
    z16 = jnp.zeros((16,), jnp.float32)

    def fillz(i, _):
        hist_v[i // 8, pl.ds((i % 8) * 16, 16)] = z16
        return 0

    lax.fori_loop(0, HR * 8, fillz, 0)

    pltpu.sync_copy(
        edges_hbm.at[pl.ds(cid * N_EDGES + sid * DEG_EPT, DEG_EPT)], idx_v)

    def scan(i, _):
        idx = idx_v[pl.ds(i * 16, 16)]
        plsc.addupdate_scatter(hist_v, [idx >> 7, idx & 127], one16)
        return 0

    lax.fori_loop(0, DEG_EPT // 16, scan, 0)

    pltpu.sync_copy(hist_v, stage_sh.at[sid])
    plsc.subcore_barrier()

    def fillza(i, _):
        acc_v[i // 8, pl.ds((i % 8) * 16, 16)] = z16
        return 0

    lax.fori_loop(0, HPT * 8, fillza, 0)

    for s in range(NS):
        pltpu.sync_copy(stage_sh.at[s, pl.ds(sid * HPT, HPT)], buf_v)

        def addp(i, _):
            r, c = i // 8, (i % 8) * 16
            acc_v[r, pl.ds(c, 16)] = acc_v[r, pl.ds(c, 16)] + buf_v[r, pl.ds(c, 16)]
            return 0

        lax.fori_loop(0, HPT * 8, addp, 0)

    pltpu.sync_copy(acc_v, out_hbm.at[cid, pl.ds(sid * HPT, HPT)])


@functools.partial(
    pl.kernel,
    out_type=(
        jax.ShapeDtypeStruct((NC * NS, NCHMAX, CH), jnp.int32),
        jax.ShapeDtypeStruct((NC * NS, NCHMAX, CH), jnp.int32),
        jax.ShapeDtypeStruct((NC * NS * 16,), jnp.int32),
    ),
    mesh=_sc_mesh,
    scratch_types=[
        pltpu.VMEM((EPT,), jnp.int32),
        pltpu.VMEM((EPT,), jnp.int32),
        pltpu.VMEM((NCHMAX, CH), jnp.int32),
        pltpu.VMEM((NCHMAX, CH), jnp.int32),
        pltpu.VMEM((16,), jnp.int32),
    ],
    compiler_params=pltpu.CompilerParams(needs_layout_passes=False),
)
def _part_kernel(edges_hbm, srcc_hbm, dstc_hbm, cnt_hbm,
                 src_v, dst_v, srcc_v, dstc_v, cnt_v):
    cid = lax.axis_index("c")
    sid = lax.axis_index("s")

    pltpu.sync_copy(edges_hbm.at[pl.ds(sid * EPT, EPT)], src_v)
    pltpu.sync_copy(edges_hbm.at[pl.ds(N_EDGES + sid * EPT, EPT)], dst_v)

    lo = cid * HALF
    lo_vec = jnp.full((16,), 1, jnp.int32) * lo

    def scan(i, off):
        s16 = src_v[pl.ds(i * 16, 16)]
        d16 = dst_v[pl.ds(i * 16, 16)]
        dl = d16 - lo_vec
        m = (dl >= 0) & (dl < HALF)
        mi = m.astype(jnp.int32)
        pos = off + jnp.cumsum(mi) - 1
        plsc.store_scatter(srcc_v, [pos >> 7, pos & 127], s16, mask=m)
        plsc.store_scatter(dstc_v, [pos >> 7, pos & 127], dl, mask=m)
        return off + jnp.sum(mi)

    cnt = lax.fori_loop(0, EPT // 16, scan, jnp.int32(0))

    z16 = jnp.zeros((16,), jnp.int32)
    t16 = jnp.full((16,), 1, jnp.int32) * HALF
    lane = lax.iota(jnp.int32, 16)
    for k in range(CH // 16):
        pos = cnt + 16 * k + lane
        plsc.store_scatter(srcc_v, [pos >> 7, pos & 127], z16)
        plsc.store_scatter(dstc_v, [pos >> 7, pos & 127], t16)

    wid = cid * NS + sid
    pltpu.sync_copy(srcc_v, srcc_hbm.at[wid, pl.ds(0, NCHMAX)])
    pltpu.sync_copy(dstc_v, dstc_hbm.at[wid, pl.ds(0, NCHMAX)])
    cnt_v[...] = jnp.broadcast_to(cnt, (16,))
    pltpu.sync_copy(cnt_v, cnt_hbm.at[pl.ds((cid * NS + sid) * 16, 16)])


@functools.partial(
    pl.kernel,
    out_type=jax.ShapeDtypeStruct((N_NODES, D), jnp.float32),
    mesh=_sc_mesh,
    scratch_types=[
        pltpu.VMEM((NCHMAX, CH), jnp.int32),
        pltpu.VMEM((NCHMAX, CH), jnp.int32),
        pltpu.VMEM((3, CH, D), jnp.float32),
        pltpu.VMEM((16,), jnp.int32),
        pltpu.VMEM_SHARED((ACC_R, D), jnp.float32),
        pltpu.SemaphoreType.DMA,
        pltpu.SemaphoreType.DMA,
    ],
    compiler_params=pltpu.CompilerParams(needs_layout_passes=False),
)
def _agg_kernel(h_hbm, srcc_hbm, dstc_hbm, cnt_hbm, out_hbm,
                src_v, dst_v, rows_v, cnt_v, acc_sh, sem_g, sem_s):
    cid = lax.axis_index("c")
    sid = lax.axis_index("s")

    z16 = jnp.zeros((16,), jnp.float32)

    def fillz(t, _):
        rows_v[0, t // (D // 16), pl.ds((t % (D // 16)) * 16, 16)] = z16
        return 0

    lax.fori_loop(0, CH * (D // 16), fillz, 0)

    pltpu.sync_copy(rows_v.at[0, pl.ds(0, CH)],
                    acc_sh.at[pl.ds(sid * ARPT, CH)])
    pltpu.sync_copy(rows_v.at[0, pl.ds(0, CH)],
                    acc_sh.at[pl.ds(sid * ARPT + CH, CH)])
    pltpu.sync_copy(rows_v.at[0, pl.ds(0, ARPT - 2 * CH)],
                    acc_sh.at[pl.ds(sid * ARPT + 2 * CH, ARPT - 2 * CH)])

    @pl.when(sid == NS - 1)
    def _():
        pltpu.sync_copy(rows_v.at[0, pl.ds(0, ATAIL)],
                        acc_sh.at[pl.ds(HALF - ATAIL, ATAIL)])

    plsc.subcore_barrier()

    wid = cid * NS + sid
    pltpu.sync_copy(cnt_hbm.at[pl.ds(wid * 16, 16)], cnt_v)
    cnt = jnp.max(cnt_v[...])
    nch = (cnt + CH - 1) // CH

    pltpu.sync_copy(srcc_hbm.at[wid, pl.ds(0, NCHMAX)], src_v)
    pltpu.sync_copy(dstc_hbm.at[wid, pl.ds(0, NCHMAX)], dst_v)

    def _gather(f):
        pltpu.async_copy(h_hbm.at[src_v.at[f, pl.ds(0, CH)]],
                         rows_v.at[f % 3, pl.ds(0, CH)], sem_g)

    def _wait_g(f):
        pltpu.make_async_copy(h_hbm.at[src_v.at[f, pl.ds(0, CH)]],
                              rows_v.at[f % 3, pl.ds(0, CH)], sem_g).wait()

    def _scatter(f):
        pltpu.async_copy(rows_v.at[f % 3, pl.ds(0, CH)],
                         acc_sh.at[dst_v.at[f, pl.ds(0, CH)]], sem_s, add=True)

    def _wait_s():
        pltpu.make_async_copy(rows_v.at[0, pl.ds(0, CH)],
                              acc_sh.at[dst_v.at[0, pl.ds(0, CH)]], sem_s).wait()

    for k in range(3):
        @pl.when(k < nch)
        def _():
            _gather(jnp.int32(k))

    def chunk(j, _):
        _wait_g(j)
        _scatter(j)

        @pl.when(j >= 1)
        def _():
            _wait_s()

            @pl.when(j + 2 < nch)
            def _():
                _gather(j + 2)
        return 0

    lax.fori_loop(0, nch, chunk, 0)

    @pl.when(nch >= 1)
    def _():
        _wait_s()
    plsc.subcore_barrier()

    pltpu.sync_copy(acc_sh.at[pl.ds(sid * ARPT, ARPT)],
                    out_hbm.at[pl.ds(cid * HALF + sid * ARPT, ARPT)])

    @pl.when(sid == NS - 1)
    def _():
        pltpu.sync_copy(acc_sh.at[pl.ds(HALF - ATAIL, ATAIL)],
                        out_hbm.at[pl.ds(cid * HALF + HALF - ATAIL, ATAIL)])




@functools.partial(
    pl.kernel,
    out_type=(
        jax.ShapeDtypeStruct((NC, HR, 128), jnp.float32),
        jax.ShapeDtypeStruct((NC * NS, NCHMAX, CH), jnp.int32),
        jax.ShapeDtypeStruct((NC * NS, NCHMAX, CH), jnp.int32),
        jax.ShapeDtypeStruct((NC * NS * 16,), jnp.int32),
    ),
    mesh=_sc_mesh,
    scratch_types=[
        pltpu.VMEM((EPT,), jnp.int32),
        pltpu.VMEM((EPT,), jnp.int32),
        pltpu.VMEM((NCHMAX, CH), jnp.int32),
        pltpu.VMEM((NCHMAX, CH), jnp.int32),
        pltpu.VMEM((16,), jnp.int32),
        pltpu.VMEM((HR, 128), jnp.float32),
        pltpu.VMEM((HPT, 128), jnp.float32),
        pltpu.VMEM((HPT, 128), jnp.float32),
        pltpu.VMEM_SHARED((NS, HR, 128), jnp.float32),
    ],
    compiler_params=pltpu.CompilerParams(needs_layout_passes=False),
)
def _prep_kernel(edges_hbm, deg_hbm, srcc_hbm, dstc_hbm, cnt_hbm,
                 src_v, dst_v, srcc_v, dstc_v, cnt_v,
                 hist_v, hacc_v, hbuf_v, stage_sh):
    cid = lax.axis_index("c")
    sid = lax.axis_index("s")

    one16 = jnp.ones((16,), jnp.float32)
    z16f = jnp.zeros((16,), jnp.float32)

    pltpu.sync_copy(edges_hbm.at[pl.ds(sid * EPT, EPT)], src_v)
    pltpu.sync_copy(edges_hbm.at[pl.ds(N_EDGES + sid * EPT, EPT)], dst_v)

    def fillz(i, _):
        hist_v[i // 8, pl.ds((i % 8) * 16, 16)] = z16f
        return 0

    lax.fori_loop(0, HR * 8, fillz, 0)

    lo = cid * HALF
    lo_vec = jnp.full((16,), 1, jnp.int32) * lo

    def scan(i, off):
        s16 = src_v[pl.ds(i * 16, 16)]
        d16 = dst_v[pl.ds(i * 16, 16)]
        h16 = jnp.where(cid == 0, s16, d16)
        plsc.addupdate_scatter(hist_v, [h16 >> 7, h16 & 127], one16)
        dl = d16 - lo_vec
        m = (dl >= 0) & (dl < HALF)
        mi = m.astype(jnp.int32)
        pos = off + jnp.cumsum(mi) - 1
        plsc.store_scatter(srcc_v, [pos >> 7, pos & 127], s16, mask=m)
        plsc.store_scatter(dstc_v, [pos >> 7, pos & 127], dl, mask=m)
        return off + jnp.sum(mi)

    cnt = lax.fori_loop(0, EPT // 16, scan, jnp.int32(0))

    z16 = jnp.zeros((16,), jnp.int32)
    t16 = jnp.full((16,), 1, jnp.int32) * HALF
    lane = lax.iota(jnp.int32, 16)
    for k in range(CH // 16):
        pos = cnt + 16 * k + lane
        plsc.store_scatter(srcc_v, [pos >> 7, pos & 127], z16)
        plsc.store_scatter(dstc_v, [pos >> 7, pos & 127], t16)

    wid = cid * NS + sid
    pltpu.sync_copy(srcc_v, srcc_hbm.at[wid, pl.ds(0, NCHMAX)])
    pltpu.sync_copy(dstc_v, dstc_hbm.at[wid, pl.ds(0, NCHMAX)])
    cnt_v[...] = jnp.broadcast_to(cnt, (16,))
    pltpu.sync_copy(cnt_v, cnt_hbm.at[pl.ds(wid * 16, 16)])

    pltpu.sync_copy(hist_v, stage_sh.at[sid])
    plsc.subcore_barrier()

    def fillza(i, _):
        hacc_v[i // 8, pl.ds((i % 8) * 16, 16)] = z16f
        return 0

    lax.fori_loop(0, HPT * 8, fillza, 0)

    for s in range(NS):
        pltpu.sync_copy(stage_sh.at[s, pl.ds(sid * HPT, HPT)], hbuf_v)

        def addp(i, _):
            r, c = i // 8, (i % 8) * 16
            hacc_v[r, pl.ds(c, 16)] = hacc_v[r, pl.ds(c, 16)] + hbuf_v[r, pl.ds(c, 16)]
            return 0

        lax.fori_loop(0, HPT * 8, addp, 0)

    pltpu.sync_copy(hacc_v, deg_hbm.at[cid, pl.ds(sid * HPT, HPT)])



_BLK = 1000


def _norm(deg_blk):
    return lax.rsqrt(jnp.maximum(deg_blk[...], 1.0))


def _pre1_body(x_ref, dgo_ref, o_ref):
    o_ref[...] = x_ref[...] * _norm(dgo_ref)


def _post1_body(p_ref, dgi_ref, dgo_ref, w_ref, b_ref, o_ref):
    a = p_ref[...] * _norm(dgi_ref)
    z = jnp.dot(a, w_ref[...], preferred_element_type=jnp.float32) + b_ref[...]
    o_ref[...] = jnp.maximum(z, 0.0) * _norm(dgo_ref)


def _post2_body(p_ref, dgi_ref, w_ref, b_ref, o_ref):
    a = p_ref[...] * _norm(dgi_ref)
    o_ref[...] = jnp.dot(a, w_ref[...], preferred_element_type=jnp.float32) + b_ref[...]


def _row_blocked(width):
    return pl.BlockSpec((_BLK, width), lambda i: (i, 0))


_SPEC_W = pl.BlockSpec((D, D), lambda i: (0, 0))
_SPEC_B = pl.BlockSpec((1, D), lambda i: (0, 0))
_OUT_SHAPE = jax.ShapeDtypeStruct((N_NODES, D), jnp.float32)
_GRID = (N_NODES // _BLK,)


def kernel(x, edge_index, W1, b1, W2, b2):
    eflat = edge_index.reshape(2 * N_EDGES)
    deg, srcc, dstc, cnts = _prep_kernel(eflat)
    degp = deg.reshape(NC, HR * 128)[:, :N_NODES]
    dgo = degp[0][:, None]
    dgi = degp[1][:, None]

    h1 = pl.pallas_call(
        _pre1_body,
        grid=_GRID,
        in_specs=[_row_blocked(D), _row_blocked(1)],
        out_specs=_row_blocked(D),
        out_shape=_OUT_SHAPE,
    )(x, dgo)

    p1 = _agg_kernel(h1, srcc, dstc, cnts)

    h2 = pl.pallas_call(
        _post1_body,
        grid=_GRID,
        in_specs=[_row_blocked(D), _row_blocked(1), _row_blocked(1),
                  _SPEC_W, _SPEC_B],
        out_specs=_row_blocked(D),
        out_shape=_OUT_SHAPE,
    )(p1, dgi, dgo, W1, b1.reshape(1, D))

    p2 = _agg_kernel(h2, srcc, dstc, cnts)

    out = pl.pallas_call(
        _post2_body,
        grid=_GRID,
        in_specs=[_row_blocked(D), _row_blocked(1), _SPEC_W, _SPEC_B],
        out_specs=_row_blocked(D),
        out_shape=_OUT_SHAPE,
    )(p2, dgi, W2, b2.reshape(1, D))

    return out

# --- scband reference (transcript-rebuilt; emitter-appended) ---
"""Pipeline reference for scband-gcn-42949672960272 (READ-ONLY COPY).

The authoritative reference and input builder live on the scoring server;
editing this copy changes nothing except your own understanding.
"""

import jax, jax.numpy as jnp
import numpy as np

N_NODES = 10000
N_EDGES = 320000
D_IN = 128
D_HID = 128
D_OUT = 128


def setup_inputs(seed: int = 0) -> dict:
    key = jax.random.key(seed)
    k1, k2, k3, k4 = jax.random.split(key, 4)
    x = jax.random.normal(k1, (N_NODES, D_IN), dtype=jnp.float32)
    edge_index = jax.random.randint(k2, (2, N_EDGES), 0, N_NODES, dtype=jnp.int32)
    W1 = jax.random.normal(k3, (D_IN, D_HID), dtype=jnp.float32) * 0.05
    b1 = jnp.zeros((D_HID,), dtype=jnp.float32)
    W2 = jax.random.normal(k4, (D_HID, D_OUT), dtype=jnp.float32) * 0.05
    b2 = jnp.zeros((D_OUT,), dtype=jnp.float32)
    return {"x": x, "edge_index": edge_index, "W1": W1, "b1": b1, "W2": W2, "b2": b2}


def _gcn_layer(x, src, dst, W, b):
    # DGL GraphConv with norm='both':
    #   h = x * out_deg^{-1/2}; aggregate sum over edges; h' = agg * in_deg^{-1/2}; out = h' W + b
    deg_out = jnp.bincount(src, length=N_NODES).astype(jnp.float32)
    deg_in = jnp.bincount(dst, length=N_NODES).astype(jnp.float32)
    norm_src = jax.lax.rsqrt(jnp.clip(deg_out, 1.0, None))
    norm_dst = jax.lax.rsqrt(jnp.clip(deg_in, 1.0, None))
    h = x * norm_src[:, None]
    m = h[src]  # gather over edges
    agg = jnp.zeros((N_NODES, h.shape[1]), dtype=h.dtype).at[dst].add(m)  # scatter-add
    agg = agg * norm_dst[:, None]
    return agg @ W + b


def reference(x, edge_index, W1, b1, W2, b2):
    src = edge_index[0]
    dst = edge_index[1]
    h = jax.nn.relu(_gcn_layer(x, src, dst, W1, b1))
    out = _gcn_layer(h, src, dst, W2, b2)
    return out

if __name__ == "__main__":
    import jax
    _d = setup_inputs()
    print(jax.jit(kernel)(*tuple(_d.values())))

</pallas_src>

<mosaic_0001>
#map = affine_map<(d0, d1) -> (0)>
#map1 = affine_map<(d0, d1) -> (0, 0, 0)>
module attributes {stable_mosaic.version = 14 : i64} {
  func.func @_prep_kernel(%arg0: i32, %arg1: i32, %arg2: memref<640000xi32, #tpu.memory_space<hbm>>, %arg3: memref<2x128x128xf32, #tpu.memory_space<hbm>>, %arg4: memref<32x158x128xi32, #tpu.memory_space<hbm>>, %arg5: memref<32x158x128xi32, #tpu.memory_space<hbm>>, %arg6: memref<512xi32, #tpu.memory_space<hbm>>, %arg7: memref<20000xi32, #tpu.memory_space<vmem>>, %arg8: memref<20000xi32, #tpu.memory_space<vmem>>, %arg9: memref<158x128xi32, #tpu.memory_space<vmem>>, %arg10: memref<158x128xi32, #tpu.memory_space<vmem>>, %arg11: memref<16xi32, #tpu.memory_space<vmem>>, %arg12: memref<128x128xf32, #tpu.memory_space<vmem>>, %arg13: memref<8x128xf32, #tpu.memory_space<vmem>>, %arg14: memref<8x128xf32, #tpu.memory_space<vmem>>, %arg15: memref<16x128x128xf32, #tpu.memory_space<vmem_shared>>) attributes {dimension_semantics = [#tpu.dimension_semantics<core_parallel>, #tpu.dimension_semantics<subcore_parallel>], iteration_bounds = array<i64: 2, 16>, scalar_prefetch = 0 : i64, scratch_operands = 9 : i64, tpu.core_type = #tpu.core_type<sc_vector_subcore>, window_params = [{transform_indices = #map}, {transform_indices = #map1}, {transform_indices = #map1}, {transform_indices = #map1}, {transform_indices = #map}]} {
    %broadcast_in_dim3A = arith.constant 1.000000e+00 : f32
    %broadcast_in_dim3A_0 = vector.broadcast %broadcast_in_dim3A : f32 to vector<16xf32>
    %broadcast_in_dim3A_1 = arith.constant 0.000000e+00 : f32
    %broadcast_in_dim3A_2 = vector.broadcast %broadcast_in_dim3A_1 : f32 to vector<16xf32>
    %mul3A = arith.constant 20000 : i32
    %mul3A_3 = arith.muli %arg1, %mul3A : i32
    "tpu.region"() ({
      %run_scoped3A_334 = tpu.sem_alloc : memref<!tpu.dma_semaphore, #tpu.memory_space<semaphore_mem>>
      %dma_start3A = tpu.memref_slice %arg2[%mul3A_3] : memref<640000xi32, #tpu.memory_space<hbm>> -> memref<20000xi32, #tpu.memory_space<hbm>>
      %dma_start3A_335 = tpu.memref_slice %arg2[%mul3A_3] : memref<640000xi32, #tpu.memory_space<hbm>> -> memref<20000xi32, #tpu.memory_space<hbm>>
      tpu.enqueue_dma source(%dma_start3A_335 : memref<20000xi32, #tpu.memory_space<hbm>>) target(%arg7 : memref<20000xi32, #tpu.memory_space<vmem>>) target_semaphore(%run_scoped3A_334 : memref<!tpu.dma_semaphore, #tpu.memory_space<semaphore_mem>>)
      %dma_wait3A = tpu.memref_slice %arg2[%mul3A_3] : memref<640000xi32, #tpu.memory_space<hbm>> -> memref<20000xi32, #tpu.memory_space<hbm>>
      %dma_wait3A_336 = tpu.memref_slice %arg2[%mul3A_3] : memref<640000xi32, #tpu.memory_space<hbm>> -> memref<20000xi32, #tpu.memory_space<hbm>>
      tpu.wait_dma2 semaphore(%run_scoped3A_334 : memref<!tpu.dma_semaphore, #tpu.memory_space<semaphore_mem>>) src(%dma_wait3A_336 : memref<20000xi32, #tpu.memory_space<hbm>>) dst(%arg7 : memref<20000xi32, #tpu.memory_space<vmem>>)
      tpu.yield
    }) : () -> ()
    %mul3A_4 = arith.constant 20000 : i32
    %mul3A_5 = arith.muli %arg1, %mul3A_4 : i32
    %add3A = arith.constant 320000 : i32
    %add3A_6 = arith.addi %add3A, %mul3A_5 : i32
    "tpu.region"() ({
      %run_scoped3A_334 = tpu.sem_alloc : memref<!tpu.dma_semaphore, #tpu.memory_space<semaphore_mem>>
      %dma_start3A = tpu.memref_slice %arg2[%add3A_6] : memref<640000xi32, #tpu.memory_space<hbm>> -> memref<20000xi32, #tpu.memory_space<hbm>>
      %dma_start3A_335 = tpu.memref_slice %arg2[%add3A_6] : memref<640000xi32, #tpu.memory_space<hbm>> -> memref<20000xi32, #tpu.memory_space<hbm>>
      tpu.enqueue_dma source(%dma_start3A_335 : memref<20000xi32, #tpu.memory_space<hbm>>) target(%arg8 : memref<20000xi32, #tpu.memory_space<vmem>>) target_semaphore(%run_scoped3A_334 : memref<!tpu.dma_semaphore, #tpu.memory_space<semaphore_mem>>)
      %dma_wait3A = tpu.memref_slice %arg2[%add3A_6] : memref<640000xi32, #tpu.memory_space<hbm>> -> memref<20000xi32, #tpu.memory_space<hbm>>
      %dma_wait3A_336 = tpu.memref_slice %arg2[%add3A_6] : memref<640000xi32, #tpu.memory_space<hbm>> -> memref<20000xi32, #tpu.memory_space<hbm>>
      tpu.wait_dma2 semaphore(%run_scoped3A_334 : memref<!tpu.dma_semaphore, #tpu.memory_space<semaphore_mem>>) src(%dma_wait3A_336 : memref<20000xi32, #tpu.memory_space<hbm>>) dst(%arg8 : memref<20000xi32, #tpu.memory_space<vmem>>)
      tpu.yield
    }) : () -> ()
    %scan3A = arith.constant 0 : i32
    %scan3A_7 = arith.constant 0 : i32
    %scan3A_8 = arith.constant 1024 : i32
    %scan3A_9 = arith.addi %scan3A_7, %scan3A_8 : i32
    %scan3A_10 = arith.constant 1 : i32
    %scan3A_11 = scf.for %scan3A_334 = %scan3A_7 to %scan3A_9 step %scan3A_10 iter_args(%scan3A_335 = %scan3A) -> (i32)  : i32 {
      %jit3A = arith.constant 8 : i32
      %div3A = arith.divsi %scan3A_334, %jit3A : i32
      %sign3A = arith.constant 0 : i32
      %sign3A_336 = arith.cmpi sgt, %scan3A_334, %sign3A : i32
      %sign3A_337 = arith.extui %sign3A_336 : i1 to i32
      %sign3A_338 = arith.constant 0 : i32
      %sign3A_339 = arith.cmpi slt, %scan3A_334, %sign3A_338 : i32
      %sign3A_340 = arith.extui %sign3A_339 : i1 to i32
      %sign3A_341 = arith.subi %sign3A_337, %sign3A_340 : i32
      %sign3A_342 = arith.constant 0 : i32
      %sign3A_343 = arith.cmpi sgt, %jit3A, %sign3A_342 : i32
      %sign3A_344 = arith.extui %sign3A_343 : i1 to i32
      %sign3A_345 = arith.constant 0 : i32
      %sign3A_346 = arith.cmpi slt, %jit3A, %sign3A_345 : i32
      %sign3A_347 = arith.extui %sign3A_346 : i1 to i32
      %sign3A_348 = arith.subi %sign3A_344, %sign3A_347 : i32
      %ne3A = arith.cmpi ne, %sign3A_341, %sign3A_348 : i32
      %rem3A = arith.remsi %scan3A_334, %jit3A : i32
      %ne3A_349 = arith.constant 0 : i32
      %ne3A_350 = arith.cmpi ne, %rem3A, %ne3A_349 : i32
      %and3A_351 = arith.andi %ne3A, %ne3A_350 : i1
      %sub3A = arith.constant 1 : i32
      %sub3A_352 = arith.subi %div3A, %sub3A : i32
      %select_n3A = arith.select %and3A_351, %sub3A_352, %div3A : i32
      %jit3A_353 = arith.constant 8 : i32
      %eq3A = arith.constant 0 : i32
      %eq3A_354 = arith.cmpi eq, %jit3A_353, %eq3A : i32
      %jit3A_355 = arith.constant 1 : i32
      %select_n3A_356 = arith.select %eq3A_354, %jit3A_355, %jit3A_353 : i32
      %rem3A_357 = arith.remsi %scan3A_334, %select_n3A_356 : i32
      %ne3A_358 = arith.constant 0 : i32
      %ne3A_359 = arith.cmpi ne, %rem3A_357, %ne3A_358 : i32
      %lt3A = arith.constant 0 : i32
      %lt3A_360 = arith.cmpi slt, %rem3A_357, %lt3A : i32
      %lt3A_361 = arith.constant 0 : i32
      %lt3A_362 = arith.cmpi slt, %select_n3A_356, %lt3A_361 : i32
      %ne3A_363 = arith.xori %lt3A_360, %lt3A_362 : i1
      %and3A_364 = arith.andi %ne3A_363, %ne3A_359 : i1
      %add3A_365 = arith.addi %rem3A_357, %select_n3A_356 : i32
      %select_n3A_366 = arith.select %and3A_364, %add3A_365, %rem3A_357 : i32
      %mul3A_367 = arith.constant 16 : i32
      %mul3A_368 = arith.muli %select_n3A_366, %mul3A_367 : i32
      %swap3A_369 = arith.index_cast %select_n3A : i32 to index
      %swap3A_370 = arith.index_cast %mul3A_368 : i32 to index
      %swap3A_371 = tpu.vector_load %arg12[%swap3A_369, %swap3A_370] {strides = array<i32>} : memref<128x128xf32, #tpu.memory_space<vmem>>, vector<16xf32>,
      tpu.vector_store %arg12[%swap3A_369, %swap3A_370], %broadcast_in_dim3A_2 {strides = array<i32>} : memref<128x128xf32, #tpu.memory_space<vmem>>, vector<16xf32>,
      %scan3A_372 = arith.constant 0 : i32
      scf.yield %scan3A_372 : i32
    }
    %scan3A_12 = arith.constant 1024 : i32
    %mul3A_13 = arith.constant 5000 : i32
    %mul3A_14 = arith.muli %arg0, %mul3A_13 : i32
    %broadcast_in_dim3A_15 = arith.constant 1 : i32
    %broadcast_in_dim3A_16 = vector.broadcast %broadcast_in_dim3A_15 : i32 to vector<16xi32>
    %mul3A_17 = vector.broadcast %mul3A_14 : i32 to vector<16xi32>
    %mul3A_18 = arith.muli %broadcast_in_dim3A_16, %mul3A_17 : vector<16xi32>
    %scan3A_19 = arith.constant 0 : i32
    %scan3A_20 = arith.constant 0 : i32
    %scan3A_21 = arith.constant 1250 : i32
    %scan3A_22 = arith.addi %scan3A_20, %scan3A_21 : i32
    %scan3A_23 = arith.constant 1 : i32
    %scan3A_24 = scf.for %scan3A_334 = %scan3A_20 to %scan3A_22 step %scan3A_23 iter_args(%scan3A_335 = %scan3A_19) -> (i32)  : i32 {
      %mul3A_336 = arith.constant 16 : i32
      %mul3A_337 = arith.muli %scan3A_334, %mul3A_336 : i32
      %get3A = arith.index_cast %mul3A_337 : i32 to index
      %get3A_338 = tpu.vector_load %arg7[%get3A] {strides = array<i32>} : memref<20000xi32, #tpu.memory_space<vmem>>, vector<16xi32>,
      %mul3A_339 = arith.constant 16 : i32
      %mul3A_340 = arith.muli %scan3A_334, %mul3A_339 : i32
      %get3A_341 = arith.index_cast %mul3A_340 : i32 to index
      %get3A_342 = tpu.vector_load %arg8[%get3A_341] {strides = array<i32>} : memref<20000xi32, #tpu.memory_space<vmem>>, vector<16xi32>,
      %eq3A = arith.constant 0 : i32
      %eq3A_343 = arith.cmpi eq, %arg0, %eq3A : i32
      %select_n3A = arith.select %eq3A_343, %get3A_338, %get3A_342 : vector<16xi32>
      %shift_right_arithmetic3A_344 = arith.constant 7 : i32
      %shift_right_arithmetic3A_345 = vector.broadcast %shift_right_arithmetic3A_344 : i32 to vector<16xi32>
      %shift_right_arithmetic3A_346 = arith.shrsi %select_n3A, %shift_right_arithmetic3A_345 : vector<16xi32>
      %and3A_347 = arith.constant 127 : i32
      %and3A_348 = vector.broadcast %and3A_347 : i32 to vector<16xi32>
      %and3A_349 = arith.andi %select_n3A, %and3A_348 : vector<16xi32>
      tpu.vector_store_idx %arg12[%shift_right_arithmetic3A_346, %and3A_349], %broadcast_in_dim3A_0 {add = true} : memref<128x128xf32, #tpu.memory_space<vmem>>[vector<16xi32>, vector<16xi32>], vector<16xf32>,
      %sub3A = arith.subi %get3A_342, %mul3A_18 : vector<16xi32>
      %ge3A = arith.constant 0 : i32
      %ge3A_350 = vector.broadcast %ge3A : i32 to vector<16xi32>
      %ge3A_351 = arith.cmpi sge, %sub3A, %ge3A_350 : vector<16xi32>
      %lt3A = arith.constant 5000 : i32
      %lt3A_352 = vector.broadcast %lt3A : i32 to vector<16xi32>
      %lt3A_353 = arith.cmpi slt, %sub3A, %lt3A_352 : vector<16xi32>
      %and3A_354 = arith.andi %ge3A_351, %lt3A_353 : vector<16xi1>
      %convert_element_type3A = arith.extui %and3A_354 : vector<16xi1> to vector<16xi32>
      %cumsum3A = arith.constant true
      %cumsum3A_355 = vector.broadcast %cumsum3A : i1 to vector<16xi1>
      %cumsum3A_356 = tpu.scan <sum>, %convert_element_type3A masked %cumsum3A_355 : vector<16xi32>, vector<16xi1> -> vector<16xi32>
      %add3A_357 = vector.broadcast %scan3A_335 : i32 to vector<16xi32>
      %add3A_358 = arith.addi %add3A_357, %cumsum3A_356 : vector<16xi32>
      %sub3A_359 = arith.constant 1 : i32
      %sub3A_360 = vector.broadcast %sub3A_359 : i32 to vector<16xi32>
      %sub3A_361 = arith.subi %add3A_358, %sub3A_360 : vector<16xi32>
      %shift_right_arithmetic3A_362 = arith.constant 7 : i32
      %shift_right_arithmetic3A_363 = vector.broadcast %shift_right_arithmetic3A_362 : i32 to vector<16xi32>
      %shift_right_arithmetic3A_364 = arith.shrsi %sub3A_361, %shift_right_arithmetic3A_363 : vector<16xi32>
      %and3A_365 = arith.constant 127 : i32
      %and3A_366 = vector.broadcast %and3A_365 : i32 to vector<16xi32>
      %and3A_367 = arith.andi %sub3A_361, %and3A_366 : vector<16xi32>
      tpu.vector_store_idx %arg9[%shift_right_arithmetic3A_364, %and3A_367], %get3A_338 masked %and3A_354 : memref<158x128xi32, #tpu.memory_space<vmem>>[vector<16xi32>, vector<16xi32>], vector<16xi32>, vector<16xi1>
      %shift_right_arithmetic3A_368 = arith.constant 7 : i32
      %shift_right_arithmetic3A_369 = vector.broadcast %shift_right_arithmetic3A_368 : i32 to vector<16xi32>
      %shift_right_arithmetic3A_370 = arith.shrsi %sub3A_361, %shift_right_arithmetic3A_369 : vector<16xi32>
      %and3A_371 = arith.constant 127 : i32
      %and3A_372 = vector.broadcast %and3A_371 : i32 to vector<16xi32>
      %and3A_373 = arith.andi %sub3A_361, %and3A_372 : vector<16xi32>
      tpu.vector_store_idx %arg10[%shift_right_arithmetic3A_370, %and3A_373], %sub3A masked %and3A_354 : memref<158x128xi32, #tpu.memory_space<vmem>>[vector<16xi32>, vector<16xi32>], vector<16xi32>, vector<16xi1>
      %reduce_sum3A = arith.constant true
      %reduce_sum3A_374 = vector.broadcast %reduce_sum3A : i1 to vector<16xi1>
      %reduce_sum3A_375 = tpu.scan <sum>, %convert_element_type3A masked %reduce_sum3A_374 : vector<16xi32>, vector<16xi1> -> vector<16xi32>
      %reduce_sum3A_376 = vector.extract %reduce_sum3A_375[15] : i32 from vector<16xi32>
      %add3A_377 = arith.addi %scan3A_335, %reduce_sum3A_376 : i32
      scf.yield %add3A_377 : i32
    }
    %scan3A_25 = arith.constant 1250 : i32
    %broadcast_in_dim3A_26 = arith.constant 0 : i32
    %broadcast_in_dim3A_27 = vector.broadcast %broadcast_in_dim3A_26 : i32 to vector<16xi32>
    %broadcast_in_dim3A_28 = arith.constant 1 : i32
    %broadcast_in_dim3A_29 = vector.broadcast %broadcast_in_dim3A_28 : i32 to vector<16xi32>
    %mul3A_30 = arith.constant 5000 : i32
    %mul3A_31 = vector.broadcast %mul3A_30 : i32 to vector<16xi32>
    %mul3A_32 = arith.muli %broadcast_in_dim3A_29, %mul3A_31 : vector<16xi32>
    %iota3A = tpu.iota {dimensions = array<i32: 0>} : vector<16xi32>
    %add3A_33 = arith.constant 0 : i32
    %add3A_34 = arith.addi %scan3A_24, %add3A_33 : i32
    %add3A_35 = vector.broadcast %add3A_34 : i32 to vector<16xi32>
    %add3A_36 = arith.addi %add3A_35, %iota3A : vector<16xi32>
    %shift_right_arithmetic3A = arith.constant 7 : i32
    %shift_right_arithmetic3A_37 = vector.broadcast %shift_right_arithmetic3A : i32 to vector<16xi32>
    %shift_right_arithmetic3A_38 = arith.shrsi %add3A_36, %shift_right_arithmetic3A_37 : vector<16xi32>
    %and3A = arith.constant 127 : i32
    %and3A_39 = vector.broadcast %and3A : i32 to vector<16xi32>
    %and3A_40 = arith.andi %add3A_36, %and3A_39 : vector<16xi32>
    tpu.vector_store_idx %arg9[%shift_right_arithmetic3A_38, %and3A_40], %broadcast_in_dim3A_27 : memref<158x128xi32, #tpu.memory_space<vmem>>[vector<16xi32>, vector<16xi32>], vector<16xi32>,
    %shift_right_arithmetic3A_41 = arith.constant 7 : i32
    %shift_right_arithmetic3A_42 = vector.broadcast %shift_right_arithmetic3A_41 : i32 to vector<16xi32>
    %shift_right_arithmetic3A_43 = arith.shrsi %add3A_36, %shift_right_arithmetic3A_42 : vector<16xi32>
    %and3A_44 = arith.constant 127 : i32
    %and3A_45 = vector.broadcast %and3A_44 : i32 to vector<16xi32>
    %and3A_46 = arith.andi %add3A_36, %and3A_45 : vector<16xi32>
    tpu.vector_store_idx %arg10[%shift_right_arithmetic3A_43, %and3A_46], %mul3A_32 : memref<158x128xi32, #tpu.memory_space<vmem>>[vector<16xi32>, vector<16xi32>], vector<16xi32>,
    %add3A_47 = arith.constant 16 : i32
    %add3A_48 = arith.addi %scan3A_24, %add3A_47 : i32
    %add3A_49 = vector.broadcast %add3A_48 : i32 to vector<16xi32>
    %add3A_50 = arith.addi %add3A_49, %iota3A : vector<16xi32>
    %shift_right_arithmetic3A_51 = arith.constant 7 : i32
    %shift_right_arithmetic3A_52 = vector.broadcast %shift_right_arithmetic3A_51 : i32 to vector<16xi32>
    %shift_right_arithmetic3A_53 = arith.shrsi %add3A_50, %shift_right_arithmetic3A_52 : vector<16xi32>
    %and3A_54 = arith.constant 127 : i32
    %and3A_55 = vector.broadcast %and3A_54 : i32 to vector<16xi32>
    %and3A_56 = arith.andi %add3A_50, %and3A_55 : vector<16xi32>
    tpu.vector_store_idx %arg9[%shift_right_arithmetic3A_53, %and3A_56], %broadcast_in_dim3A_27 : memref<158x128xi32, #tpu.memory_space<vmem>>[vector<16xi32>, vector<16xi32>], vector<16xi32>,
    %shift_right_arithmetic3A_57 = arith.constant 7 : i32
    %shift_right_arithmetic3A_58 = vector.broadcast %shift_right_arithmetic3A_57 : i32 to vector<16xi32>
    %shift_right_arithmetic3A_59 = arith.shrsi %add3A_50, %shift_right_arithmetic3A_58 : vector<16xi32>
    %and3A_60 = arith.constant 127 : i32
    %and3A_61 = vector.broadcast %and3A_60 : i32 to vector<16xi32>
    %and3A_62 = arith.andi %add3A_50, %and3A_61 : vector<16xi32>
    tpu.vector_store_idx %arg10[%shift_right_arithmetic3A_59, %and3A_62], %mul3A_32 : memref<158x128xi32, #tpu.memory_space<vmem>>[vector<16xi32>, vector<16xi32>], vector<16xi32>,
    %add3A_63 = arith.constant 32 : i32
    %add3A_64 = arith.addi %scan3A_24, %add3A_63 : i32
    %add3A_65 = vector.broadcast %add3A_64 : i32 to vector<16xi32>
    %add3A_66 = arith.addi %add3A_65, %iota3A : vector<16xi32>
    %shift_right_arithmetic3A_67 = arith.constant 7 : i32
    %shift_right_arithmetic3A_68 = vector.broadcast %shift_right_arithmetic3A_67 : i32 to vector<16xi32>
    %shift_right_arithmetic3A_69 = arith.shrsi %add3A_66, %shift_right_arithmetic3A_68 : vector<16xi32>
    %and3A_70 = arith.constant 127 : i32
    %and3A_71 = vector.broadcast %and3A_70 : i32 to vector<16xi32>
    %and3A_72 = arith.andi %add3A_66, %and3A_71 : vector<16xi32>
    tpu.vector_store_idx %arg9[%shift_right_arithmetic3A_69, %and3A_72], %broadcast_in_dim3A_27 : memref<158x128xi32, #tpu.memory_space<vmem>>[vector<16xi32>, vector<16xi32>], vector<16xi32>,
    %shift_right_arithmetic3A_73 = arith.constant 7 : i32
    %shift_right_arithmetic3A_74 = vector.broadcast %shift_right_arithmetic3A_73 : i32 to vector<16xi32>
    %shift_right_arithmetic3A_75 = arith.shrsi %add3A_66, %shift_right_arithmetic3A_74 : vector<16xi32>
    %and3A_76 = arith.constant 127 : i32
    %and3A_77 = vector.broadcast %and3A_76 : i32 to vector<16xi32>
    %and3A_78 = arith.andi %add3A_66, %and3A_77 : vector<16xi32>
    tpu.vector_store_idx %arg10[%shift_right_arithmetic3A_75, %and3A_78], %mul3A_32 : memref<158x128xi32, #tpu.memory_space<vmem>>[vector<16xi32>, vector<16xi32>], vector<16xi32>,
    %add3A_79 = arith.constant 48 : i32
    %add3A_80 = arith.addi %scan3A_24, %add3A_79 : i32
    %add3A_81 = vector.broadcast %add3A_80 : i32 to vector<16xi32>
    %add3A_82 = arith.addi %add3A_81, %iota3A : vector<16xi32>
    %shift_right_arithmetic3A_83 = arith.constant 7 : i32
    %shift_right_arithmetic3A_84 = vector.broadcast %shift_right_arithmetic3A_83 : i32 to vector<16xi32>
    %shift_right_arithmetic3A_85 = arith.shrsi %add3A_82, %shift_right_arithmetic3A_84 : vector<16xi32>
    %and3A_86 = arith.constant 127 : i32
    %and3A_87 = vector.broadcast %and3A_86 : i32 to vector<16xi32>
    %and3A_88 = arith.andi %add3A_82, %and3A_87 : vector<16xi32>
    tpu.vector_store_idx %arg9[%shift_right_arithmetic3A_85, %and3A_88], %broadcast_in_dim3A_27 : memref<158x128xi32, #tpu.memory_space<vmem>>[vector<16xi32>, vector<16xi32>], vector<16xi32>,
    %shift_right_arithmetic3A_89 = arith.constant 7 : i32
    %shift_right_arithmetic3A_90 = vector.broadcast %shift_right_arithmetic3A_89 : i32 to vector<16xi32>
    %shift_right_arithmetic3A_91 = arith.shrsi %add3A_82, %shift_right_arithmetic3A_90 : vector<16xi32>
    %and3A_92 = arith.constant 127 : i32
    %and3A_93 = vector.broadcast %and3A_92 : i32 to vector<16xi32>
    %and3A_94 = arith.andi %add3A_82, %and3A_93 : vector<16xi32>
    tpu.vector_store_idx %arg10[%shift_right_arithmetic3A_91, %and3A_94], %mul3A_32 : memref<158x128xi32, #tpu.memory_space<vmem>>[vector<16xi32>, vector<16xi32>], vector<16xi32>,
    %add3A_95 = arith.constant 64 : i32
    %add3A_96 = arith.addi %scan3A_24, %add3A_95 : i32
    %add3A_97 = vector.broadcast %add3A_96 : i32 to vector<16xi32>
    %add3A_98 = arith.addi %add3A_97, %iota3A : vector<16xi32>
    %shift_right_arithmetic3A_99 = arith.constant 7 : i32
    %shift_right_arithmetic3A_100 = vector.broadcast %shift_right_arithmetic3A_99 : i32 to vector<16xi32>
    %shift_right_arithmetic3A_101 = arith.shrsi %add3A_98, %shift_right_arithmetic3A_100 : vector<16xi32>
    %and3A_102 = arith.constant 127 : i32
    %and3A_103 = vector.broadcast %and3A_102 : i32 to vector<16xi32>
    %and3A_104 = arith.andi %add3A_98, %and3A_103 : vector<16xi32>
    tpu.vector_store_idx %arg9[%shift_right_arithmetic3A_101, %and3A_104], %broadcast_in_dim3A_27 : memref<158x128xi32, #tpu.memory_space<vmem>>[vector<16xi32>, vector<16xi32>], vector<16xi32>,
    %shift_right_arithmetic3A_105 = arith.constant 7 : i32
    %shift_right_arithmetic3A_106 = vector.broadcast %shift_right_arithmetic3A_105 : i32 to vector<16xi32>
    %shift_right_arithmetic3A_107 = arith.shrsi %add3A_98, %shift_right_arithmetic3A_106 : vector<16xi32>
    %and3A_108 = arith.constant 127 : i32
    %and3A_109 = vector.broadcast %and3A_108 : i32 to vector<16xi32>
    %and3A_110 = arith.andi %add3A_98, %and3A_109 : vector<16xi32>
    tpu.vector_store_idx %arg10[%shift_right_arithmetic3A_107, %and3A_110], %mul3A_32 : memref<158x128xi32, #tpu.memory_space<vmem>>[vector<16xi32>, vector<16xi32>], vector<16xi32>,
    %add3A_111 = arith.constant 80 : i32
    %add3A_112 = arith.addi %scan3A_24, %add3A_111 : i32
    %add3A_113 = vector.broadcast %add3A_112 : i32 to vector<16xi32>
    %add3A_114 = arith.addi %add3A_113, %iota3A : vector<16xi32>
    %shift_right_arithmetic3A_115 = arith.constant 7 : i32
    %shift_right_arithmetic3A_116 = vector.broadcast %shift_right_arithmetic3A_115 : i32 to vector<16xi32>
    %shift_right_arithmetic3A_117 = arith.shrsi %add3A_114, %shift_right_arithmetic3A_116 : vector<16xi32>
    %and3A_118 = arith.constant 127 : i32
    %and3A_119 = vector.broadcast %and3A_118 : i32 to vector<16xi32>
    %and3A_120 = arith.andi %add3A_114, %and3A_119 : vector<16xi32>
    tpu.vector_store_idx %arg9[%shift_right_arithmetic3A_117, %and3A_120], %broadcast_in_dim3A_27 : memref<158x128xi32, #tpu.memory_space<vmem>>[vector<16xi32>, vector<16xi32>], vector<16xi32>,
    %shift_right_arithmetic3A_121 = arith.constant 7 : i32
    %shift_right_arithmetic3A_122 = vector.broadcast %shift_right_arithmetic3A_121 : i32 to vector<16xi32>
    %shift_right_arithmetic3A_123 = arith.shrsi %add3A_114, %shift_right_arithmetic3A_122 : vector<16xi32>
    %and3A_124 = arith.constant 127 : i32
    %and3A_125 = vector.broadcast %and3A_124 : i32 to vector<16xi32>
    %and3A_126 = arith.andi %add3A_114, %and3A_125 : vector<16xi32>
    tpu.vector_store_idx %arg10[%shift_right_arithmetic3A_123, %and3A_126], %mul3A_32 : memref<158x128xi32, #tpu.memory_space<vmem>>[vector<16xi32>, vector<16xi32>], vector<16xi32>,
    %add3A_127 = arith.constant 96 : i32
    %add3A_128 = arith.addi %scan3A_24, %add3A_127 : i32
    %add3A_129 = vector.broadcast %add3A_128 : i32 to vector<16xi32>
    %add3A_130 = arith.addi %add3A_129, %iota3A : vector<16xi32>
    %shift_right_arithmetic3A_131 = arith.constant 7 : i32
    %shift_right_arithmetic3A_132 = vector.broadcast %shift_right_arithmetic3A_131 : i32 to vector<16xi32>
    %shift_right_arithmetic3A_133 = arith.shrsi %add3A_130, %shift_right_arithmetic3A_132 : vector<16xi32>
    %and3A_134 = arith.constant 127 : i32
    %and3A_135 = vector.broadcast %and3A_134 : i32 to vector<16xi32>
    %and3A_136 = arith.andi %add3A_130, %and3A_135 : vector<16xi32>
    tpu.vector_store_idx %arg9[%shift_right_arithmetic3A_133, %and3A_136], %broadcast_in_dim3A_27 : memref<158x128xi32, #tpu.memory_space<vmem>>[vector<16xi32>, vector<16xi32>], vector<16xi32>,
    %shift_right_arithmetic3A_137 = arith.constant 7 : i32
    %shift_right_arithmetic3A_138 = vector.broadcast %shift_right_arithmetic3A_137 : i32 to vector<16xi32>
    %shift_right_arithmetic3A_139 = arith.shrsi %add3A_130, %shift_right_arithmetic3A_138 : vector<16xi32>
    %and3A_140 = arith.constant 127 : i32
    %and3A_141 = vector.broadcast %and3A_140 : i32 to vector<16xi32>
    %and3A_142 = arith.andi %add3A_130, %and3A_141 : vector<16xi32>
    tpu.vector_store_idx %arg10[%shift_right_arithmetic3A_139, %and3A_142], %mul3A_32 : memref<158x128xi32, #tpu.memory_space<vmem>>[vector<16xi32>, vector<16xi32>], vector<16xi32>,
    %add3A_143 = arith.constant 112 : i32
    %add3A_144 = arith.addi %scan3A_24, %add3A_143 : i32
    %add3A_145 = vector.broadcast %add3A_144 : i32 to vector<16xi32>
    %add3A_146 = arith.addi %add3A_145, %iota3A : vector<16xi32>
    %shift_right_arithmetic3A_147 = arith.constant 7 : i32
    %shift_right_arithmetic3A_148 = vector.broadcast %shift_right_arithmetic3A_147 : i32 to vector<16xi32>
    %shift_right_arithmetic3A_149 = arith.shrsi %add3A_146, %shift_right_arithmetic3A_148 : vector<16xi32>
    %and3A_150 = arith.constant 127 : i32
    %and3A_151 = vector.broadcast %and3A_150 : i32 to vector<16xi32>
    %and3A_152 = arith.andi %add3A_146, %and3A_151 : vector<16xi32>
    tpu.vector_store_idx %arg9[%shift_right_arithmetic3A_149, %and3A_152], %broadcast_in_dim3A_27 : memref<158x128xi32, #tpu.memory_space<vmem>>[vector<16xi32>, vector<16xi32>], vector<16xi32>,
    %shift_right_arithmetic3A_153 = arith.constant 7 : i32
    %shift_right_arithmetic3A_154 = vector.broadcast %shift_right_arithmetic3A_153 : i32 to vector<16xi32>
    %shift_right_arithmetic3A_155 = arith.shrsi %add3A_146, %shift_right_arithmetic3A_154 : vector<16xi32>
    %and3A_156 = arith.constant 127 : i32
    %and3A_157 = vector.broadcast %and3A_156 : i32 to vector<16xi32>
    %and3A_158 = arith.andi %add3A_146, %and3A_157 : vector<16xi32>
    tpu.vector_store_idx %arg10[%shift_right_arithmetic3A_155, %and3A_158], %mul3A_32 : memref<158x128xi32, #tpu.memory_space<vmem>>[vector<16xi32>, vector<16xi32>], vector<16xi32>,
    %mul3A_159 = arith.constant 16 : i32
    %mul3A_160 = arith.muli %arg0, %mul3A_159 : i32
    %add3A_161 = arith.addi %mul3A_160, %arg1 : i32
    "tpu.region"() ({
      %run_scoped3A_334 = tpu.sem_alloc : memref<!tpu.dma_semaphore, #tpu.memory_space<semaphore_mem>>
      %dma_start3A = arith.constant 0 : i32
      %dma_start3A_335 = arith.constant 0 : i32
      %dma_start3A_336 = tpu.memref_slice %arg4[%add3A_161, %dma_start3A, %dma_start3A_335] : memref<32x158x128xi32, #tpu.memory_space<hbm>> -> memref<1x158x128xi32, #tpu.memory_space<hbm>>
      %dma_start3A_337 = tpu.memref_squeeze %dma_start3A_336 : memref<1x158x128xi32, #tpu.memory_space<hbm>> -> memref<158x128xi32, #tpu.memory_space<hbm>>
      %dma_start3A_338 = arith.constant 0 : i32
      %dma_start3A_339 = arith.constant 0 : i32
      %dma_start3A_340 = tpu.memref_slice %arg4[%add3A_161, %dma_start3A_338, %dma_start3A_339] : memref<32x158x128xi32, #tpu.memory_space<hbm>> -> memref<1x158x128xi32, #tpu.memory_space<hbm>>
      %dma_start3A_341 = tpu.memref_squeeze %dma_start3A_340 : memref<1x158x128xi32, #tpu.memory_space<hbm>> -> memref<158x128xi32, #tpu.memory_space<hbm>>
      tpu.enqueue_dma source(%arg9 : memref<158x128xi32, #tpu.memory_space<vmem>>) target(%dma_start3A_341 : memref<158x128xi32, #tpu.memory_space<hbm>>) target_semaphore(%run_scoped3A_334 : memref<!tpu.dma_semaphore, #tpu.memory_space<semaphore_mem>>)
      %dma_wait3A = arith.constant 0 : i32
      %dma_wait3A_342 = arith.constant 0 : i32
      %dma_wait3A_343 = tpu.memref_slice %arg4[%add3A_161, %dma_wait3A, %dma_wait3A_342] : memref<32x158x128xi32, #tpu.memory_space<hbm>> -> memref<1x158x128xi32, #tpu.memory_space<hbm>>
      %dma_wait3A_344 = tpu.memref_squeeze %dma_wait3A_343 : memref<1x158x128xi32, #tpu.memory_space<hbm>> -> memref<158x128xi32, #tpu.memory_space<hbm>>
      %dma_wait3A_345 = arith.constant 0 : i32
      %dma_wait3A_346 = arith.constant 0 : i32
      %dma_wait3A_347 = tpu.memref_slice %arg4[%add3A_161, %dma_wait3A_345, %dma_wait3A_346] : memref<32x158x128xi32, #tpu.memory_space<hbm>> -> memref<1x158x128xi32, #tpu.memory_space<hbm>>
      %dma_wait3A_348 = tpu.memref_squeeze %dma_wait3A_347 : memref<1x158x128xi32, #tpu.memory_space<hbm>> -> memref<158x128xi32, #tpu.memory_space<hbm>>
      tpu.wait_dma2 semaphore(%run_scoped3A_334 : memref<!tpu.dma_semaphore, #tpu.memory_space<semaphore_mem>>) src(%arg9 : memref<158x128xi32, #tpu.memory_space<vmem>>) dst(%dma_wait3A_348 : memref<158x128xi32, #tpu.memory_space<hbm>>)
      tpu.yield
    }) : () -> ()
    "tpu.region"() ({
      %run_scoped3A_334 = tpu.sem_alloc : memref<!tpu.dma_semaphore, #tpu.memory_space<semaphore_mem>>
      %dma_start3A = arith.constant 0 : i32
      %dma_start3A_335 = arith.constant 0 : i32
      %dma_start3A_336 = tpu.memref_slice %arg5[%add3A_161, %dma_start3A, %dma_start3A_335] : memref<32x158x128xi32, #tpu.memory_space<hbm>> -> memref<1x158x128xi32, #tpu.memory_space<hbm>>
      %dma_start3A_337 = tpu.memref_squeeze %dma_start3A_336 : memref<1x158x128xi32, #tpu.memory_space<hbm>> -> memref<158x128xi32, #tpu.memory_space<hbm>>
      %dma_start3A_338 = arith.constant 0 : i32
      %dma_start3A_339 = arith.constant 0 : i32
      %dma_start3A_340 = tpu.memref_slice %arg5[%add3A_161, %dma_start3A_338, %dma_start3A_339] : memref<32x158x128xi32, #tpu.memory_space<hbm>> -> memref<1x158x128xi32, #tpu.memory_space<hbm>>
      %dma_start3A_341 = tpu.memref_squeeze %dma_start3A_340 : memref<1x158x128xi32, #tpu.memory_space<hbm>> -> memref<158x128xi32, #tpu.memory_space<hbm>>
      tpu.enqueue_dma source(%arg10 : memref<158x128xi32, #tpu.memory_space<vmem>>) target(%dma_start3A_341 : memref<158x128xi32, #tpu.memory_space<hbm>>) target_semaphore(%run_scoped3A_334 : memref<!tpu.dma_semaphore, #tpu.memory_space<semaphore_mem>>)
      %dma_wait3A = arith.constant 0 : i32
      %dma_wait3A_342 = arith.constant 0 : i32
      %dma_wait3A_343 = tpu.memref_slice %arg5[%add3A_161, %dma_wait3A, %dma_wait3A_342] : memref<32x158x128xi32, #tpu.memory_space<hbm>> -> memref<1x158x128xi32, #tpu.memory_space<hbm>>
      %dma_wait3A_344 = tpu.memref_squeeze %dma_wait3A_343 : memref<1x158x128xi32, #tpu.memory_space<hbm>> -> memref<158x128xi32, #tpu.memory_space<hbm>>
      %dma_wait3A_345 = arith.constant 0 : i32
      %dma_wait3A_346 = arith.constant 0 : i32
      %dma_wait3A_347 = tpu.memref_slice %arg5[%add3A_161, %dma_wait3A_345, %dma_wait3A_346] : memref<32x158x128xi32, #tpu.memory_space<hbm>> -> memref<1x158x128xi32, #tpu.memory_space<hbm>>
      %dma_wait3A_348 = tpu.memref_squeeze %dma_wait3A_347 : memref<1x158x128xi32, #tpu.memory_space<hbm>> -> memref<158x128xi32, #tpu.memory_space<hbm>>
      tpu.wait_dma2 semaphore(%run_scoped3A_334 : memref<!tpu.dma_semaphore, #tpu.memory_space<semaphore_mem>>) src(%arg10 : memref<158x128xi32, #tpu.memory_space<vmem>>) dst(%dma_wait3A_348 : memref<158x128xi32, #tpu.memory_space<hbm>>)
      tpu.yield
    }) : () -> ()
    %broadcast_in_dim3A_162 = vector.broadcast %scan3A_24 : i32 to vector<16xi32>
    %swap3A = arith.constant 0 : index
    %swap3A_163 = tpu.vector_load %arg11[%swap3A] {strides = array<i32>} : memref<16xi32, #tpu.memory_space<vmem>>, vector<16xi32>,
    tpu.vector_store %arg11[%swap3A], %broadcast_in_dim3A_162 {strides = array<i32>} : memref<16xi32, #tpu.memory_space<vmem>>, vector<16xi32>,
    %mul3A_164 = arith.constant 16 : i32
    %mul3A_165 = arith.muli %add3A_161, %mul3A_164 : i32
    "tpu.region"() ({
      %run_scoped3A_334 = tpu.sem_alloc : memref<!tpu.dma_semaphore, #tpu.memory_space<semaphore_mem>>
      %dma_start3A = tpu.memref_slice %arg6[%mul3A_165] : memref<512xi32, #tpu.memory_space<hbm>> -> memref<16xi32, #tpu.memory_space<hbm>>
      %dma_start3A_335 = tpu.memref_slice %arg6[%mul3A_165] : memref<512xi32, #tpu.memory_space<hbm>> -> memref<16xi32, #tpu.memory_space<hbm>>
      tpu.enqueue_dma source(%arg11 : memref<16xi32, #tpu.memory_space<vmem>>) target(%dma_start3A_335 : memref<16xi32, #tpu.memory_space<hbm>>) target_semaphore(%run_scoped3A_334 : memref<!tpu.dma_semaphore, #tpu.memory_space<semaphore_mem>>)
      %dma_wait3A = tpu.memref_slice %arg6[%mul3A_165] : memref<512xi32, #tpu.memory_space<hbm>> -> memref<16xi32, #tpu.memory_space<hbm>>
      %dma_wait3A_336 = tpu.memref_slice %arg6[%mul3A_165] : memref<512xi32, #tpu.memory_space<hbm>> -> memref<16xi32, #tpu.memory_space<hbm>>
      tpu.wait_dma2 semaphore(%run_scoped3A_334 : memref<!tpu.dma_semaphore, #tpu.memory_space<semaphore_mem>>) src(%arg11 : memref<16xi32, #tpu.memory_space<vmem>>) dst(%dma_wait3A_336 : memref<16xi32, #tpu.memory_space<hbm>>)
      tpu.yield
    }) : () -> ()
    "tpu.region"() ({
      %run_scoped3A_334 = tpu.sem_alloc : memref<!tpu.dma_semaphore, #tpu.memory_space<semaphore_mem>>
      %dma_start3A = arith.constant 0 : i32
      %dma_start3A_335 = arith.constant 0 : i32
      %dma_start3A_336 = tpu.memref_slice %arg15[%arg1, %dma_start3A, %dma_start3A_335] : memref<16x128x128xf32, #tpu.memory_space<vmem_shared>> -> memref<1x128x128xf32, #tpu.memory_space<vmem_shared>>
      %dma_start3A_337 = tpu.memref_squeeze %dma_start3A_336 : memref<1x128x128xf32, #tpu.memory_space<vmem_shared>> -> memref<128x128xf32, #tpu.memory_space<vmem_shared>>
      %dma_start3A_338 = arith.constant 0 : i32
      %dma_start3A_339 = arith.constant 0 : i32
      %dma_start3A_340 = tpu.memref_slice %arg15[%arg1, %dma_start3A_338, %dma_start3A_339] : memref<16x128x128xf32, #tpu.memory_space<vmem_shared>> -> memref<1x128x128xf32, #tpu.memory_space<vmem_shared>>
      %dma_start3A_341 = tpu.memref_squeeze %dma_start3A_340 : memref<1x128x128xf32, #tpu.memory_space<vmem_shared>> -> memref<128x128xf32, #tpu.memory_space<vmem_shared>>
      tpu.enqueue_dma source(%arg12 : memref<128x128xf32, #tpu.memory_space<vmem>>) target(%dma_start3A_341 : memref<128x128xf32, #tpu.memory_space<vmem_shared>>) target_semaphore(%run_scoped3A_334 : memref<!tpu.dma_semaphore, #tpu.memory_space<semaphore_mem>>)
      %dma_wait3A = arith.constant 0 : i32
      %dma_wait3A_342 = arith.constant 0 : i32
      %dma_wait3A_343 = tpu.memref_slice %arg15[%arg1, %dma_wait3A, %dma_wait3A_342] : memref<16x128x128xf32, #tpu.memory_space<vmem_shared>> -> memref<1x128x128xf32, #tpu.memory_space<vmem_shared>>
      %dma_wait3A_344 = tpu.memref_squeeze %dma_wait3A_343 : memref<1x128x128xf32, #tpu.memory_space<vmem_shared>> -> memref<128x128xf32, #tpu.memory_space<vmem_shared>>
      %dma_wait3A_345 = arith.constant 0 : i32
      %dma_wait3A_346 = arith.constant 0 : i32
      %dma_wait3A_347 = tpu.memref_slice %arg15[%arg1, %dma_wait3A_345, %dma_wait3A_346] : memref<16x128x128xf32, #tpu.memory_space<vmem_shared>> -> memref<1x128x128xf32, #tpu.memory_space<vmem_shared>>
      %dma_wait3A_348 = tpu.memref_squeeze %dma_wait3A_347 : memref<1x128x128xf32, #tpu.memory_space<vmem_shared>> -> memref<128x128xf32, #tpu.memory_space<vmem_shared>>
      tpu.wait_dma2 semaphore(%run_scoped3A_334 : memref<!tpu.dma_semaphore, #tpu.memory_space<semaphore_mem>>) src(%arg12 : memref<128x128xf32, #tpu.memory_space<vmem>>) dst(%dma_wait3A_348 : memref<128x128xf32, #tpu.memory_space<vmem_shared>>)
      tpu.yield
    }) : () -> ()
    %barrier3A = arith.constant 0 : index
    tpu.barrier barrier_id(%barrier3A)
    %scan3A_166 = arith.constant 0 : i32
    %scan3A_167 = arith.constant 0 : i32
    %scan3A_168 = arith.constant 64 : i32
    %scan3A_169 = arith.addi %scan3A_167, %scan3A_168 : i32
    %scan3A_170 = arith.constant 1 : i32
    %scan3A_171 = scf.for %scan3A_334 = %scan3A_167 to %scan3A_169 step %scan3A_170 iter_args(%scan3A_335 = %scan3A_166) -> (i32)  : i32 {
      %jit3A = arith.constant 8 : i32
      %div3A = arith.divsi %scan3A_334, %jit3A : i32
      %sign3A = arith.constant 0 : i32
      %sign3A_336 = arith.cmpi sgt, %scan3A_334, %sign3A : i32
      %sign3A_337 = arith.extui %sign3A_336 : i1 to i32
      %sign3A_338 = arith.constant 0 : i32
      %sign3A_339 = arith.cmpi slt, %scan3A_334, %sign3A_338 : i32
      %sign3A_340 = arith.extui %sign3A_339 : i1 to i32
      %sign3A_341 = arith.subi %sign3A_337, %sign3A_340 : i32
      %sign3A_342 = arith.constant 0 : i32
      %sign3A_343 = arith.cmpi sgt, %jit3A, %sign3A_342 : i32
      %sign3A_344 = arith.extui %sign3A_343 : i1 to i32
      %sign3A_345 = arith.constant 0 : i32
      %sign3A_346 = arith.cmpi slt, %jit3A, %sign3A_345 : i32
      %sign3A_347 = arith.extui %sign3A_346 : i1 to i32
      %sign3A_348 = arith.subi %sign3A_344, %sign3A_347 : i32
      %ne3A = arith.cmpi ne, %sign3A_341, %sign3A_348 : i32
      %rem3A = arith.remsi %scan3A_334, %jit3A : i32
      %ne3A_349 = arith.constant 0 : i32
      %ne3A_350 = arith.cmpi ne, %rem3A, %ne3A_349 : i32
      %and3A_351 = arith.andi %ne3A, %ne3A_350 : i1
      %sub3A = arith.constant 1 : i32
      %sub3A_352 = arith.subi %div3A, %sub3A : i32
      %select_n3A = arith.select %and3A_351, %sub3A_352, %div3A : i32
      %jit3A_353 = arith.constant 8 : i32
      %eq3A = arith.constant 0 : i32
      %eq3A_354 = arith.cmpi eq, %jit3A_353, %eq3A : i32
      %jit3A_355 = arith.constant 1 : i32
      %select_n3A_356 = arith.select %eq3A_354, %jit3A_355, %jit3A_353 : i32
      %rem3A_357 = arith.remsi %scan3A_334, %select_n3A_356 : i32
      %ne3A_358 = arith.constant 0 : i32
      %ne3A_359 = arith.cmpi ne, %rem3A_357, %ne3A_358 : i32
      %lt3A = arith.constant 0 : i32
      %lt3A_360 = arith.cmpi slt, %rem3A_357, %lt3A : i32
      %lt3A_361 = arith.constant 0 : i32
      %lt3A_362 = arith.cmpi slt, %select_n3A_356, %lt3A_361 : i32
      %ne3A_363 = arith.xori %lt3A_360, %lt3A_362 : i1
      %and3A_364 = arith.andi %ne3A_363, %ne3A_359 : i1
      %add3A_365 = arith.addi %rem3A_357, %select_n3A_356 : i32
      %select_n3A_366 = arith.select %and3A_364, %add3A_365, %rem3A_357 : i32
      %mul3A_367 = arith.constant 16 : i32
      %mul3A_368 = arith.muli %select_n3A_366, %mul3A_367 : i32
      %swap3A_369 = arith.index_cast %select_n3A : i32 to index
      %swap3A_370 = arith.index_cast %mul3A_368 : i32 to index
      %swap3A_371 = tpu.vector_load %arg13[%swap3A_369, %swap3A_370] {strides = array<i32>} : memref<8x128xf32, #tpu.memory_space<vmem>>, vector<16xf32>,
      tpu.vector_store %arg13[%swap3A_369, %swap3A_370], %broadcast_in_dim3A_2 {strides = array<i32>} : memref<8x128xf32, #tpu.memory_space<vmem>>, vector<16xf32>,
      %scan3A_372 = arith.constant 0 : i32
      scf.yield %scan3A_372 : i32
    }
    %scan3A_172 = arith.constant 64 : i32
    %mul3A_173 = arith.constant 8 : i32
    %mul3A_174 = arith.muli %arg1, %mul3A_173 : i32
    %run_scoped3A = arith.constant 0 : i32
    "tpu.region"() ({
      %run_scoped3A_334 = tpu.sem_alloc : memref<!tpu.dma_semaphore, #tpu.memory_space<semaphore_mem>>
      %dma_start3A = arith.constant 0 : i32
      %dma_start3A_335 = tpu.memref_slice %arg15[%run_scoped3A, %mul3A_174, %dma_start3A] : memref<16x128x128xf32, #tpu.memory_space<vmem_shared>> -> memref<1x8x128xf32, #tpu.memory_space<vmem_shared>>
      %dma_start3A_336 = tpu.memref_squeeze %dma_start3A_335 : memref<1x8x128xf32, #tpu.memory_space<vmem_shared>> -> memref<8x128xf32, #tpu.memory_space<vmem_shared>>
      %dma_start3A_337 = arith.constant 0 : i32
      %dma_start3A_338 = tpu.memref_slice %arg15[%run_scoped3A, %mul3A_174, %dma_start3A_337] : memref<16x128x128xf32, #tpu.memory_space<vmem_shared>> -> memref<1x8x128xf32, #tpu.memory_space<vmem_shared>>
      %dma_start3A_339 = tpu.memref_squeeze %dma_start3A_338 : memref<1x8x128xf32, #tpu.memory_space<vmem_shared>> -> memref<8x128xf32, #tpu.memory_space<vmem_shared>>
      tpu.enqueue_dma source(%dma_start3A_339 : memref<8x128xf32, #tpu.memory_space<vmem_shared>>) target(%arg14 : memref<8x128xf32, #tpu.memory_space<vmem>>) target_semaphore(%run_scoped3A_334 : memref<!tpu.dma_semaphore, #tpu.memory_space<semaphore_mem>>)
      %dma_wait3A = arith.constant 0 : i32
      %dma_wait3A_340 = tpu.memref_slice %arg15[%run_scoped3A, %mul3A_174, %dma_wait3A] : memref<16x128x128xf32, #tpu.memory_space<vmem_shared>> -> memref<1x8x128xf32, #tpu.memory_space<vmem_shared>>
      %dma_wait3A_341 = tpu.memref_squeeze %dma_wait3A_340 : memref<1x8x128xf32, #tpu.memory_space<vmem_shared>> -> memref<8x128xf32, #tpu.memory_space<vmem_shared>>
      %dma_wait3A_342 = arith.constant 0 : i32
      %dma_wait3A_343 = tpu.memref_slice %arg15[%run_scoped3A, %mul3A_174, %dma_wait3A_342] : memref<16x128x128xf32, #tpu.memory_space<vmem_shared>> -> memref<1x8x128xf32, #tpu.memory_space<vmem_shared>>
      %dma_wait3A_344 = tpu.memref_squeeze %dma_wait3A_343 : memref<1x8x128xf32, #tpu.memory_space<vmem_shared>> -> memref<8x128xf32, #tpu.memory_space<vmem_shared>>
      tpu.wait_dma2 semaphore(%run_scoped3A_334 : memref<!tpu.dma_semaphore, #tpu.memory_space<semaphore_mem>>) src(%dma_wait3A_344 : memref<8x128xf32, #tpu.memory_space<vmem_shared>>) dst(%arg14 : memref<8x128xf32, #tpu.memory_space<vmem>>)
      tpu.yield
    }) : () -> ()
    %scan3A_175 = arith.constant 0 : i32
    %scan3A_176 = arith.constant 0 : i32
    %scan3A_177 = arith.constant 64 : i32
    %scan3A_178 = arith.addi %scan3A_176, %scan3A_177 : i32
    %scan3A_179 = arith.constant 1 : i32
    %scan3A_180 = scf.for %scan3A_334 = %scan3A_176 to %scan3A_178 step %scan3A_179 iter_args(%scan3A_335 = %scan3A_175) -> (i32)  : i32 {
      %jit3A = arith.constant 8 : i32
      %div3A = arith.divsi %scan3A_334, %jit3A : i32
      %sign3A = arith.constant 0 : i32
      %sign3A_336 = arith.cmpi sgt, %scan3A_334, %sign3A : i32
      %sign3A_337 = arith.extui %sign3A_336 : i1 to i32
      %sign3A_338 = arith.constant 0 : i32
      %sign3A_339 = arith.cmpi slt, %scan3A_334, %sign3A_338 : i32
      %sign3A_340 = arith.extui %sign3A_339 : i1 to i32
      %sign3A_341 = arith.subi %sign3A_337, %sign3A_340 : i32
      %sign3A_342 = arith.constant 0 : i32
      %sign3A_343 = arith.cmpi sgt, %jit3A, %sign3A_342 : i32
      %sign3A_344 = arith.extui %sign3A_343 : i1 to i32
      %sign3A_345 = arith.constant 0 : i32
      %sign3A_346 = arith.cmpi slt, %jit3A, %sign3A_345 : i32
      %sign3A_347 = arith.extui %sign3A_346 : i1 to i32
      %sign3A_348 = arith.subi %sign3A_344, %sign3A_347 : i32
      %ne3A = arith.cmpi ne, %sign3A_341, %sign3A_348 : i32
      %rem3A = arith.remsi %scan3A_334, %jit3A : i32
      %ne3A_349 = arith.constant 0 : i32
      %ne3A_350 = arith.cmpi ne, %rem3A, %ne3A_349 : i32
      %and3A_351 = arith.andi %ne3A, %ne3A_350 : i1
      %sub3A = arith.constant 1 : i32
      %sub3A_352 = arith.subi %div3A, %sub3A : i32
      %select_n3A = arith.select %and3A_351, %sub3A_352, %div3A : i32
      %jit3A_353 = arith.constant 8 : i32
      %eq3A = arith.constant 0 : i32
      %eq3A_354 = arith.cmpi eq, %jit3A_353, %eq3A : i32
      %jit3A_355 = arith.constant 1 : i32
      %select_n3A_356 = arith.select %eq3A_354, %jit3A_355, %jit3A_353 : i32
      %rem3A_357 = arith.remsi %scan3A_334, %select_n3A_356 : i32
      %ne3A_358 = arith.constant 0 : i32
      %ne3A_359 = arith.cmpi ne, %rem3A_357, %ne3A_358 : i32
      %lt3A = arith.constant 0 : i32
      %lt3A_360 = arith.cmpi slt, %rem3A_357, %lt3A : i32
      %lt3A_361 = arith.constant 0 : i32
      %lt3A_362 = arith.cmpi slt, %select_n3A_356, %lt3A_361 : i32
      %ne3A_363 = arith.xori %lt3A_360, %lt3A_362 : i1
      %and3A_364 = arith.andi %ne3A_363, %ne3A_359 : i1
      %add3A_365 = arith.addi %rem3A_357, %select_n3A_356 : i32
      %select_n3A_366 = arith.select %and3A_364, %add3A_365, %rem3A_357 : i32
      %mul3A_367 = arith.constant 16 : i32
      %mul3A_368 = arith.muli %select_n3A_366, %mul3A_367 : i32
      %get3A = arith.index_cast %select_n3A : i32 to index
      %get3A_369 = arith.index_cast %mul3A_368 : i32 to index
      %get3A_370 = tpu.vector_load %arg13[%get3A, %get3A_369] {strides = array<i32>} : memref<8x128xf32, #tpu.memory_space<vmem>>, vector<16xf32>,
      %get3A_371 = arith.index_cast %select_n3A : i32 to index
      %get3A_372 = arith.index_cast %mul3A_368 : i32 to index
      %get3A_373 = tpu.vector_load %arg14[%get3A_371, %get3A_372] {strides = array<i32>} : memref<8x128xf32, #tpu.memory_space<vmem>>, vector<16xf32>,
      %add3A_374 = arith.addf %get3A_370, %get3A_373 : vector<16xf32>
      %swap3A_375 = arith.index_cast %select_n3A : i32 to index
      %swap3A_376 = arith.index_cast %mul3A_368 : i32 to index
      %swap3A_377 = tpu.vector_load %arg13[%swap3A_375, %swap3A_376] {strides = array<i32>} : memref<8x128xf32, #tpu.memory_space<vmem>>, vector<16xf32>,
      tpu.vector_store %arg13[%swap3A_375, %swap3A_376], %add3A_374 {strides = array<i32>} : memref<8x128xf32, #tpu.memory_space<vmem>>, vector<16xf32>,
      %scan3A_378 = arith.constant 0 : i32
      scf.yield %scan3A_378 : i32
    }
    %scan3A_181 = arith.constant 64 : i32
    %mul3A_182 = arith.constant 8 : i32
    %mul3A_183 = arith.muli %arg1, %mul3A_182 : i32
    %run_scoped3A_184 = arith.constant 1 : i32
    "tpu.region"() ({
      %run_scoped3A_334 = tpu.sem_alloc : memref<!tpu.dma_semaphore, #tpu.memory_space<semaphore_mem>>
      %dma_start3A = arith.constant 0 : i32
      %dma_start3A_335 = tpu.memref_slice %arg15[%run_scoped3A_184, %mul3A_183, %dma_start3A] : memref<16x128x128xf32, #tpu.memory_space<vmem_shared>> -> memref<1x8x128xf32, #tpu.memory_space<vmem_shared>>
      %dma_start3A_336 = tpu.memref_squeeze %dma_start3A_335 : memref<1x8x128xf32, #tpu.memory_space<vmem_shared>> -> memref<8x128xf32, #tpu.memory_space<vmem_shared>>
      %dma_start3A_337 = arith.constant 0 : i32
      %dma_start3A_338 = tpu.memref_slice %arg15[%run_scoped3A_184, %mul3A_183, %dma_start3A_337] : memref<16x128x128xf32, #tpu.memory_space<vmem_shared>> -> memref<1x8x128xf32, #tpu.memory_space<vmem_shared>>
      %dma_start3A_339 = tpu.memref_squeeze %dma_start3A_338 : memref<1x8x128xf32, #tpu.memory_space<vmem_shared>> -> memref<8x128xf32, #tpu.memory_space<vmem_shared>>
      tpu.enqueue_dma source(%dma_start3A_339 : memref<8x128xf32, #tpu.memory_space<vmem_shared>>) target(%arg14 : memref<8x128xf32, #tpu.memory_space<vmem>>) target_semaphore(%run_scoped3A_334 : memref<!tpu.dma_semaphore, #tpu.memory_space<semaphore_mem>>)
      %dma_wait3A = arith.constant 0 : i32
      %dma_wait3A_340 = tpu.memref_slice %arg15[%run_scoped3A_184, %mul3A_183, %dma_wait3A] : memref<16x128x128xf32, #tpu.memory_space<vmem_shared>> -> memref<1x8x128xf32, #tpu.memory_space<vmem_shared>>
      %dma_wait3A_341 = tpu.memref_squeeze %dma_wait3A_340 : memref<1x8x128xf32, #tpu.memory_space<vmem_shared>> -> memref<8x128xf32, #tpu.memory_space<vmem_shared>>
      %dma_wait3A_342 = arith.constant 0 : i32
      %dma_wait3A_343 = tpu.memref_slice %arg15[%run_scoped3A_184, %mul3A_183, %dma_wait3A_342] : memref<16x128x128xf32, #tpu.memory_space<vmem_shared>> -> memref<1x8x128xf32, #tpu.memory_space<vmem_shared>>
      %dma_wait3A_344 = tpu.memref_squeeze %dma_wait3A_343 : memref<1x8x128xf32, #tpu.memory_space<vmem_shared>> -> memref<8x128xf32, #tpu.memory_space<vmem_shared>>
      tpu.wait_dma2 semaphore(%run_scoped3A_334 : memref<!tpu.dma_semaphore, #tpu.memory_space<semaphore_mem>>) src(%dma_wait3A_344 : memref<8x128xf32, #tpu.memory_space<vmem_shared>>) dst(%arg14 : memref<8x128xf32, #tpu.memory_space<vmem>>)
      tpu.yield
    }) : () -> ()
    %scan3A_185 = arith.constant 0 : i32
    %scan3A_186 = arith.constant 0 : i32
    %scan3A_187 = arith.constant 64 : i32
    %scan3A_188 = arith.addi %scan3A_186, %scan3A_187 : i32
    %scan3A_189 = arith.constant 1 : i32
    %scan3A_190 = scf.for %scan3A_334 = %scan3A_186 to %scan3A_188 step %scan3A_189 iter_args(%scan3A_335 = %scan3A_185) -> (i32)  : i32 {
      %jit3A = arith.constant 8 : i32
      %div3A = arith.divsi %scan3A_334, %jit3A : i32
      %sign3A = arith.constant 0 : i32
      %sign3A_336 = arith.cmpi sgt, %scan3A_334, %sign3A : i32
      %sign3A_337 = arith.extui %sign3A_336 : i1 to i32
      %sign3A_338 = arith.constant 0 : i32
      %sign3A_339 = arith.cmpi slt, %scan3A_334, %sign3A_338 : i32
      %sign3A_340 = arith.extui %sign3A_339 : i1 to i32
      %sign3A_341 = arith.subi %sign3A_337, %sign3A_340 : i32
      %sign3A_342 = arith.constant 0 : i32
      %sign3A_343 = arith.cmpi sgt, %jit3A, %sign3A_342 : i32
      %sign3A_344 = arith.extui %sign3A_343 : i1 to i32
      %sign3A_345 = arith.constant 0 : i32
      %sign3A_346 = arith.cmpi slt, %jit3A, %sign3A_345 : i32
      %sign3A_347 = arith.extui %sign3A_346 : i1 to i32
      %sign3A_348 = arith.subi %sign3A_344, %sign3A_347 : i32
      %ne3A = arith.cmpi ne, %sign3A_341, %sign3A_348 : i32
      %rem3A = arith.remsi %scan3A_334, %jit3A : i32
      %ne3A_349 = arith.constant 0 : i32
      %ne3A_350 = arith.cmpi ne, %rem3A, %ne3A_349 : i32
      %and3A_351 = arith.andi %ne3A, %ne3A_350 : i1
      %sub3A = arith.constant 1 : i32
      %sub3A_352 = arith.subi %div3A, %sub3A : i32
      %select_n3A = arith.select %and3A_351, %sub3A_352, %div3A : i32
      %jit3A_353 = arith.constant 8 : i32
      %eq3A = arith.constant 0 : i32
      %eq3A_354 = arith.cmpi eq, %jit3A_353, %eq3A : i32
      %jit3A_355 = arith.constant 1 : i32
      %select_n3A_356 = arith.select %eq3A_354, %jit3A_355, %jit3A_353 : i32
      %rem3A_357 = arith.remsi %scan3A_334, %select_n3A_356 : i32
      %ne3A_358 = arith.constant 0 : i32
      %ne3A_359 = arith.cmpi ne, %rem3A_357, %ne3A_358 : i32
      %lt3A = arith.constant 0 : i32
      %lt3A_360 = arith.cmpi slt, %rem3A_357, %lt3A : i32
      %lt3A_361 = arith.constant 0 : i32
      %lt3A_362 = arith.cmpi slt, %select_n3A_356, %lt3A_361 : i32
      %ne3A_363 = arith.xori %lt3A_360, %lt3A_362 : i1
      %and3A_364 = arith.andi %ne3A_363, %ne3A_359 : i1
      %add3A_365 = arith.addi %rem3A_357, %select_n3A_356 : i32
      %select_n3A_366 = arith.select %and3A_364, %add3A_365, %rem3A_357 : i32
      %mul3A_367 = arith.constant 16 : i32
      %mul3A_368 = arith.muli %select_n3A_366, %mul3A_367 : i32
      %get3A = arith.index_cast %select_n3A : i32 to index
      %get3A_369 = arith.index_cast %mul3A_368 : i32 to index
      %get3A_370 = tpu.vector_load %arg13[%get3A, %get3A_369] {strides = array<i32>} : memref<8x128xf32, #tpu.memory_space<vmem>>, vector<16xf32>,
      %get3A_371 = arith.index_cast %select_n3A : i32 to index
      %get3A_372 = arith.index_cast %mul3A_368 : i32 to index
      %get3A_373 = tpu.vector_load %arg14[%get3A_371, %get3A_372] {strides = array<i32>} : memref<8x128xf32, #tpu.memory_space<vmem>>, vector<16xf32>,
      %add3A_374 = arith.addf %get3A_370, %get3A_373 : vector<16xf32>
      %swap3A_375 = arith.index_cast %select_n3A : i32 to index
      %swap3A_376 = arith.index_cast %mul3A_368 : i32 to index
      %swap3A_377 = tpu.vector_load %arg13[%swap3A_375, %swap3A_376] {strides = array<i32>} : memref<8x128xf32, #tpu.memory_space<vmem>>, vector<16xf32>,
      tpu.vector_store %arg13[%swap3A_375, %swap3A_376], %add3A_374 {strides = array<i32>} : memref<8x128xf32, #tpu.memory_space<vmem>>, vector<16xf32>,
      %scan3A_378 = arith.constant 0 : i32
      scf.yield %scan3A_378 : i32
    }
    %scan3A_191 = arith.constant 64 : i32
    %mul3A_192 = arith.constant 8 : i32
    %mul3A_193 = arith.muli %arg1, %mul3A_192 : i32
    %run_scoped3A_194 = arith.constant 2 : i32
    "tpu.region"() ({
      %run_scoped3A_334 = tpu.sem_alloc : memref<!tpu.dma_semaphore, #tpu.memory_space<semaphore_mem>>
      %dma_start3A = arith.constant 0 : i32
      %dma_start3A_335 = tpu.memref_slice %arg15[%run_scoped3A_194, %mul3A_193, %dma_start3A] : memref<16x128x128xf32, #tpu.memory_space<vmem_shared>> -> memref<1x8x128xf32, #tpu.memory_space<vmem_shared>>
      %dma_start3A_336 = tpu.memref_squeeze %dma_start3A_335 : memref<1x8x128xf32, #tpu.memory_space<vmem_shared>> -> memref<8x128xf32, #tpu.memory_space<vmem_shared>>
      %dma_start3A_337 = arith.constant 0 : i32
      %dma_start3A_338 = tpu.memref_slice %arg15[%run_scoped3A_194, %mul3A_193, %dma_start3A_337] : memref<16x128x128xf32, #tpu.memory_space<vmem_shared>> -> memref<1x8x128xf32, #tpu.memory_space<vmem_shared>>
      %dma_start3A_339 = tpu.memref_squeeze %dma_start3A_338 : memref<1x8x128xf32, #tpu.memory_space<vmem_shared>> -> memref<8x128xf32, #tpu.memory_space<vmem_shared>>
      tpu.enqueue_dma source(%dma_start3A_339 : memref<8x128xf32, #tpu.memory_space<vmem_shared>>) target(%arg14 : memref<8x128xf32, #tpu.memory_space<vmem>>) target_semaphore(%run_scoped3A_334 : memref<!tpu.dma_semaphore, #tpu.memory_space<semaphore_mem>>)
      %dma_wait3A = arith.constant 0 : i32
      %dma_wait3A_340 = tpu.memref_slice %arg15[%run_scoped3A_194, %mul3A_193, %dma_wait3A] : memref<16x128x128xf32, #tpu.memory_space<vmem_shared>> -> memref<1x8x128xf32, #tpu.memory_space<vmem_shared>>
      %dma_wait3A_341 = tpu.memref_squeeze %dma_wait3A_340 : memref<1x8x128xf32, #tpu.memory_space<vmem_shared>> -> memref<8x128xf32, #tpu.memory_space<vmem_shared>>
      %dma_wait3A_342 = arith.constant 0 : i32
      %dma_wait3A_343 = tpu.memref_slice %arg15[%run_scoped3A_194, %mul3A_193, %dma_wait3A_342] : memref<16x128x128xf32, #tpu.memory_space<vmem_shared>> -> memref<1x8x128xf32, #tpu.memory_space<vmem_shared>>
      %dma_wait3A_344 = tpu.memref_squeeze %dma_wait3A_343 : memref<1x8x128xf32, #tpu.memory_space<vmem_shared>> -> memref<8x128xf32, #tpu.memory_space<vmem_shared>>
      tpu.wait_dma2 semaphore(%run_scoped3A_334 : memref<!tpu.dma_semaphore, #tpu.memory_space<semaphore_mem>>) src(%dma_wait3A_344 : memref<8x128xf32, #tpu.memory_space<vmem_shared>>) dst(%arg14 : memref<8x128xf32, #tpu.memory_space<vmem>>)
      tpu.yield
    }) : () -> ()
    %scan3A_195 = arith.constant 0 : i32
    %scan3A_196 = arith.constant 0 : i32
    %scan3A_197 = arith.constant 64 : i32
    %scan3A_198 = arith.addi %scan3A_196, %scan3A_197 : i32
    %scan3A_199 = arith.constant 1 : i32
    %scan3A_200 = scf.for %scan3A_334 = %scan3A_196 to %scan3A_198 step %scan3A_199 iter_args(%scan3A_335 = %scan3A_195) -> (i32)  : i32 {
      %jit3A = arith.constant 8 : i32
      %div3A = arith.divsi %scan3A_334, %jit3A : i32
      %sign3A = arith.constant 0 : i32
      %sign3A_336 = arith.cmpi sgt, %scan3A_334, %sign3A : i32
      %sign3A_337 = arith.extui %sign3A_336 : i1 to i32
      %sign3A_338 = arith.constant 0 : i32
      %sign3A_339 = arith.cmpi slt, %scan3A_334, %sign3A_338 : i32
      %sign3A_340 = arith.extui %sign3A_339 : i1 to i32
      %sign3A_341 = arith.subi %sign3A_337, %sign3A_340 : i32
      %sign3A_342 = arith.constant 0 : i32
      %sign3A_343 = arith.cmpi sgt, %jit3A, %sign3A_342 : i32
      %sign3A_344 = arith.extui %sign3A_343 : i1 to i32
      %sign3A_345 = arith.constant 0 : i32
      %sign3A_346 = arith.cmpi slt, %jit3A, %sign3A_345 : i32
      %sign3A_347 = arith.extui %sign3A_346 : i1 to i32
      %sign3A_348 = arith.subi %sign3A_344, %sign3A_347 : i32
      %ne3A = arith.cmpi ne, %sign3A_341, %sign3A_348 : i32
      %rem3A = arith.remsi %scan3A_334, %jit3A : i32
      %ne3A_349 = arith.constant 0 : i32
      %ne3A_350 = arith.cmpi ne, %rem3A, %ne3A_349 : i32
      %and3A_351 = arith.andi %ne3A, %ne3A_350 : i1
      %sub3A = arith.constant 1 : i32
      %sub3A_352 = arith.subi %div3A, %sub3A : i32
      %select_n3A = arith.select %and3A_351, %sub3A_352, %div3A : i32
      %jit3A_353 = arith.constant 8 : i32
      %eq3A = arith.constant 0 : i32
      %eq3A_354 = arith.cmpi eq, %jit3A_353, %eq3A : i32
      %jit3A_355 = arith.constant 1 : i32
      %select_n3A_356 = arith.select %eq3A_354, %jit3A_355, %jit3A_353 : i32
      %rem3A_357 = arith.remsi %scan3A_334, %select_n3A_356 : i32
      %ne3A_358 = arith.constant 0 : i32
      %ne3A_359 = arith.cmpi ne, %rem3A_357, %ne3A_358 : i32
      %lt3A = arith.constant 0 : i32
      %lt3A_360 = arith.cmpi slt, %rem3A_357, %lt3A : i32
      %lt3A_361 = arith.constant 0 : i32
      %lt3A_362 = arith.cmpi slt, %select_n3A_356, %lt3A_361 : i32
      %ne3A_363 = arith.xori %lt3A_360, %lt3A_362 : i1
      %and3A_364 = arith.andi %ne3A_363, %ne3A_359 : i1
      %add3A_365 = arith.addi %rem3A_357, %select_n3A_356 : i32
      %select_n3A_366 = arith.select %and3A_364, %add3A_365, %rem3A_357 : i32
      %mul3A_367 = arith.constant 16 : i32
      %mul3A_368 = arith.muli %select_n3A_366, %mul3A_367 : i32
      %get3A = arith.index_cast %select_n3A : i32 to index
      %get3A_369 = arith.index_cast %mul3A_368 : i32 to index
      %get3A_370 = tpu.vector_load %arg13[%get3A, %get3A_369] {strides = array<i32>} : memref<8x128xf32, #tpu.memory_space<vmem>>, vector<16xf32>,
      %get3A_371 = arith.index_cast %select_n3A : i32 to index
      %get3A_372 = arith.index_cast %mul3A_368 : i32 to index
      %get3A_373 = tpu.vector_load %arg14[%get3A_371, %get3A_372] {strides = array<i32>} : memref<8x128xf32, #tpu.memory_space<vmem>>, vector<16xf32>,
      %add3A_374 = arith.addf %get3A_370, %get3A_373 : vector<16xf32>
      %swap3A_375 = arith.index_cast %select_n3A : i32 to index
      %swap3A_376 = arith.index_cast %mul3A_368 : i32 to index
      %swap3A_377 = tpu.vector_load %arg13[%swap3A_375, %swap3A_376] {strides = array<i32>} : memref<8x128xf32, #tpu.memory_space<vmem>>, vector<16xf32>,
      tpu.vector_store %arg13[%swap3A_375, %swap3A_376], %add3A_374 {strides = array<i32>} : memref<8x128xf32, #tpu.memory_space<vmem>>, vector<16xf32>,
      %scan3A_378 = arith.constant 0 : i32
      scf.yield %scan3A_378 : i32
    }
    %scan3A_201 = arith.constant 64 : i32
    %mul3A_202 = arith.constant 8 : i32
    %mul3A_203 = arith.muli %arg1, %mul3A_202 : i32
    %run_scoped3A_204 = arith.constant 3 : i32
    "tpu.region"() ({
      %run_scoped3A_334 = tpu.sem_alloc : memref<!tpu.dma_semaphore, #tpu.memory_space<semaphore_mem>>
      %dma_start3A = arith.constant 0 : i32
      %dma_start3A_335 = tpu.memref_slice %arg15[%run_scoped3A_204, %mul3A_203, %dma_start3A] : memref<16x128x128xf32, #tpu.memory_space<vmem_shared>> -> memref<1x8x128xf32, #tpu.memory_space<vmem_shared>>
      %dma_start3A_336 = tpu.memref_squeeze %dma_start3A_335 : memref<1x8x128xf32, #tpu.memory_space<vmem_shared>> -> memref<8x128xf32, #tpu.memory_space<vmem_shared>>
      %dma_start3A_337 = arith.constant 0 : i32
      %dma_start3A_338 = tpu.memref_slice %arg15[%run_scoped3A_204, %mul3A_203, %dma_start3A_337] : memref<16x128x128xf32, #tpu.memory_space<vmem_shared>> -> memref<1x8x128xf32, #tpu.memory_space<vmem_shared>>
      %dma_start3A_339 = tpu.memref_squeeze %dma_start3A_338 : memref<1x8x128xf32, #tpu.memory_space<vmem_shared>> -> memref<8x128xf32, #tpu.memory_space<vmem_shared>>
      tpu.enqueue_dma source(%dma_start3A_339 : memref<8x128xf32, #tpu.memory_space<vmem_shared>>) target(%arg14 : memref<8x128xf32, #tpu.memory_space<vmem>>) target_semaphore(%run_scoped3A_334 : memref<!tpu.dma_semaphore, #tpu.memory_space<semaphore_mem>>)
      %dma_wait3A = arith.constant 0 : i32
      %dma_wait3A_340 = tpu.memref_slice %arg15[%run_scoped3A_204, %mul3A_203, %dma_wait3A] : memref<16x128x128xf32, #tpu.memory_space<vmem_shared>> -> memref<1x8x128xf32, #tpu.memory_space<vmem_shared>>
      %dma_wait3A_341 = tpu.memref_squeeze %dma_wait3A_340 : memref<1x8x128xf32, #tpu.memory_space<vmem_shared>> -> memref<8x128xf32, #tpu.memory_space<vmem_shared>>
      %dma_wait3A_342 = arith.constant 0 : i32
      %dma_wait3A_343 = tpu.memref_slice %arg15[%run_scoped3A_204, %mul3A_203, %dma_wait3A_342] : memref<16x128x128xf32, #tpu.memory_space<vmem_shared>> -> memref<1x8x128xf32, #tpu.memory_space<vmem_shared>>
      %dma_wait3A_344 = tpu.memref_squeeze %dma_wait3A_343 : memref<1x8x128xf32, #tpu.memory_space<vmem_shared>> -> memref<8x128xf32, #tpu.memory_space<vmem_shared>>
      tpu.wait_dma2 semaphore(%run_scoped3A_334 : memref<!tpu.dma_semaphore, #tpu.memory_space<semaphore_mem>>) src(%dma_wait3A_344 : memref<8x128xf32, #tpu.memory_space<vmem_shared>>) dst(%arg14 : memref<8x128xf32, #tpu.memory_space<vmem>>)
      tpu.yield
    }) : () -> ()
    %scan3A_205 = arith.constant 0 : i32
    %scan3A_206 = arith.constant 0 : i32
    %scan3A_207 = arith.constant 64 : i32
    %scan3A_208 = arith.addi %scan3A_206, %scan3A_207 : i32
    %scan3A_209 = arith.constant 1 : i32
    %scan3A_210 = scf.for %scan3A_334 = %scan3A_206 to %scan3A_208 step %scan3A_209 iter_args(%scan3A_335 = %scan3A_205) -> (i32)  : i32 {
      %jit3A = arith.constant 8 : i32
      %div3A = arith.divsi %scan3A_334, %jit3A : i32
      %sign3A = arith.constant 0 : i32
      %sign3A_336 = arith.cmpi sgt, %scan3A_334, %sign3A : i32
      %sign3A_337 = arith.extui %sign3A_336 : i1 to i32
      %sign3A_338 = arith.constant 0 : i32
      %sign3A_339 = arith.cmpi slt, %scan3A_334, %sign3A_338 : i32
      %sign3A_340 = arith.extui %sign3A_339 : i1 to i32
      %sign3A_341 = arith.subi %sign3A_337, %sign3A_340 : i32
      %sign3A_342 = arith.constant 0 : i32
      %sign3A_343 = arith.cmpi sgt, %jit3A, %sign3A_342 : i32
      %sign3A_344 = arith.extui %sign3A_343 : i1 to i32
      %sign3A_345 = arith.constant 0 : i32
      %sign3A_346 = arith.cmpi slt, %jit3A, %sign3A_345 : i32
      %sign3A_347 = arith.extui %sign3A_346 : i1 to i32
      %sign3A_348 = arith.subi %sign3A_344, %sign3A_347 : i32
      %ne3A = arith.cmpi ne, %sign3A_341, %sign3A_348 : i32
      %rem3A = arith.remsi %scan3A_334, %jit3A : i32
      %ne3A_349 = arith.constant 0 : i32
      %ne3A_350 = arith.cmpi ne, %rem3A, %ne3A_349 : i32
      %and3A_351 = arith.andi %ne3A, %ne3A_350 : i1
      %sub3A = arith.constant 1 : i32
      %sub3A_352 = arith.subi %div3A, %sub3A : i32
      %select_n3A = arith.select %and3A_351, %sub3A_352, %div3A : i32
      %jit3A_353 = arith.constant 8 : i32
      %eq3A = arith.constant 0 : i32
      %eq3A_354 = arith.cmpi eq, %jit3A_353, %eq3A : i32
      %jit3A_355 = arith.constant 1 : i32
      %select_n3A_356 = arith.select %eq3A_354, %jit3A_355, %jit3A_353 : i32
      %rem3A_357 = arith.remsi %scan3A_334, %select_n3A_356 : i32
      %ne3A_358 = arith.constant 0 : i32
      %ne3A_359 = arith.cmpi ne, %rem3A_357, %ne3A_358 : i32
      %lt3A = arith.constant 0 : i32
      %lt3A_360 = arith.cmpi slt, %rem3A_357, %lt3A : i32
      %lt3A_361 = arith.constant 0 : i32
      %lt3A_362 = arith.cmpi slt, %select_n3A_356, %lt3A_361 : i32
      %ne3A_363 = arith.xori %lt3A_360, %lt3A_362 : i1
      %and3A_364 = arith.andi %ne3A_363, %ne3A_359 : i1
      %add3A_365 = arith.addi %rem3A_357, %select_n3A_356 : i32
      %select_n3A_366 = arith.select %and3A_364, %add3A_365, %rem3A_357 : i32
      %mul3A_367 = arith.constant 16 : i32
      %mul3A_368 = arith.muli %select_n3A_366, %mul3A_367 : i32
      %get3A = arith.index_cast %select_n3A : i32 to index
      %get3A_369 = arith.index_cast %mul3A_368 : i32 to index
      %get3A_370 = tpu.vector_load %arg13[%get3A, %get3A_369] {strides = array<i32>} : memref<8x128xf32, #tpu.memory_space<vmem>>, vector<16xf32>,
      %get3A_371 = arith.index_cast %select_n3A : i32 to index
      %get3A_372 = arith.index_cast %mul3A_368 : i32 to index
      %get3A_373 = tpu.vector_load %arg14[%get3A_371, %get3A_372] {strides = array<i32>} : memref<8x128xf32, #tpu.memory_space<vmem>>, vector<16xf32>,
      %add3A_374 = arith.addf %get3A_370, %get3A_373 : vector<16xf32>
      %swap3A_375 = arith.index_cast %select_n3A : i32 to index
      %swap3A_376 = arith.index_cast %mul3A_368 : i32 to index
      %swap3A_377 = tpu.vector_load %arg13[%swap3A_375, %swap3A_376] {strides = array<i32>} : memref<8x128xf32, #tpu.memory_space<vmem>>, vector<16xf32>,
      tpu.vector_store %arg13[%swap3A_375, %swap3A_376], %add3A_374 {strides = array<i32>} : memref<8x128xf32, #tpu.memory_space<vmem>>, vector<16xf32>,
      %scan3A_378 = arith.constant 0 : i32
      scf.yield %scan3A_378 : i32
    }
    %scan3A_211 = arith.constant 64 : i32
    %mul3A_212 = arith.constant 8 : i32
    %mul3A_213 = arith.muli %arg1, %mul3A_212 : i32
    %run_scoped3A_214 = arith.constant 4 : i32
    "tpu.region"() ({
      %run_scoped3A_334 = tpu.sem_alloc : memref<!tpu.dma_semaphore, #tpu.memory_space<semaphore_mem>>
      %dma_start3A = arith.constant 0 : i32
      %dma_start3A_335 = tpu.memref_slice %arg15[%run_scoped3A_214, %mul3A_213, %dma_start3A] : memref<16x128x128xf32, #tpu.memory_space<vmem_shared>> -> memref<1x8x128xf32, #tpu.memory_space<vmem_shared>>
      %dma_start3A_336 = tpu.memref_squeeze %dma_start3A_335 : memref<1x8x128xf32, #tpu.memory_space<vmem_shared>> -> memref<8x128xf32, #tpu.memory_space<vmem_shared>>
      %dma_start3A_337 = arith.constant 0 : i32
      %dma_start3A_338 = tpu.memref_slice %arg15[%run_scoped3A_214, %mul3A_213, %dma_start3A_337] : memref<16x128x128xf32, #tpu.memory_space<vmem_shared>> -> memref<1x8x128xf32, #tpu.memory_space<vmem_shared>>
      %dma_start3A_339 = tpu.memref_squeeze %dma_start3A_338 : memref<1x8x128xf32, #tpu.memory_space<vmem_shared>> -> memref<8x128xf32, #tpu.memory_space<vmem_shared>>
      tpu.enqueue_dma source(%dma_start3A_339 : memref<8x128xf32, #tpu.memory_space<vmem_shared>>) target(%arg14 : memref<8x128xf32, #tpu.memory_space<vmem>>) target_semaphore(%run_scoped3A_334 : memref<!tpu.dma_semaphore, #tpu.memory_space<semaphore_mem>>)
      %dma_wait3A = arith.constant 0 : i32
      %dma_wait3A_340 = tpu.memref_slice %arg15[%run_scoped3A_214, %mul3A_213, %dma_wait3A] : memref<16x128x128xf32, #tpu.memory_space<vmem_shared>> -> memref<1x8x128xf32, #tpu.memory_space<vmem_shared>>
      %dma_wait3A_341 = tpu.memref_squeeze %dma_wait3A_340 : memref<1x8x128xf32, #tpu.memory_space<vmem_shared>> -> memref<8x128xf32, #tpu.memory_space<vmem_shared>>
      %dma_wait3A_342 = arith.constant 0 : i32
      %dma_wait3A_343 = tpu.memref_slice %arg15[%run_scoped3A_214, %mul3A_213, %dma_wait3A_342] : memref<16x128x128xf32, #tpu.memory_space<vmem_shared>> -> memref<1x8x128xf32, #tpu.memory_space<vmem_shared>>
      %dma_wait3A_344 = tpu.memref_squeeze %dma_wait3A_343 : memref<1x8x128xf32, #tpu.memory_space<vmem_shared>> -> memref<8x128xf32, #tpu.memory_space<vmem_shared>>
      tpu.wait_dma2 semaphore(%run_scoped3A_334 : memref<!tpu.dma_semaphore, #tpu.memory_space<semaphore_mem>>) src(%dma_wait3A_344 : memref<8x128xf32, #tpu.memory_space<vmem_shared>>) dst(%arg14 : memref<8x128xf32, #tpu.memory_space<vmem>>)
      tpu.yield
    }) : () -> ()
    %scan3A_215 = arith.constant 0 : i32
    %scan3A_216 = arith.constant 0 : i32
    %scan3A_217 = arith.constant 64 : i32
    %scan3A_218 = arith.addi %scan3A_216, %scan3A_217 : i32
    %scan3A_219 = arith.constant 1 : i32
    %scan3A_220 = scf.for %scan3A_334 = %scan3A_216 to %scan3A_218 step %scan3A_219 iter_args(%scan3A_335 = %scan3A_215) -> (i32)  : i32 {
      %jit3A = arith.constant 8 : i32
      %div3A = arith.divsi %scan3A_334, %jit3A : i32
      %sign3A = arith.constant 0 : i32
      %sign3A_336 = arith.cmpi sgt, %scan3A_334, %sign3A : i32
      %sign3A_337 = arith.extui %sign3A_336 : i1 to i32
      %sign3A_338 = arith.constant 0 : i32
      %sign3A_339 = arith.cmpi slt, %scan3A_334, %sign3A_338 : i32
      %sign3A_340 = arith.extui %sign3A_339 : i1 to i32
      %sign3A_341 = arith.subi %sign3A_337, %sign3A_340 : i32
      %sign3A_342 = arith.constant 0 : i32
      %sign3A_343 = arith.cmpi sgt, %jit3A, %sign3A_342 : i32
      %sign3A_344 = arith.extui %sign3A_343 : i1 to i32
      %sign3A_345 = arith.constant 0 : i32
      %sign3A_346 = arith.cmpi slt, %jit3A, %sign3A_345 : i32
      %sign3A_347 = arith.extui %sign3A_346 : i1 to i32
      %sign3A_348 = arith.subi %sign3A_344, %sign3A_347 : i32
      %ne3A = arith.cmpi ne, %sign3A_341, %sign3A_348 : i32
      %rem3A = arith.remsi %scan3A_334, %jit3A : i32
      %ne3A_349 = arith.constant 0 : i32
      %ne3A_350 = arith.cmpi ne, %rem3A, %ne3A_349 : i32
      %and3A_351 = arith.andi %ne3A, %ne3A_350 : i1
      %sub3A = arith.constant 1 : i32
      %sub3A_352 = arith.subi %div3A, %sub3A : i32
      %select_n3A = arith.select %and3A_351, %sub3A_352, %div3A : i32
      %jit3A_353 = arith.constant 8 : i32
      %eq3A = arith.constant 0 : i32
      %eq3A_354 = arith.cmpi eq, %jit3A_353, %eq3A : i32
      %jit3A_355 = arith.constant 1 : i32
      %select_n3A_356 = arith.select %eq3A_354, %jit3A_355, %jit3A_353 : i32
      %rem3A_357 = arith.remsi %scan3A_334, %select_n3A_356 : i32
      %ne3A_358 = arith.constant 0 : i32
      %ne3A_359 = arith.cmpi ne, %rem3A_357, %ne3A_358 : i32
      %lt3A = arith.constant 0 : i32
      %lt3A_360 = arith.cmpi slt, %rem3A_357, %lt3A : i32
      %lt3A_361 = arith.constant 0 : i32
      %lt3A_362 = arith.cmpi slt, %select_n3A_356, %lt3A_361 : i32
      %ne3A_363 = arith.xori %lt3A_360, %lt3A_362 : i1
      %and3A_364 = arith.andi %ne3A_363, %ne3A_359 : i1
      %add3A_365 = arith.addi %rem3A_357, %select_n3A_356 : i32
      %select_n3A_366 = arith.select %and3A_364, %add3A_365, %rem3A_357 : i32
      %mul3A_367 = arith.constant 16 : i32
      %mul3A_368 = arith.muli %select_n3A_366, %mul3A_367 : i32
      %get3A = arith.index_cast %select_n3A : i32 to index
      %get3A_369 = arith.index_cast %mul3A_368 : i32 to index
      %get3A_370 = tpu.vector_load %arg13[%get3A, %get3A_369] {strides = array<i32>} : memref<8x128xf32, #tpu.memory_space<vmem>>, vector<16xf32>,
      %get3A_371 = arith.index_cast %select_n3A : i32 to index
      %get3A_372 = arith.index_cast %mul3A_368 : i32 to index
      %get3A_373 = tpu.vector_load %arg14[%get3A_371, %get3A_372] {strides = array<i32>} : memref<8x128xf32, #tpu.memory_space<vmem>>, vector<16xf32>,
      %add3A_374 = arith.addf %get3A_370, %get3A_373 : vector<16xf32>
      %swap3A_375 = arith.index_cast %select_n3A : i32 to index
      %swap3A_376 = arith.index_cast %mul3A_368 : i32 to index
      %swap3A_377 = tpu.vector_load %arg13[%swap3A_375, %swap3A_376] {strides = array<i32>} : memref<8x128xf32, #tpu.memory_space<vmem>>, vector<16xf32>,
      tpu.vector_store %arg13[%swap3A_375, %swap3A_376], %add3A_374 {strides = array<i32>} : memref<8x128xf32, #tpu.memory_space<vmem>>, vector<16xf32>,
      %scan3A_378 = arith.constant 0 : i32
      scf.yield %scan3A_378 : i32
    }
    %scan3A_221 = arith.constant 64 : i32
    %mul3A_222 = arith.constant 8 : i32
    %mul3A_223 = arith.muli %arg1, %mul3A_222 : i32
    %run_scoped3A_224 = arith.constant 5 : i32
    "tpu.region"() ({
      %run_scoped3A_334 = tpu.sem_alloc : memref<!tpu.dma_semaphore, #tpu.memory_space<semaphore_mem>>
      %dma_start3A = arith.constant 0 : i32
      %dma_start3A_335 = tpu.memref_slice %arg15[%run_scoped3A_224, %mul3A_223, %dma_start3A] : memref<16x128x128xf32, #tpu.memory_space<vmem_shared>> -> memref<1x8x128xf32, #tpu.memory_space<vmem_shared>>
      %dma_start3A_336 = tpu.memref_squeeze %dma_start3A_335 : memref<1x8x128xf32, #tpu.memory_space<vmem_shared>> -> memref<8x128xf32, #tpu.memory_space<vmem_shared>>
      %dma_start3A_337 = arith.constant 0 : i32
      %dma_start3A_338 = tpu.memref_slice %arg15[%run_scoped3A_224, %mul3A_223, %dma_start3A_337] : memref<16x128x128xf32, #tpu.memory_space<vmem_shared>> -> memref<1x8x128xf32, #tpu.memory_space<vmem_shared>>
      %dma_start3A_339 = tpu.memref_squeeze %dma_start3A_338 : memref<1x8x128xf32, #tpu.memory_space<vmem_shared>> -> memref<8x128xf32, #tpu.memory_space<vmem_shared>>
      tpu.enqueue_dma source(%dma_start3A_339 : memref<8x128xf32, #tpu.memory_space<vmem_shared>>) target(%arg14 : memref<8x128xf32, #tpu.memory_space<vmem>>) target_semaphore(%run_scoped3A_334 : memref<!tpu.dma_semaphore, #tpu.memory_space<semaphore_mem>>)
      %dma_wait3A = arith.constant 0 : i32
      %dma_wait3A_340 = tpu.memref_slice %arg15[%run_scoped3A_224, %mul3A_223, %dma_wait3A] : memref<16x128x128xf32, #tpu.memory_space<vmem_shared>> -> memref<1x8x128xf32, #tpu.memory_space<vmem_shared>>
      %dma_wait3A_341 = tpu.memref_squeeze %dma_wait3A_340 : memref<1x8x128xf32, #tpu.memory_space<vmem_shared>> -> memref<8x128xf32, #tpu.memory_space<vmem_shared>>
      %dma_wait3A_342 = arith.constant 0 : i32
      %dma_wait3A_343 = tpu.memref_slice %arg15[%run_scoped3A_224, %mul3A_223, %dma_wait3A_342] : memref<16x128x128xf32, #tpu.memory_space<vmem_shared>> -> memref<1x8x128xf32, #tpu.memory_space<vmem_shared>>
      %dma_wait3A_344 = tpu.memref_squeeze %dma_wait3A_343 : memref<1x8x128xf32, #tpu.memory_space<vmem_shared>> -> memref<8x128xf32, #tpu.memory_space<vmem_shared>>
      tpu.wait_dma2 semaphore(%run_scoped3A_334 : memref<!tpu.dma_semaphore, #tpu.memory_space<semaphore_mem>>) src(%dma_wait3A_344 : memref<8x128xf32, #tpu.memory_space<vmem_shared>>) dst(%arg14 : memref<8x128xf32, #tpu.memory_space<vmem>>)
      tpu.yield
    }) : () -> ()
    %scan3A_225 = arith.constant 0 : i32
    %scan3A_226 = arith.constant 0 : i32
    %scan3A_227 = arith.constant 64 : i32
    %scan3A_228 = arith.addi %scan3A_226, %scan3A_227 : i32
    %scan3A_229 = arith.constant 1 : i32
    %scan3A_230 = scf.for %scan3A_334 = %scan3A_226 to %scan3A_228 step %scan3A_229 iter_args(%scan3A_335 = %scan3A_225) -> (i32)  : i32 {
      %jit3A = arith.constant 8 : i32
      %div3A = arith.divsi %scan3A_334, %jit3A : i32
      %sign3A = arith.constant 0 : i32
      %sign3A_336 = arith.cmpi sgt, %scan3A_334, %sign3A : i32
      %sign3A_337 = arith.extui %sign3A_336 : i1 to i32
      %sign3A_338 = arith.constant 0 : i32
      %sign3A_339 = arith.cmpi slt, %scan3A_334, %sign3A_338 : i32
      %sign3A_340 = arith.extui %sign3A_339 : i1 to i32
      %sign3A_341 = arith.subi %sign3A_337, %sign3A_340 : i32
      %sign3A_342 = arith.constant 0 : i32
      %sign3A_343 = arith.cmpi sgt, %jit3A, %sign3A_342 : i32
      %sign3A_344 = arith.extui %sign3A_343 : i1 to i32
      %sign3A_345 = arith.constant 0 : i32
      %sign3A_346 = arith.cmpi slt, %jit3A, %sign3A_345 : i32
      %sign3A_347 = arith.extui %sign3A_346 : i1 to i32
      %sign3A_348 = arith.subi %sign3A_344, %sign3A_347 : i32
      %ne3A = arith.cmpi ne, %sign3A_341, %sign3A_348 : i32
      %rem3A = arith.remsi %scan3A_334, %jit3A : i32
      %ne3A_349 = arith.constant 0 : i32
      %ne3A_350 = arith.cmpi ne, %rem3A, %ne3A_349 : i32
      %and3A_351 = arith.andi %ne3A, %ne3A_350 : i1
      %sub3A = arith.constant 1 : i32
      %sub3A_352 = arith.subi %div3A, %sub3A : i32
      %select_n3A = arith.select %and3A_351, %sub3A_352, %div3A : i32
      %jit3A_353 = arith.constant 8 : i32
      %eq3A = arith.constant 0 : i32
      %eq3A_354 = arith.cmpi eq, %jit3A_353, %eq3A : i32
      %jit3A_355 = arith.constant 1 : i32
      %select_n3A_356 = arith.select %eq3A_354, %jit3A_355, %jit3A_353 : i32
      %rem3A_357 = arith.remsi %scan3A_334, %select_n3A_356 : i32
      %ne3A_358 = arith.constant 0 : i32
      %ne3A_359 = arith.cmpi ne, %rem3A_357, %ne3A_358 : i32
      %lt3A = arith.constant 0 : i32
      %lt3A_360 = arith.cmpi slt, %rem3A_357, %lt3A : i32
      %lt3A_361 = arith.constant 0 : i32
      %lt3A_362 = arith.cmpi slt, %select_n3A_356, %lt3A_361 : i32
      %ne3A_363 = arith.xori %lt3A_360, %lt3A_362 : i1
      %and3A_364 = arith.andi %ne3A_363, %ne3A_359 : i1
      %add3A_365 = arith.addi %rem3A_357, %select_n3A_356 : i32
      %select_n3A_366 = arith.select %and3A_364, %add3A_365, %rem3A_357 : i32
      %mul3A_367 = arith.constant 16 : i32
      %mul3A_368 = arith.muli %select_n3A_366, %mul3A_367 : i32
      %get3A = arith.index_cast %select_n3A : i32 to index
      %get3A_369 = arith.index_cast %mul3A_368 : i32 to index
      %get3A_370 = tpu.vector_load %arg13[%get3A, %get3A_369] {strides = array<i32>} : memref<8x128xf32, #tpu.memory_space<vmem>>, vector<16xf32>,
      %get3A_371 = arith.index_cast %select_n3A : i32 to index
      %get3A_372 = arith.index_cast %mul3A_368 : i32 to index
      %get3A_373 = tpu.vector_load %arg14[%get3A_371, %get3A_372] {strides = array<i32>} : memref<8x128xf32, #tpu.memory_space<vmem>>, vector<16xf32>,
      %add3A_374 = arith.addf %get3A_370, %get3A_373 : vector<16xf32>
      %swap3A_375 = arith.index_cast %select_n3A : i32 to index
      %swap3A_376 = arith.index_cast %mul3A_368 : i32 to index
      %swap3A_377 = tpu.vector_load %arg13[%swap3A_375, %swap3A_376] {strides = array<i32>} : memref<8x128xf32, #tpu.memory_space<vmem>>, vector<16xf32>,
      tpu.vector_store %arg13[%swap3A_375, %swap3A_376], %add3A_374 {strides = array<i32>} : memref<8x128xf32, #tpu.memory_space<vmem>>, vector<16xf32>,
      %scan3A_378 = arith.constant 0 : i32
      scf.yield %scan3A_378 : i32
    }
    %scan3A_231 = arith.constant 64 : i32
    %mul3A_232 = arith.constant 8 : i32
    %mul3A_233 = arith.muli %arg1, %mul3A_232 : i32
    %run_scoped3A_234 = arith.constant 6 : i32
    "tpu.region"() ({
      %run_scoped3A_334 = tpu.sem_alloc : memref<!tpu.dma_semaphore, #tpu.memory_space<semaphore_mem>>
      %dma_start3A = arith.constant 0 : i32
      %dma_start3A_335 = tpu.memref_slice %arg15[%run_scoped3A_234, %mul3A_233, %dma_start3A] : memref<16x128x128xf32, #tpu.memory_space<vmem_shared>> -> memref<1x8x128xf32, #tpu.memory_space<vmem_shared>>
      %dma_start3A_336 = tpu.memref_squeeze %dma_start3A_335 : memref<1x8x128xf32, #tpu.memory_space<vmem_shared>> -> memref<8x128xf32, #tpu.memory_space<vmem_shared>>
      %dma_start3A_337 = arith.constant 0 : i32
      %dma_start3A_338 = tpu.memref_slice %arg15[%run_scoped3A_234, %mul3A_233, %dma_start3A_337] : memref<16x128x128xf32, #tpu.memory_space<vmem_shared>> -> memref<1x8x128xf32, #tpu.memory_space<vmem_shared>>
      %dma_start3A_339 = tpu.memref_squeeze %dma_start3A_338 : memref<1x8x128xf32, #tpu.memory_space<vmem_shared>> -> memref<8x128xf32, #tpu.memory_space<vmem_shared>>
      tpu.enqueue_dma source(%dma_start3A_339 : memref<8x128xf32, #tpu.memory_space<vmem_shared>>) target(%arg14 : memref<8x128xf32, #tpu.memory_space<vmem>>) target_semaphore(%run_scoped3A_334 : memref<!tpu.dma_semaphore, #tpu.memory_space<semaphore_mem>>)
      %dma_wait3A = arith.constant 0 : i32
      %dma_wait3A_340 = tpu.memref_slice %arg15[%run_scoped3A_234, %mul3A_233, %dma_wait3A] : memref<16x128x128xf32, #tpu.memory_space<vmem_shared>> -> memref<1x8x128xf32, #tpu.memory_space<vmem_shared>>
      %dma_wait3A_341 = tpu.memref_squeeze %dma_wait3A_340 : memref<1x8x128xf32, #tpu.memory_space<vmem_shared>> -> memref<8x128xf32, #tpu.memory_space<vmem_shared>>
      %dma_wait3A_342 = arith.constant 0 : i32
      %dma_wait3A_343 = tpu.memref_slice %arg15[%run_scoped3A_234, %mul3A_233, %dma_wait3A_342] : memref<16x128x128xf32, #tpu.memory_space<vmem_shared>> -> memref<1x8x128xf32, #tpu.memory_space<vmem_shared>>
      %dma_wait3A_344 = tpu.memref_squeeze %dma_wait3A_343 : memref<1x8x128xf32, #tpu.memory_space<vmem_shared>> -> memref<8x128xf32, #tpu.memory_space<vmem_shared>>
      tpu.wait_dma2 semaphore(%run_scoped3A_334 : memref<!tpu.dma_semaphore, #tpu.memory_space<semaphore_mem>>) src(%dma_wait3A_344 : memref<8x128xf32, #tpu.memory_space<vmem_shared>>) dst(%arg14 : memref<8x128xf32, #tpu.memory_space<vmem>>)
      tpu.yield
    }) : () -> ()
    %scan3A_235 = arith.constant 0 : i32
    %scan3A_236 = arith.constant 0 : i32
    %scan3A_237 = arith.constant 64 : i32
    %scan3A_238 = arith.addi %scan3A_236, %scan3A_237 : i32
    %scan3A_239 = arith.constant 1 : i32
    %scan3A_240 = scf.for %scan3A_334 = %scan3A_236 to %scan3A_238 step %scan3A_239 iter_args(%scan3A_335 = %scan3A_235) -> (i32)  : i32 {
      %jit3A = arith.constant 8 : i32
      %div3A = arith.divsi %scan3A_334, %jit3A : i32
      %sign3A = arith.constant 0 : i32
      %sign3A_336 = arith.cmpi sgt, %scan3A_334, %sign3A : i32
      %sign3A_337 = arith.extui %sign3A_336 : i1 to i32
      %sign3A_338 = arith.constant 0 : i32
      %sign3A_339 = arith.cmpi slt, %scan3A_334, %sign3A_338 : i32
      %sign3A_340 = arith.extui %sign3A_339 : i1 to i32
      %sign3A_341 = arith.subi %sign3A_337, %sign3A_340 : i32
      %sign3A_342 = arith.constant 0 : i32
      %sign3A_343 = arith.cmpi sgt, %jit3A, %sign3A_342 : i32
      %sign3A_344 = arith.extui %sign3A_343 : i1 to i32
      %sign3A_345 = arith.constant 0 : i32
      %sign3A_346 = arith.cmpi slt, %jit3A, %sign3A_345 : i32
      %sign3A_347 = arith.extui %sign3A_346 : i1 to i32
      %sign3A_348 = arith.subi %sign3A_344, %sign3A_347 : i32
      %ne3A = arith.cmpi ne, %sign3A_341, %sign3A_348 : i32
      %rem3A = arith.remsi %scan3A_334, %jit3A : i32
      %ne3A_349 = arith.constant 0 : i32
      %ne3A_350 = arith.cmpi ne, %rem3A, %ne3A_349 : i32
      %and3A_351 = arith.andi %ne3A, %ne3A_350 : i1
      %sub3A = arith.constant 1 : i32
      %sub3A_352 = arith.subi %div3A, %sub3A : i32
      %select_n3A = arith.select %and3A_351, %sub3A_352, %div3A : i32
      %jit3A_353 = arith.constant 8 : i32
      %eq3A = arith.constant 0 : i32
      %eq3A_354 = arith.cmpi eq, %jit3A_353, %eq3A : i32
      %jit3A_355 = arith.constant 1 : i32
      %select_n3A_356 = arith.select %eq3A_354, %jit3A_355, %jit3A_353 : i32
      %rem3A_357 = arith.remsi %scan3A_334, %select_n3A_356 : i32
      %ne3A_358 = arith.constant 0 : i32
      %ne3A_359 = arith.cmpi ne, %rem3A_357, %ne3A_358 : i32
      %lt3A = arith.constant 0 : i32
      %lt3A_360 = arith.cmpi slt, %rem3A_357, %lt3A : i32
      %lt3A_361 = arith.constant 0 : i32
      %lt3A_362 = arith.cmpi slt, %select_n3A_356, %lt3A_361 : i32
      %ne3A_363 = arith.xori %lt3A_360, %lt3A_362 : i1
      %and3A_364 = arith.andi %ne3A_363, %ne3A_359 : i1
      %add3A_365 = arith.addi %rem3A_357, %select_n3A_356 : i32
      %select_n3A_366 = arith.select %and3A_364, %add3A_365, %rem3A_357 : i32
      %mul3A_367 = arith.constant 16 : i32
      %mul3A_368 = arith.muli %select_n3A_366, %mul3A_367 : i32
      %get3A = arith.index_cast %select_n3A : i32 to index
      %get3A_369 = arith.index_cast %mul3A_368 : i32 to index
      %get3A_370 = tpu.vector_load %arg13[%get3A, %get3A_369] {strides = array<i32>} : memref<8x128xf32, #tpu.memory_space<vmem>>, vector<16xf32>,
      %get3A_371 = arith.index_cast %select_n3A : i32 to index
      %get3A_372 = arith.index_cast %mul3A_368 : i32 to index
      %get3A_373 = tpu.vector_load %arg14[%get3A_371, %get3A_372] {strides = array<i32>} : memref<8x128xf32, #tpu.memory_space<vmem>>, vector<16xf32>,
      %add3A_374 = arith.addf %get3A_370, %get3A_373 : vector<16xf32>
      %swap3A_375 = arith.index_cast %select_n3A : i32 to index
      %swap3A_376 = arith.index_cast %mul3A_368 : i32 to index
      %swap3A_377 = tpu.vector_load %arg13[%swap3A_375, %swap3A_376] {strides = array<i32>} : memref<8x128xf32, #tpu.memory_space<vmem>>, vector<16xf32>,
      tpu.vector_store %arg13[%swap3A_375, %swap3A_376], %add3A_374 {strides = array<i32>} : memref<8x128xf32, #tpu.memory_space<vmem>>, vector<16xf32>,
      %scan3A_378 = arith.constant 0 : i32
      scf.yield %scan3A_378 : i32
    }
    %scan3A_241 = arith.constant 64 : i32
    %mul3A_242 = arith.constant 8 : i32
    %mul3A_243 = arith.muli %arg1, %mul3A_242 : i32
    %run_scoped3A_244 = arith.constant 7 : i32
    "tpu.region"() ({
      %run_scoped3A_334 = tpu.sem_alloc : memref<!tpu.dma_semaphore, #tpu.memory_space<semaphore_mem>>
      %dma_start3A = arith.constant 0 : i32
      %dma_start3A_335 = tpu.memref_slice %arg15[%run_scoped3A_244, %mul3A_243, %dma_start3A] : memref<16x128x128xf32, #tpu.memory_space<vmem_shared>> -> memref<1x8x128xf32, #tpu.memory_space<vmem_shared>>
      %dma_start3A_336 = tpu.memref_squeeze %dma_start3A_335 : memref<1x8x128xf32, #tpu.memory_space<vmem_shared>> -> memref<8x128xf32, #tpu.memory_space<vmem_shared>>
      %dma_start3A_337 = arith.constant 0 : i32
      %dma_start3A_338 = tpu.memref_slice %arg15[%run_scoped3A_244, %mul3A_243, %dma_start3A_337] : memref<16x128x128xf32, #tpu.memory_space<vmem_shared>> -> memref<1x8x128xf32, #tpu.memory_space<vmem_shared>>
      %dma_start3A_339 = tpu.memref_squeeze %dma_start3A_338 : memref<1x8x128xf32, #tpu.memory_space<vmem_shared>> -> memref<8x128xf32, #tpu.memory_space<vmem_shared>>
      tpu.enqueue_dma source(%dma_start3A_339 : memref<8x128xf32, #tpu.memory_space<vmem_shared>>) target(%arg14 : memref<8x128xf32, #tpu.memory_space<vmem>>) target_semaphore(%run_scoped3A_334 : memref<!tpu.dma_semaphore, #tpu.memory_space<semaphore_mem>>)
      %dma_wait3A = arith.constant 0 : i32
      %dma_wait3A_340 = tpu.memref_slice %arg15[%run_scoped3A_244, %mul3A_243, %dma_wait3A] : memref<16x128x128xf32, #tpu.memory_space<vmem_shared>> -> memref<1x8x128xf32, #tpu.memory_space<vmem_shared>>
      %dma_wait3A_341 = tpu.memref_squeeze %dma_wait3A_340 : memref<1x8x128xf32, #tpu.memory_space<vmem_shared>> -> memref<8x128xf32, #tpu.memory_space<vmem_shared>>
      %dma_wait3A_342 = arith.constant 0 : i32
      %dma_wait3A_343 = tpu.memref_slice %arg15[%run_scoped3A_244, %mul3A_243, %dma_wait3A_342] : memref<16x128x128xf32, #tpu.memory_space<vmem_shared>> -> memref<1x8x128xf32, #tpu.memory_space<vmem_shared>>
      %dma_wait3A_344 = tpu.memref_squeeze %dma_wait3A_343 : memref<1x8x128xf32, #tpu.memory_space<vmem_shared>> -> memref<8x128xf32, #tpu.memory_space<vmem_shared>>
      tpu.wait_dma2 semaphore(%run_scoped3A_334 : memref<!tpu.dma_semaphore, #tpu.memory_space<semaphore_mem>>) src(%dma_wait3A_344 : memref<8x128xf32, #tpu.memory_space<vmem_shared>>) dst(%arg14 : memref<8x128xf32, #tpu.memory_space<vmem>>)
      tpu.yield
    }) : () -> ()
    %scan3A_245 = arith.constant 0 : i32
    %scan3A_246 = arith.constant 0 : i32
    %scan3A_247 = arith.constant 64 : i32
    %scan3A_248 = arith.addi %scan3A_246, %scan3A_247 : i32
    %scan3A_249 = arith.constant 1 : i32
    %scan3A_250 = scf.for %scan3A_334 = %scan3A_246 to %scan3A_248 step %scan3A_249 iter_args(%scan3A_335 = %scan3A_245) -> (i32)  : i32 {
      %jit3A = arith.constant 8 : i32
      %div3A = arith.divsi %scan3A_334, %jit3A : i32
      %sign3A = arith.constant 0 : i32
      %sign3A_336 = arith.cmpi sgt, %scan3A_334, %sign3A : i32
      %sign3A_337 = arith.extui %sign3A_336 : i1 to i32
      %sign3A_338 = arith.constant 0 : i32
      %sign3A_339 = arith.cmpi slt, %scan3A_334, %sign3A_338 : i32
      %sign3A_340 = arith.extui %sign3A_339 : i1 to i32
      %sign3A_341 = arith.subi %sign3A_337, %sign3A_340 : i32
      %sign3A_342 = arith.constant 0 : i32
      %sign3A_343 = arith.cmpi sgt, %jit3A, %sign3A_342 : i32
      %sign3A_344 = arith.extui %sign3A_343 : i1 to i32
      %sign3A_345 = arith.constant 0 : i32
      %sign3A_346 = arith.cmpi slt, %jit3A, %sign3A_345 : i32
      %sign3A_347 = arith.extui %sign3A_346 : i1 to i32
      %sign3A_348 = arith.subi %sign3A_344, %sign3A_347 : i32
      %ne3A = arith.cmpi ne, %sign3A_341, %sign3A_348 : i32
      %rem3A = arith.remsi %scan3A_334, %jit3A : i32
      %ne3A_349 = arith.constant 0 : i32
      %ne3A_350 = arith.cmpi ne, %rem3A, %ne3A_349 : i32
      %and3A_351 = arith.andi %ne3A, %ne3A_350 : i1
      %sub3A = arith.constant 1 : i32
      %sub3A_352 = arith.subi %div3A, %sub3A : i32
      %select_n3A = arith.select %and3A_351, %sub3A_352, %div3A : i32
      %jit3A_353 = arith.constant 8 : i32
      %eq3A = arith.constant 0 : i32
      %eq3A_354 = arith.cmpi eq, %jit3A_353, %eq3A : i32
      %jit3A_355 = arith.constant 1 : i32
      %select_n3A_356 = arith.select %eq3A_354, %jit3A_355, %jit3A_353 : i32
      %rem3A_357 = arith.remsi %scan3A_334, %select_n3A_356 : i32
      %ne3A_358 = arith.constant 0 : i32
      %ne3A_359 = arith.cmpi ne, %rem3A_357, %ne3A_358 : i32
      %lt3A = arith.constant 0 : i32
      %lt3A_360 = arith.cmpi slt, %rem3A_357, %lt3A : i32
      %lt3A_361 = arith.constant 0 : i32
      %lt3A_362 = arith.cmpi slt, %select_n3A_356, %lt3A_361 : i32
      %ne3A_363 = arith.xori %lt3A_360, %lt3A_362 : i1
      %and3A_364 = arith.andi %ne3A_363, %ne3A_359 : i1
      %add3A_365 = arith.addi %rem3A_357, %select_n3A_356 : i32
      %select_n3A_366 = arith.select %and3A_364, %add3A_365, %rem3A_357 : i32
      %mul3A_367 = arith.constant 16 : i32
      %mul3A_368 = arith.muli %select_n3A_366, %mul3A_367 : i32
      %get3A = arith.index_cast %select_n3A : i32 to index
      %get3A_369 = arith.index_cast %mul3A_368 : i32 to index
      %get3A_370 = tpu.vector_load %arg13[%get3A, %get3A_369] {strides = array<i32>} : memref<8x128xf32, #tpu.memory_space<vmem>>, vector<16xf32>,
      %get3A_371 = arith.index_cast %select_n3A : i32 to index
      %get3A_372 = arith.index_cast %mul3A_368 : i32 to index
      %get3A_373 = tpu.vector_load %arg14[%get3A_371, %get3A_372] {strides = array<i32>} : memref<8x128xf32, #tpu.memory_space<vmem>>, vector<16xf32>,
      %add3A_374 = arith.addf %get3A_370, %get3A_373 : vector<16xf32>
      %swap3A_375 = arith.index_cast %select_n3A : i32 to index
      %swap3A_376 = arith.index_cast %mul3A_368 : i32 to index
      %swap3A_377 = tpu.vector_load %arg13[%swap3A_375, %swap3A_376] {strides = array<i32>} : memref<8x128xf32, #tpu.memory_space<vmem>>, vector<16xf32>,
      tpu.vector_store %arg13[%swap3A_375, %swap3A_376], %add3A_374 {strides = array<i32>} : memref<8x128xf32, #tpu.memory_space<vmem>>, vector<16xf32>,
      %scan3A_378 = arith.constant 0 : i32
      scf.yield %scan3A_378 : i32
    }
    %scan3A_251 = arith.constant 64 : i32
    %mul3A_252 = arith.constant 8 : i32
    %mul3A_253 = arith.muli %arg1, %mul3A_252 : i32
    %run_scoped3A_254 = arith.constant 8 : i32
    "tpu.region"() ({
      %run_scoped3A_334 = tpu.sem_alloc : memref<!tpu.dma_semaphore, #tpu.memory_space<semaphore_mem>>
      %dma_start3A = arith.constant 0 : i32
      %dma_start3A_335 = tpu.memref_slice %arg15[%run_scoped3A_254, %mul3A_253, %dma_start3A] : memref<16x128x128xf32, #tpu.memory_space<vmem_shared>> -> memref<1x8x128xf32, #tpu.memory_space<vmem_shared>>
      %dma_start3A_336 = tpu.memref_squeeze %dma_start3A_335 : memref<1x8x128xf32, #tpu.memory_space<vmem_shared>> -> memref<8x128xf32, #tpu.memory_space<vmem_shared>>
      %dma_start3A_337 = arith.constant 0 : i32
      %dma_start3A_338 = tpu.memref_slice %arg15[%run_scoped3A_254, %mul3A_253, %dma_start3A_337] : memref<16x128x128xf32, #tpu.memory_space<vmem_shared>> -> memref<1x8x128xf32, #tpu.memory_space<vmem_shared>>
      %dma_start3A_339 = tpu.memref_squeeze %dma_start3A_338 : memref<1x8x128xf32, #tpu.memory_space<vmem_shared>> -> memref<8x128xf32, #tpu.memory_space<vmem_shared>>
      tpu.enqueue_dma source(%dma_start3A_339 : memref<8x128xf32, #tpu.memory_space<vmem_shared>>) target(%arg14 : memref<8x128xf32, #tpu.memory_space<vmem>>) target_semaphore(%run_scoped3A_334 : memref<!tpu.dma_semaphore, #tpu.memory_space<semaphore_mem>>)
      %dma_wait3A = arith.constant 0 : i32
      %dma_wait3A_340 = tpu.memref_slice %arg15[%run_scoped3A_254, %mul3A_253, %dma_wait3A] : memref<16x128x128xf32, #tpu.memory_space<vmem_shared>> -> memref<1x8x128xf32, #tpu.memory_space<vmem_shared>>
      %dma_wait3A_341 = tpu.memref_squeeze %dma_wait3A_340 : memref<1x8x128xf32, #tpu.memory_space<vmem_shared>> -> memref<8x128xf32, #tpu.memory_space<vmem_shared>>
      %dma_wait3A_342 = arith.constant 0 : i32
      %dma_wait3A_343 = tpu.memref_slice %arg15[%run_scoped3A_254, %mul3A_253, %dma_wait3A_342] : memref<16x128x128xf32, #tpu.memory_space<vmem_shared>> -> memref<1x8x128xf32, #tpu.memory_space<vmem_shared>>
      %dma_wait3A_344 = tpu.memref_squeeze %dma_wait3A_343 : memref<1x8x128xf32, #tpu.memory_space<vmem_shared>> -> memref<8x128xf32, #tpu.memory_space<vmem_shared>>
      tpu.wait_dma2 semaphore(%run_scoped3A_334 : memref<!tpu.dma_semaphore, #tpu.memory_space<semaphore_mem>>) src(%dma_wait3A_344 : memref<8x128xf32, #tpu.memory_space<vmem_shared>>) dst(%arg14 : memref<8x128xf32, #tpu.memory_space<vmem>>)
      tpu.yield
    }) : () -> ()
    %scan3A_255 = arith.constant 0 : i32
    %scan3A_256 = arith.constant 0 : i32
    %scan3A_257 = arith.constant 64 : i32
    %scan3A_258 = arith.addi %scan3A_256, %scan3A_257 : i32
    %scan3A_259 = arith.constant 1 : i32
    %scan3A_260 = scf.for %scan3A_334 = %scan3A_256 to %scan3A_258 step %scan3A_259 iter_args(%scan3A_335 = %scan3A_255) -> (i32)  : i32 {
      %jit3A = arith.constant 8 : i32
      %div3A = arith.divsi %scan3A_334, %jit3A : i32
      %sign3A = arith.constant 0 : i32
      %sign3A_336 = arith.cmpi sgt, %scan3A_334, %sign3A : i32
      %sign3A_337 = arith.extui %sign3A_336 : i1 to i32
      %sign3A_338 = arith.constant 0 : i32
      %sign3A_339 = arith.cmpi slt, %scan3A_334, %sign3A_338 : i32
      %sign3A_340 = arith.extui %sign3A_339 : i1 to i32
      %sign3A_341 = arith.subi %sign3A_337, %sign3A_340 : i32
      %sign3A_342 = arith.constant 0 : i32
      %sign3A_343 = arith.cmpi sgt, %jit3A, %sign3A_342 : i32
      %sign3A_344 = arith.extui %sign3A_343 : i1 to i32
      %sign3A_345 = arith.constant 0 : i32
      %sign3A_346 = arith.cmpi slt, %jit3A, %sign3A_345 : i32
      %sign3A_347 = arith.extui %sign3A_346 : i1 to i32
      %sign3A_348 = arith.subi %sign3A_344, %sign3A_347 : i32
      %ne3A = arith.cmpi ne, %sign3A_341, %sign3A_348 : i32
      %rem3A = arith.remsi %scan3A_334, %jit3A : i32
      %ne3A_349 = arith.constant 0 : i32
      %ne3A_350 = arith.cmpi ne, %rem3A, %ne3A_349 : i32
      %and3A_351 = arith.andi %ne3A, %ne3A_350 : i1
      %sub3A = arith.constant 1 : i32
      %sub3A_352 = arith.subi %div3A, %sub3A : i32
      %select_n3A = arith.select %and3A_351, %sub3A_352, %div3A : i32
      %jit3A_353 = arith.constant 8 : i32
      %eq3A = arith.constant 0 : i32
      %eq3A_354 = arith.cmpi eq, %jit3A_353, %eq3A : i32
      %jit3A_355 = arith.constant 1 : i32
      %select_n3A_356 = arith.select %eq3A_354, %jit3A_355, %jit3A_353 : i32
      %rem3A_357 = arith.remsi %scan3A_334, %select_n3A_356 : i32
      %ne3A_358 = arith.constant 0 : i32
      %ne3A_359 = arith.cmpi ne, %rem3A_357, %ne3A_358 : i32
      %lt3A = arith.constant 0 : i32
      %lt3A_360 = arith.cmpi slt, %rem3A_357, %lt3A : i32
      %lt3A_361 = arith.constant 0 : i32
      %lt3A_362 = arith.cmpi slt, %select_n3A_356, %lt3A_361 : i32
      %ne3A_363 = arith.xori %lt3A_360, %lt3A_362 : i1
      %and3A_364 = arith.andi %ne3A_363, %ne3A_359 : i1
      %add3A_365 = arith.addi %rem3A_357, %select_n3A_356 : i32
      %select_n3A_366 = arith.select %and3A_364, %add3A_365, %rem3A_357 : i32
      %mul3A_367 = arith.constant 16 : i32
      %mul3A_368 = arith.muli %select_n3A_366, %mul3A_367 : i32
      %get3A = arith.index_cast %select_n3A : i32 to index
      %get3A_369 = arith.index_cast %mul3A_368 : i32 to index
      %get3A_370 = tpu.vector_load %arg13[%get3A, %get3A_369] {strides = array<i32>} : memref<8x128xf32, #tpu.memory_space<vmem>>, vector<16xf32>,
      %get3A_371 = arith.index_cast %select_n3A : i32 to index
      %get3A_372 = arith.index_cast %mul3A_368 : i32 to index
      %get3A_373 = tpu.vector_load %arg14[%get3A_371, %get3A_372] {strides = array<i32>} : memref<8x128xf32, #tpu.memory_space<vmem>>, vector<16xf32>,
      %add3A_374 = arith.addf %get3A_370, %get3A_373 : vector<16xf32>
      %swap3A_375 = arith.index_cast %select_n3A : i32 to index
      %swap3A_376 = arith.index_cast %mul3A_368 : i32 to index
      %swap3A_377 = tpu.vector_load %arg13[%swap3A_375, %swap3A_376] {strides = array<i32>} : memref<8x128xf32, #tpu.memory_space<vmem>>, vector<16xf32>,
      tpu.vector_store %arg13[%swap3A_375, %swap3A_376], %add3A_374 {strides = array<i32>} : memref<8x128xf32, #tpu.memory_space<vmem>>, vector<16xf32>,
      %scan3A_378 = arith.constant 0 : i32
      scf.yield %scan3A_378 : i32
    }
    %scan3A_261 = arith.constant 64 : i32
    %mul3A_262 = arith.constant 8 : i32
    %mul3A_263 = arith.muli %arg1, %mul3A_262 : i32
    %run_scoped3A_264 = arith.constant 9 : i32
    "tpu.region"() ({
      %run_scoped3A_334 = tpu.sem_alloc : memref<!tpu.dma_semaphore, #tpu.memory_space<semaphore_mem>>
      %dma_start3A = arith.constant 0 : i32
      %dma_start3A_335 = tpu.memref_slice %arg15[%run_scoped3A_264, %mul3A_263, %dma_start3A] : memref<16x128x128xf32, #tpu.memory_space<vmem_shared>> -> memref<1x8x128xf32, #tpu.memory_space<vmem_shared>>
      %dma_start3A_336 = tpu.memref_squeeze %dma_start3A_335 : memref<1x8x128xf32, #tpu.memory_space<vmem_shared>> -> memref<8x128xf32, #tpu.memory_space<vmem_shared>>
      %dma_start3A_337 = arith.constant 0 : i32
      %dma_start3A_338 = tpu.memref_slice %arg15[%run_scoped3A_264, %mul3A_263, %dma_start3A_337] : memref<16x128x128xf32, #tpu.memory_space<vmem_shared>> -> memref<1x8x128xf32, #tpu.memory_space<vmem_shared>>
      %dma_start3A_339 = tpu.memref_squeeze %dma_start3A_338 : memref<1x8x128xf32, #tpu.memory_space<vmem_shared>> -> memref<8x128xf32, #tpu.memory_space<vmem_shared>>
      tpu.enqueue_dma source(%dma_start3A_339 : memref<8x128xf32, #tpu.memory_space<vmem_shared>>) target(%arg14 : memref<8x128xf32, #tpu.memory_space<vmem>>) target_semaphore(%run_scoped3A_334 : memref<!tpu.dma_semaphore, #tpu.memory_space<semaphore_mem>>)
      %dma_wait3A = arith.constant 0 : i32
      %dma_wait3A_340 = tpu.memref_slice %arg15[%run_scoped3A_264, %mul3A_263, %dma_wait3A] : memref<16x128x128xf32, #tpu.memory_space<vmem_shared>> -> memref<1x8x128xf32, #tpu.memory_space<vmem_shared>>
      %dma_wait3A_341 = tpu.memref_squeeze %dma_wait3A_340 : memref<1x8x128xf32, #tpu.memory_space<vmem_shared>> -> memref<8x128xf32, #tpu.memory_space<vmem_shared>>
      %dma_wait3A_342 = arith.constant 0 : i32
      %dma_wait3A_343 = tpu.memref_slice %arg15[%run_scoped3A_264, %mul3A_263, %dma_wait3A_342] : memref<16x128x128xf32, #tpu.memory_space<vmem_shared>> -> memref<1x8x128xf32, #tpu.memory_space<vmem_shared>>
      %dma_wait3A_344 = tpu.memref_squeeze %dma_wait3A_343 : memref<1x8x128xf32, #tpu.memory_space<vmem_shared>> -> memref<8x128xf32, #tpu.memory_space<vmem_shared>>
      tpu.wait_dma2 semaphore(%run_scoped3A_334 : memref<!tpu.dma_semaphore, #tpu.memory_space<semaphore_mem>>) src(%dma_wait3A_344 : memref<8x128xf32, #tpu.memory_space<vmem_shared>>) dst(%arg14 : memref<8x128xf32, #tpu.memory_space<vmem>>)
      tpu.yield
    }) : () -> ()
    %scan3A_265 = arith.constant 0 : i32
    %scan3A_266 = arith.constant 0 : i32
    %scan3A_267 = arith.constant 64 : i32
    %scan3A_268 = arith.addi %scan3A_266, %scan3A_267 : i32
    %scan3A_269 = arith.constant 1 : i32
    %scan3A_270 = scf.for %scan3A_334 = %scan3A_266 to %scan3A_268 step %scan3A_269 iter_args(%scan3A_335 = %scan3A_265) -> (i32)  : i32 {
      %jit3A = arith.constant 8 : i32
      %div3A = arith.divsi %scan3A_334, %jit3A : i32
      %sign3A = arith.constant 0 : i32
      %sign3A_336 = arith.cmpi sgt, %scan3A_334, %sign3A : i32
      %sign3A_337 = arith.extui %sign3A_336 : i1 to i32
      %sign3A_338 = arith.constant 0 : i32
      %sign3A_339 = arith.cmpi slt, %scan3A_334, %sign3A_338 : i32
      %sign3A_340 = arith.extui %sign3A_339 : i1 to i32
      %sign3A_341 = arith.subi %sign3A_337, %sign3A_340 : i32
      %sign3A_342 = arith.constant 0 : i32
      %sign3A_343 = arith.cmpi sgt, %jit3A, %sign3A_342 : i32
      %sign3A_344 = arith.extui %sign3A_343 : i1 to i32
      %sign3A_345 = arith.constant 0 : i32
      %sign3A_346 = arith.cmpi slt, %jit3A, %sign3A_345 : i32
      %sign3A_347 = arith.extui %sign3A_346 : i1 to i32
      %sign3A_348 = arith.subi %sign3A_344, %sign3A_347 : i32
      %ne3A = arith.cmpi ne, %sign3A_341, %sign3A_348 : i32
      %rem3A = arith.remsi %scan3A_334, %jit3A : i32
      %ne3A_349 = arith.constant 0 : i32
      %ne3A_350 = arith.cmpi ne, %rem3A, %ne3A_349 : i32
      %and3A_351 = arith.andi %ne3A, %ne3A_350 : i1
      %sub3A = arith.constant 1 : i32
      %sub3A_352 = arith.subi %div3A, %sub3A : i32
      %select_n3A = arith.select %and3A_351, %sub3A_352, %div3A : i32
      %jit3A_353 = arith.constant 8 : i32
      %eq3A = arith.constant 0 : i32
      %eq3A_354 = arith.cmpi eq, %jit3A_353, %eq3A : i32
      %jit3A_355 = arith.constant 1 : i32
      %select_n3A_356 = arith.select %eq3A_354, %jit3A_355, %jit3A_353 : i32
      %rem3A_357 = arith.remsi %scan3A_334, %select_n3A_356 : i32
      %ne3A_358 = arith.constant 0 : i32
      %ne3A_359 = arith.cmpi ne, %rem3A_357, %ne3A_358 : i32
      %lt3A = arith.constant 0 : i32
      %lt3A_360 = arith.cmpi slt, %rem3A_357, %lt3A : i32
      %lt3A_361 = arith.constant 0 : i32
      %lt3A_362 = arith.cmpi slt, %select_n3A_356, %lt3A_361 : i32
      %ne3A_363 = arith.xori %lt3A_360, %lt3A_362 : i1
      %and3A_364 = arith.andi %ne3A_363, %ne3A_359 : i1
      %add3A_365 = arith.addi %rem3A_357, %select_n3A_356 : i32
      %select_n3A_366 = arith.select %and3A_364, %add3A_365, %rem3A_357 : i32
      %mul3A_367 = arith.constant 16 : i32
      %mul3A_368 = arith.muli %select_n3A_366, %mul3A_367 : i32
      %get3A = arith.index_cast %select_n3A : i32 to index
      %get3A_369 = arith.index_cast %mul3A_368 : i32 to index
      %get3A_370 = tpu.vector_load %arg13[%get3A, %get3A_369] {strides = array<i32>} : memref<8x128xf32, #tpu.memory_space<vmem>>, vector<16xf32>,
      %get3A_371 = arith.index_cast %select_n3A : i32 to index
      %get3A_372 = arith.index_cast %mul3A_368 : i32 to index
      %get3A_373 = tpu.vector_load %arg14[%get3A_371, %get3A_372] {strides = array<i32>} : memref<8x128xf32, #tpu.memory_space<vmem>>, vector<16xf32>,
      %add3A_374 = arith.addf %get3A_370, %get3A_373 : vector<16xf32>
      %swap3A_375 = arith.index_cast %select_n3A : i32 to index
      %swap3A_376 = arith.index_cast %mul3A_368 : i32 to index
      %swap3A_377 = tpu.vector_load %arg13[%swap3A_375, %swap3A_376] {strides = array<i32>} : memref<8x128xf32, #tpu.memory_space<vmem>>, vector<16xf32>,
      tpu.vector_store %arg13[%swap3A_375, %swap3A_376], %add3A_374 {strides = array<i32>} : memref<8x128xf32, #tpu.memory_space<vmem>>, vector<16xf32>,
      %scan3A_378 = arith.constant 0 : i32
      scf.yield %scan3A_378 : i32
    }
    %scan3A_271 = arith.constant 64 : i32
    %mul3A_272 = arith.constant 8 : i32
    %mul3A_273 = arith.muli %arg1, %mul3A_272 : i32
    %run_scoped3A_274 = arith.constant 10 : i32
    "tpu.region"() ({
      %run_scoped3A_334 = tpu.sem_alloc : memref<!tpu.dma_semaphore, #tpu.memory_space<semaphore_mem>>
      %dma_start3A = arith.constant 0 : i32
      %dma_start3A_335 = tpu.memref_slice %arg15[%run_scoped3A_274, %mul3A_273, %dma_start3A] : memref<16x128x128xf32, #tpu.memory_space<vmem_shared>> -> memref<1x8x128xf32, #tpu.memory_space<vmem_shared>>
      %dma_start3A_336 = tpu.memref_squeeze %dma_start3A_335 : memref<1x8x128xf32, #tpu.memory_space<vmem_shared>> -> memref<8x128xf32, #tpu.memory_space<vmem_shared>>
      %dma_start3A_337 = arith.constant 0 : i32
      %dma_start3A_338 = tpu.memref_slice %arg15[%run_scoped3A_274, %mul3A_273, %dma_start3A_337] : memref<16x128x128xf32, #tpu.memory_space<vmem_shared>> -> memref<1x8x128xf32, #tpu.memory_space<vmem_shared>>
      %dma_start3A_339 = tpu.memref_squeeze %dma_start3A_338 : memref<1x8x128xf32, #tpu.memory_space<vmem_shared>> -> memref<8x128xf32, #tpu.memory_space<vmem_shared>>
      tpu.enqueue_dma source(%dma_start3A_339 : memref<8x128xf32, #tpu.memory_space<vmem_shared>>) target(%arg14 : memref<8x128xf32, #tpu.memory_space<vmem>>) target_semaphore(%run_scoped3A_334 : memref<!tpu.dma_semaphore, #tpu.memory_space<semaphore_mem>>)
      %dma_wait3A = arith.constant 0 : i32
      %dma_wait3A_340 = tpu.memref_slice %arg15[%run_scoped3A_274, %mul3A_273, %dma_wait3A] : memref<16x128x128xf32, #tpu.memory_space<vmem_shared>> -> memref<1x8x128xf32, #tpu.memory_space<vmem_shared>>
      %dma_wait3A_341 = tpu.memref_squeeze %dma_wait3A_340 : memref<1x8x128xf32, #tpu.memory_space<vmem_shared>> -> memref<8x128xf32, #tpu.memory_space<vmem_shared>>
      %dma_wait3A_342 = arith.constant 0 : i32
      %dma_wait3A_343 = tpu.memref_slice %arg15[%run_scoped3A_274, %mul3A_273, %dma_wait3A_342] : memref<16x128x128xf32, #tpu.memory_space<vmem_shared>> -> memref<1x8x128xf32, #tpu.memory_space<vmem_shared>>
      %dma_wait3A_344 = tpu.memref_squeeze %dma_wait3A_343 : memref<1x8x128xf32, #tpu.memory_space<vmem_shared>> -> memref<8x128xf32, #tpu.memory_space<vmem_shared>>
      tpu.wait_dma2 semaphore(%run_scoped3A_334 : memref<!tpu.dma_semaphore, #tpu.memory_space<semaphore_mem>>) src(%dma_wait3A_344 : memref<8x128xf32, #tpu.memory_space<vmem_shared>>) dst(%arg14 : memref<8x128xf32, #tpu.memory_space<vmem>>)
      tpu.yield
    }) : () -> ()
    %scan3A_275 = arith.constant 0 : i32
    %scan3A_276 = arith.constant 0 : i32
    %scan3A_277 = arith.constant 64 : i32
    %scan3A_278 = arith.addi %scan3A_276, %scan3A_277 : i32
    %scan3A_279 = arith.constant 1 : i32
    %scan3A_280 = scf.for %scan3A_334 = %scan3A_276 to %scan3A_278 step %scan3A_279 iter_args(%scan3A_335 = %scan3A_275) -> (i32)  : i32 {
      %jit3A = arith.constant 8 : i32
      %div3A = arith.divsi %scan3A_334, %jit3A : i32
      %sign3A = arith.constant 0 : i32
      %sign3A_336 = arith.cmpi sgt, %scan3A_334, %sign3A : i32
      %sign3A_337 = arith.extui %sign3A_336 : i1 to i32
      %sign3A_338 = arith.constant 0 : i32
      %sign3A_339 = arith.cmpi slt, %scan3A_334, %sign3A_338 : i32
      %sign3A_340 = arith.extui %sign3A_339 : i1 to i32
      %sign3A_341 = arith.subi %sign3A_337, %sign3A_340 : i32
      %sign3A_342 = arith.constant 0 : i32
      %sign3A_343 = arith.cmpi sgt, %jit3A, %sign3A_342 : i32
      %sign3A_344 = arith.extui %sign3A_343 : i1 to i32
      %sign3A_345 = arith.constant 0 : i32
      %sign3A_346 = arith.cmpi slt, %jit3A, %sign3A_345 : i32
      %sign3A_347 = arith.extui %sign3A_346 : i1 to i32
      %sign3A_348 = arith.subi %sign3A_344, %sign3A_347 : i32
      %ne3A = arith.cmpi ne, %sign3A_341, %sign3A_348 : i32
      %rem3A = arith.remsi %scan3A_334, %jit3A : i32
      %ne3A_349 = arith.constant 0 : i32
      %ne3A_350 = arith.cmpi ne, %rem3A, %ne3A_349 : i32
      %and3A_351 = arith.andi %ne3A, %ne3A_350 : i1
      %sub3A = arith.constant 1 : i32
      %sub3A_352 = arith.subi %div3A, %sub3A : i32
      %select_n3A = arith.select %and3A_351, %sub3A_352, %div3A : i32
      %jit3A_353 = arith.constant 8 : i32
      %eq3A = arith.constant 0 : i32
      %eq3A_354 = arith.cmpi eq, %jit3A_353, %eq3A : i32
      %jit3A_355 = arith.constant 1 : i32
      %select_n3A_356 = arith.select %eq3A_354, %jit3A_355, %jit3A_353 : i32
      %rem3A_357 = arith.remsi %scan3A_334, %select_n3A_356 : i32
      %ne3A_358 = arith.constant 0 : i32
      %ne3A_359 = arith.cmpi ne, %rem3A_357, %ne3A_358 : i32
      %lt3A = arith.constant 0 : i32
      %lt3A_360 = arith.cmpi slt, %rem3A_357, %lt3A : i32
      %lt3A_361 = arith.constant 0 : i32
      %lt3A_362 = arith.cmpi slt, %select_n3A_356, %lt3A_361 : i32
      %ne3A_363 = arith.xori %lt3A_360, %lt3A_362 : i1
      %and3A_364 = arith.andi %ne3A_363, %ne3A_359 : i1
      %add3A_365 = arith.addi %rem3A_357, %select_n3A_356 : i32
      %select_n3A_366 = arith.select %and3A_364, %add3A_365, %rem3A_357 : i32
      %mul3A_367 = arith.constant 16 : i32
      %mul3A_368 = arith.muli %select_n3A_366, %mul3A_367 : i32
      %get3A = arith.index_cast %select_n3A : i32 to index
      %get3A_369 = arith.index_cast %mul3A_368 : i32 to index
      %get3A_370 = tpu.vector_load %arg13[%get3A, %get3A_369] {strides = array<i32>} : memref<8x128xf32, #tpu.memory_space<vmem>>, vector<16xf32>,
      %get3A_371 = arith.index_cast %select_n3A : i32 to index
      %get3A_372 = arith.index_cast %mul3A_368 : i32 to index
      %get3A_373 = tpu.vector_load %arg14[%get3A_371, %get3A_372] {strides = array<i32>} : memref<8x128xf32, #tpu.memory_space<vmem>>, vector<16xf32>,
      %add3A_374 = arith.addf %get3A_370, %get3A_373 : vector<16xf32>
      %swap3A_375 = arith.index_cast %select_n3A : i32 to index
      %swap3A_376 = arith.index_cast %mul3A_368 : i32 to index
      %swap3A_377 = tpu.vector_load %arg13[%swap3A_375, %swap3A_376] {strides = array<i32>} : memref<8x128xf32, #tpu.memory_space<vmem>>, vector<16xf32>,
      tpu.vector_store %arg13[%swap3A_375, %swap3A_376], %add3A_374 {strides = array<i32>} : memref<8x128xf32, #tpu.memory_space<vmem>>, vector<16xf32>,
      %scan3A_378 = arith.constant 0 : i32
      scf.yield %scan3A_378 : i32
    }
    %scan3A_281 = arith.constant 64 : i32
    %mul3A_282 = arith.constant 8 : i32
    %mul3A_283 = arith.muli %arg1, %mul3A_282 : i32
    %run_scoped3A_284 = arith.constant 11 : i32
    "tpu.region"() ({
      %run_scoped3A_334 = tpu.sem_alloc : memref<!tpu.dma_semaphore, #tpu.memory_space<semaphore_mem>>
      %dma_start3A = arith.constant 0 : i32
      %dma_start3A_335 = tpu.memref_slice %arg15[%run_scoped3A_284, %mul3A_283, %dma_start3A] : memref<16x128x128xf32, #tpu.memory_space<vmem_shared>> -> memref<1x8x128xf32, #tpu.memory_space<vmem_shared>>
      %dma_start3A_336 = tpu.memref_squeeze %dma_start3A_335 : memref<1x8x128xf32, #tpu.memory_space<vmem_shared>> -> memref<8x128xf32, #tpu.memory_space<vmem_shared>>
      %dma_start3A_337 = arith.constant 0 : i32
      %dma_start3A_338 = tpu.memref_slice %arg15[%run_scoped3A_284, %mul3A_283, %dma_start3A_337] : memref<16x128x128xf32, #tpu.memory_space<vmem_shared>> -> memref<1x8x128xf32, #tpu.memory_space<vmem_shared>>
      %dma_start3A_339 = tpu.memref_squeeze %dma_start3A_338 : memref<1x8x128xf32, #tpu.memory_space<vmem_shared>> -> memref<8x128xf32, #tpu.memory_space<vmem_shared>>
      tpu.enqueue_dma source(%dma_start3A_339 : memref<8x128xf32, #tpu.memory_space<vmem_shared>>) target(%arg14 : memref<8x128xf32, #tpu.memory_space<vmem>>) target_semaphore(%run_scoped3A_334 : memref<!tpu.dma_semaphore, #tpu.memory_space<semaphore_mem>>)
      %dma_wait3A = arith.constant 0 : i32
      %dma_wait3A_340 = tpu.memref_slice %arg15[%run_scoped3A_284, %mul3A_283, %dma_wait3A] : memref<16x128x128xf32, #tpu.memory_space<vmem_shared>> -> memref<1x8x128xf32, #tpu.memory_space<vmem_shared>>
      %dma_wait3A_341 = tpu.memref_squeeze %dma_wait3A_340 : memref<1x8x128xf32, #tpu.memory_space<vmem_shared>> -> memref<8x128xf32, #tpu.memory_space<vmem_shared>>
      %dma_wait3A_342 = arith.constant 0 : i32
      %dma_wait3A_343 = tpu.memref_slice %arg15[%run_scoped3A_284, %mul3A_283, %dma_wait3A_342] : memref<16x128x128xf32, #tpu.memory_space<vmem_shared>> -> memref<1x8x128xf32, #tpu.memory_space<vmem_shared>>
      %dma_wait3A_344 = tpu.memref_squeeze %dma_wait3A_343 : memref<1x8x128xf32, #tpu.memory_space<vmem_shared>> -> memref<8x128xf32, #tpu.memory_space<vmem_shared>>
      tpu.wait_dma2 semaphore(%run_scoped3A_334 : memref<!tpu.dma_semaphore, #tpu.memory_space<semaphore_mem>>) src(%dma_wait3A_344 : memref<8x128xf32, #tpu.memory_space<vmem_shared>>) dst(%arg14 : memref<8x128xf32, #tpu.memory_space<vmem>>)
      tpu.yield
    }) : () -> ()
    %scan3A_285 = arith.constant 0 : i32
    %scan3A_286 = arith.constant 0 : i32
    %scan3A_287 = arith.constant 64 : i32
    %scan3A_288 = arith.addi %scan3A_286, %scan3A_287 : i32
    %scan3A_289 = arith.constant 1 : i32
    %scan3A_290 = scf.for %scan3A_334 = %scan3A_286 to %scan3A_288 step %scan3A_289 iter_args(%scan3A_335 = %scan3A_285) -> (i32)  : i32 {
      %jit3A = arith.constant 8 : i32
      %div3A = arith.divsi %scan3A_334, %jit3A : i32
      %sign3A = arith.constant 0 : i32
      %sign3A_336 = arith.cmpi sgt, %scan3A_334, %sign3A : i32
      %sign3A_337 = arith.extui %sign3A_336 : i1 to i32
      %sign3A_338 = arith.constant 0 : i32
      %sign3A_339 = arith.cmpi slt, %scan3A_334, %sign3A_338 : i32
      %sign3A_340 = arith.extui %sign3A_339 : i1 to i32
      %sign3A_341 = arith.subi %sign3A_337, %sign3A_340 : i32
      %sign3A_342 = arith.constant 0 : i32
      %sign3A_343 = arith.cmpi sgt, %jit3A, %sign3A_342 : i32
      %sign3A_344 = arith.extui %sign3A_343 : i1 to i32
      %sign3A_345 = arith.constant 0 : i32
      %sign3A_346 = arith.cmpi slt, %jit3A, %sign3A_345 : i32
      %sign3A_347 = arith.extui %sign3A_346 : i1 to i32
      %sign3A_348 = arith.subi %sign3A_344, %sign3A_347 : i32
      %ne3A = arith.cmpi ne, %sign3A_341, %sign3A_348 : i32
      %rem3A = arith.remsi %scan3A_334, %jit3A : i32
      %ne3A_349 = arith.constant 0 : i32
      %ne3A_350 = arith.cmpi ne, %rem3A, %ne3A_349 : i32
      %and3A_351 = arith.andi %ne3A, %ne3A_350 : i1
      %sub3A = arith.constant 1 : i32
      %sub3A_352 = arith.subi %div3A, %sub3A : i32
      %select_n3A = arith.select %and3A_351, %sub3A_352, %div3A : i32
      %jit3A_353 = arith.constant 8 : i32
      %eq3A = arith.constant 0 : i32
      %eq3A_354 = arith.cmpi eq, %jit3A_353, %eq3A : i32
      %jit3A_355 = arith.constant 1 : i32
      %select_n3A_356 = arith.select %eq3A_354, %jit3A_355, %jit3A_353 : i32
      %rem3A_357 = arith.remsi %scan3A_334, %select_n3A_356 : i32
      %ne3A_358 = arith.constant 0 : i32
      %ne3A_359 = arith.cmpi ne, %rem3A_357, %ne3A_358 : i32
      %lt3A = arith.constant 0 : i32
      %lt3A_360 = arith.cmpi slt, %rem3A_357, %lt3A : i32
      %lt3A_361 = arith.constant 0 : i32
      %lt3A_362 = arith.cmpi slt, %select_n3A_356, %lt3A_361 : i32
      %ne3A_363 = arith.xori %lt3A_360, %lt3A_362 : i1
      %and3A_364 = arith.andi %ne3A_363, %ne3A_359 : i1
      %add3A_365 = arith.addi %rem3A_357, %select_n3A_356 : i32
      %select_n3A_366 = arith.select %and3A_364, %add3A_365, %rem3A_357 : i32
      %mul3A_367 = arith.constant 16 : i32
      %mul3A_368 = arith.muli %select_n3A_366, %mul3A_367 : i32
      %get3A = arith.index_cast %select_n3A : i32 to index
      %get3A_369 = arith.index_cast %mul3A_368 : i32 to index
      %get3A_370 = tpu.vector_load %arg13[%get3A, %get3A_369] {strides = array<i32>} : memref<8x128xf32, #tpu.memory_space<vmem>>, vector<16xf32>,
      %get3A_371 = arith.index_cast %select_n3A : i32 to index
      %get3A_372 = arith.index_cast %mul3A_368 : i32 to index
      %get3A_373 = tpu.vector_load %arg14[%get3A_371, %get3A_372] {strides = array<i32>} : memref<8x128xf32, #tpu.memory_space<vmem>>, vector<16xf32>,
      %add3A_374 = arith.addf %get3A_370, %get3A_373 : vector<16xf32>
      %swap3A_375 = arith.index_cast %select_n3A : i32 to index
      %swap3A_376 = arith.index_cast %mul3A_368 : i32 to index
      %swap3A_377 = tpu.vector_load %arg13[%swap3A_375, %swap3A_376] {strides = array<i32>} : memref<8x128xf32, #tpu.memory_space<vmem>>, vector<16xf32>,
      tpu.vector_store %arg13[%swap3A_375, %swap3A_376], %add3A_374 {strides = array<i32>} : memref<8x128xf32, #tpu.memory_space<vmem>>, vector<16xf32>,
      %scan3A_378 = arith.constant 0 : i32
      scf.yield %scan3A_378 : i32
    }
    %scan3A_291 = arith.constant 64 : i32
    %mul3A_292 = arith.constant 8 : i32
    %mul3A_293 = arith.muli %arg1, %mul3A_292 : i32
    %run_scoped3A_294 = arith.constant 12 : i32
    "tpu.region"() ({
      %run_scoped3A_334 = tpu.sem_alloc : memref<!tpu.dma_semaphore, #tpu.memory_space<semaphore_mem>>
      %dma_start3A = arith.constant 0 : i32
      %dma_start3A_335 = tpu.memref_slice %arg15[%run_scoped3A_294, %mul3A_293, %dma_start3A] : memref<16x128x128xf32, #tpu.memory_space<vmem_shared>> -> memref<1x8x128xf32, #tpu.memory_space<vmem_shared>>
      %dma_start3A_336 = tpu.memref_squeeze %dma_start3A_335 : memref<1x8x128xf32, #tpu.memory_space<vmem_shared>> -> memref<8x128xf32, #tpu.memory_space<vmem_shared>>
      %dma_start3A_337 = arith.constant 0 : i32
      %dma_start3A_338 = tpu.memref_slice %arg15[%run_scoped3A_294, %mul3A_293, %dma_start3A_337] : memref<16x128x128xf32, #tpu.memory_space<vmem_shared>> -> memref<1x8x128xf32, #tpu.memory_space<vmem_shared>>
      %dma_start3A_339 = tpu.memref_squeeze %dma_start3A_338 : memref<1x8x128xf32, #tpu.memory_space<vmem_shared>> -> memref<8x128xf32, #tpu.memory_space<vmem_shared>>
      tpu.enqueue_dma source(%dma_start3A_339 : memref<8x128xf32, #tpu.memory_space<vmem_shared>>) target(%arg14 : memref<8x128xf32, #tpu.memory_space<vmem>>) target_semaphore(%run_scoped3A_334 : memref<!tpu.dma_semaphore, #tpu.memory_space<semaphore_mem>>)
      %dma_wait3A = arith.constant 0 : i32
      %dma_wait3A_340 = tpu.memref_slice %arg15[%run_scoped3A_294, %mul3A_293, %dma_wait3A] : memref<16x128x128xf32, #tpu.memory_space<vmem_shared>> -> memref<1x8x128xf32, #tpu.memory_space<vmem_shared>>
      %dma_wait3A_341 = tpu.memref_squeeze %dma_wait3A_340 : memref<1x8x128xf32, #tpu.memory_space<vmem_shared>> -> memref<8x128xf32, #tpu.memory_space<vmem_shared>>
      %dma_wait3A_342 = arith.constant 0 : i32
      %dma_wait3A_343 = tpu.memref_slice %arg15[%run_scoped3A_294, %mul3A_293, %dma_wait3A_342] : memref<16x128x128xf32, #tpu.memory_space<vmem_shared>> -> memref<1x8x128xf32, #tpu.memory_space<vmem_shared>>
      %dma_wait3A_344 = tpu.memref_squeeze %dma_wait3A_343 : memref<1x8x128xf32, #tpu.memory_space<vmem_shared>> -> memref<8x128xf32, #tpu.memory_space<vmem_shared>>
      tpu.wait_dma2 semaphore(%run_scoped3A_334 : memref<!tpu.dma_semaphore, #tpu.memory_space<semaphore_mem>>) src(%dma_wait3A_344 : memref<8x128xf32, #tpu.memory_space<vmem_shared>>) dst(%arg14 : memref<8x128xf32, #tpu.memory_space<vmem>>)
      tpu.yield
    }) : () -> ()
    %scan3A_295 = arith.constant 0 : i32
    %scan3A_296 = arith.constant 0 : i32
    %scan3A_297 = arith.constant 64 : i32
    %scan3A_298 = arith.addi %scan3A_296, %scan3A_297 : i32
    %scan3A_299 = arith.constant 1 : i32
    %scan3A_300 = scf.for %scan3A_334 = %scan3A_296 to %scan3A_298 step %scan3A_299 iter_args(%scan3A_335 = %scan3A_295) -> (i32)  : i32 {
      %jit3A = arith.constant 8 : i32
      %div3A = arith.divsi %scan3A_334, %jit3A : i32
      %sign3A = arith.constant 0 : i32
      %sign3A_336 = arith.cmpi sgt, %scan3A_334, %sign3A : i32
      %sign3A_337 = arith.extui %sign3A_336 : i1 to i32
      %sign3A_338 = arith.constant 0 : i32
      %sign3A_339 = arith.cmpi slt, %scan3A_334, %sign3A_338 : i32
      %sign3A_340 = arith.extui %sign3A_339 : i1 to i32
      %sign3A_341 = arith.subi %sign3A_337, %sign3A_340 : i32
      %sign3A_342 = arith.constant 0 : i32
      %sign3A_343 = arith.cmpi sgt, %jit3A, %sign3A_342 : i32
      %sign3A_344 = arith.extui %sign3A_343 : i1 to i32
      %sign3A_345 = arith.constant 0 : i32
      %sign3A_346 = arith.cmpi slt, %jit3A, %sign3A_345 : i32
      %sign3A_347 = arith.extui %sign3A_346 : i1 to i32
      %sign3A_348 = arith.subi %sign3A_344, %sign3A_347 : i32
      %ne3A = arith.cmpi ne, %sign3A_341, %sign3A_348 : i32
      %rem3A = arith.remsi %scan3A_334, %jit3A : i32
      %ne3A_349 = arith.constant 0 : i32
      %ne3A_350 = arith.cmpi ne, %rem3A, %ne3A_349 : i32
      %and3A_351 = arith.andi %ne3A, %ne3A_350 : i1
      %sub3A = arith.constant 1 : i32
      %sub3A_352 = arith.subi %div3A, %sub3A : i32
      %select_n3A = arith.select %and3A_351, %sub3A_352, %div3A : i32
      %jit3A_353 = arith.constant 8 : i32
      %eq3A = arith.constant 0 : i32
      %eq3A_354 = arith.cmpi eq, %jit3A_353, %eq3A : i32
      %jit3A_355 = arith.constant 1 : i32
      %select_n3A_356 = arith.select %eq3A_354, %jit3A_355, %jit3A_353 : i32
      %rem3A_357 = arith.remsi %scan3A_334, %select_n3A_356 : i32
      %ne3A_358 = arith.constant 0 : i32
      %ne3A_359 = arith.cmpi ne, %rem3A_357, %ne3A_358 : i32
      %lt3A = arith.constant 0 : i32
      %lt3A_360 = arith.cmpi slt, %rem3A_357, %lt3A : i32
      %lt3A_361 = arith.constant 0 : i32
      %lt3A_362 = arith.cmpi slt, %select_n3A_356, %lt3A_361 : i32
      %ne3A_363 = arith.xori %lt3A_360, %lt3A_362 : i1
      %and3A_364 = arith.andi %ne3A_363, %ne3A_359 : i1
      %add3A_365 = arith.addi %rem3A_357, %select_n3A_356 : i32
      %select_n3A_366 = arith.select %and3A_364, %add3A_365, %rem3A_357 : i32
      %mul3A_367 = arith.constant 16 : i32
      %mul3A_368 = arith.muli %select_n3A_366, %mul3A_367 : i32
      %get3A = arith.index_cast %select_n3A : i32 to index
      %get3A_369 = arith.index_cast %mul3A_368 : i32 to index
      %get3A_370 = tpu.vector_load %arg13[%get3A, %get3A_369] {strides = array<i32>} : memref<8x128xf32, #tpu.memory_space<vmem>>, vector<16xf32>,
      %get3A_371 = arith.index_cast %select_n3A : i32 to index
      %get3A_372 = arith.index_cast %mul3A_368 : i32 to index
      %get3A_373 = tpu.vector_load %arg14[%get3A_371, %get3A_372] {strides = array<i32>} : memref<8x128xf32, #tpu.memory_space<vmem>>, vector<16xf32>,
      %add3A_374 = arith.addf %get3A_370, %get3A_373 : vector<16xf32>
      %swap3A_375 = arith.index_cast %select_n3A : i32 to index
      %swap3A_376 = arith.index_cast %mul3A_368 : i32 to index
      %swap3A_377 = tpu.vector_load %arg13[%swap3A_375, %swap3A_376] {strides = array<i32>} : memref<8x128xf32, #tpu.memory_space<vmem>>, vector<16xf32>,
      tpu.vector_store %arg13[%swap3A_375, %swap3A_376], %add3A_374 {strides = array<i32>} : memref<8x128xf32, #tpu.memory_space<vmem>>, vector<16xf32>,
      %scan3A_378 = arith.constant 0 : i32
      scf.yield %scan3A_378 : i32
    }
    %scan3A_301 = arith.constant 64 : i32
    %mul3A_302 = arith.constant 8 : i32
    %mul3A_303 = arith.muli %arg1, %mul3A_302 : i32
    %run_scoped3A_304 = arith.constant 13 : i32
    "tpu.region"() ({
      %run_scoped3A_334 = tpu.sem_alloc : memref<!tpu.dma_semaphore, #tpu.memory_space<semaphore_mem>>
      %dma_start3A = arith.constant 0 : i32
      %dma_start3A_335 = tpu.memref_slice %arg15[%run_scoped3A_304, %mul3A_303, %dma_start3A] : memref<16x128x128xf32, #tpu.memory_space<vmem_shared>> -> memref<1x8x128xf32, #tpu.memory_space<vmem_shared>>
      %dma_start3A_336 = tpu.memref_squeeze %dma_start3A_335 : memref<1x8x128xf32, #tpu.memory_space<vmem_shared>> -> memref<8x128xf32, #tpu.memory_space<vmem_shared>>
      %dma_start3A_337 = arith.constant 0 : i32
      %dma_start3A_338 = tpu.memref_slice %arg15[%run_scoped3A_304, %mul3A_303, %dma_start3A_337] : memref<16x128x128xf32, #tpu.memory_space<vmem_shared>> -> memref<1x8x128xf32, #tpu.memory_space<vmem_shared>>
      %dma_start3A_339 = tpu.memref_squeeze %dma_start3A_338 : memref<1x8x128xf32, #tpu.memory_space<vmem_shared>> -> memref<8x128xf32, #tpu.memory_space<vmem_shared>>
      tpu.enqueue_dma source(%dma_start3A_339 : memref<8x128xf32, #tpu.memory_space<vmem_shared>>) target(%arg14 : memref<8x128xf32, #tpu.memory_space<vmem>>) target_semaphore(%run_scoped3A_334 : memref<!tpu.dma_semaphore, #tpu.memory_space<semaphore_mem>>)
      %dma_wait3A = arith.constant 0 : i32
      %dma_wait3A_340 = tpu.memref_slice %arg15[%run_scoped3A_304, %mul3A_303, %dma_wait3A] : memref<16x128x128xf32, #tpu.memory_space<vmem_shared>> -> memref<1x8x128xf32, #tpu.memory_space<vmem_shared>>
      %dma_wait3A_341 = tpu.memref_squeeze %dma_wait3A_340 : memref<1x8x128xf32, #tpu.memory_space<vmem_shared>> -> memref<8x128xf32, #tpu.memory_space<vmem_shared>>
      %dma_wait3A_342 = arith.constant 0 : i32
      %dma_wait3A_343 = tpu.memref_slice %arg15[%run_scoped3A_304, %mul3A_303, %dma_wait3A_342] : memref<16x128x128xf32, #tpu.memory_space<vmem_shared>> -> memref<1x8x128xf32, #tpu.memory_space<vmem_shared>>
      %dma_wait3A_344 = tpu.memref_squeeze %dma_wait3A_343 : memref<1x8x128xf32, #tpu.memory_space<vmem_shared>> -> memref<8x128xf32, #tpu.memory_space<vmem_shared>>
      tpu.wait_dma2 semaphore(%run_scoped3A_334 : memref<!tpu.dma_semaphore, #tpu.memory_space<semaphore_mem>>) src(%dma_wait3A_344 : memref<8x128xf32, #tpu.memory_space<vmem_shared>>) dst(%arg14 : memref<8x128xf32, #tpu.memory_space<vmem>>)
      tpu.yield
    }) : () -> ()
    %scan3A_305 = arith.constant 0 : i32
    %scan3A_306 = arith.constant 0 : i32
    %scan3A_307 = arith.constant 64 : i32
    %scan3A_308 = arith.addi %scan3A_306, %scan3A_307 : i32
    %scan3A_309 = arith.constant 1 : i32
    %scan3A_310 = scf.for %scan3A_334 = %scan3A_306 to %scan3A_308 step %scan3A_309 iter_args(%scan3A_335 = %scan3A_305) -> (i32)  : i32 {
      %jit3A = arith.constant 8 : i32
      %div3A = arith.divsi %scan3A_334, %jit3A : i32
      %sign3A = arith.constant 0 : i32
      %sign3A_336 = arith.cmpi sgt, %scan3A_334, %sign3A : i32
      %sign3A_337 = arith.extui %sign3A_336 : i1 to i32
      %sign3A_338 = arith.constant 0 : i32
      %sign3A_339 = arith.cmpi slt, %scan3A_334, %sign3A_338 : i32
      %sign3A_340 = arith.extui %sign3A_339 : i1 to i32
      %sign3A_341 = arith.subi %sign3A_337, %sign3A_340 : i32
      %sign3A_342 = arith.constant 0 : i32
      %sign3A_343 = arith.cmpi sgt, %jit3A, %sign3A_342 : i32
      %sign3A_344 = arith.extui %sign3A_343 : i1 to i32
      %sign3A_345 = arith.constant 0 : i32
      %sign3A_346 = arith.cmpi slt, %jit3A, %sign3A_345 : i32
      %sign3A_347 = arith.extui %sign3A_346 : i1 to i32
      %sign3A_348 = arith.subi %sign3A_344, %sign3A_347 : i32
      %ne3A = arith.cmpi ne, %sign3A_341, %sign3A_348 : i32
      %rem3A = arith.remsi %scan3A_334, %jit3A : i32
      %ne3A_349 = arith.constant 0 : i32
      %ne3A_350 = arith.cmpi ne, %rem3A, %ne3A_349 : i32
      %and3A_351 = arith.andi %ne3A, %ne3A_350 : i1
      %sub3A = arith.constant 1 : i32
      %sub3A_352 = arith.subi %div3A, %sub3A : i32
      %select_n3A = arith.select %and3A_351, %sub3A_352, %div3A : i32
      %jit3A_353 = arith.constant 8 : i32
      %eq3A = arith.constant 0 : i32
      %eq3A_354 = arith.cmpi eq, %jit3A_353, %eq3A : i32
      %jit3A_355 = arith.constant 1 : i32
      %select_n3A_356 = arith.select %eq3A_354, %jit3A_355, %jit3A_353 : i32
      %rem3A_357 = arith.remsi %scan3A_334, %select_n3A_356 : i32
      %ne3A_358 = arith.constant 0 : i32
      %ne3A_359 = arith.cmpi ne, %rem3A_357, %ne3A_358 : i32
      %lt3A = arith.constant 0 : i32
      %lt3A_360 = arith.cmpi slt, %rem3A_357, %lt3A : i32
      %lt3A_361 = arith.constant 0 : i32
      %lt3A_362 = arith.cmpi slt, %select_n3A_356, %lt3A_361 : i32
      %ne3A_363 = arith.xori %lt3A_360, %lt3A_362 : i1
      %and3A_364 = arith.andi %ne3A_363, %ne3A_359 : i1
      %add3A_365 = arith.addi %rem3A_357, %select_n3A_356 : i32
      %select_n3A_366 = arith.select %and3A_364, %add3A_365, %rem3A_357 : i32
      %mul3A_367 = arith.constant 16 : i32
      %mul3A_368 = arith.muli %select_n3A_366, %mul3A_367 : i32
      %get3A = arith.index_cast %select_n3A : i32 to index
      %get3A_369 = arith.index_cast %mul3A_368 : i32 to index
      %get3A_370 = tpu.vector_load %arg13[%get3A, %get3A_369] {strides = array<i32>} : memref<8x128xf32, #tpu.memory_space<vmem>>, vector<16xf32>,
      %get3A_371 = arith.index_cast %select_n3A : i32 to index
      %get3A_372 = arith.index_cast %mul3A_368 : i32 to index
      %get3A_373 = tpu.vector_load %arg14[%get3A_371, %get3A_372] {strides = array<i32>} : memref<8x128xf32, #tpu.memory_space<vmem>>, vector<16xf32>,
      %add3A_374 = arith.addf %get3A_370, %get3A_373 : vector<16xf32>
      %swap3A_375 = arith.index_cast %select_n3A : i32 to index
      %swap3A_376 = arith.index_cast %mul3A_368 : i32 to index
      %swap3A_377 = tpu.vector_load %arg13[%swap3A_375, %swap3A_376] {strides = array<i32>} : memref<8x128xf32, #tpu.memory_space<vmem>>, vector<16xf32>,
      tpu.vector_store %arg13[%swap3A_375, %swap3A_376], %add3A_374 {strides = array<i32>} : memref<8x128xf32, #tpu.memory_space<vmem>>, vector<16xf32>,
      %scan3A_378 = arith.constant 0 : i32
      scf.yield %scan3A_378 : i32
    }
    %scan3A_311 = arith.constant 64 : i32
    %mul3A_312 = arith.constant 8 : i32
    %mul3A_313 = arith.muli %arg1, %mul3A_312 : i32
    %run_scoped3A_314 = arith.constant 14 : i32
    "tpu.region"() ({
      %run_scoped3A_334 = tpu.sem_alloc : memref<!tpu.dma_semaphore, #tpu.memory_space<semaphore_mem>>
      %dma_start3A = arith.constant 0 : i32
      %dma_start3A_335 = tpu.memref_slice %arg15[%run_scoped3A_314, %mul3A_313, %dma_start3A] : memref<16x128x128xf32, #tpu.memory_space<vmem_shared>> -> memref<1x8x128xf32, #tpu.memory_space<vmem_shared>>
      %dma_start3A_336 = tpu.memref_squeeze %dma_start3A_335 : memref<1x8x128xf32, #tpu.memory_space<vmem_shared>> -> memref<8x128xf32, #tpu.memory_space<vmem_shared>>
      %dma_start3A_337 = arith.constant 0 : i32
      %dma_start3A_338 = tpu.memref_slice %arg15[%run_scoped3A_314, %mul3A_313, %dma_start3A_337] : memref<16x128x128xf32, #tpu.memory_space<vmem_shared>> -> memref<1x8x128xf32, #tpu.memory_space<vmem_shared>>
      %dma_start3A_339 = tpu.memref_squeeze %dma_start3A_338 : memref<1x8x128xf32, #tpu.memory_space<vmem_shared>> -> memref<8x128xf32, #tpu.memory_space<vmem_shared>>
      tpu.enqueue_dma source(%dma_start3A_339 : memref<8x128xf32, #tpu.memory_space<vmem_shared>>) target(%arg14 : memref<8x128xf32, #tpu.memory_space<vmem>>) target_semaphore(%run_scoped3A_334 : memref<!tpu.dma_semaphore, #tpu.memory_space<semaphore_mem>>)
      %dma_wait3A = arith.constant 0 : i32
      %dma_wait3A_340 = tpu.memref_slice %arg15[%run_scoped3A_314, %mul3A_313, %dma_wait3A] : memref<16x128x128xf32, #tpu.memory_space<vmem_shared>> -> memref<1x8x128xf32, #tpu.memory_space<vmem_shared>>
      %dma_wait3A_341 = tpu.memref_squeeze %dma_wait3A_340 : memref<1x8x128xf32, #tpu.memory_space<vmem_shared>> -> memref<8x128xf32, #tpu.memory_space<vmem_shared>>
      %dma_wait3A_342 = arith.constant 0 : i32
      %dma_wait3A_343 = tpu.memref_slice %arg15[%run_scoped3A_314, %mul3A_313, %dma_wait3A_342] : memref<16x128x128xf32, #tpu.memory_space<vmem_shared>> -> memref<1x8x128xf32, #tpu.memory_space<vmem_shared>>
      %dma_wait3A_344 = tpu.memref_squeeze %dma_wait3A_343 : memref<1x8x128xf32, #tpu.memory_space<vmem_shared>> -> memref<8x128xf32, #tpu.memory_space<vmem_shared>>
      tpu.wait_dma2 semaphore(%run_scoped3A_334 : memref<!tpu.dma_semaphore, #tpu.memory_space<semaphore_mem>>) src(%dma_wait3A_344 : memref<8x128xf32, #tpu.memory_space<vmem_shared>>) dst(%arg14 : memref<8x128xf32, #tpu.memory_space<vmem>>)
      tpu.yield
    }) : () -> ()
    %scan3A_315 = arith.constant 0 : i32
    %scan3A_316 = arith.constant 0 : i32
    %scan3A_317 = arith.constant 64 : i32
    %scan3A_318 = arith.addi %scan3A_316, %scan3A_317 : i32
    %scan3A_319 = arith.constant 1 : i32
    %scan3A_320 = scf.for %scan3A_334 = %scan3A_316 to %scan3A_318 step %scan3A_319 iter_args(%scan3A_335 = %scan3A_315) -> (i32)  : i32 {
      %jit3A = arith.constant 8 : i32
      %div3A = arith.divsi %scan3A_334, %jit3A : i32
      %sign3A = arith.constant 0 : i32
      %sign3A_336 = arith.cmpi sgt, %scan3A_334, %sign3A : i32
      %sign3A_337 = arith.extui %sign3A_336 : i1 to i32
      %sign3A_338 = arith.constant 0 : i32
      %sign3A_339 = arith.cmpi slt, %scan3A_334, %sign3A_338 : i32
      %sign3A_340 = arith.extui %sign3A_339 : i1 to i32
      %sign3A_341 = arith.subi %sign3A_337, %sign3A_340 : i32
      %sign3A_342 = arith.constant 0 : i32
      %sign3A_343 = arith.cmpi sgt, %jit3A, %sign3A_342 : i32
      %sign3A_344 = arith.extui %sign3A_343 : i1 to i32
      %sign3A_345 = arith.constant 0 : i32
      %sign3A_346 = arith.cmpi slt, %jit3A, %sign3A_345 : i32
      %sign3A_347 = arith.extui %sign3A_346 : i1 to i32
      %sign3A_348 = arith.subi %sign3A_344, %sign3A_347 : i32
      %ne3A = arith.cmpi ne, %sign3A_341, %sign3A_348 : i32
      %rem3A = arith.remsi %scan3A_334, %jit3A : i32
      %ne3A_349 = arith.constant 0 : i32
      %ne3A_350 = arith.cmpi ne, %rem3A, %ne3A_349 : i32
      %and3A_351 = arith.andi %ne3A, %ne3A_350 : i1
      %sub3A = arith.constant 1 : i32
      %sub3A_352 = arith.subi %div3A, %sub3A : i32
      %select_n3A = arith.select %and3A_351, %sub3A_352, %div3A : i32
      %jit3A_353 = arith.constant 8 : i32
      %eq3A = arith.constant 0 : i32
      %eq3A_354 = arith.cmpi eq, %jit3A_353, %eq3A : i32
      %jit3A_355 = arith.constant 1 : i32
      %select_n3A_356 = arith.select %eq3A_354, %jit3A_355, %jit3A_353 : i32
      %rem3A_357 = arith.remsi %scan3A_334, %select_n3A_356 : i32
      %ne3A_358 = arith.constant 0 : i32
      %ne3A_359 = arith.cmpi ne, %rem3A_357, %ne3A_358 : i32
      %lt3A = arith.constant 0 : i32
      %lt3A_360 = arith.cmpi slt, %rem3A_357, %lt3A : i32
      %lt3A_361 = arith.constant 0 : i32
      %lt3A_362 = arith.cmpi slt, %select_n3A_356, %lt3A_361 : i32
      %ne3A_363 = arith.xori %lt3A_360, %lt3A_362 : i1
      %and3A_364 = arith.andi %ne3A_363, %ne3A_359 : i1
      %add3A_365 = arith.addi %rem3A_357, %select_n3A_356 : i32
      %select_n3A_366 = arith.select %and3A_364, %add3A_365, %rem3A_357 : i32
      %mul3A_367 = arith.constant 16 : i32
      %mul3A_368 = arith.muli %select_n3A_366, %mul3A_367 : i32
      %get3A = arith.index_cast %select_n3A : i32 to index
      %get3A_369 = arith.index_cast %mul3A_368 : i32 to index
      %get3A_370 = tpu.vector_load %arg13[%get3A, %get3A_369] {strides = array<i32>} : memref<8x128xf32, #tpu.memory_space<vmem>>, vector<16xf32>,
      %get3A_371 = arith.index_cast %select_n3A : i32 to index
      %get3A_372 = arith.index_cast %mul3A_368 : i32 to index
      %get3A_373 = tpu.vector_load %arg14[%get3A_371, %get3A_372] {strides = array<i32>} : memref<8x128xf32, #tpu.memory_space<vmem>>, vector<16xf32>,
      %add3A_374 = arith.addf %get3A_370, %get3A_373 : vector<16xf32>
      %swap3A_375 = arith.index_cast %select_n3A : i32 to index
      %swap3A_376 = arith.index_cast %mul3A_368 : i32 to index
      %swap3A_377 = tpu.vector_load %arg13[%swap3A_375, %swap3A_376] {strides = array<i32>} : memref<8x128xf32, #tpu.memory_space<vmem>>, vector<16xf32>,
      tpu.vector_store %arg13[%swap3A_375, %swap3A_376], %add3A_374 {strides = array<i32>} : memref<8x128xf32, #tpu.memory_space<vmem>>, vector<16xf32>,
      %scan3A_378 = arith.constant 0 : i32
      scf.yield %scan3A_378 : i32
    }
    %scan3A_321 = arith.constant 64 : i32
    %mul3A_322 = arith.constant 8 : i32
    %mul3A_323 = arith.muli %arg1, %mul3A_322 : i32
    %run_scoped3A_324 = arith.constant 15 : i32
    "tpu.region"() ({
      %run_scoped3A_334 = tpu.sem_alloc : memref<!tpu.dma_semaphore, #tpu.memory_space<semaphore_mem>>
      %dma_start3A = arith.constant 0 : i32
      %dma_start3A_335 = tpu.memref_slice %arg15[%run_scoped3A_324, %mul3A_323, %dma_start3A] : memref<16x128x128xf32, #tpu.memory_space<vmem_shared>> -> memref<1x8x128xf32, #tpu.memory_space<vmem_shared>>
      %dma_start3A_336 = tpu.memref_squeeze %dma_start3A_335 : memref<1x8x128xf32, #tpu.memory_space<vmem_shared>> -> memref<8x128xf32, #tpu.memory_space<vmem_shared>>
      %dma_start3A_337 = arith.constant 0 : i32
      %dma_start3A_338 = tpu.memref_slice %arg15[%run_scoped3A_324, %mul3A_323, %dma_start3A_337] : memref<16x128x128xf32, #tpu.memory_space<vmem_shared>> -> memref<1x8x128xf32, #tpu.memory_space<vmem_shared>>
      %dma_start3A_339 = tpu.memref_squeeze %dma_start3A_338 : memref<1x8x128xf32, #tpu.memory_space<vmem_shared>> -> memref<8x128xf32, #tpu.memory_space<vmem_shared>>
      tpu.enqueue_dma source(%dma_start3A_339 : memref<8x128xf32, #tpu.memory_space<vmem_shared>>) target(%arg14 : memref<8x128xf32, #tpu.memory_space<vmem>>) target_semaphore(%run_scoped3A_334 : memref<!tpu.dma_semaphore, #tpu.memory_space<semaphore_mem>>)
      %dma_wait3A = arith.constant 0 : i32
      %dma_wait3A_340 = tpu.memref_slice %arg15[%run_scoped3A_324, %mul3A_323, %dma_wait3A] : memref<16x128x128xf32, #tpu.memory_space<vmem_shared>> -> memref<1x8x128xf32, #tpu.memory_space<vmem_shared>>
      %dma_wait3A_341 = tpu.memref_squeeze %dma_wait3A_340 : memref<1x8x128xf32, #tpu.memory_space<vmem_shared>> -> memref<8x128xf32, #tpu.memory_space<vmem_shared>>
      %dma_wait3A_342 = arith.constant 0 : i32
      %dma_wait3A_343 = tpu.memref_slice %arg15[%run_scoped3A_324, %mul3A_323, %dma_wait3A_342] : memref<16x128x128xf32, #tpu.memory_space<vmem_shared>> -> memref<1x8x128xf32, #tpu.memory_space<vmem_shared>>
      %dma_wait3A_344 = tpu.memref_squeeze %dma_wait3A_343 : memref<1x8x128xf32, #tpu.memory_space<vmem_shared>> -> memref<8x128xf32, #tpu.memory_space<vmem_shared>>
      tpu.wait_dma2 semaphore(%run_scoped3A_334 : memref<!tpu.dma_semaphore, #tpu.memory_space<semaphore_mem>>) src(%dma_wait3A_344 : memref<8x128xf32, #tpu.memory_space<vmem_shared>>) dst(%arg14 : memref<8x128xf32, #tpu.memory_space<vmem>>)
      tpu.yield
    }) : () -> ()
    %scan3A_325 = arith.constant 0 : i32
    %scan3A_326 = arith.constant 0 : i32
    %scan3A_327 = arith.constant 64 : i32
    %scan3A_328 = arith.addi %scan3A_326, %scan3A_327 : i32
    %scan3A_329 = arith.constant 1 : i32
    %scan3A_330 = scf.for %scan3A_334 = %scan3A_326 to %scan3A_328 step %scan3A_329 iter_args(%scan3A_335 = %scan3A_325) -> (i32)  : i32 {
      %jit3A = arith.constant 8 : i32
      %div3A = arith.divsi %scan3A_334, %jit3A : i32
      %sign3A = arith.constant 0 : i32
      %sign3A_336 = arith.cmpi sgt, %scan3A_334, %sign3A : i32
      %sign3A_337 = arith.extui %sign3A_336 : i1 to i32
      %sign3A_338 = arith.constant 0 : i32
      %sign3A_339 = arith.cmpi slt, %scan3A_334, %sign3A_338 : i32
      %sign3A_340 = arith.extui %sign3A_339 : i1 to i32
      %sign3A_341 = arith.subi %sign3A_337, %sign3A_340 : i32
      %sign3A_342 = arith.constant 0 : i32
      %sign3A_343 = arith.cmpi sgt, %jit3A, %sign3A_342 : i32
      %sign3A_344 = arith.extui %sign3A_343 : i1 to i32
      %sign3A_345 = arith.constant 0 : i32
      %sign3A_346 = arith.cmpi slt, %jit3A, %sign3A_345 : i32
      %sign3A_347 = arith.extui %sign3A_346 : i1 to i32
      %sign3A_348 = arith.subi %sign3A_344, %sign3A_347 : i32
      %ne3A = arith.cmpi ne, %sign3A_341, %sign3A_348 : i32
      %rem3A = arith.remsi %scan3A_334, %jit3A : i32
      %ne3A_349 = arith.constant 0 : i32
      %ne3A_350 = arith.cmpi ne, %rem3A, %ne3A_349 : i32
      %and3A_351 = arith.andi %ne3A, %ne3A_350 : i1
      %sub3A = arith.constant 1 : i32
      %sub3A_352 = arith.subi %div3A, %sub3A : i32
      %select_n3A = arith.select %and3A_351, %sub3A_352, %div3A : i32
      %jit3A_353 = arith.constant 8 : i32
      %eq3A = arith.constant 0 : i32
      %eq3A_354 = arith.cmpi eq, %jit3A_353, %eq3A : i32
      %jit3A_355 = arith.constant 1 : i32
      %select_n3A_356 = arith.select %eq3A_354, %jit3A_355, %jit3A_353 : i32
      %rem3A_357 = arith.remsi %scan3A_334, %select_n3A_356 : i32
      %ne3A_358 = arith.constant 0 : i32
      %ne3A_359 = arith.cmpi ne, %rem3A_357, %ne3A_358 : i32
      %lt3A = arith.constant 0 : i32
      %lt3A_360 = arith.cmpi slt, %rem3A_357, %lt3A : i32
      %lt3A_361 = arith.constant 0 : i32
      %lt3A_362 = arith.cmpi slt, %select_n3A_356, %lt3A_361 : i32
      %ne3A_363 = arith.xori %lt3A_360, %lt3A_362 : i1
      %and3A_364 = arith.andi %ne3A_363, %ne3A_359 : i1
      %add3A_365 = arith.addi %rem3A_357, %select_n3A_356 : i32
      %select_n3A_366 = arith.select %and3A_364, %add3A_365, %rem3A_357 : i32
      %mul3A_367 = arith.constant 16 : i32
      %mul3A_368 = arith.muli %select_n3A_366, %mul3A_367 : i32
      %get3A = arith.index_cast %select_n3A : i32 to index
      %get3A_369 = arith.index_cast %mul3A_368 : i32 to index
      %get3A_370 = tpu.vector_load %arg13[%get3A, %get3A_369] {strides = array<i32>} : memref<8x128xf32, #tpu.memory_space<vmem>>, vector<16xf32>,
      %get3A_371 = arith.index_cast %select_n3A : i32 to index
      %get3A_372 = arith.index_cast %mul3A_368 : i32 to index
      %get3A_373 = tpu.vector_load %arg14[%get3A_371, %get3A_372] {strides = array<i32>} : memref<8x128xf32, #tpu.memory_space<vmem>>, vector<16xf32>,
      %add3A_374 = arith.addf %get3A_370, %get3A_373 : vector<16xf32>
      %swap3A_375 = arith.index_cast %select_n3A : i32 to index
      %swap3A_376 = arith.index_cast %mul3A_368 : i32 to index
      %swap3A_377 = tpu.vector_load %arg13[%swap3A_375, %swap3A_376] {strides = array<i32>} : memref<8x128xf32, #tpu.memory_space<vmem>>, vector<16xf32>,
      tpu.vector_store %arg13[%swap3A_375, %swap3A_376], %add3A_374 {strides = array<i32>} : memref<8x128xf32, #tpu.memory_space<vmem>>, vector<16xf32>,
      %scan3A_378 = arith.constant 0 : i32
      scf.yield %scan3A_378 : i32
    }
    %scan3A_331 = arith.constant 64 : i32
    %mul3A_332 = arith.constant 8 : i32
    %mul3A_333 = arith.muli %arg1, %mul3A_332 : i32
    "tpu.region"() ({
      %run_scoped3A_334 = tpu.sem_alloc : memref<!tpu.dma_semaphore, #tpu.memory_space<semaphore_mem>>
      %dma_start3A = arith.constant 0 : i32
      %dma_start3A_335 = tpu.memref_slice %arg3[%arg0, %mul3A_333, %dma_start3A] : memref<2x128x128xf32, #tpu.memory_space<hbm>> -> memref<1x8x128xf32, #tpu.memory_space<hbm>>
      %dma_start3A_336 = tpu.memref_squeeze %dma_start3A_335 : memref<1x8x128xf32, #tpu.memory_space<hbm>> -> memref<8x128xf32, #tpu.memory_space<hbm>>
      %dma_start3A_337 = arith.constant 0 : i32
      %dma_start3A_338 = tpu.memref_slice %arg3[%arg0, %mul3A_333, %dma_start3A_337] : memref<2x128x128xf32, #tpu.memory_space<hbm>> -> memref<1x8x128xf32, #tpu.memory_space<hbm>>
      %dma_start3A_339 = tpu.memref_squeeze %dma_start3A_338 : memref<1x8x128xf32, #tpu.memory_space<hbm>> -> memref<8x128xf32, #tpu.memory_space<hbm>>
      tpu.enqueue_dma source(%arg13 : memref<8x128xf32, #tpu.memory_space<vmem>>) target(%dma_start3A_339 : memref<8x128xf32, #tpu.memory_space<hbm>>) target_semaphore(%run_scoped3A_334 : memref<!tpu.dma_semaphore, #tpu.memory_space<semaphore_mem>>)
      %dma_wait3A = arith.constant 0 : i32
      %dma_wait3A_340 = tpu.memref_slice %arg3[%arg0, %mul3A_333, %dma_wait3A] : memref<2x128x128xf32, #tpu.memory_space<hbm>> -> memref<1x8x128xf32, #tpu.memory_space<hbm>>
      %dma_wait3A_341 = tpu.memref_squeeze %dma_wait3A_340 : memref<1x8x128xf32, #tpu.memory_space<hbm>> -> memref<8x128xf32, #tpu.memory_space<hbm>>
      %dma_wait3A_342 = arith.constant 0 : i32
      %dma_wait3A_343 = tpu.memref_slice %arg3[%arg0, %mul3A_333, %dma_wait3A_342] : memref<2x128x128xf32, #tpu.memory_space<hbm>> -> memref<1x8x128xf32, #tpu.memory_space<hbm>>
      %dma_wait3A_344 = tpu.memref_squeeze %dma_wait3A_343 : memref<1x8x128xf32, #tpu.memory_space<hbm>> -> memref<8x128xf32, #tpu.memory_space<hbm>>
      tpu.wait_dma2 semaphore(%run_scoped3A_334 : memref<!tpu.dma_semaphore, #tpu.memory_space<semaphore_mem>>) src(%arg13 : memref<8x128xf32, #tpu.memory_space<vmem>>) dst(%dma_wait3A_344 : memref<8x128xf32, #tpu.memory_space<hbm>>)
      tpu.yield
    }) : () -> ()
    return
  }
}

#map = affine_map<(d0, d1) -> (0, 0)>
#map1 = affine_map<(d0, d1) -> (0, 0, 0)>
#map2 = affine_map<(d0, d1) -> (0)>
module attributes {stable_mosaic.version = 14 : i64} {
  func.func @_agg_kernel(%arg0: i32, %arg1: i32, %arg2: memref<10000x128xf32, #tpu.memory_space<hbm>>, %arg3: memref<32x158x128xi32, #tpu.memory_space<hbm>>, %arg4: memref<32x158x128xi32, #tpu.memory_space<hbm>>, %arg5: memref<512xi32, #tpu.memory_space<hbm>>, %arg6: memref<10000x128xf32, #tpu.memory_space<hbm>>, %arg7: memref<158x128xi32, #tpu.memory_space<vmem>>, %arg8: memref<158x128xi32, #tpu.memory_space<vmem>>, %arg9: memref<3x128x128xf32, #tpu.memory_space<vmem>>, %arg10: memref<16xi32, #tpu.memory_space<vmem>>, %arg11: memref<5008x128xf32, #tpu.memory_space<vmem_shared>>, %arg12: memref<!tpu.dma_semaphore, #tpu.memory_space<semaphore_mem>>, %arg13: memref<!tpu.dma_semaphore, #tpu.memory_space<semaphore_mem>>) attributes {dimension_semantics = [#tpu.dimension_semantics<core_parallel>, #tpu.dimension_semantics<subcore_parallel>], iteration_bounds = array<i64: 2, 16>, scalar_prefetch = 0 : i64, scratch_operands = 7 : i64, tpu.core_type = #tpu.core_type<sc_vector_subcore>, window_params = [{transform_indices = #map}, {transform_indices = #map1}, {transform_indices = #map1}, {transform_indices = #map2}, {transform_indices = #map}]} {
    %broadcast_in_dim3A = arith.constant 0.000000e+00 : f32
    %broadcast_in_dim3A_0 = vector.broadcast %broadcast_in_dim3A : f32 to vector<16xf32>
    %scan3A = arith.constant 0 : i32
    %scan3A_1 = arith.constant 0 : i32
    %scan3A_2 = arith.constant 1024 : i32
    %scan3A_3 = arith.addi %scan3A_1, %scan3A_2 : i32
    %scan3A_4 = arith.constant 1 : i32
    %scan3A_5 = scf.for %scan3A_94 = %scan3A_1 to %scan3A_3 step %scan3A_4 iter_args(%scan3A_95 = %scan3A) -> (i32)  : i32 {
      %jit3A_96 = arith.constant 8 : i32
      %div3A_97 = arith.divsi %scan3A_94, %jit3A_96 : i32
      %sign3A_98 = arith.constant 0 : i32
      %sign3A_99 = arith.cmpi sgt, %scan3A_94, %sign3A_98 : i32
      %sign3A_100 = arith.extui %sign3A_99 : i1 to i32
      %sign3A_101 = arith.constant 0 : i32
      %sign3A_102 = arith.cmpi slt, %scan3A_94, %sign3A_101 : i32
      %sign3A_103 = arith.extui %sign3A_102 : i1 to i32
      %sign3A_104 = arith.subi %sign3A_100, %sign3A_103 : i32
      %sign3A_105 = arith.constant 0 : i32
      %sign3A_106 = arith.cmpi sgt, %jit3A_96, %sign3A_105 : i32
      %sign3A_107 = arith.extui %sign3A_106 : i1 to i32
      %sign3A_108 = arith.constant 0 : i32
      %sign3A_109 = arith.cmpi slt, %jit3A_96, %sign3A_108 : i32
      %sign3A_110 = arith.extui %sign3A_109 : i1 to i32
      %sign3A_111 = arith.subi %sign3A_107, %sign3A_110 : i32
      %ne3A_112 = arith.cmpi ne, %sign3A_104, %sign3A_111 : i32
      %rem3A_113 = arith.remsi %scan3A_94, %jit3A_96 : i32
      %ne3A_114 = arith.constant 0 : i32
      %ne3A_115 = arith.cmpi ne, %rem3A_113, %ne3A_114 : i32
      %and3A_116 = arith.andi %ne3A_112, %ne3A_115 : i1
      %sub3A_117 = arith.constant 1 : i32
      %sub3A_118 = arith.subi %div3A_97, %sub3A_117 : i32
      %select_n3A_119 = arith.select %and3A_116, %sub3A_118, %div3A_97 : i32
      %jit3A_120 = arith.constant 8 : i32
      %eq3A_121 = arith.constant 0 : i32
      %eq3A_122 = arith.cmpi eq, %jit3A_120, %eq3A_121 : i32
      %jit3A_123 = arith.constant 1 : i32
      %select_n3A_124 = arith.select %eq3A_122, %jit3A_123, %jit3A_120 : i32
      %rem3A_125 = arith.remsi %scan3A_94, %select_n3A_124 : i32
      %ne3A_126 = arith.constant 0 : i32
      %ne3A_127 = arith.cmpi ne, %rem3A_125, %ne3A_126 : i32
      %lt3A = arith.constant 0 : i32
      %lt3A_128 = arith.cmpi slt, %rem3A_125, %lt3A : i32
      %lt3A_129 = arith.constant 0 : i32
      %lt3A_130 = arith.cmpi slt, %select_n3A_124, %lt3A_129 : i32
      %ne3A_131 = arith.xori %lt3A_128, %lt3A_130 : i1
      %and3A_132 = arith.andi %ne3A_131, %ne3A_127 : i1
      %add3A_133 = arith.addi %rem3A_125, %select_n3A_124 : i32
      %select_n3A_134 = arith.select %and3A_132, %add3A_133, %rem3A_125 : i32
      %mul3A_135 = arith.constant 16 : i32
      %mul3A_136 = arith.muli %select_n3A_134, %mul3A_135 : i32
      %swap3A = arith.constant 0 : i32
      %swap3A_137 = arith.index_cast %swap3A : i32 to index
      %swap3A_138 = arith.index_cast %select_n3A_119 : i32 to index
      %swap3A_139 = arith.index_cast %mul3A_136 : i32 to index
      %swap3A_140 = tpu.vector_load %arg9[%swap3A_137, %swap3A_138, %swap3A_139] {strides = array<i32>} : memref<3x128x128xf32, #tpu.memory_space<vmem>>, vector<16xf32>,
      tpu.vector_store %arg9[%swap3A_137, %swap3A_138, %swap3A_139], %broadcast_in_dim3A_0 {strides = array<i32>} : memref<3x128x128xf32, #tpu.memory_space<vmem>>, vector<16xf32>,
      %scan3A_141 = arith.constant 0 : i32
      scf.yield %scan3A_141 : i32
    }
    %scan3A_6 = arith.constant 1024 : i32
    %mul3A = arith.constant 312 : i32
    %mul3A_7 = arith.muli %arg1, %mul3A : i32
    %run_scoped3A = arith.constant 0 : i32
    "tpu.region"() ({
      %run_scoped3A_94 = tpu.sem_alloc : memref<!tpu.dma_semaphore, #tpu.memory_space<semaphore_mem>>
      %dma_start3A = arith.constant 0 : i32
      %dma_start3A_95 = arith.constant 0 : i32
      %dma_start3A_96 = tpu.memref_slice %arg9[%run_scoped3A, %dma_start3A, %dma_start3A_95] : memref<3x128x128xf32, #tpu.memory_space<vmem>> -> memref<1x128x128xf32, #tpu.memory_space<vmem>>
      %dma_start3A_97 = tpu.memref_squeeze %dma_start3A_96 : memref<1x128x128xf32, #tpu.memory_space<vmem>> -> memref<128x128xf32, #tpu.memory_space<vmem>>
      %dma_start3A_98 = arith.constant 0 : i32
      %dma_start3A_99 = tpu.memref_slice %arg11[%mul3A_7, %dma_start3A_98] : memref<5008x128xf32, #tpu.memory_space<vmem_shared>> -> memref<128x128xf32, #tpu.memory_space<vmem_shared>>
      %dma_start3A_100 = arith.constant 0 : i32
      %dma_start3A_101 = tpu.memref_slice %arg11[%mul3A_7, %dma_start3A_100] : memref<5008x128xf32, #tpu.memory_space<vmem_shared>> -> memref<128x128xf32, #tpu.memory_space<vmem_shared>>
      %dma_start3A_102 = arith.constant 0 : i32
      %dma_start3A_103 = arith.constant 0 : i32
      %dma_start3A_104 = tpu.memref_slice %arg9[%run_scoped3A, %dma_start3A_102, %dma_start3A_103] : memref<3x128x128xf32, #tpu.memory_space<vmem>> -> memref<1x128x128xf32, #tpu.memory_space<vmem>>
      %dma_start3A_105 = tpu.memref_squeeze %dma_start3A_104 : memref<1x128x128xf32, #tpu.memory_space<vmem>> -> memref<128x128xf32, #tpu.memory_space<vmem>>
      tpu.enqueue_dma source(%dma_start3A_105 : memref<128x128xf32, #tpu.memory_space<vmem>>) target(%dma_start3A_101 : memref<128x128xf32, #tpu.memory_space<vmem_shared>>) target_semaphore(%run_scoped3A_94 : memref<!tpu.dma_semaphore, #tpu.memory_space<semaphore_mem>>)
      %dma_wait3A = arith.constant 0 : i32
      %dma_wait3A_106 = arith.constant 0 : i32
      %dma_wait3A_107 = tpu.memref_slice %arg9[%run_scoped3A, %dma_wait3A, %dma_wait3A_106] : memref<3x128x128xf32, #tpu.memory_space<vmem>> -> memref<1x128x128xf32, #tpu.memory_space<vmem>>
      %dma_wait3A_108 = tpu.memref_squeeze %dma_wait3A_107 : memref<1x128x128xf32, #tpu.memory_space<vmem>> -> memref<128x128xf32, #tpu.memory_space<vmem>>
      %dma_wait3A_109 = arith.constant 0 : i32
      %dma_wait3A_110 = tpu.memref_slice %arg11[%mul3A_7, %dma_wait3A_109] : memref<5008x128xf32, #tpu.memory_space<vmem_shared>> -> memref<128x128xf32, #tpu.memory_space<vmem_shared>>
      %dma_wait3A_111 = arith.constant 0 : i32
      %dma_wait3A_112 = tpu.memref_slice %arg11[%mul3A_7, %dma_wait3A_111] : memref<5008x128xf32, #tpu.memory_space<vmem_shared>> -> memref<128x128xf32, #tpu.memory_space<vmem_shared>>
      %dma_wait3A_113 = arith.constant 0 : i32
      %dma_wait3A_114 = arith.constant 0 : i32
      %dma_wait3A_115 = tpu.memref_slice %arg9[%run_scoped3A, %dma_wait3A_113, %dma_wait3A_114] : memref<3x128x128xf32, #tpu.memory_space<vmem>> -> memref<1x128x128xf32, #tpu.memory_space<vmem>>
      %dma_wait3A_116 = tpu.memref_squeeze %dma_wait3A_115 : memref<1x128x128xf32, #tpu.memory_space<vmem>> -> memref<128x128xf32, #tpu.memory_space<vmem>>
      tpu.wait_dma2 semaphore(%run_scoped3A_94 : memref<!tpu.dma_semaphore, #tpu.memory_space<semaphore_mem>>) src(%dma_wait3A_116 : memref<128x128xf32, #tpu.memory_space<vmem>>) dst(%dma_wait3A_112 : memref<128x128xf32, #tpu.memory_space<vmem_shared>>)
      tpu.yield
    }) : () -> ()
    %mul3A_8 = arith.constant 312 : i32
    %mul3A_9 = arith.muli %arg1, %mul3A_8 : i32
    %add3A = arith.constant 128 : i32
    %add3A_10 = arith.addi %mul3A_9, %add3A : i32
    %run_scoped3A_11 = arith.constant 0 : i32
    "tpu.region"() ({
      %run_scoped3A_94 = tpu.sem_alloc : memref<!tpu.dma_semaphore, #tpu.memory_space<semaphore_mem>>
      %dma_start3A = arith.constant 0 : i32
      %dma_start3A_95 = arith.constant 0 : i32
      %dma_start3A_96 = tpu.memref_slice %arg9[%run_scoped3A_11, %dma_start3A, %dma_start3A_95] : memref<3x128x128xf32, #tpu.memory_space<vmem>> -> memref<1x128x128xf32, #tpu.memory_space<vmem>>
      %dma_start3A_97 = tpu.memref_squeeze %dma_start3A_96 : memref<1x128x128xf32, #tpu.memory_space<vmem>> -> memref<128x128xf32, #tpu.memory_space<vmem>>
      %dma_start3A_98 = arith.constant 0 : i32
      %dma_start3A_99 = tpu.memref_slice %arg11[%add3A_10, %dma_start3A_98] : memref<5008x128xf32, #tpu.memory_space<vmem_shared>> -> memref<128x128xf32, #tpu.memory_space<vmem_shared>>
      %dma_start3A_100 = arith.constant 0 : i32
      %dma_start3A_101 = tpu.memref_slice %arg11[%add3A_10, %dma_start3A_100] : memref<5008x128xf32, #tpu.memory_space<vmem_shared>> -> memref<128x128xf32, #tpu.memory_space<vmem_shared>>
      %dma_start3A_102 = arith.constant 0 : i32
      %dma_start3A_103 = arith.constant 0 : i32
      %dma_start3A_104 = tpu.memref_slice %arg9[%run_scoped3A_11, %dma_start3A_102, %dma_start3A_103] : memref<3x128x128xf32, #tpu.memory_space<vmem>> -> memref<1x128x128xf32, #tpu.memory_space<vmem>>
      %dma_start3A_105 = tpu.memref_squeeze %dma_start3A_104 : memref<1x128x128xf32, #tpu.memory_space<vmem>> -> memref<128x128xf32, #tpu.memory_space<vmem>>
      tpu.enqueue_dma source(%dma_start3A_105 : memref<128x128xf32, #tpu.memory_space<vmem>>) target(%dma_start3A_101 : memref<128x128xf32, #tpu.memory_space<vmem_shared>>) target_semaphore(%run_scoped3A_94 : memref<!tpu.dma_semaphore, #tpu.memory_space<semaphore_mem>>)
      %dma_wait3A = arith.constant 0 : i32
      %dma_wait3A_106 = arith.constant 0 : i32
      %dma_wait3A_107 = tpu.memref_slice %arg9[%run_scoped3A_11, %dma_wait3A, %dma_wait3A_106] : memref<3x128x128xf32, #tpu.memory_space<vmem>> -> memref<1x128x128xf32, #tpu.memory_space<vmem>>
      %dma_wait3A_108 = tpu.memref_squeeze %dma_wait3A_107 : memref<1x128x128xf32, #tpu.memory_space<vmem>> -> memref<128x128xf32, #tpu.memory_space<vmem>>
      %dma_wait3A_109 = arith.constant 0 : i32
      %dma_wait3A_110 = tpu.memref_slice %arg11[%add3A_10, %dma_wait3A_109] : memref<5008x128xf32, #tpu.memory_space<vmem_shared>> -> memref<128x128xf32, #tpu.memory_space<vmem_shared>>
      %dma_wait3A_111 = arith.constant 0 : i32
      %dma_wait3A_112 = tpu.memref_slice %arg11[%add3A_10, %dma_wait3A_111] : memref<5008x128xf32, #tpu.memory_space<vmem_shared>> -> memref<128x128xf32, #tpu.memory_space<vmem_shared>>
      %dma_wait3A_113 = arith.constant 0 : i32
      %dma_wait3A_114 = arith.constant 0 : i32
      %dma_wait3A_115 = tpu.memref_slice %arg9[%run_scoped3A_11, %dma_wait3A_113, %dma_wait3A_114] : memref<3x128x128xf32, #tpu.memory_space<vmem>> -> memref<1x128x128xf32, #tpu.memory_space<vmem>>
      %dma_wait3A_116 = tpu.memref_squeeze %dma_wait3A_115 : memref<1x128x128xf32, #tpu.memory_space<vmem>> -> memref<128x128xf32, #tpu.memory_space<vmem>>
      tpu.wait_dma2 semaphore(%run_scoped3A_94 : memref<!tpu.dma_semaphore, #tpu.memory_space<semaphore_mem>>) src(%dma_wait3A_116 : memref<128x128xf32, #tpu.memory_space<vmem>>) dst(%dma_wait3A_112 : memref<128x128xf32, #tpu.memory_space<vmem_shared>>)
      tpu.yield
    }) : () -> ()
    %mul3A_12 = arith.constant 312 : i32
    %mul3A_13 = arith.muli %arg1, %mul3A_12 : i32
    %add3A_14 = arith.constant 256 : i32
    %add3A_15 = arith.addi %mul3A_13, %add3A_14 : i32
    %run_scoped3A_16 = arith.constant 0 : i32
    "tpu.region"() ({
      %run_scoped3A_94 = tpu.sem_alloc : memref<!tpu.dma_semaphore, #tpu.memory_space<semaphore_mem>>
      %dma_start3A = arith.constant 0 : i32
      %dma_start3A_95 = arith.constant 0 : i32
      %dma_start3A_96 = tpu.memref_slice %arg9[%run_scoped3A_16, %dma_start3A, %dma_start3A_95] : memref<3x128x128xf32, #tpu.memory_space<vmem>> -> memref<1x56x128xf32, #tpu.memory_space<vmem>>
      %dma_start3A_97 = tpu.memref_squeeze %dma_start3A_96 : memref<1x56x128xf32, #tpu.memory_space<vmem>> -> memref<56x128xf32, #tpu.memory_space<vmem>>
      %dma_start3A_98 = arith.constant 0 : i32
      %dma_start3A_99 = tpu.memref_slice %arg11[%add3A_15, %dma_start3A_98] : memref<5008x128xf32, #tpu.memory_space<vmem_shared>> -> memref<56x128xf32, #tpu.memory_space<vmem_shared>>
      %dma_start3A_100 = arith.constant 0 : i32
      %dma_start3A_101 = tpu.memref_slice %arg11[%add3A_15, %dma_start3A_100] : memref<5008x128xf32, #tpu.memory_space<vmem_shared>> -> memref<56x128xf32, #tpu.memory_space<vmem_shared>>
      %dma_start3A_102 = arith.constant 0 : i32
      %dma_start3A_103 = arith.constant 0 : i32
      %dma_start3A_104 = tpu.memref_slice %arg9[%run_scoped3A_16, %dma_start3A_102, %dma_start3A_103] : memref<3x128x128xf32, #tpu.memory_space<vmem>> -> memref<1x56x128xf32, #tpu.memory_space<vmem>>
      %dma_start3A_105 = tpu.memref_squeeze %dma_start3A_104 : memref<1x56x128xf32, #tpu.memory_space<vmem>> -> memref<56x128xf32, #tpu.memory_space<vmem>>
      tpu.enqueue_dma source(%dma_start3A_105 : memref<56x128xf32, #tpu.memory_space<vmem>>) target(%dma_start3A_101 : memref<56x128xf32, #tpu.memory_space<vmem_shared>>) target_semaphore(%run_scoped3A_94 : memref<!tpu.dma_semaphore, #tpu.memory_space<semaphore_mem>>)
      %dma_wait3A = arith.constant 0 : i32
      %dma_wait3A_106 = arith.constant 0 : i32
      %dma_wait3A_107 = tpu.memref_slice %arg9[%run_scoped3A_16, %dma_wait3A, %dma_wait3A_106] : memref<3x128x128xf32, #tpu.memory_space<vmem>> -> memref<1x56x128xf32, #tpu.memory_space<vmem>>
      %dma_wait3A_108 = tpu.memref_squeeze %dma_wait3A_107 : memref<1x56x128xf32, #tpu.memory_space<vmem>> -> memref<56x128xf32, #tpu.memory_space<vmem>>
      %dma_wait3A_109 = arith.constant 0 : i32
      %dma_wait3A_110 = tpu.memref_slice %arg11[%add3A_15, %dma_wait3A_109] : memref<5008x128xf32, #tpu.memory_space<vmem_shared>> -> memref<56x128xf32, #tpu.memory_space<vmem_shared>>
      %dma_wait3A_111 = arith.constant 0 : i32
      %dma_wait3A_112 = tpu.memref_slice %arg11[%add3A_15, %dma_wait3A_111] : memref<5008x128xf32, #tpu.memory_space<vmem_shared>> -> memref<56x128xf32, #tpu.memory_space<vmem_shared>>
      %dma_wait3A_113 = arith.constant 0 : i32
      %dma_wait3A_114 = arith.constant 0 : i32
      %dma_wait3A_115 = tpu.memref_slice %arg9[%run_scoped3A_16, %dma_wait3A_113, %dma_wait3A_114] : memref<3x128x128xf32, #tpu.memory_space<vmem>> -> memref<1x56x128xf32, #tpu.memory_space<vmem>>
      %dma_wait3A_116 = tpu.memref_squeeze %dma_wait3A_115 : memref<1x56x128xf32, #tpu.memory_space<vmem>> -> memref<56x128xf32, #tpu.memory_space<vmem>>
      tpu.wait_dma2 semaphore(%run_scoped3A_94 : memref<!tpu.dma_semaphore, #tpu.memory_space<semaphore_mem>>) src(%dma_wait3A_116 : memref<56x128xf32, #tpu.memory_space<vmem>>) dst(%dma_wait3A_112 : memref<56x128xf32, #tpu.memory_space<vmem_shared>>)
      tpu.yield
    }) : () -> ()
    %eq3A = arith.constant 15 : i32
    %eq3A_17 = arith.cmpi eq, %arg1, %eq3A : i32
    %convert_element_type3A = arith.extui %eq3A_17 : i1 to i32
    %cond3A = arith.constant 0 : i32
    %cond3A_18 = arith.cmpi ne, %convert_element_type3A, %cond3A : i32
    scf.if %cond3A_18 {
      %run_scoped3A_94 = arith.constant 0 : i32
      "tpu.region"() ({
        %run_scoped3A_95 = tpu.sem_alloc : memref<!tpu.dma_semaphore, #tpu.memory_space<semaphore_mem>>
        %dma_start3A = arith.constant 0 : i32
        %dma_start3A_96 = arith.constant 0 : i32
        %dma_start3A_97 = tpu.memref_slice %arg9[%run_scoped3A_94, %dma_start3A, %dma_start3A_96] : memref<3x128x128xf32, #tpu.memory_space<vmem>> -> memref<1x8x128xf32, #tpu.memory_space<vmem>>
        %dma_start3A_98 = tpu.memref_squeeze %dma_start3A_97 : memref<1x8x128xf32, #tpu.memory_space<vmem>> -> memref<8x128xf32, #tpu.memory_space<vmem>>
        %dma_start3A_99 = arith.constant 4992 : i32
        %dma_start3A_100 = arith.constant 0 : i32
        %dma_start3A_101 = tpu.memref_slice %arg11[%dma_start3A_99, %dma_start3A_100] : memref<5008x128xf32, #tpu.memory_space<vmem_shared>> -> memref<8x128xf32, #tpu.memory_space<vmem_shared>>
        %dma_start3A_102 = arith.constant 4992 : i32
        %dma_start3A_103 = arith.constant 0 : i32
        %dma_start3A_104 = tpu.memref_slice %arg11[%dma_start3A_102, %dma_start3A_103] : memref<5008x128xf32, #tpu.memory_space<vmem_shared>> -> memref<8x128xf32, #tpu.memory_space<vmem_shared>>
        %dma_start3A_105 = arith.constant 0 : i32
        %dma_start3A_106 = arith.constant 0 : i32
        %dma_start3A_107 = tpu.memref_slice %arg9[%run_scoped3A_94, %dma_start3A_105, %dma_start3A_106] : memref<3x128x128xf32, #tpu.memory_space<vmem>> -> memref<1x8x128xf32, #tpu.memory_space<vmem>>
        %dma_start3A_108 = tpu.memref_squeeze %dma_start3A_107 : memref<1x8x128xf32, #tpu.memory_space<vmem>> -> memref<8x128xf32, #tpu.memory_space<vmem>>
        tpu.enqueue_dma source(%dma_start3A_108 : memref<8x128xf32, #tpu.memory_space<vmem>>) target(%dma_start3A_104 : memref<8x128xf32, #tpu.memory_space<vmem_shared>>) target_semaphore(%run_scoped3A_95 : memref<!tpu.dma_semaphore, #tpu.memory_space<semaphore_mem>>)
        %dma_wait3A = arith.constant 0 : i32
        %dma_wait3A_109 = arith.constant 0 : i32
        %dma_wait3A_110 = tpu.memref_slice %arg9[%run_scoped3A_94, %dma_wait3A, %dma_wait3A_109] : memref<3x128x128xf32, #tpu.memory_space<vmem>> -> memref<1x8x128xf32, #tpu.memory_space<vmem>>
        %dma_wait3A_111 = tpu.memref_squeeze %dma_wait3A_110 : memref<1x8x128xf32, #tpu.memory_space<vmem>> -> memref<8x128xf32, #tpu.memory_space<vmem>>
        %dma_wait3A_112 = arith.constant 4992 : i32
        %dma_wait3A_113 = arith.constant 0 : i32
        %dma_wait3A_114 = tpu.memref_slice %arg11[%dma_wait3A_112, %dma_wait3A_113] : memref<5008x128xf32, #tpu.memory_space<vmem_shared>> -> memref<8x128xf32, #tpu.memory_space<vmem_shared>>
        %dma_wait3A_115 = arith.constant 4992 : i32
        %dma_wait3A_116 = arith.constant 0 : i32
        %dma_wait3A_117 = tpu.memref_slice %arg11[%dma_wait3A_115, %dma_wait3A_116] : memref<5008x128xf32, #tpu.memory_space<vmem_shared>> -> memref<8x128xf32, #tpu.memory_space<vmem_shared>>
        %dma_wait3A_118 = arith.constant 0 : i32
        %dma_wait3A_119 = arith.constant 0 : i32
        %dma_wait3A_120 = tpu.memref_slice %arg9[%run_scoped3A_94, %dma_wait3A_118, %dma_wait3A_119] : memref<3x128x128xf32, #tpu.memory_space<vmem>> -> memref<1x8x128xf32, #tpu.memory_space<vmem>>
        %dma_wait3A_121 = tpu.memref_squeeze %dma_wait3A_120 : memref<1x8x128xf32, #tpu.memory_space<vmem>> -> memref<8x128xf32, #tpu.memory_space<vmem>>
        tpu.wait_dma2 semaphore(%run_scoped3A_95 : memref<!tpu.dma_semaphore, #tpu.memory_space<semaphore_mem>>) src(%dma_wait3A_121 : memref<8x128xf32, #tpu.memory_space<vmem>>) dst(%dma_wait3A_117 : memref<8x128xf32, #tpu.memory_space<vmem_shared>>)
        tpu.yield
      }) : () -> ()
    } else {
    }
    %barrier3A = arith.constant 0 : index
    tpu.barrier barrier_id(%barrier3A)
    %mul3A_19 = arith.constant 16 : i32
    %mul3A_20 = arith.muli %arg0, %mul3A_19 : i32
    %add3A_21 = arith.addi %mul3A_20, %arg1 : i32
    %mul3A_22 = arith.constant 16 : i32
    %mul3A_23 = arith.muli %add3A_21, %mul3A_22 : i32
    "tpu.region"() ({
      %run_scoped3A_94 = tpu.sem_alloc : memref<!tpu.dma_semaphore, #tpu.memory_space<semaphore_mem>>
      %dma_start3A = tpu.memref_slice %arg5[%mul3A_23] : memref<512xi32, #tpu.memory_space<hbm>> -> memref<16xi32, #tpu.memory_space<hbm>>
      %dma_start3A_95 = tpu.memref_slice %arg5[%mul3A_23] : memref<512xi32, #tpu.memory_space<hbm>> -> memref<16xi32, #tpu.memory_space<hbm>>
      tpu.enqueue_dma source(%dma_start3A_95 : memref<16xi32, #tpu.memory_space<hbm>>) target(%arg10 : memref<16xi32, #tpu.memory_space<vmem>>) target_semaphore(%run_scoped3A_94 : memref<!tpu.dma_semaphore, #tpu.memory_space<semaphore_mem>>)
      %dma_wait3A = tpu.memref_slice %arg5[%mul3A_23] : memref<512xi32, #tpu.memory_space<hbm>> -> memref<16xi32, #tpu.memory_space<hbm>>
      %dma_wait3A_96 = tpu.memref_slice %arg5[%mul3A_23] : memref<512xi32, #tpu.memory_space<hbm>> -> memref<16xi32, #tpu.memory_space<hbm>>
      tpu.wait_dma2 semaphore(%run_scoped3A_94 : memref<!tpu.dma_semaphore, #tpu.memory_space<semaphore_mem>>) src(%dma_wait3A_96 : memref<16xi32, #tpu.memory_space<hbm>>) dst(%arg10 : memref<16xi32, #tpu.memory_space<vmem>>)
      tpu.yield
    }) : () -> ()
    %get3A = arith.constant 0 : index
    %get3A_24 = tpu.vector_load %arg10[%get3A] {strides = array<i32>} : memref<16xi32, #tpu.memory_space<vmem>>, vector<16xi32>,
    %reduce_max3A = arith.constant true
    %reduce_max3A_25 = vector.broadcast %reduce_max3A : i1 to vector<16xi1>
    %reduce_max3A_26 = arith.constant -2147483648 : i32
    %reduce_max3A_27 = vector.broadcast %reduce_max3A_26 : i32 to vector<16xi32>
    %reduce_max3A_28 = arith.xori %get3A_24, %reduce_max3A_27 : vector<16xi32>
    %reduce_max3A_29 = tpu.scan <max>, %reduce_max3A_28 masked %reduce_max3A_25 : vector<16xi32>, vector<16xi1> -> vector<16xi32>
    %reduce_max3A_30 = arith.xori %reduce_max3A_29, %reduce_max3A_27 : vector<16xi32>
    %reduce_max3A_31 = vector.extract %reduce_max3A_30[15] : i32 from vector<16xi32>
    %add3A_32 = arith.constant 128 : i32
    %add3A_33 = arith.addi %reduce_max3A_31, %add3A_32 : i32
    %sub3A = arith.constant 1 : i32
    %sub3A_34 = arith.subi %add3A_33, %sub3A : i32
    %jit3A = arith.constant 128 : i32
    %div3A = arith.divsi %sub3A_34, %jit3A : i32
    %sign3A = arith.constant 0 : i32
    %sign3A_35 = arith.cmpi sgt, %sub3A_34, %sign3A : i32
    %sign3A_36 = arith.extui %sign3A_35 : i1 to i32
    %sign3A_37 = arith.constant 0 : i32
    %sign3A_38 = arith.cmpi slt, %sub3A_34, %sign3A_37 : i32
    %sign3A_39 = arith.extui %sign3A_38 : i1 to i32
    %sign3A_40 = arith.subi %sign3A_36, %sign3A_39 : i32
    %sign3A_41 = arith.constant 0 : i32
    %sign3A_42 = arith.cmpi sgt, %jit3A, %sign3A_41 : i32
    %sign3A_43 = arith.extui %sign3A_42 : i1 to i32
    %sign3A_44 = arith.constant 0 : i32
    %sign3A_45 = arith.cmpi slt, %jit3A, %sign3A_44 : i32
    %sign3A_46 = arith.extui %sign3A_45 : i1 to i32
    %sign3A_47 = arith.subi %sign3A_43, %sign3A_46 : i32
    %ne3A = arith.cmpi ne, %sign3A_40, %sign3A_47 : i32
    %rem3A = arith.remsi %sub3A_34, %jit3A : i32
    %ne3A_48 = arith.constant 0 : i32
    %ne3A_49 = arith.cmpi ne, %rem3A, %ne3A_48 : i32
    %and3A = arith.andi %ne3A, %ne3A_49 : i1
    %sub3A_50 = arith.constant 1 : i32
    %sub3A_51 = arith.subi %div3A, %sub3A_50 : i32
    %select_n3A = arith.select %and3A, %sub3A_51, %div3A : i32
    "tpu.region"() ({
      %run_scoped3A_94 = tpu.sem_alloc : memref<!tpu.dma_semaphore, #tpu.memory_space<semaphore_mem>>
      %dma_start3A = arith.constant 0 : i32
      %dma_start3A_95 = arith.constant 0 : i32
      %dma_start3A_96 = tpu.memref_slice %arg3[%add3A_21, %dma_start3A, %dma_start3A_95] : memref<32x158x128xi32, #tpu.memory_space<hbm>> -> memref<1x158x128xi32, #tpu.memory_space<hbm>>
      %dma_start3A_97 = tpu.memref_squeeze %dma_start3A_96 : memref<1x158x128xi32, #tpu.memory_space<hbm>> -> memref<158x128xi32, #tpu.memory_space<hbm>>
      %dma_start3A_98 = arith.constant 0 : i32
      %dma_start3A_99 = arith.constant 0 : i32
      %dma_start3A_100 = tpu.memref_slice %arg3[%add3A_21, %dma_start3A_98, %dma_start3A_99] : memref<32x158x128xi32, #tpu.memory_space<hbm>> -> memref<1x158x128xi32, #tpu.memory_space<hbm>>
      %dma_start3A_101 = tpu.memref_squeeze %dma_start3A_100 : memref<1x158x128xi32, #tpu.memory_space<hbm>> -> memref<158x128xi32, #tpu.memory_space<hbm>>
      tpu.enqueue_dma source(%dma_start3A_101 : memref<158x128xi32, #tpu.memory_space<hbm>>) target(%arg7 : memref<158x128xi32, #tpu.memory_space<vmem>>) target_semaphore(%run_scoped3A_94 : memref<!tpu.dma_semaphore, #tpu.memory_space<semaphore_mem>>)
      %dma_wait3A = arith.constant 0 : i32
      %dma_wait3A_102 = arith.constant 0 : i32
      %dma_wait3A_103 = tpu.memref_slice %arg3[%add3A_21, %dma_wait3A, %dma_wait3A_102] : memref<32x158x128xi32, #tpu.memory_space<hbm>> -> memref<1x158x128xi32, #tpu.memory_space<hbm>>
      %dma_wait3A_104 = tpu.memref_squeeze %dma_wait3A_103 : memref<1x158x128xi32, #tpu.memory_space<hbm>> -> memref<158x128xi32, #tpu.memory_space<hbm>>
      %dma_wait3A_105 = arith.constant 0 : i32
      %dma_wait3A_106 = arith.constant 0 : i32
      %dma_wait3A_107 = tpu.memref_slice %arg3[%add3A_21, %dma_wait3A_105, %dma_wait3A_106] : memref<32x158x128xi32, #tpu.memory_space<hbm>> -> memref<1x158x128xi32, #tpu.memory_space<hbm>>
      %dma_wait3A_108 = tpu.memref_squeeze %dma_wait3A_107 : memref<1x158x128xi32, #tpu.memory_space<hbm>> -> memref<158x128xi32, #tpu.memory_space<hbm>>
      tpu.wait_dma2 semaphore(%run_scoped3A_94 : memref<!tpu.dma_semaphore, #tpu.memory_space<semaphore_mem>>) src(%dma_wait3A_108 : memref<158x128xi32, #tpu.memory_space<hbm>>) dst(%arg7 : memref<158x128xi32, #tpu.memory_space<vmem>>)
      tpu.yield
    }) : () -> ()
    "tpu.region"() ({
      %run_scoped3A_94 = tpu.sem_alloc : memref<!tpu.dma_semaphore, #tpu.memory_space<semaphore_mem>>
      %dma_start3A = arith.constant 0 : i32
      %dma_start3A_95 = arith.constant 0 : i32
      %dma_start3A_96 = tpu.memref_slice %arg4[%add3A_21, %dma_start3A, %dma_start3A_95] : memref<32x158x128xi32, #tpu.memory_space<hbm>> -> memref<1x158x128xi32, #tpu.memory_space<hbm>>
      %dma_start3A_97 = tpu.memref_squeeze %dma_start3A_96 : memref<1x158x128xi32, #tpu.memory_space<hbm>> -> memref<158x128xi32, #tpu.memory_space<hbm>>
      %dma_start3A_98 = arith.constant 0 : i32
      %dma_start3A_99 = arith.constant 0 : i32
      %dma_start3A_100 = tpu.memref_slice %arg4[%add3A_21, %dma_start3A_98, %dma_start3A_99] : memref<32x158x128xi32, #tpu.memory_space<hbm>> -> memref<1x158x128xi32, #tpu.memory_space<hbm>>
      %dma_start3A_101 = tpu.memref_squeeze %dma_start3A_100 : memref<1x158x128xi32, #tpu.memory_space<hbm>> -> memref<158x128xi32, #tpu.memory_space<hbm>>
      tpu.enqueue_dma source(%dma_start3A_101 : memref<158x128xi32, #tpu.memory_space<hbm>>) target(%arg8 : memref<158x128xi32, #tpu.memory_space<vmem>>) target_semaphore(%run_scoped3A_94 : memref<!tpu.dma_semaphore, #tpu.memory_space<semaphore_mem>>)
      %dma_wait3A = arith.constant 0 : i32
      %dma_wait3A_102 = arith.constant 0 : i32
      %dma_wait3A_103 = tpu.memref_slice %arg4[%add3A_21, %dma_wait3A, %dma_wait3A_102] : memref<32x158x128xi32, #tpu.memory_space<hbm>> -> memref<1x158x128xi32, #tpu.memory_space<hbm>>
      %dma_wait3A_104 = tpu.memref_squeeze %dma_wait3A_103 : memref<1x158x128xi32, #tpu.memory_space<hbm>> -> memref<158x128xi32, #tpu.memory_space<hbm>>
      %dma_wait3A_105 = arith.constant 0 : i32
      %dma_wait3A_106 = arith.constant 0 : i32
      %dma_wait3A_107 = tpu.memref_slice %arg4[%add3A_21, %dma_wait3A_105, %dma_wait3A_106] : memref<32x158x128xi32, #tpu.memory_space<hbm>> -> memref<1x158x128xi32, #tpu.memory_space<hbm>>
      %dma_wait3A_108 = tpu.memref_squeeze %dma_wait3A_107 : memref<1x158x128xi32, #tpu.memory_space<hbm>> -> memref<158x128xi32, #tpu.memory_space<hbm>>
      tpu.wait_dma2 semaphore(%run_scoped3A_94 : memref<!tpu.dma_semaphore, #tpu.memory_space<semaphore_mem>>) src(%dma_wait3A_108 : memref<158x128xi32, #tpu.memory_space<hbm>>) dst(%arg8 : memref<158x128xi32, #tpu.memory_space<vmem>>)
      tpu.yield
    }) : () -> ()
    %gt3A = arith.constant 0 : i32
    %gt3A_52 = arith.cmpi sgt, %select_n3A, %gt3A : i32
    %convert_element_type3A_53 = arith.extui %gt3A_52 : i1 to i32
    %cond3A_54 = arith.constant 0 : i32
    %cond3A_55 = arith.cmpi ne, %convert_element_type3A_53, %cond3A_54 : i32
    scf.if %cond3A_55 {
      %jit3A_94 = arith.constant 0 : i32
      %jit3A_95 = arith.constant 3 : i32
      %eq3A_96 = arith.constant 0 : i32
      %eq3A_97 = arith.cmpi eq, %jit3A_95, %eq3A_96 : i32
      %jit3A_98 = arith.constant 1 : i32
      %select_n3A_99 = arith.select %eq3A_97, %jit3A_98, %jit3A_95 : i32
      %rem3A_100 = arith.remsi %jit3A_94, %select_n3A_99 : i32
      %ne3A_101 = arith.constant 0 : i32
      %ne3A_102 = arith.cmpi ne, %rem3A_100, %ne3A_101 : i32
      %lt3A = arith.constant 0 : i32
      %lt3A_103 = arith.cmpi slt, %rem3A_100, %lt3A : i32
      %lt3A_104 = arith.constant 0 : i32
      %lt3A_105 = arith.cmpi slt, %select_n3A_99, %lt3A_104 : i32
      %ne3A_106 = arith.xori %lt3A_103, %lt3A_105 : i1
      %and3A_107 = arith.andi %ne3A_106, %ne3A_102 : i1
      %add3A_108 = arith.addi %rem3A_100, %select_n3A_99 : i32
      %select_n3A_109 = arith.select %and3A_107, %add3A_108, %rem3A_100 : i32
      %dma_start3A = arith.constant 0 : i32
      %dma_start3A_110 = arith.constant 0 : i32
      %dma_start3A_111 = arith.constant 0 : i32
      %dma_start3A_112 = tpu.memref_slice %arg9[%select_n3A_109, %dma_start3A_110, %dma_start3A_111] : memref<3x128x128xf32, #tpu.memory_space<vmem>> -> memref<1x128x128xf32, #tpu.memory_space<vmem>>
      %dma_start3A_113 = tpu.memref_squeeze %dma_start3A_112 : memref<1x128x128xf32, #tpu.memory_space<vmem>> -> memref<128x128xf32, #tpu.memory_space<vmem>>
      %dma_start3A_114 = arith.constant 0 : i32
      %dma_start3A_115 = tpu.memref_slice %arg7[%dma_start3A, %dma_start3A_114] : memref<158x128xi32, #tpu.memory_space<vmem>> -> memref<1x128xi32, #tpu.memory_space<vmem>>
      %dma_start3A_116 = tpu.memref_squeeze %dma_start3A_115 : memref<1x128xi32, #tpu.memory_space<vmem>> -> memref<128xi32, #tpu.memory_space<vmem>>
      %dma_start3A_117 = arith.constant 0 : i32
      %dma_start3A_118 = arith.constant 0 : i32
      %dma_start3A_119 = tpu.memref_slice %arg2[%dma_start3A_117, %dma_start3A_118] : memref<10000x128xf32, #tpu.memory_space<hbm>> -> memref<10000x128xf32, #tpu.memory_space<hbm>>
      tpu.enqueue_indirect_dma source(%dma_start3A_119 : memref<10000x128xf32, #tpu.memory_space<hbm>>) target(%dma_start3A_113 : memref<128x128xf32, #tpu.memory_space<vmem>>) offsets(%dma_start3A_116 : memref<128xi32, #tpu.memory_space<vmem>>) semaphore(%arg12 : memref<!tpu.dma_semaphore, #tpu.memory_space<semaphore_mem>>)
    } else {
    }
    %gt3A_56 = arith.constant 1 : i32
    %gt3A_57 = arith.cmpi sgt, %select_n3A, %gt3A_56 : i32
    %convert_element_type3A_58 = arith.extui %gt3A_57 : i1 to i32
    %cond3A_59 = arith.constant 0 : i32
    %cond3A_60 = arith.cmpi ne, %convert_element_type3A_58, %cond3A_59 : i32
    scf.if %cond3A_60 {
      %jit3A_94 = arith.constant 1 : i32
      %jit3A_95 = arith.constant 3 : i32
      %eq3A_96 = arith.constant 0 : i32
      %eq3A_97 = arith.cmpi eq, %jit3A_95, %eq3A_96 : i32
      %jit3A_98 = arith.constant 1 : i32
      %select_n3A_99 = arith.select %eq3A_97, %jit3A_98, %jit3A_95 : i32
      %rem3A_100 = arith.remsi %jit3A_94, %select_n3A_99 : i32
      %ne3A_101 = arith.constant 0 : i32
      %ne3A_102 = arith.cmpi ne, %rem3A_100, %ne3A_101 : i32
      %lt3A = arith.constant 0 : i32
      %lt3A_103 = arith.cmpi slt, %rem3A_100, %lt3A : i32
      %lt3A_104 = arith.constant 0 : i32
      %lt3A_105 = arith.cmpi slt, %select_n3A_99, %lt3A_104 : i32
      %ne3A_106 = arith.xori %lt3A_103, %lt3A_105 : i1
      %and3A_107 = arith.andi %ne3A_106, %ne3A_102 : i1
      %add3A_108 = arith.addi %rem3A_100, %select_n3A_99 : i32
      %select_n3A_109 = arith.select %and3A_107, %add3A_108, %rem3A_100 : i32
      %dma_start3A = arith.constant 1 : i32
      %dma_start3A_110 = arith.constant 0 : i32
      %dma_start3A_111 = arith.constant 0 : i32
      %dma_start3A_112 = tpu.memref_slice %arg9[%select_n3A_109, %dma_start3A_110, %dma_start3A_111] : memref<3x128x128xf32, #tpu.memory_space<vmem>> -> memref<1x128x128xf32, #tpu.memory_space<vmem>>
      %dma_start3A_113 = tpu.memref_squeeze %dma_start3A_112 : memref<1x128x128xf32, #tpu.memory_space<vmem>> -> memref<128x128xf32, #tpu.memory_space<vmem>>
      %dma_start3A_114 = arith.constant 0 : i32
      %dma_start3A_115 = tpu.memref_slice %arg7[%dma_start3A, %dma_start3A_114] : memref<158x128xi32, #tpu.memory_space<vmem>> -> memref<1x128xi32, #tpu.memory_space<vmem>>
      %dma_start3A_116 = tpu.memref_squeeze %dma_start3A_115 : memref<1x128xi32, #tpu.memory_space<vmem>> -> memref<128xi32, #tpu.memory_space<vmem>>
      %dma_start3A_117 = arith.constant 0 : i32
      %dma_start3A_118 = arith.constant 0 : i32
      %dma_start3A_119 = tpu.memref_slice %arg2[%dma_start3A_117, %dma_start3A_118] : memref<10000x128xf32, #tpu.memory_space<hbm>> -> memref<10000x128xf32, #tpu.memory_space<hbm>>
      tpu.enqueue_indirect_dma source(%dma_start3A_119 : memref<10000x128xf32, #tpu.memory_space<hbm>>) target(%dma_start3A_113 : memref<128x128xf32, #tpu.memory_space<vmem>>) offsets(%dma_start3A_116 : memref<128xi32, #tpu.memory_space<vmem>>) semaphore(%arg12 : memref<!tpu.dma_semaphore, #tpu.memory_space<semaphore_mem>>)
    } else {
    }
    %gt3A_61 = arith.constant 2 : i32
    %gt3A_62 = arith.cmpi sgt, %select_n3A, %gt3A_61 : i32
    %convert_element_type3A_63 = arith.extui %gt3A_62 : i1 to i32
    %cond3A_64 = arith.constant 0 : i32
    %cond3A_65 = arith.cmpi ne, %convert_element_type3A_63, %cond3A_64 : i32
    scf.if %cond3A_65 {
      %jit3A_94 = arith.constant 2 : i32
      %jit3A_95 = arith.constant 3 : i32
      %eq3A_96 = arith.constant 0 : i32
      %eq3A_97 = arith.cmpi eq, %jit3A_95, %eq3A_96 : i32
      %jit3A_98 = arith.constant 1 : i32
      %select_n3A_99 = arith.select %eq3A_97, %jit3A_98, %jit3A_95 : i32
      %rem3A_100 = arith.remsi %jit3A_94, %select_n3A_99 : i32
      %ne3A_101 = arith.constant 0 : i32
      %ne3A_102 = arith.cmpi ne, %rem3A_100, %ne3A_101 : i32
      %lt3A = arith.constant 0 : i32
      %lt3A_103 = arith.cmpi slt, %rem3A_100, %lt3A : i32
      %lt3A_104 = arith.constant 0 : i32
      %lt3A_105 = arith.cmpi slt, %select_n3A_99, %lt3A_104 : i32
      %ne3A_106 = arith.xori %lt3A_103, %lt3A_105 : i1
      %and3A_107 = arith.andi %ne3A_106, %ne3A_102 : i1
      %add3A_108 = arith.addi %rem3A_100, %select_n3A_99 : i32
      %select_n3A_109 = arith.select %and3A_107, %add3A_108, %rem3A_100 : i32
      %dma_start3A = arith.constant 2 : i32
      %dma_start3A_110 = arith.constant 0 : i32
      %dma_start3A_111 = arith.constant 0 : i32
      %dma_start3A_112 = tpu.memref_slice %arg9[%select_n3A_109, %dma_start3A_110, %dma_start3A_111] : memref<3x128x128xf32, #tpu.memory_space<vmem>> -> memref<1x128x128xf32, #tpu.memory_space<vmem>>
      %dma_start3A_113 = tpu.memref_squeeze %dma_start3A_112 : memref<1x128x128xf32, #tpu.memory_space<vmem>> -> memref<128x128xf32, #tpu.memory_space<vmem>>
      %dma_start3A_114 = arith.constant 0 : i32
      %dma_start3A_115 = tpu.memref_slice %arg7[%dma_start3A, %dma_start3A_114] : memref<158x128xi32, #tpu.memory_space<vmem>> -> memref<1x128xi32, #tpu.memory_space<vmem>>
      %dma_start3A_116 = tpu.memref_squeeze %dma_start3A_115 : memref<1x128xi32, #tpu.memory_space<vmem>> -> memref<128xi32, #tpu.memory_space<vmem>>
      %dma_start3A_117 = arith.constant 0 : i32
      %dma_start3A_118 = arith.constant 0 : i32
      %dma_start3A_119 = tpu.memref_slice %arg2[%dma_start3A_117, %dma_start3A_118] : memref<10000x128xf32, #tpu.memory_space<hbm>> -> memref<10000x128xf32, #tpu.memory_space<hbm>>
      tpu.enqueue_indirect_dma source(%dma_start3A_119 : memref<10000x128xf32, #tpu.memory_space<hbm>>) target(%dma_start3A_113 : memref<128x128xf32, #tpu.memory_space<vmem>>) offsets(%dma_start3A_116 : memref<128xi32, #tpu.memory_space<vmem>>) semaphore(%arg12 : memref<!tpu.dma_semaphore, #tpu.memory_space<semaphore_mem>>)
    } else {
    }
    %while3A = arith.constant 0 : i32
    %while3A_66 = arith.constant 0 : i32
    %while3A_67 = arith.subi %select_n3A, %while3A : i32
    %while3A_68 = arith.addi %while3A, %while3A_67 : i32
    %while3A_69 = arith.constant 1 : i32
    %while3A_70 = arith.divsi %while3A_67, %while3A_69 : i32
    %while3A_71 = arith.muli %while3A_70, %while3A_69 : i32
    %while3A_72 = arith.addi %while3A, %while3A_71 : i32
    %while3A_73 = arith.constant 1 : i32
    %while3A_74 = scf.for %while3A_94 = %while3A to %while3A_72 step %while3A_73 iter_args(%while3A_95 = %while3A_66) -> (i32)  : i32 {
      %jit3A_96 = arith.constant 3 : i32
      %eq3A_97 = arith.constant 0 : i32
      %eq3A_98 = arith.cmpi eq, %jit3A_96, %eq3A_97 : i32
      %jit3A_99 = arith.constant 1 : i32
      %select_n3A_100 = arith.select %eq3A_98, %jit3A_99, %jit3A_96 : i32
      %rem3A_101 = arith.remsi %while3A_94, %select_n3A_100 : i32
      %ne3A_102 = arith.constant 0 : i32
      %ne3A_103 = arith.cmpi ne, %rem3A_101, %ne3A_102 : i32
      %lt3A = arith.constant 0 : i32
      %lt3A_104 = arith.cmpi slt, %rem3A_101, %lt3A : i32
      %lt3A_105 = arith.constant 0 : i32
      %lt3A_106 = arith.cmpi slt, %select_n3A_100, %lt3A_105 : i32
      %ne3A_107 = arith.xori %lt3A_104, %lt3A_106 : i1
      %and3A_108 = arith.andi %ne3A_107, %ne3A_103 : i1
      %add3A_109 = arith.addi %rem3A_101, %select_n3A_100 : i32
      %select_n3A_110 = arith.select %and3A_108, %add3A_109, %rem3A_101 : i32
      %dma_wait3A = arith.constant 0 : i32
      %dma_wait3A_111 = arith.constant 0 : i32
      %dma_wait3A_112 = tpu.memref_slice %arg9[%select_n3A_110, %dma_wait3A, %dma_wait3A_111] : memref<3x128x128xf32, #tpu.memory_space<vmem>> -> memref<1x128x128xf32, #tpu.memory_space<vmem>>
      %dma_wait3A_113 = tpu.memref_squeeze %dma_wait3A_112 : memref<1x128x128xf32, #tpu.memory_space<vmem>> -> memref<128x128xf32, #tpu.memory_space<vmem>>
      %dma_wait3A_114 = arith.constant 0 : i32
      %dma_wait3A_115 = tpu.memref_slice %arg7[%while3A_94, %dma_wait3A_114] : memref<158x128xi32, #tpu.memory_space<vmem>> -> memref<1x128xi32, #tpu.memory_space<vmem>>
      %dma_wait3A_116 = tpu.memref_squeeze %dma_wait3A_115 : memref<1x128xi32, #tpu.memory_space<vmem>> -> memref<128xi32, #tpu.memory_space<vmem>>
      %dma_wait3A_117 = arith.constant 0 : i32
      %dma_wait3A_118 = arith.constant 0 : i32
      %dma_wait3A_119 = tpu.memref_slice %arg2[%dma_wait3A_117, %dma_wait3A_118] : memref<10000x128xf32, #tpu.memory_space<hbm>> -> memref<10000x128xf32, #tpu.memory_space<hbm>>
      tpu.wait_indirect_dma semaphore(%arg12 : memref<!tpu.dma_semaphore, #tpu.memory_space<semaphore_mem>>) src(%dma_wait3A_119 : memref<10000x128xf32, #tpu.memory_space<hbm>>) dst(%dma_wait3A_113 : memref<128x128xf32, #tpu.memory_space<vmem>>)
      %jit3A_120 = arith.constant 3 : i32
      %eq3A_121 = arith.constant 0 : i32
      %eq3A_122 = arith.cmpi eq, %jit3A_120, %eq3A_121 : i32
      %jit3A_123 = arith.constant 1 : i32
      %select_n3A_124 = arith.select %eq3A_122, %jit3A_123, %jit3A_120 : i32
      %rem3A_125 = arith.remsi %while3A_94, %select_n3A_124 : i32
      %ne3A_126 = arith.constant 0 : i32
      %ne3A_127 = arith.cmpi ne, %rem3A_125, %ne3A_126 : i32
      %lt3A_128 = arith.constant 0 : i32
      %lt3A_129 = arith.cmpi slt, %rem3A_125, %lt3A_128 : i32
      %lt3A_130 = arith.constant 0 : i32
      %lt3A_131 = arith.cmpi slt, %select_n3A_124, %lt3A_130 : i32
      %ne3A_132 = arith.xori %lt3A_129, %lt3A_131 : i1
      %and3A_133 = arith.andi %ne3A_132, %ne3A_127 : i1
      %add3A_134 = arith.addi %rem3A_125, %select_n3A_124 : i32
      %select_n3A_135 = arith.select %and3A_133, %add3A_134, %rem3A_125 : i32
      %dma_start3A = arith.constant 0 : i32
      %dma_start3A_136 = arith.constant 0 : i32
      %dma_start3A_137 = tpu.memref_slice %arg9[%select_n3A_135, %dma_start3A, %dma_start3A_136] : memref<3x128x128xf32, #tpu.memory_space<vmem>> -> memref<1x128x128xf32, #tpu.memory_space<vmem>>
      %dma_start3A_138 = tpu.memref_squeeze %dma_start3A_137 : memref<1x128x128xf32, #tpu.memory_space<vmem>> -> memref<128x128xf32, #tpu.memory_space<vmem>>
      %dma_start3A_139 = arith.constant 0 : i32
      %dma_start3A_140 = tpu.memref_slice %arg8[%while3A_94, %dma_start3A_139] : memref<158x128xi32, #tpu.memory_space<vmem>> -> memref<1x128xi32, #tpu.memory_space<vmem>>
      %dma_start3A_141 = tpu.memref_squeeze %dma_start3A_140 : memref<1x128xi32, #tpu.memory_space<vmem>> -> memref<128xi32, #tpu.memory_space<vmem>>
      %dma_start3A_142 = arith.constant 0 : i32
      %dma_start3A_143 = arith.constant 0 : i32
      %dma_start3A_144 = tpu.memref_slice %arg11[%dma_start3A_142, %dma_start3A_143] : memref<5008x128xf32, #tpu.memory_space<vmem_shared>> -> memref<5008x128xf32, #tpu.memory_space<vmem_shared>>
      tpu.enqueue_indirect_dma source(%dma_start3A_138 : memref<128x128xf32, #tpu.memory_space<vmem>>) target(%dma_start3A_144 : memref<5008x128xf32, #tpu.memory_space<vmem_shared>>) offsets(%dma_start3A_141 : memref<128xi32, #tpu.memory_space<vmem>>) semaphore(%arg13 : memref<!tpu.dma_semaphore, #tpu.memory_space<semaphore_mem>>) {add = true}
      %ge3A_145 = arith.constant 1 : i32
      %ge3A_146 = arith.cmpi sge, %while3A_94, %ge3A_145 : i32
      %convert_element_type3A_147 = arith.extui %ge3A_146 : i1 to i32
      %cond3A_148 = arith.constant 0 : i32
      %cond3A_149 = arith.cmpi ne, %convert_element_type3A_147, %cond3A_148 : i32
      scf.if %cond3A_149 {
        %dma_wait3A_151 = arith.constant 0 : i32
        %dma_wait3A_152 = arith.constant 0 : i32
        %dma_wait3A_153 = arith.constant 0 : i32
        %dma_wait3A_154 = arith.constant 0 : i32
        %dma_wait3A_155 = tpu.memref_slice %arg9[%dma_wait3A_151, %dma_wait3A_153, %dma_wait3A_154] : memref<3x128x128xf32, #tpu.memory_space<vmem>> -> memref<1x128x128xf32, #tpu.memory_space<vmem>>
        %dma_wait3A_156 = tpu.memref_squeeze %dma_wait3A_155 : memref<1x128x128xf32, #tpu.memory_space<vmem>> -> memref<128x128xf32, #tpu.memory_space<vmem>>
        %dma_wait3A_157 = arith.constant 0 : i32
        %dma_wait3A_158 = tpu.memref_slice %arg8[%dma_wait3A_152, %dma_wait3A_157] : memref<158x128xi32, #tpu.memory_space<vmem>> -> memref<1x128xi32, #tpu.memory_space<vmem>>
        %dma_wait3A_159 = tpu.memref_squeeze %dma_wait3A_158 : memref<1x128xi32, #tpu.memory_space<vmem>> -> memref<128xi32, #tpu.memory_space<vmem>>
        %dma_wait3A_160 = arith.constant 0 : i32
        %dma_wait3A_161 = arith.constant 0 : i32
        %dma_wait3A_162 = tpu.memref_slice %arg11[%dma_wait3A_160, %dma_wait3A_161] : memref<5008x128xf32, #tpu.memory_space<vmem_shared>> -> memref<5008x128xf32, #tpu.memory_space<vmem_shared>>
        tpu.wait_indirect_dma semaphore(%arg13 : memref<!tpu.dma_semaphore, #tpu.memory_space<semaphore_mem>>) src(%dma_wait3A_156 : memref<128x128xf32, #tpu.memory_space<vmem>>) dst(%dma_wait3A_162 : memref<5008x128xf32, #tpu.memory_space<vmem_shared>>)
        %add3A_163 = arith.constant 2 : i32
        %add3A_164 = arith.addi %while3A_94, %add3A_163 : i32
        %lt3A_165 = arith.cmpi slt, %add3A_164, %select_n3A : i32
        %convert_element_type3A_166 = arith.extui %lt3A_165 : i1 to i32
        %cond3A_167 = arith.constant 0 : i32
        %cond3A_168 = arith.cmpi ne, %convert_element_type3A_166, %cond3A_167 : i32
        scf.if %cond3A_168 {
          %add3A_169 = arith.constant 2 : i32
          %add3A_170 = arith.addi %while3A_94, %add3A_169 : i32
          %jit3A_171 = arith.constant 3 : i32
          %eq3A_172 = arith.constant 0 : i32
          %eq3A_173 = arith.cmpi eq, %jit3A_171, %eq3A_172 : i32
          %jit3A_174 = arith.constant 1 : i32
          %select_n3A_175 = arith.select %eq3A_173, %jit3A_174, %jit3A_171 : i32
          %rem3A_176 = arith.remsi %add3A_170, %select_n3A_175 : i32
          %ne3A_177 = arith.constant 0 : i32
          %ne3A_178 = arith.cmpi ne, %rem3A_176, %ne3A_177 : i32
          %lt3A_179 = arith.constant 0 : i32
          %lt3A_180 = arith.cmpi slt, %rem3A_176, %lt3A_179 : i32
          %lt3A_181 = arith.constant 0 : i32
          %lt3A_182 = arith.cmpi slt, %select_n3A_175, %lt3A_181 : i32
          %ne3A_183 = arith.xori %lt3A_180, %lt3A_182 : i1
          %and3A_184 = arith.andi %ne3A_183, %ne3A_178 : i1
          %add3A_185 = arith.addi %rem3A_176, %select_n3A_175 : i32
          %select_n3A_186 = arith.select %and3A_184, %add3A_185, %rem3A_176 : i32
          %dma_start3A_187 = arith.constant 0 : i32
          %dma_start3A_188 = arith.constant 0 : i32
          %dma_start3A_189 = tpu.memref_slice %arg9[%select_n3A_186, %dma_start3A_187, %dma_start3A_188] : memref<3x128x128xf32, #tpu.memory_space<vmem>> -> memref<1x128x128xf32, #tpu.memory_space<vmem>>
          %dma_start3A_190 = tpu.memref_squeeze %dma_start3A_189 : memref<1x128x128xf32, #tpu.memory_space<vmem>> -> memref<128x128xf32, #tpu.memory_space<vmem>>
          %dma_start3A_191 = arith.constant 0 : i32
          %dma_start3A_192 = tpu.memref_slice %arg7[%add3A_170, %dma_start3A_191] : memref<158x128xi32, #tpu.memory_space<vmem>> -> memref<1x128xi32, #tpu.memory_space<vmem>>
          %dma_start3A_193 = tpu.memref_squeeze %dma_start3A_192 : memref<1x128xi32, #tpu.memory_space<vmem>> -> memref<128xi32, #tpu.memory_space<vmem>>
          %dma_start3A_194 = arith.constant 0 : i32
          %dma_start3A_195 = arith.constant 0 : i32
          %dma_start3A_196 = tpu.memref_slice %arg2[%dma_start3A_194, %dma_start3A_195] : memref<10000x128xf32, #tpu.memory_space<hbm>> -> memref<10000x128xf32, #tpu.memory_space<hbm>>
          tpu.enqueue_indirect_dma source(%dma_start3A_196 : memref<10000x128xf32, #tpu.memory_space<hbm>>) target(%dma_start3A_190 : memref<128x128xf32, #tpu.memory_space<vmem>>) offsets(%dma_start3A_193 : memref<128xi32, #tpu.memory_space<vmem>>) semaphore(%arg12 : memref<!tpu.dma_semaphore, #tpu.memory_space<semaphore_mem>>)
        } else {
        }
      } else {
      }
      %while3A_150 = arith.constant 0 : i32
      scf.yield %while3A_150 : i32
    }
    %while3A_75 = arith.constant 1 : i32
    %while3A_76 = scf.for %while3A_94 = %while3A_72 to %while3A_68 step %while3A_75 iter_args(%while3A_95 = %while3A_74) -> (i32)  : i32 {
      %jit3A_96 = arith.constant 3 : i32
      %eq3A_97 = arith.constant 0 : i32
      %eq3A_98 = arith.cmpi eq, %jit3A_96, %eq3A_97 : i32
      %jit3A_99 = arith.constant 1 : i32
      %select_n3A_100 = arith.select %eq3A_98, %jit3A_99, %jit3A_96 : i32
      %rem3A_101 = arith.remsi %while3A_94, %select_n3A_100 : i32
      %ne3A_102 = arith.constant 0 : i32
      %ne3A_103 = arith.cmpi ne, %rem3A_101, %ne3A_102 : i32
      %lt3A = arith.constant 0 : i32
      %lt3A_104 = arith.cmpi slt, %rem3A_101, %lt3A : i32
      %lt3A_105 = arith.constant 0 : i32
      %lt3A_106 = arith.cmpi slt, %select_n3A_100, %lt3A_105 : i32
      %ne3A_107 = arith.xori %lt3A_104, %lt3A_106 : i1
      %and3A_108 = arith.andi %ne3A_107, %ne3A_103 : i1
      %add3A_109 = arith.addi %rem3A_101, %select_n3A_100 : i32
      %select_n3A_110 = arith.select %and3A_108, %add3A_109, %rem3A_101 : i32
      %dma_wait3A = arith.constant 0 : i32
      %dma_wait3A_111 = arith.constant 0 : i32
      %dma_wait3A_112 = tpu.memref_slice %arg9[%select_n3A_110, %dma_wait3A, %dma_wait3A_111] : memref<3x128x128xf32, #tpu.memory_space<vmem>> -> memref<1x128x128xf32, #tpu.memory_space<vmem>>
      %dma_wait3A_113 = tpu.memref_squeeze %dma_wait3A_112 : memref<1x128x128xf32, #tpu.memory_space<vmem>> -> memref<128x128xf32, #tpu.memory_space<vmem>>
      %dma_wait3A_114 = arith.constant 0 : i32
      %dma_wait3A_115 = tpu.memref_slice %arg7[%while3A_94, %dma_wait3A_114] : memref<158x128xi32, #tpu.memory_space<vmem>> -> memref<1x128xi32, #tpu.memory_space<vmem>>
      %dma_wait3A_116 = tpu.memref_squeeze %dma_wait3A_115 : memref<1x128xi32, #tpu.memory_space<vmem>> -> memref<128xi32, #tpu.memory_space<vmem>>
      %dma_wait3A_117 = arith.constant 0 : i32
      %dma_wait3A_118 = arith.constant 0 : i32
      %dma_wait3A_119 = tpu.memref_slice %arg2[%dma_wait3A_117, %dma_wait3A_118] : memref<10000x128xf32, #tpu.memory_space<hbm>> -> memref<10000x128xf32, #tpu.memory_space<hbm>>
      tpu.wait_indirect_dma semaphore(%arg12 : memref<!tpu.dma_semaphore, #tpu.memory_space<semaphore_mem>>) src(%dma_wait3A_119 : memref<10000x128xf32, #tpu.memory_space<hbm>>) dst(%dma_wait3A_113 : memref<128x128xf32, #tpu.memory_space<vmem>>)
      %jit3A_120 = arith.constant 3 : i32
      %eq3A_121 = arith.constant 0 : i32
      %eq3A_122 = arith.cmpi eq, %jit3A_120, %eq3A_121 : i32
      %jit3A_123 = arith.constant 1 : i32
      %select_n3A_124 = arith.select %eq3A_122, %jit3A_123, %jit3A_120 : i32
      %rem3A_125 = arith.remsi %while3A_94, %select_n3A_124 : i32
      %ne3A_126 = arith.constant 0 : i32
      %ne3A_127 = arith.cmpi ne, %rem3A_125, %ne3A_126 : i32
      %lt3A_128 = arith.constant 0 : i32
      %lt3A_129 = arith.cmpi slt, %rem3A_125, %lt3A_128 : i32
      %lt3A_130 = arith.constant 0 : i32
      %lt3A_131 = arith.cmpi slt, %select_n3A_124, %lt3A_130 : i32
      %ne3A_132 = arith.xori %lt3A_129, %lt3A_131 : i1
      %and3A_133 = arith.andi %ne3A_132, %ne3A_127 : i1
      %add3A_134 = arith.addi %rem3A_125, %select_n3A_124 : i32
      %select_n3A_135 = arith.select %and3A_133, %add3A_134, %rem3A_125 : i32
      %dma_start3A = arith.constant 0 : i32
      %dma_start3A_136 = arith.constant 0 : i32
      %dma_start3A_137 = tpu.memref_slice %arg9[%select_n3A_135, %dma_start3A, %dma_start3A_136] : memref<3x128x128xf32, #tpu.memory_space<vmem>> -> memref<1x128x128xf32, #tpu.memory_space<vmem>>
      %dma_start3A_138 = tpu.memref_squeeze %dma_start3A_137 : memref<1x128x128xf32, #tpu.memory_space<vmem>> -> memref<128x128xf32, #tpu.memory_space<vmem>>
      %dma_start3A_139 = arith.constant 0 : i32
      %dma_start3A_140 = tpu.memref_slice %arg8[%while3A_94, %dma_start3A_139] : memref<158x128xi32, #tpu.memory_space<vmem>> -> memref<1x128xi32, #tpu.memory_space<vmem>>
      %dma_start3A_141 = tpu.memref_squeeze %dma_start3A_140 : memref<1x128xi32, #tpu.memory_space<vmem>> -> memref<128xi32, #tpu.memory_space<vmem>>
      %dma_start3A_142 = arith.constant 0 : i32
      %dma_start3A_143 = arith.constant 0 : i32
      %dma_start3A_144 = tpu.memref_slice %arg11[%dma_start3A_142, %dma_start3A_143] : memref<5008x128xf32, #tpu.memory_space<vmem_shared>> -> memref<5008x128xf32, #tpu.memory_space<vmem_shared>>
      tpu.enqueue_indirect_dma source(%dma_start3A_138 : memref<128x128xf32, #tpu.memory_space<vmem>>) target(%dma_start3A_144 : memref<5008x128xf32, #tpu.memory_space<vmem_shared>>) offsets(%dma_start3A_141 : memref<128xi32, #tpu.memory_space<vmem>>) semaphore(%arg13 : memref<!tpu.dma_semaphore, #tpu.memory_space<semaphore_mem>>) {add = true}
      %ge3A_145 = arith.constant 1 : i32
      %ge3A_146 = arith.cmpi sge, %while3A_94, %ge3A_145 : i32
      %convert_element_type3A_147 = arith.extui %ge3A_146 : i1 to i32
      %cond3A_148 = arith.constant 0 : i32
      %cond3A_149 = arith.cmpi ne, %convert_element_type3A_147, %cond3A_148 : i32
      scf.if %cond3A_149 {
        %dma_wait3A_151 = arith.constant 0 : i32
        %dma_wait3A_152 = arith.constant 0 : i32
        %dma_wait3A_153 = arith.constant 0 : i32
        %dma_wait3A_154 = arith.constant 0 : i32
        %dma_wait3A_155 = tpu.memref_slice %arg9[%dma_wait3A_151, %dma_wait3A_153, %dma_wait3A_154] : memref<3x128x128xf32, #tpu.memory_space<vmem>> -> memref<1x128x128xf32, #tpu.memory_space<vmem>>
        %dma_wait3A_156 = tpu.memref_squeeze %dma_wait3A_155 : memref<1x128x128xf32, #tpu.memory_space<vmem>> -> memref<128x128xf32, #tpu.memory_space<vmem>>
        %dma_wait3A_157 = arith.constant 0 : i32
        %dma_wait3A_158 = tpu.memref_slice %arg8[%dma_wait3A_152, %dma_wait3A_157] : memref<158x128xi32, #tpu.memory_space<vmem>> -> memref<1x128xi32, #tpu.memory_space<vmem>>
        %dma_wait3A_159 = tpu.memref_squeeze %dma_wait3A_158 : memref<1x128xi32, #tpu.memory_space<vmem>> -> memref<128xi32, #tpu.memory_space<vmem>>
        %dma_wait3A_160 = arith.constant 0 : i32
        %dma_wait3A_161 = arith.constant 0 : i32
        %dma_wait3A_162 = tpu.memref_slice %arg11[%dma_wait3A_160, %dma_wait3A_161] : memref<5008x128xf32, #tpu.memory_space<vmem_shared>> -> memref<5008x128xf32, #tpu.memory_space<vmem_shared>>
        tpu.wait_indirect_dma semaphore(%arg13 : memref<!tpu.dma_semaphore, #tpu.memory_space<semaphore_mem>>) src(%dma_wait3A_156 : memref<128x128xf32, #tpu.memory_space<vmem>>) dst(%dma_wait3A_162 : memref<5008x128xf32, #tpu.memory_space<vmem_shared>>)
        %add3A_163 = arith.constant 2 : i32
        %add3A_164 = arith.addi %while3A_94, %add3A_163 : i32
        %lt3A_165 = arith.cmpi slt, %add3A_164, %select_n3A : i32
        %convert_element_type3A_166 = arith.extui %lt3A_165 : i1 to i32
        %cond3A_167 = arith.constant 0 : i32
        %cond3A_168 = arith.cmpi ne, %convert_element_type3A_166, %cond3A_167 : i32
        scf.if %cond3A_168 {
          %add3A_169 = arith.constant 2 : i32
          %add3A_170 = arith.addi %while3A_94, %add3A_169 : i32
          %jit3A_171 = arith.constant 3 : i32
          %eq3A_172 = arith.constant 0 : i32
          %eq3A_173 = arith.cmpi eq, %jit3A_171, %eq3A_172 : i32
          %jit3A_174 = arith.constant 1 : i32
          %select_n3A_175 = arith.select %eq3A_173, %jit3A_174, %jit3A_171 : i32
          %rem3A_176 = arith.remsi %add3A_170, %select_n3A_175 : i32
          %ne3A_177 = arith.constant 0 : i32
          %ne3A_178 = arith.cmpi ne, %rem3A_176, %ne3A_177 : i32
          %lt3A_179 = arith.constant 0 : i32
          %lt3A_180 = arith.cmpi slt, %rem3A_176, %lt3A_179 : i32
          %lt3A_181 = arith.constant 0 : i32
          %lt3A_182 = arith.cmpi slt, %select_n3A_175, %lt3A_181 : i32
          %ne3A_183 = arith.xori %lt3A_180, %lt3A_182 : i1
          %and3A_184 = arith.andi %ne3A_183, %ne3A_178 : i1
          %add3A_185 = arith.addi %rem3A_176, %select_n3A_175 : i32
          %select_n3A_186 = arith.select %and3A_184, %add3A_185, %rem3A_176 : i32
          %dma_start3A_187 = arith.constant 0 : i32
          %dma_start3A_188 = arith.constant 0 : i32
          %dma_start3A_189 = tpu.memref_slice %arg9[%select_n3A_186, %dma_start3A_187, %dma_start3A_188] : memref<3x128x128xf32, #tpu.memory_space<vmem>> -> memref<1x128x128xf32, #tpu.memory_space<vmem>>
          %dma_start3A_190 = tpu.memref_squeeze %dma_start3A_189 : memref<1x128x128xf32, #tpu.memory_space<vmem>> -> memref<128x128xf32, #tpu.memory_space<vmem>>
          %dma_start3A_191 = arith.constant 0 : i32
          %dma_start3A_192 = tpu.memref_slice %arg7[%add3A_170, %dma_start3A_191] : memref<158x128xi32, #tpu.memory_space<vmem>> -> memref<1x128xi32, #tpu.memory_space<vmem>>
          %dma_start3A_193 = tpu.memref_squeeze %dma_start3A_192 : memref<1x128xi32, #tpu.memory_space<vmem>> -> memref<128xi32, #tpu.memory_space<vmem>>
          %dma_start3A_194 = arith.constant 0 : i32
          %dma_start3A_195 = arith.constant 0 : i32
          %dma_start3A_196 = tpu.memref_slice %arg2[%dma_start3A_194, %dma_start3A_195] : memref<10000x128xf32, #tpu.memory_space<hbm>> -> memref<10000x128xf32, #tpu.memory_space<hbm>>
          tpu.enqueue_indirect_dma source(%dma_start3A_196 : memref<10000x128xf32, #tpu.memory_space<hbm>>) target(%dma_start3A_190 : memref<128x128xf32, #tpu.memory_space<vmem>>) offsets(%dma_start3A_193 : memref<128xi32, #tpu.memory_space<vmem>>) semaphore(%arg12 : memref<!tpu.dma_semaphore, #tpu.memory_space<semaphore_mem>>)
        } else {
        }
      } else {
      }
      %while3A_150 = arith.constant 0 : i32
      scf.yield %while3A_150 : i32
    }
    %ge3A = arith.constant 1 : i32
    %ge3A_77 = arith.cmpi sge, %select_n3A, %ge3A : i32
    %convert_element_type3A_78 = arith.extui %ge3A_77 : i1 to i32
    %cond3A_79 = arith.constant 0 : i32
    %cond3A_80 = arith.cmpi ne, %convert_element_type3A_78, %cond3A_79 : i32
    scf.if %cond3A_80 {
      %dma_wait3A = arith.constant 0 : i32
      %dma_wait3A_94 = arith.constant 0 : i32
      %dma_wait3A_95 = arith.constant 0 : i32
      %dma_wait3A_96 = arith.constant 0 : i32
      %dma_wait3A_97 = tpu.memref_slice %arg9[%dma_wait3A, %dma_wait3A_95, %dma_wait3A_96] : memref<3x128x128xf32, #tpu.memory_space<vmem>> -> memref<1x128x128xf32, #tpu.memory_space<vmem>>
      %dma_wait3A_98 = tpu.memref_squeeze %dma_wait3A_97 : memref<1x128x128xf32, #tpu.memory_space<vmem>> -> memref<128x128xf32, #tpu.memory_space<vmem>>
      %dma_wait3A_99 = arith.constant 0 : i32
      %dma_wait3A_100 = tpu.memref_slice %arg8[%dma_wait3A_94, %dma_wait3A_99] : memref<158x128xi32, #tpu.memory_space<vmem>> -> memref<1x128xi32, #tpu.memory_space<vmem>>
      %dma_wait3A_101 = tpu.memref_squeeze %dma_wait3A_100 : memref<1x128xi32, #tpu.memory_space<vmem>> -> memref<128xi32, #tpu.memory_space<vmem>>
      %dma_wait3A_102 = arith.constant 0 : i32
      %dma_wait3A_103 = arith.constant 0 : i32
      %dma_wait3A_104 = tpu.memref_slice %arg11[%dma_wait3A_102, %dma_wait3A_103] : memref<5008x128xf32, #tpu.memory_space<vmem_shared>> -> memref<5008x128xf32, #tpu.memory_space<vmem_shared>>
      tpu.wait_indirect_dma semaphore(%arg13 : memref<!tpu.dma_semaphore, #tpu.memory_space<semaphore_mem>>) src(%dma_wait3A_98 : memref<128x128xf32, #tpu.memory_space<vmem>>) dst(%dma_wait3A_104 : memref<5008x128xf32, #tpu.memory_space<vmem_shared>>)
    } else {
    }
    %barrier3A_81 = arith.constant 0 : index
    tpu.barrier barrier_id(%barrier3A_81)
    %mul3A_82 = arith.constant 312 : i32
    %mul3A_83 = arith.muli %arg1, %mul3A_82 : i32
    %mul3A_84 = arith.constant 5000 : i32
    %mul3A_85 = arith.muli %arg0, %mul3A_84 : i32
    %mul3A_86 = arith.constant 312 : i32
    %mul3A_87 = arith.muli %arg1, %mul3A_86 : i32
    %add3A_88 = arith.addi %mul3A_85, %mul3A_87 : i32
    "tpu.region"() ({
      %run_scoped3A_94 = tpu.sem_alloc : memref<!tpu.dma_semaphore, #tpu.memory_space<semaphore_mem>>
      %dma_start3A = arith.constant 0 : i32
      %dma_start3A_95 = tpu.memref_slice %arg6[%add3A_88, %dma_start3A] : memref<10000x128xf32, #tpu.memory_space<hbm>> -> memref<312x128xf32, #tpu.memory_space<hbm>>
      %dma_start3A_96 = arith.constant 0 : i32
      %dma_start3A_97 = tpu.memref_slice %arg11[%mul3A_83, %dma_start3A_96] : memref<5008x128xf32, #tpu.memory_space<vmem_shared>> -> memref<312x128xf32, #tpu.memory_space<vmem_shared>>
      tpu.enqueue_dma source(%dma_start3A_97 : memref<312x128xf32, #tpu.memory_space<vmem_shared>>) target(%dma_start3A_95 : memref<312x128xf32, #tpu.memory_space<hbm>>) target_semaphore(%run_scoped3A_94 : memref<!tpu.dma_semaphore, #tpu.memory_space<semaphore_mem>>)
      %dma_wait3A = arith.constant 0 : i32
      %dma_wait3A_98 = tpu.memref_slice %arg6[%add3A_88, %dma_wait3A] : memref<10000x128xf32, #tpu.memory_space<hbm>> -> memref<312x128xf32, #tpu.memory_space<hbm>>
      %dma_wait3A_99 = arith.constant 0 : i32
      %dma_wait3A_100 = tpu.memref_slice %arg11[%mul3A_83, %dma_wait3A_99] : memref<5008x128xf32, #tpu.memory_space<vmem_shared>> -> memref<312x128xf32, #tpu.memory_space<vmem_shared>>
      tpu.wait_dma2 semaphore(%run_scoped3A_94 : memref<!tpu.dma_semaphore, #tpu.memory_space<semaphore_mem>>) src(%dma_wait3A_100 : memref<312x128xf32, #tpu.memory_space<vmem_shared>>) dst(%dma_wait3A_98 : memref<312x128xf32, #tpu.memory_space<hbm>>)
      tpu.yield
    }) : () -> ()
    %eq3A_89 = arith.constant 15 : i32
    %eq3A_90 = arith.cmpi eq, %arg1, %eq3A_89 : i32
    %convert_element_type3A_91 = arith.extui %eq3A_90 : i1 to i32
    %cond3A_92 = arith.constant 0 : i32
    %cond3A_93 = arith.cmpi ne, %convert_element_type3A_91, %cond3A_92 : i32
    scf.if %cond3A_93 {
      %mul3A_94 = arith.constant 5000 : i32
      %mul3A_95 = arith.muli %arg0, %mul3A_94 : i32
      %add3A_96 = arith.constant 5000 : i32
      %add3A_97 = arith.addi %mul3A_95, %add3A_96 : i32
      %sub3A_98 = arith.constant 8 : i32
      %sub3A_99 = arith.subi %add3A_97, %sub3A_98 : i32
      "tpu.region"() ({
        %run_scoped3A_100 = tpu.sem_alloc : memref<!tpu.dma_semaphore, #tpu.memory_space<semaphore_mem>>
        %dma_start3A = arith.constant 0 : i32
        %dma_start3A_101 = tpu.memref_slice %arg6[%sub3A_99, %dma_start3A] : memref<10000x128xf32, #tpu.memory_space<hbm>> -> memref<8x128xf32, #tpu.memory_space<hbm>>
        %dma_start3A_102 = arith.constant 4992 : i32
        %dma_start3A_103 = arith.constant 0 : i32
        %dma_start3A_104 = tpu.memref_slice %arg11[%dma_start3A_102, %dma_start3A_103] : memref<5008x128xf32, #tpu.memory_space<vmem_shared>> -> memref<8x128xf32, #tpu.memory_space<vmem_shared>>
        tpu.enqueue_dma source(%dma_start3A_104 : memref<8x128xf32, #tpu.memory_space<vmem_shared>>) target(%dma_start3A_101 : memref<8x128xf32, #tpu.memory_space<hbm>>) target_semaphore(%run_scoped3A_100 : memref<!tpu.dma_semaphore, #tpu.memory_space<semaphore_mem>>)
        %dma_wait3A = arith.constant 0 : i32
        %dma_wait3A_105 = tpu.memref_slice %arg6[%sub3A_99, %dma_wait3A] : memref<10000x128xf32, #tpu.memory_space<hbm>> -> memref<8x128xf32, #tpu.memory_space<hbm>>
        %dma_wait3A_106 = arith.constant 4992 : i32
        %dma_wait3A_107 = arith.constant 0 : i32
        %dma_wait3A_108 = tpu.memref_slice %arg11[%dma_wait3A_106, %dma_wait3A_107] : memref<5008x128xf32, #tpu.memory_space<vmem_shared>> -> memref<8x128xf32, #tpu.memory_space<vmem_shared>>
        tpu.wait_dma2 semaphore(%run_scoped3A_100 : memref<!tpu.dma_semaphore, #tpu.memory_space<semaphore_mem>>) src(%dma_wait3A_108 : memref<8x128xf32, #tpu.memory_space<vmem_shared>>) dst(%dma_wait3A_105 : memref<8x128xf32, #tpu.memory_space<hbm>>)
        tpu.yield
      }) : () -> ()
    } else {
    }
    return
  }
}

#map = affine_map<(d0, d1) -> (0, 0)>
#map1 = affine_map<(d0, d1) -> (0, 0, 0)>
#map2 = affine_map<(d0, d1) -> (0)>
module attributes {stable_mosaic.version = 14 : i64} {
  func.func @_agg_kernel(%arg0: i32, %arg1: i32, %arg2: memref<10000x128xf32, #tpu.memory_space<hbm>>, %arg3: memref<32x158x128xi32, #tpu.memory_space<hbm>>, %arg4: memref<32x158x128xi32, #tpu.memory_space<hbm>>, %arg5: memref<512xi32, #tpu.memory_space<hbm>>, %arg6: memref<10000x128xf32, #tpu.memory_space<hbm>>, %arg7: memref<158x128xi32, #tpu.memory_space<vmem>>, %arg8: memref<158x128xi32, #tpu.memory_space<vmem>>, %arg9: memref<3x128x128xf32, #tpu.memory_space<vmem>>, %arg10: memref<16xi32, #tpu.memory_space<vmem>>, %arg11: memref<5008x128xf32, #tpu.memory_space<vmem_shared>>, %arg12: memref<!tpu.dma_semaphore, #tpu.memory_space<semaphore_mem>>, %arg13: memref<!tpu.dma_semaphore, #tpu.memory_space<semaphore_mem>>) attributes {dimension_semantics = [#tpu.dimension_semantics<core_parallel>, #tpu.dimension_semantics<subcore_parallel>], iteration_bounds = array<i64: 2, 16>, scalar_prefetch = 0 : i64, scratch_operands = 7 : i64, tpu.core_type = #tpu.core_type<sc_vector_subcore>, window_params = [{transform_indices = #map}, {transform_indices = #map1}, {transform_indices = #map1}, {transform_indices = #map2}, {transform_indices = #map}]} {
    %broadcast_in_dim3A = arith.constant 0.000000e+00 : f32
    %broadcast_in_dim3A_0 = vector.broadcast %broadcast_in_dim3A : f32 to vector<16xf32>
    %scan3A = arith.constant 0 : i32
    %scan3A_1 = arith.constant 0 : i32
    %scan3A_2 = arith.constant 1024 : i32
    %scan3A_3 = arith.addi %scan3A_1, %scan3A_2 : i32
    %scan3A_4 = arith.constant 1 : i32
    %scan3A_5 = scf.for %scan3A_94 = %scan3A_1 to %scan3A_3 step %scan3A_4 iter_args(%scan3A_95 = %scan3A) -> (i32)  : i32 {
      %jit3A_96 = arith.constant 8 : i32
      %div3A_97 = arith.divsi %scan3A_94, %jit3A_96 : i32
      %sign3A_98 = arith.constant 0 : i32
      %sign3A_99 = arith.cmpi sgt, %scan3A_94, %sign3A_98 : i32
      %sign3A_100 = arith.extui %sign3A_99 : i1 to i32
      %sign3A_101 = arith.constant 0 : i32
      %sign3A_102 = arith.cmpi slt, %scan3A_94, %sign3A_101 : i32
      %sign3A_103 = arith.extui %sign3A_102 : i1 to i32
      %sign3A_104 = arith.subi %sign3A_100, %sign3A_103 : i32
      %sign3A_105 = arith.constant 0 : i32
      %sign3A_106 = arith.cmpi sgt, %jit3A_96, %sign3A_105 : i32
      %sign3A_107 = arith.extui %sign3A_106 : i1 to i32
      %sign3A_108 = arith.constant 0 : i32
      %sign3A_109 = arith.cmpi slt, %jit3A_96, %sign3A_108 : i32
      %sign3A_110 = arith.extui %sign3A_109 : i1 to i32
      %sign3A_111 = arith.subi %sign3A_107, %sign3A_110 : i32
      %ne3A_112 = arith.cmpi ne, %sign3A_104, %sign3A_111 : i32
      %rem3A_113 = arith.remsi %scan3A_94, %jit3A_96 : i32
      %ne3A_114 = arith.constant 0 : i32
      %ne3A_115 = arith.cmpi ne, %rem3A_113, %ne3A_114 : i32
      %and3A_116 = arith.andi %ne3A_112, %ne3A_115 : i1
      %sub3A_117 = arith.constant 1 : i32
      %sub3A_118 = arith.subi %div3A_97, %sub3A_117 : i32
      %select_n3A_119 = arith.select %and3A_116, %sub3A_118, %div3A_97 : i32
      %jit3A_120 = arith.constant 8 : i32
      %eq3A_121 = arith.constant 0 : i32
      %eq3A_122 = arith.cmpi eq, %jit3A_120, %eq3A_121 : i32
      %jit3A_123 = arith.constant 1 : i32
      %select_n3A_124 = arith.select %eq3A_122, %jit3A_123, %jit3A_120 : i32
      %rem3A_125 = arith.remsi %scan3A_94, %select_n3A_124 : i32
      %ne3A_126 = arith.constant 0 : i32
      %ne3A_127 = arith.cmpi ne, %rem3A_125, %ne3A_126 : i32
      %lt3A = arith.constant 0 : i32
      %lt3A_128 = arith.cmpi slt, %rem3A_125, %lt3A : i32
      %lt3A_129 = arith.constant 0 : i32
      %lt3A_130 = arith.cmpi slt, %select_n3A_124, %lt3A_129 : i32
      %ne3A_131 = arith.xori %lt3A_128, %lt3A_130 : i1
      %and3A_132 = arith.andi %ne3A_131, %ne3A_127 : i1
      %add3A_133 = arith.addi %rem3A_125, %select_n3A_124 : i32
      %select_n3A_134 = arith.select %and3A_132, %add3A_133, %rem3A_125 : i32
      %mul3A_135 = arith.constant 16 : i32
      %mul3A_136 = arith.muli %select_n3A_134, %mul3A_135 : i32
      %swap3A = arith.constant 0 : i32
      %swap3A_137 = arith.index_cast %swap3A : i32 to index
      %swap3A_138 = arith.index_cast %select_n3A_119 : i32 to index
      %swap3A_139 = arith.index_cast %mul3A_136 : i32 to index
      %swap3A_140 = tpu.vector_load %arg9[%swap3A_137, %swap3A_138, %swap3A_139] {strides = array<i32>} : memref<3x128x128xf32, #tpu.memory_space<vmem>>, vector<16xf32>,
      tpu.vector_store %arg9[%swap3A_137, %swap3A_138, %swap3A_139], %broadcast_in_dim3A_0 {strides = array<i32>} : memref<3x128x128xf32, #tpu.memory_space<vmem>>, vector<16xf32>,
      %scan3A_141 = arith.constant 0 : i32
      scf.yield %scan3A_141 : i32
    }
    %scan3A_6 = arith.constant 1024 : i32
    %mul3A = arith.constant 312 : i32
    %mul3A_7 = arith.muli %arg1, %mul3A : i32
    %run_scoped3A = arith.constant 0 : i32
    "tpu.region"() ({
      %run_scoped3A_94 = tpu.sem_alloc : memref<!tpu.dma_semaphore, #tpu.memory_space<semaphore_mem>>
      %dma_start3A = arith.constant 0 : i32
      %dma_start3A_95 = arith.constant 0 : i32
      %dma_start3A_96 = tpu.memref_slice %arg9[%run_scoped3A, %dma_start3A, %dma_start3A_95] : memref<3x128x128xf32, #tpu.memory_space<vmem>> -> memref<1x128x128xf32, #tpu.memory_space<vmem>>
      %dma_start3A_97 = tpu.memref_squeeze %dma_start3A_96 : memref<1x128x128xf32, #tpu.memory_space<vmem>> -> memref<128x128xf32, #tpu.memory_space<vmem>>
      %dma_start3A_98 = arith.constant 0 : i32
      %dma_start3A_99 = tpu.memref_slice %arg11[%mul3A_7, %dma_start3A_98] : memref<5008x128xf32, #tpu.memory_space<vmem_shared>> -> memref<128x128xf32, #tpu.memory_space<vmem_shared>>
      %dma_start3A_100 = arith.constant 0 : i32
      %dma_start3A_101 = tpu.memref_slice %arg11[%mul3A_7, %dma_start3A_100] : memref<5008x128xf32, #tpu.memory_space<vmem_shared>> -> memref<128x128xf32, #tpu.memory_space<vmem_shared>>
      %dma_start3A_102 = arith.constant 0 : i32
      %dma_start3A_103 = arith.constant 0 : i32
      %dma_start3A_104 = tpu.memref_slice %arg9[%run_scoped3A, %dma_start3A_102, %dma_start3A_103] : memref<3x128x128xf32, #tpu.memory_space<vmem>> -> memref<1x128x128xf32, #tpu.memory_space<vmem>>
      %dma_start3A_105 = tpu.memref_squeeze %dma_start3A_104 : memref<1x128x128xf32, #tpu.memory_space<vmem>> -> memref<128x128xf32, #tpu.memory_space<vmem>>
      tpu.enqueue_dma source(%dma_start3A_105 : memref<128x128xf32, #tpu.memory_space<vmem>>) target(%dma_start3A_101 : memref<128x128xf32, #tpu.memory_space<vmem_shared>>) target_semaphore(%run_scoped3A_94 : memref<!tpu.dma_semaphore, #tpu.memory_space<semaphore_mem>>)
      %dma_wait3A = arith.constant 0 : i32
      %dma_wait3A_106 = arith.constant 0 : i32
      %dma_wait3A_107 = tpu.memref_slice %arg9[%run_scoped3A, %dma_wait3A, %dma_wait3A_106] : memref<3x128x128xf32, #tpu.memory_space<vmem>> -> memref<1x128x128xf32, #tpu.memory_space<vmem>>
      %dma_wait3A_108 = tpu.memref_squeeze %dma_wait3A_107 : memref<1x128x128xf32, #tpu.memory_space<vmem>> -> memref<128x128xf32, #tpu.memory_space<vmem>>
      %dma_wait3A_109 = arith.constant 0 : i32
      %dma_wait3A_110 = tpu.memref_slice %arg11[%mul3A_7, %dma_wait3A_109] : memref<5008x128xf32, #tpu.memory_space<vmem_shared>> -> memref<128x128xf32, #tpu.memory_space<vmem_shared>>
      %dma_wait3A_111 = arith.constant 0 : i32
      %dma_wait3A_112 = tpu.memref_slice %arg11[%mul3A_7, %dma_wait3A_111] : memref<5008x128xf32, #tpu.memory_space<vmem_shared>> -> memref<128x128xf32, #tpu.memory_space<vmem_shared>>
      %dma_wait3A_113 = arith.constant 0 : i32
      %dma_wait3A_114 = arith.constant 0 : i32
      %dma_wait3A_115 = tpu.memref_slice %arg9[%run_scoped3A, %dma_wait3A_113, %dma_wait3A_114] : memref<3x128x128xf32, #tpu.memory_space<vmem>> -> memref<1x128x128xf32, #tpu.memory_space<vmem>>
      %dma_wait3A_116 = tpu.memref_squeeze %dma_wait3A_115 : memref<1x128x128xf32, #tpu.memory_space<vmem>> -> memref<128x128xf32, #tpu.memory_space<vmem>>
      tpu.wait_dma2 semaphore(%run_scoped3A_94 : memref<!tpu.dma_semaphore, #tpu.memory_space<semaphore_mem>>) src(%dma_wait3A_116 : memref<128x128xf32, #tpu.memory_space<vmem>>) dst(%dma_wait3A_112 : memref<128x128xf32, #tpu.memory_space<vmem_shared>>)
      tpu.yield
    }) : () -> ()
    %mul3A_8 = arith.constant 312 : i32
    %mul3A_9 = arith.muli %arg1, %mul3A_8 : i32
    %add3A = arith.constant 128 : i32
    %add3A_10 = arith.addi %mul3A_9, %add3A : i32
    %run_scoped3A_11 = arith.constant 0 : i32
    "tpu.region"() ({
      %run_scoped3A_94 = tpu.sem_alloc : memref<!tpu.dma_semaphore, #tpu.memory_space<semaphore_mem>>
      %dma_start3A = arith.constant 0 : i32
      %dma_start3A_95 = arith.constant 0 : i32
      %dma_start3A_96 = tpu.memref_slice %arg9[%run_scoped3A_11, %dma_start3A, %dma_start3A_95] : memref<3x128x128xf32, #tpu.memory_space<vmem>> -> memref<1x128x128xf32, #tpu.memory_space<vmem>>
      %dma_start3A_97 = tpu.memref_squeeze %dma_start3A_96 : memref<1x128x128xf32, #tpu.memory_space<vmem>> -> memref<128x128xf32, #tpu.memory_space<vmem>>
      %dma_start3A_98 = arith.constant 0 : i32
      %dma_start3A_99 = tpu.memref_slice %arg11[%add3A_10, %dma_start3A_98] : memref<5008x128xf32, #tpu.memory_space<vmem_shared>> -> memref<128x128xf32, #tpu.memory_space<vmem_shared>>
      %dma_start3A_100 = arith.constant 0 : i32
      %dma_start3A_101 = tpu.memref_slice %arg11[%add3A_10, %dma_start3A_100] : memref<5008x128xf32, #tpu.memory_space<vmem_shared>> -> memref<128x128xf32, #tpu.memory_space<vmem_shared>>
      %dma_start3A_102 = arith.constant 0 : i32
      %dma_start3A_103 = arith.constant 0 : i32
      %dma_start3A_104 = tpu.memref_slice %arg9[%run_scoped3A_11, %dma_start3A_102, %dma_start3A_103] : memref<3x128x128xf32, #tpu.memory_space<vmem>> -> memref<1x128x128xf32, #tpu.memory_space<vmem>>
      %dma_start3A_105 = tpu.memref_squeeze %dma_start3A_104 : memref<1x128x128xf32, #tpu.memory_space<vmem>> -> memref<128x128xf32, #tpu.memory_space<vmem>>
      tpu.enqueue_dma source(%dma_start3A_105 : memref<128x128xf32, #tpu.memory_space<vmem>>) target(%dma_start3A_101 : memref<128x128xf32, #tpu.memory_space<vmem_shared>>) target_semaphore(%run_scoped3A_94 : memref<!tpu.dma_semaphore, #tpu.memory_space<semaphore_mem>>)
      %dma_wait3A = arith.constant 0 : i32
      %dma_wait3A_106 = arith.constant 0 : i32
      %dma_wait3A_107 = tpu.memref_slice %arg9[%run_scoped3A_11, %dma_wait3A, %dma_wait3A_106] : memref<3x128x128xf32, #tpu.memory_space<vmem>> -> memref<1x128x128xf32, #tpu.memory_space<vmem>>
      %dma_wait3A_108 = tpu.memref_squeeze %dma_wait3A_107 : memref<1x128x128xf32, #tpu.memory_space<vmem>> -> memref<128x128xf32, #tpu.memory_space<vmem>>
      %dma_wait3A_109 = arith.constant 0 : i32
      %dma_wait3A_110 = tpu.memref_slice %arg11[%add3A_10, %dma_wait3A_109] : memref<5008x128xf32, #tpu.memory_space<vmem_shared>> -> memref<128x128xf32, #tpu.memory_space<vmem_shared>>
      %dma_wait3A_111 = arith.constant 0 : i32
      %dma_wait3A_112 = tpu.memref_slice %arg11[%add3A_10, %dma_wait3A_111] : memref<5008x128xf32, #tpu.memory_space<vmem_shared>> -> memref<128x128xf32, #tpu.memory_space<vmem_shared>>
      %dma_wait3A_113 = arith.constant 0 : i32
      %dma_wait3A_114 = arith.constant 0 : i32
      %dma_wait3A_115 = tpu.memref_slice %arg9[%run_scoped3A_11, %dma_wait3A_113, %dma_wait3A_114] : memref<3x128x128xf32, #tpu.memory_space<vmem>> -> memref<1x128x128xf32, #tpu.memory_space<vmem>>
      %dma_wait3A_116 = tpu.memref_squeeze %dma_wait3A_115 : memref<1x128x128xf32, #tpu.memory_space<vmem>> -> memref<128x128xf32, #tpu.memory_space<vmem>>
      tpu.wait_dma2 semaphore(%run_scoped3A_94 : memref<!tpu.dma_semaphore, #tpu.memory_space<semaphore_mem>>) src(%dma_wait3A_116 : memref<128x128xf32, #tpu.memory_space<vmem>>) dst(%dma_wait3A_112 : memref<128x128xf32, #tpu.memory_space<vmem_shared>>)
      tpu.yield
    }) : () -> ()
    %mul3A_12 = arith.constant 312 : i32
    %mul3A_13 = arith.muli %arg1, %mul3A_12 : i32
    %add3A_14 = arith.constant 256 : i32
    %add3A_15 = arith.addi %mul3A_13, %add3A_14 : i32
    %run_scoped3A_16 = arith.constant 0 : i32
    "tpu.region"() ({
      %run_scoped3A_94 = tpu.sem_alloc : memref<!tpu.dma_semaphore, #tpu.memory_space<semaphore_mem>>
      %dma_start3A = arith.constant 0 : i32
      %dma_start3A_95 = arith.constant 0 : i32
      %dma_start3A_96 = tpu.memref_slice %arg9[%run_scoped3A_16, %dma_start3A, %dma_start3A_95] : memref<3x128x128xf32, #tpu.memory_space<vmem>> -> memref<1x56x128xf32, #tpu.memory_space<vmem>>
      %dma_start3A_97 = tpu.memref_squeeze %dma_start3A_96 : memref<1x56x128xf32, #tpu.memory_space<vmem>> -> memref<56x128xf32, #tpu.memory_space<vmem>>
      %dma_start3A_98 = arith.constant 0 : i32
      %dma_start3A_99 = tpu.memref_slice %arg11[%add3A_15, %dma_start3A_98] : memref<5008x128xf32, #tpu.memory_space<vmem_shared>> -> memref<56x128xf32, #tpu.memory_space<vmem_shared>>
      %dma_start3A_100 = arith.constant 0 : i32
      %dma_start3A_101 = tpu.memref_slice %arg11[%add3A_15, %dma_start3A_100] : memref<5008x128xf32, #tpu.memory_space<vmem_shared>> -> memref<56x128xf32, #tpu.memory_space<vmem_shared>>
      %dma_start3A_102 = arith.constant 0 : i32
      %dma_start3A_103 = arith.constant 0 : i32
      %dma_start3A_104 = tpu.memref_slice %arg9[%run_scoped3A_16, %dma_start3A_102, %dma_start3A_103] : memref<3x128x128xf32, #tpu.memory_space<vmem>> -> memref<1x56x128xf32, #tpu.memory_space<vmem>>
      %dma_start3A_105 = tpu.memref_squeeze %dma_start3A_104 : memref<1x56x128xf32, #tpu.memory_space<vmem>> -> memref<56x128xf32, #tpu.memory_space<vmem>>
      tpu.enqueue_dma source(%dma_start3A_105 : memref<56x128xf32, #tpu.memory_space<vmem>>) target(%dma_start3A_101 : memref<56x128xf32, #tpu.memory_space<vmem_shared>>) target_semaphore(%run_scoped3A_94 : memref<!tpu.dma_semaphore, #tpu.memory_space<semaphore_mem>>)
      %dma_wait3A = arith.constant 0 : i32
      %dma_wait3A_106 = arith.constant 0 : i32
      %dma_wait3A_107 = tpu.memref_slice %arg9[%run_scoped3A_16, %dma_wait3A, %dma_wait3A_106] : memref<3x128x128xf32, #tpu.memory_space<vmem>> -> memref<1x56x128xf32, #tpu.memory_space<vmem>>
      %dma_wait3A_108 = tpu.memref_squeeze %dma_wait3A_107 : memref<1x56x128xf32, #tpu.memory_space<vmem>> -> memref<56x128xf32, #tpu.memory_space<vmem>>
      %dma_wait3A_109 = arith.constant 0 : i32
      %dma_wait3A_110 = tpu.memref_slice %arg11[%add3A_15, %dma_wait3A_109] : memref<5008x128xf32, #tpu.memory_space<vmem_shared>> -> memref<56x128xf32, #tpu.memory_space<vmem_shared>>
      %dma_wait3A_111 = arith.constant 0 : i32
      %dma_wait3A_112 = tpu.memref_slice %arg11[%add3A_15, %dma_wait3A_111] : memref<5008x128xf32, #tpu.memory_space<vmem_shared>> -> memref<56x128xf32, #tpu.memory_space<vmem_shared>>
      %dma_wait3A_113 = arith.constant 0 : i32
      %dma_wait3A_114 = arith.constant 0 : i32
      %dma_wait3A_115 = tpu.memref_slice %arg9[%run_scoped3A_16, %dma_wait3A_113, %dma_wait3A_114] : memref<3x128x128xf32, #tpu.memory_space<vmem>> -> memref<1x56x128xf32, #tpu.memory_space<vmem>>
      %dma_wait3A_116 = tpu.memref_squeeze %dma_wait3A_115 : memref<1x56x128xf32, #tpu.memory_space<vmem>> -> memref<56x128xf32, #tpu.memory_space<vmem>>
      tpu.wait_dma2 semaphore(%run_scoped3A_94 : memref<!tpu.dma_semaphore, #tpu.memory_space<semaphore_mem>>) src(%dma_wait3A_116 : memref<56x128xf32, #tpu.memory_space<vmem>>) dst(%dma_wait3A_112 : memref<56x128xf32, #tpu.memory_space<vmem_shared>>)
      tpu.yield
    }) : () -> ()
    %eq3A = arith.constant 15 : i32
    %eq3A_17 = arith.cmpi eq, %arg1, %eq3A : i32
    %convert_element_type3A = arith.extui %eq3A_17 : i1 to i32
    %cond3A = arith.constant 0 : i32
    %cond3A_18 = arith.cmpi ne, %convert_element_type3A, %cond3A : i32
    scf.if %cond3A_18 {
      %run_scoped3A_94 = arith.constant 0 : i32
      "tpu.region"() ({
        %run_scoped3A_95 = tpu.sem_alloc : memref<!tpu.dma_semaphore, #tpu.memory_space<semaphore_mem>>
        %dma_start3A = arith.constant 0 : i32
        %dma_start3A_96 = arith.constant 0 : i32
        %dma_start3A_97 = tpu.memref_slice %arg9[%run_scoped3A_94, %dma_start3A, %dma_start3A_96] : memref<3x128x128xf32, #tpu.memory_space<vmem>> -> memref<1x8x128xf32, #tpu.memory_space<vmem>>
        %dma_start3A_98 = tpu.memref_squeeze %dma_start3A_97 : memref<1x8x128xf32, #tpu.memory_space<vmem>> -> memref<8x128xf32, #tpu.memory_space<vmem>>
        %dma_start3A_99 = arith.constant 4992 : i32
        %dma_start3A_100 = arith.constant 0 : i32
        %dma_start3A_101 = tpu.memref_slice %arg11[%dma_start3A_99, %dma_start3A_100] : memref<5008x128xf32, #tpu.memory_space<vmem_shared>> -> memref<8x128xf32, #tpu.memory_space<vmem_shared>>
        %dma_start3A_102 = arith.constant 4992 : i32
        %dma_start3A_103 = arith.constant 0 : i32
        %dma_start3A_104 = tpu.memref_slice %arg11[%dma_start3A_102, %dma_start3A_103] : memref<5008x128xf32, #tpu.memory_space<vmem_shared>> -> memref<8x128xf32, #tpu.memory_space<vmem_shared>>
        %dma_start3A_105 = arith.constant 0 : i32
        %dma_start3A_106 = arith.constant 0 : i32
        %dma_start3A_107 = tpu.memref_slice %arg9[%run_scoped3A_94, %dma_start3A_105, %dma_start3A_106] : memref<3x128x128xf32, #tpu.memory_space<vmem>> -> memref<1x8x128xf32, #tpu.memory_space<vmem>>
        %dma_start3A_108 = tpu.memref_squeeze %dma_start3A_107 : memref<1x8x128xf32, #tpu.memory_space<vmem>> -> memref<8x128xf32, #tpu.memory_space<vmem>>
        tpu.enqueue_dma source(%dma_start3A_108 : memref<8x128xf32, #tpu.memory_space<vmem>>) target(%dma_start3A_104 : memref<8x128xf32, #tpu.memory_space<vmem_shared>>) target_semaphore(%run_scoped3A_95 : memref<!tpu.dma_semaphore, #tpu.memory_space<semaphore_mem>>)
        %dma_wait3A = arith.constant 0 : i32
        %dma_wait3A_109 = arith.constant 0 : i32
        %dma_wait3A_110 = tpu.memref_slice %arg9[%run_scoped3A_94, %dma_wait3A, %dma_wait3A_109] : memref<3x128x128xf32, #tpu.memory_space<vmem>> -> memref<1x8x128xf32, #tpu.memory_space<vmem>>
        %dma_wait3A_111 = tpu.memref_squeeze %dma_wait3A_110 : memref<1x8x128xf32, #tpu.memory_space<vmem>> -> memref<8x128xf32, #tpu.memory_space<vmem>>
        %dma_wait3A_112 = arith.constant 4992 : i32
        %dma_wait3A_113 = arith.constant 0 : i32
        %dma_wait3A_114 = tpu.memref_slice %arg11[%dma_wait3A_112, %dma_wait3A_113] : memref<5008x128xf32, #tpu.memory_space<vmem_shared>> -> memref<8x128xf32, #tpu.memory_space<vmem_shared>>
        %dma_wait3A_115 = arith.constant 4992 : i32
        %dma_wait3A_116 = arith.constant 0 : i32
        %dma_wait3A_117 = tpu.memref_slice %arg11[%dma_wait3A_115, %dma_wait3A_116] : memref<5008x128xf32, #tpu.memory_space<vmem_shared>> -> memref<8x128xf32, #tpu.memory_space<vmem_shared>>
        %dma_wait3A_118 = arith.constant 0 : i32
        %dma_wait3A_119 = arith.constant 0 : i32
        %dma_wait3A_120 = tpu.memref_slice %arg9[%run_scoped3A_94, %dma_wait3A_118, %dma_wait3A_119] : memref<3x128x128xf32, #tpu.memory_space<vmem>> -> memref<1x8x128xf32, #tpu.memory_space<vmem>>
        %dma_wait3A_121 = tpu.memref_squeeze %dma_wait3A_120 : memref<1x8x128xf32, #tpu.memory_space<vmem>> -> memref<8x128xf32, #tpu.memory_space<vmem>>
        tpu.wait_dma2 semaphore(%run_scoped3A_95 : memref<!tpu.dma_semaphore, #tpu.memory_space<semaphore_mem>>) src(%dma_wait3A_121 : memref<8x128xf32, #tpu.memory_space<vmem>>) dst(%dma_wait3A_117 : memref<8x128xf32, #tpu.memory_space<vmem_shared>>)
        tpu.yield
      }) : () -> ()
    } else {
    }
    %barrier3A = arith.constant 0 : index
    tpu.barrier barrier_id(%barrier3A)
    %mul3A_19 = arith.constant 16 : i32
    %mul3A_20 = arith.muli %arg0, %mul3A_19 : i32
    %add3A_21 = arith.addi %mul3A_20, %arg1 : i32
    %mul3A_22 = arith.constant 16 : i32
    %mul3A_23 = arith.muli %add3A_21, %mul3A_22 : i32
    "tpu.region"() ({
      %run_scoped3A_94 = tpu.sem_alloc : memref<!tpu.dma_semaphore, #tpu.memory_space<semaphore_mem>>
      %dma_start3A = tpu.memref_slice %arg5[%mul3A_23] : memref<512xi32, #tpu.memory_space<hbm>> -> memref<16xi32, #tpu.memory_space<hbm>>
      %dma_start3A_95 = tpu.memref_slice %arg5[%mul3A_23] : memref<512xi32, #tpu.memory_space<hbm>> -> memref<16xi32, #tpu.memory_space<hbm>>
      tpu.enqueue_dma source(%dma_start3A_95 : memref<16xi32, #tpu.memory_space<hbm>>) target(%arg10 : memref<16xi32, #tpu.memory_space<vmem>>) target_semaphore(%run_scoped3A_94 : memref<!tpu.dma_semaphore, #tpu.memory_space<semaphore_mem>>)
      %dma_wait3A = tpu.memref_slice %arg5[%mul3A_23] : memref<512xi32, #tpu.memory_space<hbm>> -> memref<16xi32, #tpu.memory_space<hbm>>
      %dma_wait3A_96 = tpu.memref_slice %arg5[%mul3A_23] : memref<512xi32, #tpu.memory_space<hbm>> -> memref<16xi32, #tpu.memory_space<hbm>>
      tpu.wait_dma2 semaphore(%run_scoped3A_94 : memref<!tpu.dma_semaphore, #tpu.memory_space<semaphore_mem>>) src(%dma_wait3A_96 : memref<16xi32, #tpu.memory_space<hbm>>) dst(%arg10 : memref<16xi32, #tpu.memory_space<vmem>>)
      tpu.yield
    }) : () -> ()
    %get3A = arith.constant 0 : index
    %get3A_24 = tpu.vector_load %arg10[%get3A] {strides = array<i32>} : memref<16xi32, #tpu.memory_space<vmem>>, vector<16xi32>,
    %reduce_max3A = arith.constant true
    %reduce_max3A_25 = vector.broadcast %reduce_max3A : i1 to vector<16xi1>
    %reduce_max3A_26 = arith.constant -2147483648 : i32
    %reduce_max3A_27 = vector.broadcast %reduce_max3A_26 : i32 to vector<16xi32>
    %reduce_max3A_28 = arith.xori %get3A_24, %reduce_max3A_27 : vector<16xi32>
    %reduce_max3A_29 = tpu.scan <max>, %reduce_max3A_28 masked %reduce_max3A_25 : vector<16xi32>, vector<16xi1> -> vector<16xi32>
    %reduce_max3A_30 = arith.xori %reduce_max3A_29, %reduce_max3A_27 : vector<16xi32>
    %reduce_max3A_31 = vector.extract %reduce_max3A_30[15] : i32 from vector<16xi32>
    %add3A_32 = arith.constant 128 : i32
    %add3A_33 = arith.addi %reduce_max3A_31, %add3A_32 : i32
    %sub3A = arith.constant 1 : i32
    %sub3A_34 = arith.subi %add3A_33, %sub3A : i32
    %jit3A = arith.constant 128 : i32
    %div3A = arith.divsi %sub3A_34, %jit3A : i32
    %sign3A = arith.constant 0 : i32
    %sign3A_35 = arith.cmpi sgt, %sub3A_34, %sign3A : i32
    %sign3A_36 = arith.extui %sign3A_35 : i1 to i32
    %sign3A_37 = arith.constant 0 : i32
    %sign3A_38 = arith.cmpi slt, %sub3A_34, %sign3A_37 : i32
    %sign3A_39 = arith.extui %sign3A_38 : i1 to i32
    %sign3A_40 = arith.subi %sign3A_36, %sign3A_39 : i32
    %sign3A_41 = arith.constant 0 : i32
    %sign3A_42 = arith.cmpi sgt, %jit3A, %sign3A_41 : i32
    %sign3A_43 = arith.extui %sign3A_42 : i1 to i32
    %sign3A_44 = arith.constant 0 : i32
    %sign3A_45 = arith.cmpi slt, %jit3A, %sign3A_44 : i32
    %sign3A_46 = arith.extui %sign3A_45 : i1 to i32
    %sign3A_47 = arith.subi %sign3A_43, %sign3A_46 : i32
    %ne3A = arith.cmpi ne, %sign3A_40, %sign3A_47 : i32
    %rem3A = arith.remsi %sub3A_34, %jit3A : i32
    %ne3A_48 = arith.constant 0 : i32
    %ne3A_49 = arith.cmpi ne, %rem3A, %ne3A_48 : i32
    %and3A = arith.andi %ne3A, %ne3A_49 : i1
    %sub3A_50 = arith.constant 1 : i32
    %sub3A_51 = arith.subi %div3A, %sub3A_50 : i32
    %select_n3A = arith.select %and3A, %sub3A_51, %div3A : i32
    "tpu.region"() ({
      %run_scoped3A_94 = tpu.sem_alloc : memref<!tpu.dma_semaphore, #tpu.memory_space<semaphore_mem>>
      %dma_start3A = arith.constant 0 : i32
      %dma_start3A_95 = arith.constant 0 : i32
      %dma_start3A_96 = tpu.memref_slice %arg3[%add3A_21, %dma_start3A, %dma_start3A_95] : memref<32x158x128xi32, #tpu.memory_space<hbm>> -> memref<1x158x128xi32, #tpu.memory_space<hbm>>
      %dma_start3A_97 = tpu.memref_squeeze %dma_start3A_96 : memref<1x158x128xi32, #tpu.memory_space<hbm>> -> memref<158x128xi32, #tpu.memory_space<hbm>>
      %dma_start3A_98 = arith.constant 0 : i32
      %dma_start3A_99 = arith.constant 0 : i32
      %dma_start3A_100 = tpu.memref_slice %arg3[%add3A_21, %dma_start3A_98, %dma_start3A_99] : memref<32x158x128xi32, #tpu.memory_space<hbm>> -> memref<1x158x128xi32, #tpu.memory_space<hbm>>
      %dma_start3A_101 = tpu.memref_squeeze %dma_start3A_100 : memref<1x158x128xi32, #tpu.memory_space<hbm>> -> memref<158x128xi32, #tpu.memory_space<hbm>>
      tpu.enqueue_dma source(%dma_start3A_101 : memref<158x128xi32, #tpu.memory_space<hbm>>) target(%arg7 : memref<158x128xi32, #tpu.memory_space<vmem>>) target_semaphore(%run_scoped3A_94 : memref<!tpu.dma_semaphore, #tpu.memory_space<semaphore_mem>>)
      %dma_wait3A = arith.constant 0 : i32
      %dma_wait3A_102 = arith.constant 0 : i32
      %dma_wait3A_103 = tpu.memref_slice %arg3[%add3A_21, %dma_wait3A, %dma_wait3A_102] : memref<32x158x128xi32, #tpu.memory_space<hbm>> -> memref<1x158x128xi32, #tpu.memory_space<hbm>>
      %dma_wait3A_104 = tpu.memref_squeeze %dma_wait3A_103 : memref<1x158x128xi32, #tpu.memory_space<hbm>> -> memref<158x128xi32, #tpu.memory_space<hbm>>
      %dma_wait3A_105 = arith.constant 0 : i32
      %dma_wait3A_106 = arith.constant 0 : i32
      %dma_wait3A_107 = tpu.memref_slice %arg3[%add3A_21, %dma_wait3A_105, %dma_wait3A_106] : memref<32x158x128xi32, #tpu.memory_space<hbm>> -> memref<1x158x128xi32, #tpu.memory_space<hbm>>
      %dma_wait3A_108 = tpu.memref_squeeze %dma_wait3A_107 : memref<1x158x128xi32, #tpu.memory_space<hbm>> -> memref<158x128xi32, #tpu.memory_space<hbm>>
      tpu.wait_dma2 semaphore(%run_scoped3A_94 : memref<!tpu.dma_semaphore, #tpu.memory_space<semaphore_mem>>) src(%dma_wait3A_108 : memref<158x128xi32, #tpu.memory_space<hbm>>) dst(%arg7 : memref<158x128xi32, #tpu.memory_space<vmem>>)
      tpu.yield
    }) : () -> ()
    "tpu.region"() ({
      %run_scoped3A_94 = tpu.sem_alloc : memref<!tpu.dma_semaphore, #tpu.memory_space<semaphore_mem>>
      %dma_start3A = arith.constant 0 : i32
      %dma_start3A_95 = arith.constant 0 : i32
      %dma_start3A_96 = tpu.memref_slice %arg4[%add3A_21, %dma_start3A, %dma_start3A_95] : memref<32x158x128xi32, #tpu.memory_space<hbm>> -> memref<1x158x128xi32, #tpu.memory_space<hbm>>
      %dma_start3A_97 = tpu.memref_squeeze %dma_start3A_96 : memref<1x158x128xi32, #tpu.memory_space<hbm>> -> memref<158x128xi32, #tpu.memory_space<hbm>>
      %dma_start3A_98 = arith.constant 0 : i32
      %dma_start3A_99 = arith.constant 0 : i32
      %dma_start3A_100 = tpu.memref_slice %arg4[%add3A_21, %dma_start3A_98, %dma_start3A_99] : memref<32x158x128xi32, #tpu.memory_space<hbm>> -> memref<1x158x128xi32, #tpu.memory_space<hbm>>
      %dma_start3A_101 = tpu.memref_squeeze %dma_start3A_100 : memref<1x158x128xi32, #tpu.memory_space<hbm>> -> memref<158x128xi32, #tpu.memory_space<hbm>>
      tpu.enqueue_dma source(%dma_start3A_101 : memref<158x128xi32, #tpu.memory_space<hbm>>) target(%arg8 : memref<158x128xi32, #tpu.memory_space<vmem>>) target_semaphore(%run_scoped3A_94 : memref<!tpu.dma_semaphore, #tpu.memory_space<semaphore_mem>>)
      %dma_wait3A = arith.constant 0 : i32
      %dma_wait3A_102 = arith.constant 0 : i32
      %dma_wait3A_103 = tpu.memref_slice %arg4[%add3A_21, %dma_wait3A, %dma_wait3A_102] : memref<32x158x128xi32, #tpu.memory_space<hbm>> -> memref<1x158x128xi32, #tpu.memory_space<hbm>>
      %dma_wait3A_104 = tpu.memref_squeeze %dma_wait3A_103 : memref<1x158x128xi32, #tpu.memory_space<hbm>> -> memref<158x128xi32, #tpu.memory_space<hbm>>
      %dma_wait3A_105 = arith.constant 0 : i32
      %dma_wait3A_106 = arith.constant 0 : i32
      %dma_wait3A_107 = tpu.memref_slice %arg4[%add3A_21, %dma_wait3A_105, %dma_wait3A_106] : memref<32x158x128xi32, #tpu.memory_space<hbm>> -> memref<1x158x128xi32, #tpu.memory_space<hbm>>
      %dma_wait3A_108 = tpu.memref_squeeze %dma_wait3A_107 : memref<1x158x128xi32, #tpu.memory_space<hbm>> -> memref<158x128xi32, #tpu.memory_space<hbm>>
      tpu.wait_dma2 semaphore(%run_scoped3A_94 : memref<!tpu.dma_semaphore, #tpu.memory_space<semaphore_mem>>) src(%dma_wait3A_108 : memref<158x128xi32, #tpu.memory_space<hbm>>) dst(%arg8 : memref<158x128xi32, #tpu.memory_space<vmem>>)
      tpu.yield
    }) : () -> ()
    %gt3A = arith.constant 0 : i32
    %gt3A_52 = arith.cmpi sgt, %select_n3A, %gt3A : i32
    %convert_element_type3A_53 = arith.extui %gt3A_52 : i1 to i32
    %cond3A_54 = arith.constant 0 : i32
    %cond3A_55 = arith.cmpi ne, %convert_element_type3A_53, %cond3A_54 : i32
    scf.if %cond3A_55 {
      %jit3A_94 = arith.constant 0 : i32
      %jit3A_95 = arith.constant 3 : i32
      %eq3A_96 = arith.constant 0 : i32
      %eq3A_97 = arith.cmpi eq, %jit3A_95, %eq3A_96 : i32
      %jit3A_98 = arith.constant 1 : i32
      %select_n3A_99 = arith.select %eq3A_97, %jit3A_98, %jit3A_95 : i32
      %rem3A_100 = arith.remsi %jit3A_94, %select_n3A_99 : i32
      %ne3A_101 = arith.constant 0 : i32
      %ne3A_102 = arith.cmpi ne, %rem3A_100, %ne3A_101 : i32
      %lt3A = arith.constant 0 : i32
      %lt3A_103 = arith.cmpi slt, %rem3A_100, %lt3A : i32
      %lt3A_104 = arith.constant 0 : i32
      %lt3A_105 = arith.cmpi slt, %select_n3A_99, %lt3A_104 : i32
      %ne3A_106 = arith.xori %lt3A_103, %lt3A_105 : i1
      %and3A_107 = arith.andi %ne3A_106, %ne3A_102 : i1
      %add3A_108 = arith.addi %rem3A_100, %select_n3A_99 : i32
      %select_n3A_109 = arith.select %and3A_107, %add3A_108, %rem3A_100 : i32
      %dma_start3A = arith.constant 0 : i32
      %dma_start3A_110 = arith.constant 0 : i32
      %dma_start3A_111 = arith.constant 0 : i32
      %dma_start3A_112 = tpu.memref_slice %arg9[%select_n3A_109, %dma_start3A_110, %dma_start3A_111] : memref<3x128x128xf32, #tpu.memory_space<vmem>> -> memref<1x128x128xf32, #tpu.memory_space<vmem>>
      %dma_start3A_113 = tpu.memref_squeeze %dma_start3A_112 : memref<1x128x128xf32, #tpu.memory_space<vmem>> -> memref<128x128xf32, #tpu.memory_space<vmem>>
      %dma_start3A_114 = arith.constant 0 : i32
      %dma_start3A_115 = tpu.memref_slice %arg7[%dma_start3A, %dma_start3A_114] : memref<158x128xi32, #tpu.memory_space<vmem>> -> memref<1x128xi32, #tpu.memory_space<vmem>>
      %dma_start3A_116 = tpu.memref_squeeze %dma_start3A_115 : memref<1x128xi32, #tpu.memory_space<vmem>> -> memref<128xi32, #tpu.memory_space<vmem>>
      %dma_start3A_117 = arith.constant 0 : i32
      %dma_start3A_118 = arith.constant 0 : i32
      %dma_start3A_119 = tpu.memref_slice %arg2[%dma_start3A_117, %dma_start3A_118] : memref<10000x128xf32, #tpu.memory_space<hbm>> -> memref<10000x128xf32, #tpu.memory_space<hbm>>
      tpu.enqueue_indirect_dma source(%dma_start3A_119 : memref<10000x128xf32, #tpu.memory_space<hbm>>) target(%dma_start3A_113 : memref<128x128xf32, #tpu.memory_space<vmem>>) offsets(%dma_start3A_116 : memref<128xi32, #tpu.memory_space<vmem>>) semaphore(%arg12 : memref<!tpu.dma_semaphore, #tpu.memory_space<semaphore_mem>>)
    } else {
    }
    %gt3A_56 = arith.constant 1 : i32
    %gt3A_57 = arith.cmpi sgt, %select_n3A, %gt3A_56 : i32
    %convert_element_type3A_58 = arith.extui %gt3A_57 : i1 to i32
    %cond3A_59 = arith.constant 0 : i32
    %cond3A_60 = arith.cmpi ne, %convert_element_type3A_58, %cond3A_59 : i32
    scf.if %cond3A_60 {
      %jit3A_94 = arith.constant 1 : i32
      %jit3A_95 = arith.constant 3 : i32
      %eq3A_96 = arith.constant 0 : i32
      %eq3A_97 = arith.cmpi eq, %jit3A_95, %eq3A_96 : i32
      %jit3A_98 = arith.constant 1 : i32
      %select_n3A_99 = arith.select %eq3A_97, %jit3A_98, %jit3A_95 : i32
      %rem3A_100 = arith.remsi %jit3A_94, %select_n3A_99 : i32
      %ne3A_101 = arith.constant 0 : i32
      %ne3A_102 = arith.cmpi ne, %rem3A_100, %ne3A_101 : i32
      %lt3A = arith.constant 0 : i32
      %lt3A_103 = arith.cmpi slt, %rem3A_100, %lt3A : i32
      %lt3A_104 = arith.constant 0 : i32
      %lt3A_105 = arith.cmpi slt, %select_n3A_99, %lt3A_104 : i32
      %ne3A_106 = arith.xori %lt3A_103, %lt3A_105 : i1
      %and3A_107 = arith.andi %ne3A_106, %ne3A_102 : i1
      %add3A_108 = arith.addi %rem3A_100, %select_n3A_99 : i32
      %select_n3A_109 = arith.select %and3A_107, %add3A_108, %rem3A_100 : i32
      %dma_start3A = arith.constant 1 : i32
      %dma_start3A_110 = arith.constant 0 : i32
      %dma_start3A_111 = arith.constant 0 : i32
      %dma_start3A_112 = tpu.memref_slice %arg9[%select_n3A_109, %dma_start3A_110, %dma_start3A_111] : memref<3x128x128xf32, #tpu.memory_space<vmem>> -> memref<1x128x128xf32, #tpu.memory_space<vmem>>
      %dma_start3A_113 = tpu.memref_squeeze %dma_start3A_112 : memref<1x128x128xf32, #tpu.memory_space<vmem>> -> memref<128x128xf32, #tpu.memory_space<vmem>>
      %dma_start3A_114 = arith.constant 0 : i32
      %dma_start3A_115 = tpu.memref_slice %arg7[%dma_start3A, %dma_start3A_114] : memref<158x128xi32, #tpu.memory_space<vmem>> -> memref<1x128xi32, #tpu.memory_space<vmem>>
      %dma_start3A_116 = tpu.memref_squeeze %dma_start3A_115 : memref<1x128xi32, #tpu.memory_space<vmem>> -> memref<128xi32, #tpu.memory_space<vmem>>
      %dma_start3A_117 = arith.constant 0 : i32
      %dma_start3A_118 = arith.constant 0 : i32
      %dma_start3A_119 = tpu.memref_slice %arg2[%dma_start3A_117, %dma_start3A_118] : memref<10000x128xf32, #tpu.memory_space<hbm>> -> memref<10000x128xf32, #tpu.memory_space<hbm>>
      tpu.enqueue_indirect_dma source(%dma_start3A_119 : memref<10000x128xf32, #tpu.memory_space<hbm>>) target(%dma_start3A_113 : memref<128x128xf32, #tpu.memory_space<vmem>>) offsets(%dma_start3A_116 : memref<128xi32, #tpu.memory_space<vmem>>) semaphore(%arg12 : memref<!tpu.dma_semaphore, #tpu.memory_space<semaphore_mem>>)
    } else {
    }
    %gt3A_61 = arith.constant 2 : i32
    %gt3A_62 = arith.cmpi sgt, %select_n3A, %gt3A_61 : i32
    %convert_element_type3A_63 = arith.extui %gt3A_62 : i1 to i32
    %cond3A_64 = arith.constant 0 : i32
    %cond3A_65 = arith.cmpi ne, %convert_element_type3A_63, %cond3A_64 : i32
    scf.if %cond3A_65 {
      %jit3A_94 = arith.constant 2 : i32
      %jit3A_95 = arith.constant 3 : i32
      %eq3A_96 = arith.constant 0 : i32
      %eq3A_97 = arith.cmpi eq, %jit3A_95, %eq3A_96 : i32
      %jit3A_98 = arith.constant 1 : i32
      %select_n3A_99 = arith.select %eq3A_97, %jit3A_98, %jit3A_95 : i32
      %rem3A_100 = arith.remsi %jit3A_94, %select_n3A_99 : i32
      %ne3A_101 = arith.constant 0 : i32
      %ne3A_102 = arith.cmpi ne, %rem3A_100, %ne3A_101 : i32
      %lt3A = arith.constant 0 : i32
      %lt3A_103 = arith.cmpi slt, %rem3A_100, %lt3A : i32
      %lt3A_104 = arith.constant 0 : i32
      %lt3A_105 = arith.cmpi slt, %select_n3A_99, %lt3A_104 : i32
      %ne3A_106 = arith.xori %lt3A_103, %lt3A_105 : i1
      %and3A_107 = arith.andi %ne3A_106, %ne3A_102 : i1
      %add3A_108 = arith.addi %rem3A_100, %select_n3A_99 : i32
      %select_n3A_109 = arith.select %and3A_107, %add3A_108, %rem3A_100 : i32
      %dma_start3A = arith.constant 2 : i32
      %dma_start3A_110 = arith.constant 0 : i32
      %dma_start3A_111 = arith.constant 0 : i32
      %dma_start3A_112 = tpu.memref_slice %arg9[%select_n3A_109, %dma_start3A_110, %dma_start3A_111] : memref<3x128x128xf32, #tpu.memory_space<vmem>> -> memref<1x128x128xf32, #tpu.memory_space<vmem>>
      %dma_start3A_113 = tpu.memref_squeeze %dma_start3A_112 : memref<1x128x128xf32, #tpu.memory_space<vmem>> -> memref<128x128xf32, #tpu.memory_space<vmem>>
      %dma_start3A_114 = arith.constant 0 : i32
      %dma_start3A_115 = tpu.memref_slice %arg7[%dma_start3A, %dma_start3A_114] : memref<158x128xi32, #tpu.memory_space<vmem>> -> memref<1x128xi32, #tpu.memory_space<vmem>>
      %dma_start3A_116 = tpu.memref_squeeze %dma_start3A_115 : memref<1x128xi32, #tpu.memory_space<vmem>> -> memref<128xi32, #tpu.memory_space<vmem>>
      %dma_start3A_117 = arith.constant 0 : i32
      %dma_start3A_118 = arith.constant 0 : i32
      %dma_start3A_119 = tpu.memref_slice %arg2[%dma_start3A_117, %dma_start3A_118] : memref<10000x128xf32, #tpu.memory_space<hbm>> -> memref<10000x128xf32, #tpu.memory_space<hbm>>
      tpu.enqueue_indirect_dma source(%dma_start3A_119 : memref<10000x128xf32, #tpu.memory_space<hbm>>) target(%dma_start3A_113 : memref<128x128xf32, #tpu.memory_space<vmem>>) offsets(%dma_start3A_116 : memref<128xi32, #tpu.memory_space<vmem>>) semaphore(%arg12 : memref<!tpu.dma_semaphore, #tpu.memory_space<semaphore_mem>>)
    } else {
    }
    %while3A = arith.constant 0 : i32
    %while3A_66 = arith.constant 0 : i32
    %while3A_67 = arith.subi %select_n3A, %while3A : i32
    %while3A_68 = arith.addi %while3A, %while3A_67 : i32
    %while3A_69 = arith.constant 1 : i32
    %while3A_70 = arith.divsi %while3A_67, %while3A_69 : i32
    %while3A_71 = arith.muli %while3A_70, %while3A_69 : i32
    %while3A_72 = arith.addi %while3A, %while3A_71 : i32
    %while3A_73 = arith.constant 1 : i32
    %while3A_74 = scf.for %while3A_94 = %while3A to %while3A_72 step %while3A_73 iter_args(%while3A_95 = %while3A_66) -> (i32)  : i32 {
      %jit3A_96 = arith.constant 3 : i32
      %eq3A_97 = arith.constant 0 : i32
      %eq3A_98 = arith.cmpi eq, %jit3A_96, %eq3A_97 : i32
      %jit3A_99 = arith.constant 1 : i32
      %select_n3A_100 = arith.select %eq3A_98, %jit3A_99, %jit3A_96 : i32
      %rem3A_101 = arith.remsi %while3A_94, %select_n3A_100 : i32
      %ne3A_102 = arith.constant 0 : i32
      %ne3A_103 = arith.cmpi ne, %rem3A_101, %ne3A_102 : i32
      %lt3A = arith.constant 0 : i32
      %lt3A_104 = arith.cmpi slt, %rem3A_101, %lt3A : i32
      %lt3A_105 = arith.constant 0 : i32
      %lt3A_106 = arith.cmpi slt, %select_n3A_100, %lt3A_105 : i32
      %ne3A_107 = arith.xori %lt3A_104, %lt3A_106 : i1
      %and3A_108 = arith.andi %ne3A_107, %ne3A_103 : i1
      %add3A_109 = arith.addi %rem3A_101, %select_n3A_100 : i32
      %select_n3A_110 = arith.select %and3A_108, %add3A_109, %rem3A_101 : i32
      %dma_wait3A = arith.constant 0 : i32
      %dma_wait3A_111 = arith.constant 0 : i32
      %dma_wait3A_112 = tpu.memref_slice %arg9[%select_n3A_110, %dma_wait3A, %dma_wait3A_111] : memref<3x128x128xf32, #tpu.memory_space<vmem>> -> memref<1x128x128xf32, #tpu.memory_space<vmem>>
      %dma_wait3A_113 = tpu.memref_squeeze %dma_wait3A_112 : memref<1x128x128xf32, #tpu.memory_space<vmem>> -> memref<128x128xf32, #tpu.memory_space<vmem>>
      %dma_wait3A_114 = arith.constant 0 : i32
      %dma_wait3A_115 = tpu.memref_slice %arg7[%while3A_94, %dma_wait3A_114] : memref<158x128xi32, #tpu.memory_space<vmem>> -> memref<1x128xi32, #tpu.memory_space<vmem>>
      %dma_wait3A_116 = tpu.memref_squeeze %dma_wait3A_115 : memref<1x128xi32, #tpu.memory_space<vmem>> -> memref<128xi32, #tpu.memory_space<vmem>>
      %dma_wait3A_117 = arith.constant 0 : i32
      %dma_wait3A_118 = arith.constant 0 : i32
      %dma_wait3A_119 = tpu.memref_slice %arg2[%dma_wait3A_117, %dma_wait3A_118] : memref<10000x128xf32, #tpu.memory_space<hbm>> -> memref<10000x128xf32, #tpu.memory_space<hbm>>
      tpu.wait_indirect_dma semaphore(%arg12 : memref<!tpu.dma_semaphore, #tpu.memory_space<semaphore_mem>>) src(%dma_wait3A_119 : memref<10000x128xf32, #tpu.memory_space<hbm>>) dst(%dma_wait3A_113 : memref<128x128xf32, #tpu.memory_space<vmem>>)
      %jit3A_120 = arith.constant 3 : i32
      %eq3A_121 = arith.constant 0 : i32
      %eq3A_122 = arith.cmpi eq, %jit3A_120, %eq3A_121 : i32
      %jit3A_123 = arith.constant 1 : i32
      %select_n3A_124 = arith.select %eq3A_122, %jit3A_123, %jit3A_120 : i32
      %rem3A_125 = arith.remsi %while3A_94, %select_n3A_124 : i32
      %ne3A_126 = arith.constant 0 : i32
      %ne3A_127 = arith.cmpi ne, %rem3A_125, %ne3A_126 : i32
      %lt3A_128 = arith.constant 0 : i32
      %lt3A_129 = arith.cmpi slt, %rem3A_125, %lt3A_128 : i32
      %lt3A_130 = arith.constant 0 : i32
      %lt3A_131 = arith.cmpi slt, %select_n3A_124, %lt3A_130 : i32
      %ne3A_132 = arith.xori %lt3A_129, %lt3A_131 : i1
      %and3A_133 = arith.andi %ne3A_132, %ne3A_127 : i1
      %add3A_134 = arith.addi %rem3A_125, %select_n3A_124 : i32
      %select_n3A_135 = arith.select %and3A_133, %add3A_134, %rem3A_125 : i32
      %dma_start3A = arith.constant 0 : i32
      %dma_start3A_136 = arith.constant 0 : i32
      %dma_start3A_137 = tpu.memref_slice %arg9[%select_n3A_135, %dma_start3A, %dma_start3A_136] : memref<3x128x128xf32, #tpu.memory_space<vmem>> -> memref<1x128x128xf32, #tpu.memory_space<vmem>>
      %dma_start3A_138 = tpu.memref_squeeze %dma_start3A_137 : memref<1x128x128xf32, #tpu.memory_space<vmem>> -> memref<128x128xf32, #tpu.memory_space<vmem>>
      %dma_start3A_139 = arith.constant 0 : i32
      %dma_start3A_140 = tpu.memref_slice %arg8[%while3A_94, %dma_start3A_139] : memref<158x128xi32, #tpu.memory_space<vmem>> -> memref<1x128xi32, #tpu.memory_space<vmem>>
      %dma_start3A_141 = tpu.memref_squeeze %dma_start3A_140 : memref<1x128xi32, #tpu.memory_space<vmem>> -> memref<128xi32, #tpu.memory_space<vmem>>
      %dma_start3A_142 = arith.constant 0 : i32
      %dma_start3A_143 = arith.constant 0 : i32
      %dma_start3A_144 = tpu.memref_slice %arg11[%dma_start3A_142, %dma_start3A_143] : memref<5008x128xf32, #tpu.memory_space<vmem_shared>> -> memref<5008x128xf32, #tpu.memory_space<vmem_shared>>
      tpu.enqueue_indirect_dma source(%dma_start3A_138 : memref<128x128xf32, #tpu.memory_space<vmem>>) target(%dma_start3A_144 : memref<5008x128xf32, #tpu.memory_space<vmem_shared>>) offsets(%dma_start3A_141 : memref<128xi32, #tpu.memory_space<vmem>>) semaphore(%arg13 : memref<!tpu.dma_semaphore, #tpu.memory_space<semaphore_mem>>) {add = true}
      %ge3A_145 = arith.constant 1 : i32
      %ge3A_146 = arith.cmpi sge, %while3A_94, %ge3A_145 : i32
      %convert_element_type3A_147 = arith.extui %ge3A_146 : i1 to i32
      %cond3A_148 = arith.constant 0 : i32
      %cond3A_149 = arith.cmpi ne, %convert_element_type3A_147, %cond3A_148 : i32
      scf.if %cond3A_149 {
        %dma_wait3A_151 = arith.constant 0 : i32
        %dma_wait3A_152 = arith.constant 0 : i32
        %dma_wait3A_153 = arith.constant 0 : i32
        %dma_wait3A_154 = arith.constant 0 : i32
        %dma_wait3A_155 = tpu.memref_slice %arg9[%dma_wait3A_151, %dma_wait3A_153, %dma_wait3A_154] : memref<3x128x128xf32, #tpu.memory_space<vmem>> -> memref<1x128x128xf32, #tpu.memory_space<vmem>>
        %dma_wait3A_156 = tpu.memref_squeeze %dma_wait3A_155 : memref<1x128x128xf32, #tpu.memory_space<vmem>> -> memref<128x128xf32, #tpu.memory_space<vmem>>
        %dma_wait3A_157 = arith.constant 0 : i32
        %dma_wait3A_158 = tpu.memref_slice %arg8[%dma_wait3A_152, %dma_wait3A_157] : memref<158x128xi32, #tpu.memory_space<vmem>> -> memref<1x128xi32, #tpu.memory_space<vmem>>
        %dma_wait3A_159 = tpu.memref_squeeze %dma_wait3A_158 : memref<1x128xi32, #tpu.memory_space<vmem>> -> memref<128xi32, #tpu.memory_space<vmem>>
        %dma_wait3A_160 = arith.constant 0 : i32
        %dma_wait3A_161 = arith.constant 0 : i32
        %dma_wait3A_162 = tpu.memref_slice %arg11[%dma_wait3A_160, %dma_wait3A_161] : memref<5008x128xf32, #tpu.memory_space<vmem_shared>> -> memref<5008x128xf32, #tpu.memory_space<vmem_shared>>
        tpu.wait_indirect_dma semaphore(%arg13 : memref<!tpu.dma_semaphore, #tpu.memory_space<semaphore_mem>>) src(%dma_wait3A_156 : memref<128x128xf32, #tpu.memory_space<vmem>>) dst(%dma_wait3A_162 : memref<5008x128xf32, #tpu.memory_space<vmem_shared>>)
        %add3A_163 = arith.constant 2 : i32
        %add3A_164 = arith.addi %while3A_94, %add3A_163 : i32
        %lt3A_165 = arith.cmpi slt, %add3A_164, %select_n3A : i32
        %convert_element_type3A_166 = arith.extui %lt3A_165 : i1 to i32
        %cond3A_167 = arith.constant 0 : i32
        %cond3A_168 = arith.cmpi ne, %convert_element_type3A_166, %cond3A_167 : i32
        scf.if %cond3A_168 {
          %add3A_169 = arith.constant 2 : i32
          %add3A_170 = arith.addi %while3A_94, %add3A_169 : i32
          %jit3A_171 = arith.constant 3 : i32
          %eq3A_172 = arith.constant 0 : i32
          %eq3A_173 = arith.cmpi eq, %jit3A_171, %eq3A_172 : i32
          %jit3A_174 = arith.constant 1 : i32
          %select_n3A_175 = arith.select %eq3A_173, %jit3A_174, %jit3A_171 : i32
          %rem3A_176 = arith.remsi %add3A_170, %select_n3A_175 : i32
          %ne3A_177 = arith.constant 0 : i32
          %ne3A_178 = arith.cmpi ne, %rem3A_176, %ne3A_177 : i32
          %lt3A_179 = arith.constant 0 : i32
          %lt3A_180 = arith.cmpi slt, %rem3A_176, %lt3A_179 : i32
          %lt3A_181 = arith.constant 0 : i32
          %lt3A_182 = arith.cmpi slt, %select_n3A_175, %lt3A_181 : i32
          %ne3A_183 = arith.xori %lt3A_180, %lt3A_182 : i1
          %and3A_184 = arith.andi %ne3A_183, %ne3A_178 : i1
          %add3A_185 = arith.addi %rem3A_176, %select_n3A_175 : i32
          %select_n3A_186 = arith.select %and3A_184, %add3A_185, %rem3A_176 : i32
          %dma_start3A_187 = arith.constant 0 : i32
          %dma_start3A_188 = arith.constant 0 : i32
          %dma_start3A_189 = tpu.memref_slice %arg9[%select_n3A_186, %dma_start3A_187, %dma_start3A_188] : memref<3x128x128xf32, #tpu.memory_space<vmem>> -> memref<1x128x128xf32, #tpu.memory_space<vmem>>
          %dma_start3A_190 = tpu.memref_squeeze %dma_start3A_189 : memref<1x128x128xf32, #tpu.memory_space<vmem>> -> memref<128x128xf32, #tpu.memory_space<vmem>>
          %dma_start3A_191 = arith.constant 0 : i32
          %dma_start3A_192 = tpu.memref_slice %arg7[%add3A_170, %dma_start3A_191] : memref<158x128xi32, #tpu.memory_space<vmem>> -> memref<1x128xi32, #tpu.memory_space<vmem>>
          %dma_start3A_193 = tpu.memref_squeeze %dma_start3A_192 : memref<1x128xi32, #tpu.memory_space<vmem>> -> memref<128xi32, #tpu.memory_space<vmem>>
          %dma_start3A_194 = arith.constant 0 : i32
          %dma_start3A_195 = arith.constant 0 : i32
          %dma_start3A_196 = tpu.memref_slice %arg2[%dma_start3A_194, %dma_start3A_195] : memref<10000x128xf32, #tpu.memory_space<hbm>> -> memref<10000x128xf32, #tpu.memory_space<hbm>>
          tpu.enqueue_indirect_dma source(%dma_start3A_196 : memref<10000x128xf32, #tpu.memory_space<hbm>>) target(%dma_start3A_190 : memref<128x128xf32, #tpu.memory_space<vmem>>) offsets(%dma_start3A_193 : memref<128xi32, #tpu.memory_space<vmem>>) semaphore(%arg12 : memref<!tpu.dma_semaphore, #tpu.memory_space<semaphore_mem>>)
        } else {
        }
      } else {
      }
      %while3A_150 = arith.constant 0 : i32
      scf.yield %while3A_150 : i32
    }
    %while3A_75 = arith.constant 1 : i32
    %while3A_76 = scf.for %while3A_94 = %while3A_72 to %while3A_68 step %while3A_75 iter_args(%while3A_95 = %while3A_74) -> (i32)  : i32 {
      %jit3A_96 = arith.constant 3 : i32
      %eq3A_97 = arith.constant 0 : i32
      %eq3A_98 = arith.cmpi eq, %jit3A_96, %eq3A_97 : i32
      %jit3A_99 = arith.constant 1 : i32
      %select_n3A_100 = arith.select %eq3A_98, %jit3A_99, %jit3A_96 : i32
      %rem3A_101 = arith.remsi %while3A_94, %select_n3A_100 : i32
      %ne3A_102 = arith.constant 0 : i32
      %ne3A_103 = arith.cmpi ne, %rem3A_101, %ne3A_102 : i32
      %lt3A = arith.constant 0 : i32
      %lt3A_104 = arith.cmpi slt, %rem3A_101, %lt3A : i32
      %lt3A_105 = arith.constant 0 : i32
      %lt3A_106 = arith.cmpi slt, %select_n3A_100, %lt3A_105 : i32
      %ne3A_107 = arith.xori %lt3A_104, %lt3A_106 : i1
      %and3A_108 = arith.andi %ne3A_107, %ne3A_103 : i1
      %add3A_109 = arith.addi %rem3A_101, %select_n3A_100 : i32
      %select_n3A_110 = arith.select %and3A_108, %add3A_109, %rem3A_101 : i32
      %dma_wait3A = arith.constant 0 : i32
      %dma_wait3A_111 = arith.constant 0 : i32
      %dma_wait3A_112 = tpu.memref_slice %arg9[%select_n3A_110, %dma_wait3A, %dma_wait3A_111] : memref<3x128x128xf32, #tpu.memory_space<vmem>> -> memref<1x128x128xf32, #tpu.memory_space<vmem>>
      %dma_wait3A_113 = tpu.memref_squeeze %dma_wait3A_112 : memref<1x128x128xf32, #tpu.memory_space<vmem>> -> memref<128x128xf32, #tpu.memory_space<vmem>>
      %dma_wait3A_114 = arith.constant 0 : i32
      %dma_wait3A_115 = tpu.memref_slice %arg7[%while3A_94, %dma_wait3A_114] : memref<158x128xi32, #tpu.memory_space<vmem>> -> memref<1x128xi32, #tpu.memory_space<vmem>>
      %dma_wait3A_116 = tpu.memref_squeeze %dma_wait3A_115 : memref<1x128xi32, #tpu.memory_space<vmem>> -> memref<128xi32, #tpu.memory_space<vmem>>
      %dma_wait3A_117 = arith.constant 0 : i32
      %dma_wait3A_118 = arith.constant 0 : i32
      %dma_wait3A_119 = tpu.memref_slice %arg2[%dma_wait3A_117, %dma_wait3A_118] : memref<10000x128xf32, #tpu.memory_space<hbm>> -> memref<10000x128xf32, #tpu.memory_space<hbm>>
      tpu.wait_indirect_dma semaphore(%arg12 : memref<!tpu.dma_semaphore, #tpu.memory_space<semaphore_mem>>) src(%dma_wait3A_119 : memref<10000x128xf32, #tpu.memory_space<hbm>>) dst(%dma_wait3A_113 : memref<128x128xf32, #tpu.memory_space<vmem>>)
      %jit3A_120 = arith.constant 3 : i32
      %eq3A_121 = arith.constant 0 : i32
      %eq3A_122 = arith.cmpi eq, %jit3A_120, %eq3A_121 : i32
      %jit3A_123 = arith.constant 1 : i32
      %select_n3A_124 = arith.select %eq3A_122, %jit3A_123, %jit3A_120 : i32
      %rem3A_125 = arith.remsi %while3A_94, %select_n3A_124 : i32
      %ne3A_126 = arith.constant 0 : i32
      %ne3A_127 = arith.cmpi ne, %rem3A_125, %ne3A_126 : i32
      %lt3A_128 = arith.constant 0 : i32
      %lt3A_129 = arith.cmpi slt, %rem3A_125, %lt3A_128 : i32
      %lt3A_130 = arith.constant 0 : i32
      %lt3A_131 = arith.cmpi slt, %select_n3A_124, %lt3A_130 : i32
      %ne3A_132 = arith.xori %lt3A_129, %lt3A_131 : i1
      %and3A_133 = arith.andi %ne3A_132, %ne3A_127 : i1
      %add3A_134 = arith.addi %rem3A_125, %select_n3A_124 : i32
      %select_n3A_135 = arith.select %and3A_133, %add3A_134, %rem3A_125 : i32
      %dma_start3A = arith.constant 0 : i32
      %dma_start3A_136 = arith.constant 0 : i32
      %dma_start3A_137 = tpu.memref_slice %arg9[%select_n3A_135, %dma_start3A, %dma_start3A_136] : memref<3x128x128xf32, #tpu.memory_space<vmem>> -> memref<1x128x128xf32, #tpu.memory_space<vmem>>
      %dma_start3A_138 = tpu.memref_squeeze %dma_start3A_137 : memref<1x128x128xf32, #tpu.memory_space<vmem>> -> memref<128x128xf32, #tpu.memory_space<vmem>>
      %dma_start3A_139 = arith.constant 0 : i32
      %dma_start3A_140 = tpu.memref_slice %arg8[%while3A_94, %dma_start3A_139] : memref<158x128xi32, #tpu.memory_space<vmem>> -> memref<1x128xi32, #tpu.memory_space<vmem>>
      %dma_start3A_141 = tpu.memref_squeeze %dma_start3A_140 : memref<1x128xi32, #tpu.memory_space<vmem>> -> memref<128xi32, #tpu.memory_space<vmem>>
      %dma_start3A_142 = arith.constant 0 : i32
      %dma_start3A_143 = arith.constant 0 : i32
      %dma_start3A_144 = tpu.memref_slice %arg11[%dma_start3A_142, %dma_start3A_143] : memref<5008x128xf32, #tpu.memory_space<vmem_shared>> -> memref<5008x128xf32, #tpu.memory_space<vmem_shared>>
      tpu.enqueue_indirect_dma source(%dma_start3A_138 : memref<128x128xf32, #tpu.memory_space<vmem>>) target(%dma_start3A_144 : memref<5008x128xf32, #tpu.memory_space<vmem_shared>>) offsets(%dma_start3A_141 : memref<128xi32, #tpu.memory_space<vmem>>) semaphore(%arg13 : memref<!tpu.dma_semaphore, #tpu.memory_space<semaphore_mem>>) {add = true}
      %ge3A_145 = arith.constant 1 : i32
      %ge3A_146 = arith.cmpi sge, %while3A_94, %ge3A_145 : i32
      %convert_element_type3A_147 = arith.extui %ge3A_146 : i1 to i32
      %cond3A_148 = arith.constant 0 : i32
      %cond3A_149 = arith.cmpi ne, %convert_element_type3A_147, %cond3A_148 : i32
      scf.if %cond3A_149 {
        %dma_wait3A_151 = arith.constant 0 : i32
        %dma_wait3A_152 = arith.constant 0 : i32
        %dma_wait3A_153 = arith.constant 0 : i32
        %dma_wait3A_154 = arith.constant 0 : i32
        %dma_wait3A_155 = tpu.memref_slice %arg9[%dma_wait3A_151, %dma_wait3A_153, %dma_wait3A_154] : memref<3x128x128xf32, #tpu.memory_space<vmem>> -> memref<1x128x128xf32, #tpu.memory_space<vmem>>
        %dma_wait3A_156 = tpu.memref_squeeze %dma_wait3A_155 : memref<1x128x128xf32, #tpu.memory_space<vmem>> -> memref<128x128xf32, #tpu.memory_space<vmem>>
        %dma_wait3A_157 = arith.constant 0 : i32
        %dma_wait3A_158 = tpu.memref_slice %arg8[%dma_wait3A_152, %dma_wait3A_157] : memref<158x128xi32, #tpu.memory_space<vmem>> -> memref<1x128xi32, #tpu.memory_space<vmem>>
        %dma_wait3A_159 = tpu.memref_squeeze %dma_wait3A_158 : memref<1x128xi32, #tpu.memory_space<vmem>> -> memref<128xi32, #tpu.memory_space<vmem>>
        %dma_wait3A_160 = arith.constant 0 : i32
        %dma_wait3A_161 = arith.constant 0 : i32
        %dma_wait3A_162 = tpu.memref_slice %arg11[%dma_wait3A_160, %dma_wait3A_161] : memref<5008x128xf32, #tpu.memory_space<vmem_shared>> -> memref<5008x128xf32, #tpu.memory_space<vmem_shared>>
        tpu.wait_indirect_dma semaphore(%arg13 : memref<!tpu.dma_semaphore, #tpu.memory_space<semaphore_mem>>) src(%dma_wait3A_156 : memref<128x128xf32, #tpu.memory_space<vmem>>) dst(%dma_wait3A_162 : memref<5008x128xf32, #tpu.memory_space<vmem_shared>>)
        %add3A_163 = arith.constant 2 : i32
        %add3A_164 = arith.addi %while3A_94, %add3A_163 : i32
        %lt3A_165 = arith.cmpi slt, %add3A_164, %select_n3A : i32
        %convert_element_type3A_166 = arith.extui %lt3A_165 : i1 to i32
        %cond3A_167 = arith.constant 0 : i32
        %cond3A_168 = arith.cmpi ne, %convert_element_type3A_166, %cond3A_167 : i32
        scf.if %cond3A_168 {
          %add3A_169 = arith.constant 2 : i32
          %add3A_170 = arith.addi %while3A_94, %add3A_169 : i32
          %jit3A_171 = arith.constant 3 : i32
          %eq3A_172 = arith.constant 0 : i32
          %eq3A_173 = arith.cmpi eq, %jit3A_171, %eq3A_172 : i32
          %jit3A_174 = arith.constant 1 : i32
          %select_n3A_175 = arith.select %eq3A_173, %jit3A_174, %jit3A_171 : i32
          %rem3A_176 = arith.remsi %add3A_170, %select_n3A_175 : i32
          %ne3A_177 = arith.constant 0 : i32
          %ne3A_178 = arith.cmpi ne, %rem3A_176, %ne3A_177 : i32
          %lt3A_179 = arith.constant 0 : i32
          %lt3A_180 = arith.cmpi slt, %rem3A_176, %lt3A_179 : i32
          %lt3A_181 = arith.constant 0 : i32
          %lt3A_182 = arith.cmpi slt, %select_n3A_175, %lt3A_181 : i32
          %ne3A_183 = arith.xori %lt3A_180, %lt3A_182 : i1
          %and3A_184 = arith.andi %ne3A_183, %ne3A_178 : i1
          %add3A_185 = arith.addi %rem3A_176, %select_n3A_175 : i32
          %select_n3A_186 = arith.select %and3A_184, %add3A_185, %rem3A_176 : i32
          %dma_start3A_187 = arith.constant 0 : i32
          %dma_start3A_188 = arith.constant 0 : i32
          %dma_start3A_189 = tpu.memref_slice %arg9[%select_n3A_186, %dma_start3A_187, %dma_start3A_188] : memref<3x128x128xf32, #tpu.memory_space<vmem>> -> memref<1x128x128xf32, #tpu.memory_space<vmem>>
          %dma_start3A_190 = tpu.memref_squeeze %dma_start3A_189 : memref<1x128x128xf32, #tpu.memory_space<vmem>> -> memref<128x128xf32, #tpu.memory_space<vmem>>
          %dma_start3A_191 = arith.constant 0 : i32
          %dma_start3A_192 = tpu.memref_slice %arg7[%add3A_170, %dma_start3A_191] : memref<158x128xi32, #tpu.memory_space<vmem>> -> memref<1x128xi32, #tpu.memory_space<vmem>>
          %dma_start3A_193 = tpu.memref_squeeze %dma_start3A_192 : memref<1x128xi32, #tpu.memory_space<vmem>> -> memref<128xi32, #tpu.memory_space<vmem>>
          %dma_start3A_194 = arith.constant 0 : i32
          %dma_start3A_195 = arith.constant 0 : i32
          %dma_start3A_196 = tpu.memref_slice %arg2[%dma_start3A_194, %dma_start3A_195] : memref<10000x128xf32, #tpu.memory_space<hbm>> -> memref<10000x128xf32, #tpu.memory_space<hbm>>
          tpu.enqueue_indirect_dma source(%dma_start3A_196 : memref<10000x128xf32, #tpu.memory_space<hbm>>) target(%dma_start3A_190 : memref<128x128xf32, #tpu.memory_space<vmem>>) offsets(%dma_start3A_193 : memref<128xi32, #tpu.memory_space<vmem>>) semaphore(%arg12 : memref<!tpu.dma_semaphore, #tpu.memory_space<semaphore_mem>>)
        } else {
        }
      } else {
      }
      %while3A_150 = arith.constant 0 : i32
      scf.yield %while3A_150 : i32
    }
    %ge3A = arith.constant 1 : i32
    %ge3A_77 = arith.cmpi sge, %select_n3A, %ge3A : i32
    %convert_element_type3A_78 = arith.extui %ge3A_77 : i1 to i32
    %cond3A_79 = arith.constant 0 : i32
    %cond3A_80 = arith.cmpi ne, %convert_element_type3A_78, %cond3A_79 : i32
    scf.if %cond3A_80 {
      %dma_wait3A = arith.constant 0 : i32
      %dma_wait3A_94 = arith.constant 0 : i32
      %dma_wait3A_95 = arith.constant 0 : i32
      %dma_wait3A_96 = arith.constant 0 : i32
      %dma_wait3A_97 = tpu.memref_slice %arg9[%dma_wait3A, %dma_wait3A_95, %dma_wait3A_96] : memref<3x128x128xf32, #tpu.memory_space<vmem>> -> memref<1x128x128xf32, #tpu.memory_space<vmem>>
      %dma_wait3A_98 = tpu.memref_squeeze %dma_wait3A_97 : memref<1x128x128xf32, #tpu.memory_space<vmem>> -> memref<128x128xf32, #tpu.memory_space<vmem>>
      %dma_wait3A_99 = arith.constant 0 : i32
      %dma_wait3A_100 = tpu.memref_slice %arg8[%dma_wait3A_94, %dma_wait3A_99] : memref<158x128xi32, #tpu.memory_space<vmem>> -> memref<1x128xi32, #tpu.memory_space<vmem>>
      %dma_wait3A_101 = tpu.memref_squeeze %dma_wait3A_100 : memref<1x128xi32, #tpu.memory_space<vmem>> -> memref<128xi32, #tpu.memory_space<vmem>>
      %dma_wait3A_102 = arith.constant 0 : i32
      %dma_wait3A_103 = arith.constant 0 : i32
      %dma_wait3A_104 = tpu.memref_slice %arg11[%dma_wait3A_102, %dma_wait3A_103] : memref<5008x128xf32, #tpu.memory_space<vmem_shared>> -> memref<5008x128xf32, #tpu.memory_space<vmem_shared>>
      tpu.wait_indirect_dma semaphore(%arg13 : memref<!tpu.dma_semaphore, #tpu.memory_space<semaphore_mem>>) src(%dma_wait3A_98 : memref<128x128xf32, #tpu.memory_space<vmem>>) dst(%dma_wait3A_104 : memref<5008x128xf32, #tpu.memory_space<vmem_shared>>)
    } else {
    }
    %barrier3A_81 = arith.constant 0 : index
    tpu.barrier barrier_id(%barrier3A_81)
    %mul3A_82 = arith.constant 312 : i32
    %mul3A_83 = arith.muli %arg1, %mul3A_82 : i32
    %mul3A_84 = arith.constant 5000 : i32
    %mul3A_85 = arith.muli %arg0, %mul3A_84 : i32
    %mul3A_86 = arith.constant 312 : i32
    %mul3A_87 = arith.muli %arg1, %mul3A_86 : i32
    %add3A_88 = arith.addi %mul3A_85, %mul3A_87 : i32
    "tpu.region"() ({
      %run_scoped3A_94 = tpu.sem_alloc : memref<!tpu.dma_semaphore, #tpu.memory_space<semaphore_mem>>
      %dma_start3A = arith.constant 0 : i32
      %dma_start3A_95 = tpu.memref_slice %arg6[%add3A_88, %dma_start3A] : memref<10000x128xf32, #tpu.memory_space<hbm>> -> memref<312x128xf32, #tpu.memory_space<hbm>>
      %dma_start3A_96 = arith.constant 0 : i32
      %dma_start3A_97 = tpu.memref_slice %arg11[%mul3A_83, %dma_start3A_96] : memref<5008x128xf32, #tpu.memory_space<vmem_shared>> -> memref<312x128xf32, #tpu.memory_space<vmem_shared>>
      tpu.enqueue_dma source(%dma_start3A_97 : memref<312x128xf32, #tpu.memory_space<vmem_shared>>) target(%dma_start3A_95 : memref<312x128xf32, #tpu.memory_space<hbm>>) target_semaphore(%run_scoped3A_94 : memref<!tpu.dma_semaphore, #tpu.memory_space<semaphore_mem>>)
      %dma_wait3A = arith.constant 0 : i32
      %dma_wait3A_98 = tpu.memref_slice %arg6[%add3A_88, %dma_wait3A] : memref<10000x128xf32, #tpu.memory_space<hbm>> -> memref<312x128xf32, #tpu.memory_space<hbm>>
      %dma_wait3A_99 = arith.constant 0 : i32
      %dma_wait3A_100 = tpu.memref_slice %arg11[%mul3A_83, %dma_wait3A_99] : memref<5008x128xf32, #tpu.memory_space<vmem_shared>> -> memref<312x128xf32, #tpu.memory_space<vmem_shared>>
      tpu.wait_dma2 semaphore(%run_scoped3A_94 : memref<!tpu.dma_semaphore, #tpu.memory_space<semaphore_mem>>) src(%dma_wait3A_100 : memref<312x128xf32, #tpu.memory_space<vmem_shared>>) dst(%dma_wait3A_98 : memref<312x128xf32, #tpu.memory_space<hbm>>)
      tpu.yield
    }) : () -> ()
    %eq3A_89 = arith.constant 15 : i32
    %eq3A_90 = arith.cmpi eq, %arg1, %eq3A_89 : i32
    %convert_element_type3A_91 = arith.extui %eq3A_90 : i1 to i32
    %cond3A_92 = arith.constant 0 : i32
    %cond3A_93 = arith.cmpi ne, %convert_element_type3A_91, %cond3A_92 : i32
    scf.if %cond3A_93 {
      %mul3A_94 = arith.constant 5000 : i32
      %mul3A_95 = arith.muli %arg0, %mul3A_94 : i32
      %add3A_96 = arith.constant 5000 : i32
      %add3A_97 = arith.addi %mul3A_95, %add3A_96 : i32
      %sub3A_98 = arith.constant 8 : i32
      %sub3A_99 = arith.subi %add3A_97, %sub3A_98 : i32
      "tpu.region"() ({
        %run_scoped3A_100 = tpu.sem_alloc : memref<!tpu.dma_semaphore, #tpu.memory_space<semaphore_mem>>
        %dma_start3A = arith.constant 0 : i32
        %dma_start3A_101 = tpu.memref_slice %arg6[%sub3A_99, %dma_start3A] : memref<10000x128xf32, #tpu.memory_space<hbm>> -> memref<8x128xf32, #tpu.memory_space<hbm>>
        %dma_start3A_102 = arith.constant 4992 : i32
        %dma_start3A_103 = arith.constant 0 : i32
        %dma_start3A_104 = tpu.memref_slice %arg11[%dma_start3A_102, %dma_start3A_103] : memref<5008x128xf32, #tpu.memory_space<vmem_shared>> -> memref<8x128xf32, #tpu.memory_space<vmem_shared>>
        tpu.enqueue_dma source(%dma_start3A_104 : memref<8x128xf32, #tpu.memory_space<vmem_shared>>) target(%dma_start3A_101 : memref<8x128xf32, #tpu.memory_space<hbm>>) target_semaphore(%run_scoped3A_100 : memref<!tpu.dma_semaphore, #tpu.memory_space<semaphore_mem>>)
        %dma_wait3A = arith.constant 0 : i32
        %dma_wait3A_105 = tpu.memref_slice %arg6[%sub3A_99, %dma_wait3A] : memref<10000x128xf32, #tpu.memory_space<hbm>> -> memref<8x128xf32, #tpu.memory_space<hbm>>
        %dma_wait3A_106 = arith.constant 4992 : i32
        %dma_wait3A_107 = arith.constant 0 : i32
        %dma_wait3A_108 = tpu.memref_slice %arg11[%dma_wait3A_106, %dma_wait3A_107] : memref<5008x128xf32, #tpu.memory_space<vmem_shared>> -> memref<8x128xf32, #tpu.memory_space<vmem_shared>>
        tpu.wait_dma2 semaphore(%run_scoped3A_100 : memref<!tpu.dma_semaphore, #tpu.memory_space<semaphore_mem>>) src(%dma_wait3A_108 : memref<8x128xf32, #tpu.memory_space<vmem_shared>>) dst(%dma_wait3A_105 : memref<8x128xf32, #tpu.memory_space<hbm>>)
        tpu.yield
      }) : () -> ()
    } else {
    }
    return
  }
}

module attributes {stable_mosaic.version = 14 : i64} {
  func.func @_pre1_body(%arg0: i32, %arg1: memref<1000x128xf32, #tpu.memory_space<vmem>>, %arg2: memref<1000x1xf32, #tpu.memory_space<vmem>>, %arg3: memref<1000x128xf32, #tpu.memory_space<vmem>>) attributes {dimension_semantics = [#tpu.dimension_semantics<arbitrary>], iteration_bounds = array<i64: 10>, scalar_prefetch = 0 : i64, scratch_operands = 0 : i64, tpu.core_type = #tpu.core_type<tc>, window_params = [{transform_indices = @transform_0, window_bounds = array<i64: 1000, 128>}, {transform_indices = @transform_1, window_bounds = array<i64: 1000, 1>}, {transform_indices = @transform_2, window_bounds = array<i64: 1000, 128>}]} {
    %get3A = arith.constant 0 : index
    %get3A_0 = arith.constant 0 : index
    %get3A_1 = vector.load %arg1[%get3A, %get3A_0] : memref<1000x128xf32, #tpu.memory_space<vmem>>, vector<1000x128xf32>
    %get3A_2 = arith.constant 0 : index
    %get3A_3 = arith.constant 0 : index
    %get3A_4 = vector.load %arg2[%get3A_2, %get3A_3] : memref<1000x1xf32, #tpu.memory_space<vmem>>, vector<1000x1xf32>
    %max3A = arith.constant 1.000000e+00 : f32
    %max3A_5 = vector.broadcast %max3A : f32 to vector<1000x1xf32>
    %max3A_6 = arith.maximumf %get3A_4, %max3A_5 : vector<1000x1xf32>
    %rsqrt3A = math.rsqrt %max3A_6 : vector<1000x1xf32>
    %mul3A = vector.broadcast %rsqrt3A : vector<1000x1xf32> to vector<1000x128xf32>
    %mul3A_7 = arith.mulf %get3A_1, %mul3A : vector<1000x128xf32>
    %swap3A = arith.constant 0 : index
    %swap3A_8 = arith.constant 0 : index
    %swap3A_9 = vector.load %arg3[%swap3A, %swap3A_8] : memref<1000x128xf32, #tpu.memory_space<vmem>>, vector<1000x128xf32>
    tpu.vector_store %arg3[%swap3A, %swap3A_8], %mul3A_7 {strides = array<i32>} : memref<1000x128xf32, #tpu.memory_space<vmem>>, vector<1000x128xf32>,
    return
  }
  func.func @transform_0(%arg0: i32) -> (i32, i32) {
    %c0_i32 = arith.constant 0 : i32
    %c0_i32_0 = arith.constant 0 : i32
    return %arg0, %c0_i32 : i32, i32
  }
  func.func @transform_1(%arg0: i32) -> (i32, i32) {
    %c0_i32 = arith.constant 0 : i32
    %c0_i32_0 = arith.constant 0 : i32
    return %arg0, %c0_i32 : i32, i32
  }
  func.func @transform_2(%arg0: i32) -> (i32, i32) {
    %c0_i32 = arith.constant 0 : i32
    %c0_i32_0 = arith.constant 0 : i32
    return %arg0, %c0_i32 : i32, i32
  }
}

module attributes {stable_mosaic.version = 14 : i64} {
  func.func @_post1_body(%arg0: i32, %arg1: memref<1000x128xf32, #tpu.memory_space<vmem>>, %arg2: memref<1000x1xf32, #tpu.memory_space<vmem>>, %arg3: memref<1000x1xf32, #tpu.memory_space<vmem>>, %arg4: memref<128x128xf32, #tpu.memory_space<vmem>>, %arg5: memref<1x128xf32, #tpu.memory_space<vmem>>, %arg6: memref<1000x128xf32, #tpu.memory_space<vmem>>) attributes {dimension_semantics = [#tpu.dimension_semantics<arbitrary>], iteration_bounds = array<i64: 10>, scalar_prefetch = 0 : i64, scratch_operands = 0 : i64, tpu.core_type = #tpu.core_type<tc>, window_params = [{transform_indices = @transform_0, window_bounds = array<i64: 1000, 128>}, {transform_indices = @transform_1, window_bounds = array<i64: 1000, 1>}, {transform_indices = @transform_2, window_bounds = array<i64: 1000, 1>}, {pipeline_mode = #tpu.pipeline_mode<synchronous>, transform_indices = @transform_3, window_bounds = array<i64: 128, 128>}, {pipeline_mode = #tpu.pipeline_mode<synchronous>, transform_indices = @transform_4, window_bounds = array<i64: 1, 128>}, {transform_indices = @transform_5, window_bounds = array<i64: 1000, 128>}]} {
    %get3A = arith.constant 0 : index
    %get3A_0 = arith.constant 0 : index
    %get3A_1 = vector.load %arg1[%get3A, %get3A_0] : memref<1000x128xf32, #tpu.memory_space<vmem>>, vector<1000x128xf32>
    %get3A_2 = arith.constant 0 : index
    %get3A_3 = arith.constant 0 : index
    %get3A_4 = vector.load %arg2[%get3A_2, %get3A_3] : memref<1000x1xf32, #tpu.memory_space<vmem>>, vector<1000x1xf32>
    %max3A = arith.constant 1.000000e+00 : f32
    %max3A_5 = vector.broadcast %max3A : f32 to vector<1000x1xf32>
    %max3A_6 = arith.maximumf %get3A_4, %max3A_5 : vector<1000x1xf32>
    %rsqrt3A = math.rsqrt %max3A_6 : vector<1000x1xf32>
    %mul3A = vector.broadcast %rsqrt3A : vector<1000x1xf32> to vector<1000x128xf32>
    %mul3A_7 = arith.mulf %get3A_1, %mul3A : vector<1000x128xf32>
    %get3A_8 = arith.constant 0 : index
    %get3A_9 = arith.constant 0 : index
    %get3A_10 = vector.load %arg4[%get3A_8, %get3A_9] : memref<128x128xf32, #tpu.memory_space<vmem>>, vector<128x128xf32>
    %dot_general3A = arith.constant dense<0.000000e+00> : vector<1000x128xf32>
    %dot_general3A_11 = tpu.matmul %mul3A_7, %get3A_10, %dot_general3A {dimension_numbers = #tpu.dot_dimension_numbers<[1], [0], [0], [1], [0, 0, 1, 1], [], []>, transpose_lhs_hint = false} : vector<1000x128xf32>, vector<128x128xf32>, vector<1000x128xf32> -> vector<1000x128xf32>
    %get3A_12 = arith.constant 0 : index
    %get3A_13 = arith.constant 0 : index
    %get3A_14 = vector.load %arg5[%get3A_12, %get3A_13] : memref<1x128xf32, #tpu.memory_space<vmem>>, vector<1x128xf32>
    %add3A = vector.broadcast %get3A_14 : vector<1x128xf32> to vector<1000x128xf32>
    %add3A_15 = arith.addf %dot_general3A_11, %add3A : vector<1000x128xf32>
    %max3A_16 = arith.constant 0.000000e+00 : f32
    %max3A_17 = vector.broadcast %max3A_16 : f32 to vector<1000x128xf32>
    %max3A_18 = arith.maximumf %add3A_15, %max3A_17 : vector<1000x128xf32>
    %get3A_19 = arith.constant 0 : index
    %get3A_20 = arith.constant 0 : index
    %get3A_21 = vector.load %arg3[%get3A_19, %get3A_20] : memref<1000x1xf32, #tpu.memory_space<vmem>>, vector<1000x1xf32>
    %max3A_22 = arith.constant 1.000000e+00 : f32
    %max3A_23 = vector.broadcast %max3A_22 : f32 to vector<1000x1xf32>
    %max3A_24 = arith.maximumf %get3A_21, %max3A_23 : vector<1000x1xf32>
    %rsqrt3A_25 = math.rsqrt %max3A_24 : vector<1000x1xf32>
    %mul3A_26 = vector.broadcast %rsqrt3A_25 : vector<1000x1xf32> to vector<1000x128xf32>
    %mul3A_27 = arith.mulf %max3A_18, %mul3A_26 : vector<1000x128xf32>
    %swap3A = arith.constant 0 : index
    %swap3A_28 = arith.constant 0 : index
    %swap3A_29 = vector.load %arg6[%swap3A, %swap3A_28] : memref<1000x128xf32, #tpu.memory_space<vmem>>, vector<1000x128xf32>
    tpu.vector_store %arg6[%swap3A, %swap3A_28], %mul3A_27 {strides = array<i32>} : memref<1000x128xf32, #tpu.memory_space<vmem>>, vector<1000x128xf32>,
    return
  }
  func.func @transform_0(%arg0: i32) -> (i32, i32) {
    %c0_i32 = arith.constant 0 : i32
    %c0_i32_0 = arith.constant 0 : i32
    return %arg0, %c0_i32 : i32, i32
  }
  func.func @transform_1(%arg0: i32) -> (i32, i32) {
    %c0_i32 = arith.constant 0 : i32
    %c0_i32_0 = arith.constant 0 : i32
    return %arg0, %c0_i32 : i32, i32
  }
  func.func @transform_2(%arg0: i32) -> (i32, i32) {
    %c0_i32 = arith.constant 0 : i32
    %c0_i32_0 = arith.constant 0 : i32
    return %arg0, %c0_i32 : i32, i32
  }
  func.func @transform_3(%arg0: i32) -> (i32, i32) {
    %c0_i32 = arith.constant 0 : i32
    %c0_i32_0 = arith.constant 0 : i32
    %c0_i32_1 = arith.constant 0 : i32
    return %c0_i32, %c0_i32_0 : i32, i32
  }
  func.func @transform_4(%arg0: i32) -> (i32, i32) {
    %c0_i32 = arith.constant 0 : i32
    %c0_i32_0 = arith.constant 0 : i32
    %c0_i32_1 = arith.constant 0 : i32
    return %c0_i32, %c0_i32_0 : i32, i32
  }
  func.func @transform_5(%arg0: i32) -> (i32, i32) {
    %c0_i32 = arith.constant 0 : i32
    %c0_i32_0 = arith.constant 0 : i32
    return %arg0, %c0_i32 : i32, i32
  }
}

module attributes {stable_mosaic.version = 14 : i64} {
  func.func @_post2_body(%arg0: i32, %arg1: memref<1000x128xf32, #tpu.memory_space<vmem>>, %arg2: memref<1000x1xf32, #tpu.memory_space<vmem>>, %arg3: memref<128x128xf32, #tpu.memory_space<vmem>>, %arg4: memref<1x128xf32, #tpu.memory_space<vmem>>, %arg5: memref<1000x128xf32, #tpu.memory_space<vmem>>) attributes {dimension_semantics = [#tpu.dimension_semantics<arbitrary>], iteration_bounds = array<i64: 10>, scalar_prefetch = 0 : i64, scratch_operands = 0 : i64, tpu.core_type = #tpu.core_type<tc>, window_params = [{transform_indices = @transform_0, window_bounds = array<i64: 1000, 128>}, {transform_indices = @transform_1, window_bounds = array<i64: 1000, 1>}, {pipeline_mode = #tpu.pipeline_mode<synchronous>, transform_indices = @transform_2, window_bounds = array<i64: 128, 128>}, {pipeline_mode = #tpu.pipeline_mode<synchronous>, transform_indices = @transform_3, window_bounds = array<i64: 1, 128>}, {transform_indices = @transform_4, window_bounds = array<i64: 1000, 128>}]} {
    %get3A = arith.constant 0 : index
    %get3A_0 = arith.constant 0 : index
    %get3A_1 = vector.load %arg1[%get3A, %get3A_0] : memref<1000x128xf32, #tpu.memory_space<vmem>>, vector<1000x128xf32>
    %get3A_2 = arith.constant 0 : index
    %get3A_3 = arith.constant 0 : index
    %get3A_4 = vector.load %arg2[%get3A_2, %get3A_3] : memref<1000x1xf32, #tpu.memory_space<vmem>>, vector<1000x1xf32>
    %max3A = arith.constant 1.000000e+00 : f32
    %max3A_5 = vector.broadcast %max3A : f32 to vector<1000x1xf32>
    %max3A_6 = arith.maximumf %get3A_4, %max3A_5 : vector<1000x1xf32>
    %rsqrt3A = math.rsqrt %max3A_6 : vector<1000x1xf32>
    %mul3A = vector.broadcast %rsqrt3A : vector<1000x1xf32> to vector<1000x128xf32>
    %mul3A_7 = arith.mulf %get3A_1, %mul3A : vector<1000x128xf32>
    %get3A_8 = arith.constant 0 : index
    %get3A_9 = arith.constant 0 : index
    %get3A_10 = vector.load %arg3[%get3A_8, %get3A_9] : memref<128x128xf32, #tpu.memory_space<vmem>>, vector<128x128xf32>
    %dot_general3A = arith.constant dense<0.000000e+00> : vector<1000x128xf32>
    %dot_general3A_11 = tpu.matmul %mul3A_7, %get3A_10, %dot_general3A {dimension_numbers = #tpu.dot_dimension_numbers<[1], [0], [0], [1], [0, 0, 1, 1], [], []>, transpose_lhs_hint = false} : vector<1000x128xf32>, vector<128x128xf32>, vector<1000x128xf32> -> vector<1000x128xf32>
    %get3A_12 = arith.constant 0 : index
    %get3A_13 = arith.constant 0 : index
    %get3A_14 = vector.load %arg4[%get3A_12, %get3A_13] : memref<1x128xf32, #tpu.memory_space<vmem>>, vector<1x128xf32>
    %add3A = vector.broadcast %get3A_14 : vector<1x128xf32> to vector<1000x128xf32>
    %add3A_15 = arith.addf %dot_general3A_11, %add3A : vector<1000x128xf32>
    %swap3A = arith.constant 0 : index
    %swap3A_16 = arith.constant 0 : index
    %swap3A_17 = vector.load %arg5[%swap3A, %swap3A_16] : memref<1000x128xf32, #tpu.memory_space<vmem>>, vector<1000x128xf32>
    tpu.vector_store %arg5[%swap3A, %swap3A_16], %add3A_15 {strides = array<i32>} : memref<1000x128xf32, #tpu.memory_space<vmem>>, vector<1000x128xf32>,
    return
  }
  func.func @transform_0(%arg0: i32) -> (i32, i32) {
    %c0_i32 = arith.constant 0 : i32
    %c0_i32_0 = arith.constant 0 : i32
    return %arg0, %c0_i32 : i32, i32
  }
  func.func @transform_1(%arg0: i32) -> (i32, i32) {
    %c0_i32 = arith.constant 0 : i32
    %c0_i32_0 = arith.constant 0 : i32
    return %arg0, %c0_i32 : i32, i32
  }
  func.func @transform_2(%arg0: i32) -> (i32, i32) {
    %c0_i32 = arith.constant 0 : i32
    %c0_i32_0 = arith.constant 0 : i32
    %c0_i32_1 = arith.constant 0 : i32
    return %c0_i32, %c0_i32_0 : i32, i32
  }
  func.func @transform_3(%arg0: i32) -> (i32, i32) {
    %c0_i32 = arith.constant 0 : i32
    %c0_i32_0 = arith.constant 0 : i32
    %c0_i32_1 = arith.constant 0 : i32
    return %c0_i32, %c0_i32_0 : i32, i32
  }
  func.func @transform_4(%arg0: i32) -> (i32, i32) {
    %c0_i32 = arith.constant 0 : i32
    %c0_i32_0 = arith.constant 0 : i32
    return %arg0, %c0_i32 : i32, i32
  }
}

</mosaic_0001>

<sc_bundles>
// kernel: kernel.11.cloned.1.call-start
scs
__scs_entry_jumppad:
0x0: {  	(pc) =	sbr.rel $0x88, $3  }
0x1: {  	(tag) =	ssettag $0x0;
	lr =	simm.s32 $0x1  }
0x2: {  	[smem:$0x3F9B] =	sst lr;
	_ =	strace $0xD0000000  }
0x3: {  	_ = 	snop  }
0x4: {  	_ = 	snop  }
0x5: {  	_ = 	snop  }
0x6: {  	_ = 	snop  }
0x7: {  	_ = 	snop  }
__scs_overlays_trampoline_lowered:
0x8: {  	[smem:$0x3FAA] =	sst s0  }
0x9: {  	[smem:$0x3FAB] =	sst s1  }
0xa: {  	[smem:$0x3FAC] =	sst s2  }
0xb: {  	[smem:$0x3FAD] =	sst s3  }
0xc: {  	[smem:$0x3FAE] =	sst s4  }
0xd: {  	[smem:$0x3FAF] =	sst s5  }
0xe: {  	[smem:$0x3FB0] =	sst s6  }
0xf: {  	[smem:$0x3FB1] =	sst s7  }
0x10: {  	[smem:$0x3FB2] =	sst s8  }
0x11: {  	[smem:$0x3FB3] =	sst s9;
	s0 =	simm.s32 @!p0 $0x0  }
0x12: {  	s1 =	sld [smem:$0x3F99];
	s0 =	simm.s32 @p0 $0x1  }
0x13: {  	[smem:$0x3FB4] =	sst s0;
	s0 =	simm.s32 @!p1 $0x0  }
0x14: {  	s2 =	sld [smem:$0x3F98];
	s0 =	simm.s32 @p1 $0x1  }
0x15: {  	[smem:$0x3FB5] =	sst s0;
	s0 =	simm.s32 @!p2 $0x0  }
0x16: {  	s3 =	sld [smem:$0x3FDB];
	s0 =	simm.s32 @p2 $0x1  }
0x17: {  	s4 =	simm.s32 $0x1BF5;
	[smem:$0x3FB7] =	sst s0  }
0x18: {  	s0 =	sld [smem:$0x3F9A];
	_ =	swait.ge [sflag:s4], $0x0  }
0x19: {  	s7 =	sld [smem:$0x3F9B]  }
0x1a: {  	s8 =	sadd.s32 $0xFFFFE003, lr  }
0x1b: {  	s9 =	sadd.s32 $0xFFFFFEF7, lr;
	s5 =	simm.s32 $0xFFFFFFFF;
	p2 =	slt.u32 s8, $0xFFFFF086  }
0x1c: {  	p1 =	slt.u32 s9, $0xF7A;
	s5 =	simm.s32 @!p2 $0x0  }
0x1d: {  	s5 =	simm.s32 @p1 $0x1;
	p0 =	seq.s32 s7, s2  }
0x1e: {  	s7 =	smul.u32 @!p0 $0xF7A, s2;
	p2 =	seq.s32 @!p0 s5, $0x0  }
0x1f: {  	s9 =	smul.u32 $0xF7A, s1;
	s8 =	simm.s32 @!p0 $0x1BF5;
	p2 =	por !p2, p0  }
0x20: {  	[sflag:s8] =	ssyncset.s32 @!p0 $0xFFFFF086;
	s6 =	sadd.s32 @!p0 s3, s7;
	s7 =	simm.s32 @!p0 $0x108  }
0x21: {  	s3 =	sadd.s32 s3, s9;
	s6 =	sadd.s32 @!p0 $0x88, s6;
	s7 =	simm.s32 @p2 $0x1082  }
0x22: {  	[simem:s7], [sflag:s8] =	dma.local @!p0 [hbm:s6], $0xF7A  }
0x23: {  	s9 =	sor.u32 $0xD0000000, s2;
	s6 =	simm.s32 $0x108;
	_ =	swait.ge @!p0 [sflag:s8], $0x0  }
0x24: {  	s3 =	sadd.s32 $0x88, s3;
	s6 =	simm.s32 @!p1 $0x1082;
	[sflag:s4] =	ssyncset.s32 $0xFFFFF086  }
0x25: {  	[simem:s6], [sflag:s4] =	dma.local [hbm:s3], $0xF7A  }
0x26: {  	[smem:$0x3F9B] =	sst s1;
	(tag) =	ssettag s2;
	_ =	strace s9  }
0x27: {  	s1 =	sld [smem:$0x3FAB]  }
0x28: {  	s2 =	sld [smem:$0x3FAC]  }
0x29: {  	s4 =	sld [smem:$0x3FAE]  }
0x2a: {  	p0 =	seq.s32 s5, $0x0;
	s5 =	sld [smem:$0x3FAF]  }
0x2b: {  	s6 =	sld [smem:$0x3FB0]  }
0x2c: {  	s7 =	sld [smem:$0x3FB1]  }
0x2d: {  	s3 =	simm.s32 $0x108;
	s8 =	sld [smem:$0x3FB2]  }
0x2e: {  	s3 =	simm.s32 @!p0 $0x1082;
	s9 =	sld [smem:$0x3FB3]  }
0x2f: {  	lr =	sadd.s32 s0, s3;
	s0 =	sld [smem:$0x3FAA]  }
0x30: {  	s3 =	sld [smem:$0x3FAD]  }
0x31: {  	[smem:$0x3FB6] =	sst s10  }
0x32: {  	s10 =	sld [smem:$0x3FB4];
	_ =	sdelay $0x3  }
0x33: {  	p0 =	seq.s32 s10, $0x1;
	s10 =	sld [smem:$0x3FB6];
	_ =	sdelay $0x3  }
0x34: {  	[smem:$0x3FB6] =	sst s10  }
0x35: {  	s10 =	sld [smem:$0x3FB5];
	_ =	sdelay $0x3  }
0x36: {  	p1 =	seq.s32 s10, $0x1;
	s10 =	sld [smem:$0x3FB6];
	_ =	sdelay $0x3  }
0x37: {  	[smem:$0x3FB6] =	sst s10  }
0x38: {  	s10 =	sld [smem:$0x3FB7]  }
0x39: {  	_ = 	snop;
	(pc) =	sbr.ind lr, $3  }
0x3a: {  	_ = 	snop  }
0x3b: {  	_ = 	snop  }
0x3c: {  	p2 =	seq.s32 s10, $0x1;
	s10 =	sld [smem:$0x3FB6]  }
0x3d: {  	_ =	shalt  }
0x3e: {  	_ =	shalt  }
0x3f: {  	_ =	shalt  }
0x40: {  	_ =	shalt  }
0x41: {  	_ =	shalt  }
0x42: {  	_ =	shalt  }
0x43: {  	_ =	shalt  }
0x44: {  	_ =	shalt  }
0x45: {  	_ =	shalt  }
0x46: {  	_ =	shalt  }
0x47: {  	_ =	shalt  }
0x48: {  	_ =	shalt  }
0x49: {  	_ =	shalt  }
0x4a: {  	_ =	shalt  }
0x4b: {  	_ =	shalt  }
0x4c: {  	_ =	shalt  }
0x4d: {  	_ =	shalt  }
0x4e: {  	_ =	shalt  }
0x4f: {  	_ =	shalt  }
0x50: {  	_ =	shalt  }
0x51: {  	_ =	shalt  }
0x52: {  	_ =	shalt  }
0x53: {  	_ =	shalt  }
0x54: {  	_ =	shalt  }
0x55: {  	_ =	shalt  }
0x56: {  	_ =	shalt  }
0x57: {  	_ =	shalt  }
0x58: {  	_ =	shalt  }
0x59: {  	_ =	shalt  }
0x5a: {  	_ =	shalt  }
0x5b: {  	_ =	shalt  }
0x5c: {  	_ =	shalt  }
0x5d: {  	_ =	shalt  }
0x5e: {  	_ =	shalt  }
0x5f: {  	_ =	shalt  }
0x60: {  	_ =	shalt  }
0x61: {  	_ =	shalt  }
0x62: {  	_ =	shalt  }
0x63: {  	_ =	shalt  }
0x64: {  	_ =	shalt  }
0x65: {  	_ =	shalt  }
0x66: {  	_ =	shalt  }
0x67: {  	_ =	shalt  }
0x68: {  	_ =	shalt  }
0x69: {  	_ =	shalt  }
0x6a: {  	_ =	shalt  }
0x6b: {  	_ =	shalt  }
0x6c: {  	_ =	shalt  }
0x6d: {  	_ =	shalt  }
0x6e: {  	_ =	shalt  }
0x6f: {  	_ =	shalt  }
0x70: {  	_ =	shalt  }
0x71: {  	_ =	shalt  }
0x72: {  	_ =	shalt  }
0x73: {  	_ =	shalt  }
0x74: {  	_ =	shalt  }
0x75: {  	_ =	shalt  }
0x76: {  	_ =	shalt  }
0x77: {  	_ =	shalt  }
0x78: {  	_ =	shalt  }
0x79: {  	_ =	shalt  }
0x7a: {  	_ =	shalt  }
0x7b: {  	_ =	shalt  }
0x7c: {  	_ =	shalt  }
0x7d: {  	_ =	shalt  }
0x7e: {  	_ =	shalt  }
0x7f: {  	_ =	shalt  }
0x80: {  	_ =	shalt  }
0x81: {  	_ =	shalt  }
0x82: {  	_ =	shalt  }
0x83: {  	_ =	shalt  }
0x84: {  	_ =	shalt  }
0x85: {  	_ =	shalt  }
0x86: {  	_ =	shalt  }
0x87: {  	_ =	shalt  }
.Lfunc_end0:
.L_simem_size_0:
called_computation.1_lowered:
.L_overlay_start_0:
0x88: {  	s2 =	sld [smem:$0x3FD9]  }
0x89: {  	s3 =	sld [smem:$0x3FFE];
	_ =	sdelay $0x1  }
0x8a: {  	s1 =	srdreg.scid  }
0x8b: {  	s0 =	sand.u32 $0x1, s1  }
0x8c: {  	s17 =	sshll.u32 s0, $0xA;
	s2 =	sadd.s32 s3, s2  }
0x8d: {  	s2 =	sadd.s32 s2, s17  }
0x8e: {  	[smem:$0x3FC2] =	sst s2  }
0x8f: {  	_ = 	snop  }
0x90: {  	s2 =	sld [smem:$0x3FD0];
	(tm) =	ssettm $0x1  }
0x91: {  	s18 =	sld [smem:$0x3FFB];
	_ =	sdelay $0x3  }
0x92: {  	_ =	strace s18  }
0x93: {  	s3 =	sld [smem:$0x3FFC];
	_ =	sdelay $0x3  }
0x94: {  	_ =	strace s3  }
0x95: {  	s3 =	sld [smem:$0x3FFD];
	_ =	sdelay $0x3  }
0x96: {  	_ =	strace s3  }
0x97: {  	_ =	strace $0x8FFFFFFF  }
0x98: {  	s19 =	sld [smem:$0x3FDB];
	_ =	sdelay $0x1  }
0x99: {  	s4 =	simm.s32 $_scs_section_size  }
0x9a: {  	s5 =	simm.s32 $_size__tile_overlayer_lowered;
	s6 =	simm.s32 $_tile_overlayer_lowered  }
0x9b: {  	s22 =	simm.s32 $0x1BFF;
	s21 =	sshll.u32 s6, $0x1;
	s3 =	sadd.s32 s4, s19  }
0x9c: {  	s7 =	simm.s32 $0x0;
	s20 =	sshll.u32 s5, $0x1;
	s5 =	sadd.s32 s21, s3  }
0x9d: {  	[timem:s7], [sflag:s22] =	dma.local [hbm:s5], s20  }
0x9e: {  	_ =	swait.ge [sflag:s22], s20  }
0x9f: {  	s4 =	ssub.s32 $0x0, s20;
	[sflag:s22] =	ssyncset.done $0x0  }
0xa0: {  	[sflag:s22] =	ssyncadd.s32 s4;
	_ =	sdelay $0x1  }
0xa1: {  	s23 =	simm.s32 $0x1B8B  }
0xa2: {  	_ =	swait.ge [sflag:s23], $0x1  }
0xa3: {  	[sflag:s23] =	ssyncset.done $0x0  }
0xa4: {  	s25 =	simm.s32 $0x1B8E;
	s24 =	sld [smem:$0x3FFE];
	[sflag:s23] =	ssyncadd.s32 $0xFFFFFFFF  }
0xa5: {  	s26 =	simm.s32 $execute0_lowered;
	[smem:$0x3FD2] =	sst s25  }
0xa6: {  	s5 =	sshll.u32 s26, $0x1;
	_ =	strace $0x80000049;
	[dreg:$0x1] =	wrdreg $0xFFFFFFFF  }
0xa7: {  	s28 =	simm.s32 $_size_execute0_lowered;
	s3 =	sadd.s32 s3, s5;
	[dreg:$0x0] =	wrdreg $0x0  }
0xa8: {  	s5 =	sshll.u32 s28, $0x1;
	[dreg:$0x2] =	wrdreg s3  }
0xa9: {  	[dreg:$0x3] =	wrdreg s5  }
0xaa: {  	[dreg:$0x4] =	wrdreg $0xC0  }
0xab: {  	_ =	task [dreg:s7], $0x5FFFF  }
0xac: {  	[dreg:$0x1] =	wrdreg $0xFFFFFFFF  }
0xad: {  	[dreg:$0x0] =	wrdreg $0x60  }
0xae: {  	[dreg:$0x2] =	wrdreg s2  }
0xaf: {  	[dreg:$0x3] =	wrdreg s24  }
0xb0: {  	[dreg:$0x4] =	wrdreg $0x160800  }
0xb1: {  	[dreg:$0x5] =	wrdreg $0x9  }
0xb2: {  	_ =	task.clear_ibuf [dreg:s7], $0x6FFFF;
	_ =	strace $0x90000049  }
0xb3: {  	s29 =	simm.s32 $0x9;
	_ =	strace $0x8000004B  }
0xb4: {  	_ =	swait.ge [sflag:s29], $0x1  }
0xb5: {  	[sflag:s29] =	ssyncadd.s32 $0xFFFFFFFF  }
0xb6: {  	_ =	strace $0x9000004B  }
0xb7: {  	_ =	sfence  }
0xb8: {  	s30 =	sld [smem:$0x0];
	_ =	sdelay $0x2  }
0xb9: {  	s31 =	sshll.u32 s1, $0xD;
	s1 =	sshrl.u32 s1, $0x2  }
0xba: {  	s3 =	sand.u32 $0x4000, s31;
	s1 =	sadd.s32 s1, s30  }
0xbb: {  	s0 =	sor.u32 s3, s0;
	s1 =	sshll.u32 s1, $0x11  }
0xbc: {  	s0 =	sor.u32 s1, s0  }
0xbd: {  	s0 =	sadd.s32 $0x8F2B, s0  }
0xbe: {  	[sflag:s0] =	ssyncadd.remote.s32 $0x1  }
0xbf: {  	_ =	sfence.sel $0xFFFF  }
0xc0: {  	[dreg:$0x0] =	wrdreg $0xFFFFFFFF;
	(pc) =	sbr.abs _section_cstart, $3  }
0xc1: {  	[dreg:$0x1] =	wrdreg $0xFFFFFFFF  }
0xc2: {  	_ =	task.clear_ibuf [dreg:s7], $0x2FFFF;
	_ =	strace $0x9FFFFFFF  }
0xc3: {  	(tm) =	ssettm $0x7FFFFFFF  }
tec
execute0_lowered:
.L_overlay_start_1:
0x0: {  	(tag) =	ssettag $0x1  }
0x1: {  	s0 =	srdreg.scid;
	s1 =	rddreg [dreg:$0x0]  }
0x2: {  	s2 =	rddreg [dreg:$0x1];
	s15 =	stileid.u32  }
0x3: {  	s3 =	rddreg [dreg:$0x2];
	s16 =	simm.s32 $0x3;
	s18 =	simm.s32 $0x1  }
0x4: {  	s20 =	simm.s32 $0x80;
	s22 =	simm.s32 $0x0;
	s7 =	smul.u32 $0x27000, s15  }
0x5: {  	s0 =	sand.u32 $0x1, s0;
	s12 =	smul.u32 $0x1380, s15;
	s8 =	sadd.s32 $0x9C000, s3  }
0x6: {  	p0 =	sne.s32 s15, $0xF;
	s4 =	sshll.u32 s0, $0x4;
	s13 =	smul.u32 $0x9C400, s0  }
0x7: {  	s26 =	ssub.s32 $0x2, s0;
	s0 =	smul.u32 $0x13880, s0;
	s5 =	sor.u32 s15, s4  }
0x8: {  	s4 =	simm.s32 $0x0;
	s28 =	sshrl.u32 s7, $0x2;
	s29 =	sshrl.u32 s26, $0x1  }
0x9: {  	s15 =	simm.s32 $0xA000;
	s6 =	smul.u32 $0xA00, s5;
	[smem:$0x7FF] =	sst s4  }
0xa: {  	s5 =	sshll.u32 s5, $0x1;
	s14 =	ssub.s32 s26, s29;
	s13 =	sshrl.u32 s13, $0x3  }
0xb: {  	s0 =	sadd.s32 s12, s0;
	_ =	strace $0x8000004A;
	s9 =	sadd.s32 s5, s2  }
.Ltmp0:
0xc: {  	s5 =	sadd.s32 s28, s3;
	s14 =	smax.u32 s14, $0x1;
	(pc) =	sbr.rel .LBB2_1-.Ltmp0, $4  }
0xd: {  	s11 =	sadd.s32 s6, s2;
	s2 =	sadd.s32 $0x2BC00, s2;
	s30 =	sadd.s32 $0x4000, s5  }
0xe: {  	s31 =	sadd.s32 $0x8000, s5;
	s9 =	sadd.s32 $0x2BA00, s9;
	[dreg:$0x4] =	wrdreg s30  }
0xf: {  	[dreg:$0x5] =	wrdreg s31;
	s10 =	sadd.s32 $0x3A00, s11;
	s13 =	sadd.s32 s2, s13  }
0x10: {  	v0 =	vimm.f32 $0.0e+00;
	s11 =	sadd.s32 $0x17A00, s11;
	s12 =	sadd.s32 s2, s0;
	s13 =	sadd.s32 $0x13800, s13  }
.LBB2_6:
0x11: {  	s0 =	sadd.s32 s19, s31  }
0x12: {  	[sflag:s17] =	ssyncadd.s32 @!p1 $0xFFFFC000;
	s2 =	simm.s32 @!p3 $0x80;
	s31 =	simm.s32 $0x2  }
0x13: {  	[tilespmem:s0], [sflag:$0x1] =	stream.indirect.gather @!p3 [hbm4b:s1+s2], $0x80, s25, s2, $0xb8;
	[tilespmem:$0x1FD00] =	vst v63  }
0x14: {  	_ =	swait.ge [sflag:s31], $0x4000  }
0x15: {  	[sflag:s31] =	ssyncset.done $0x0  }
0x16: {  	[sflag:s31] =	ssyncadd.s32 $0xFFFFC000  }
.LBB2_7:
0x17: {  	s0 =	stileid.u32  }
0x18: {  	s0 =	sshll.u32 s0, $0x6  }
0x19: {  	[bflag:$0x0] =	sbarrier.arrive $0xFFFF;
	s2 =	sshrl.u32 s5, $0x3;
	s0 =	sor.u32 $0x1C03, s0  }
0x1a: {  	[hbm:s12], [sflag:s0] =	dma.local [spmem:s2], $0x1380  }
0x1b: {  	s22 =	sadd.s32 $0x1, s22;
	_ =	swait.ge [sflag:s16], $0x1380  }
0x1c: {  	p1 =	sne.s32 s22, s14;
	[sflag:s16] =	ssyncset.done $0x0  }
.Ltmp1:
0x1d: {  	s2 =	sshrl.u32 @!p0 s8, $0x3;
	[sflag:s16] =	ssyncadd.s32 $0xFFFFEC80;
	(pc) =	sbr.rel @!p1 .LBB2_8-.Ltmp1, $4  }
0x1e: {  	[hbm:s13], [sflag:s0] =	dma.local @!p0 [spmem:s2], $0x80  }
0x1f: {  	_ =	swait.ge @!p0 [sflag:s23], $0x80  }
0x20: {  	[sflag:s23] =	ssyncset.done @!p0 $0x0  }
0x21: {  	[sflag:s23] =	ssyncadd.s32 @!p0 $0xFFFFFF80  }
.LBB2_1:
0x22: {  	s0 =	sand.u32 $0xFE00, s4  }
0x23: {  	s2 =	sand.u32 $0x70, s4;
	s17 =	sshrl.u32 s0, $0x2  }
0x24: {  	s0 =	simm.s32 $0x40;
	s17 =	sor.u32 s2, s17;
	s2 =	simm.s32 $0x0  }
.LBB2_2:
0x25: {  	p1 =	sne.s32 s0, $0xFFC0  }
0x26: {  	[tilespmem:s17+$0xA000] =	vst v0;
	s2 =	sadd.s32 $0x10, s2;
	s17 =	smov.u32 s0;
	s0 =	sadd.s32 $0x40, s0  }
.Ltmp2:
0x27: {  	(pc) =	sbr.rel @p1 .LBB2_2-.Ltmp2, $4  }
0x28: {  	_ = 	snop  }
0x29: {  	s17 =	sand.u32 $0xFE00, s17  }
0x2a: {  	s19 =	sand.u32 $0x70, s2;
	s17 =	sshrl.u32 s17, $0x2  }
0x2b: {  	s17 =	sor.u32 s19, s17  }
0x2c: {  	[tilespmem:s17+$0xA000] =	vst v0  }
0x2d: {  	[spmem:s5] =	stream.linear.scatter [tilespmem:s15], [sflag:$0x3], $0x4000, $0x38;
	[tilespmem:$0x1FD00] =	vst v63  }
0x2e: {  	_ =	swait.ge [sflag:s16], $0x4000  }
0x2f: {  	[sflag:s16] =	ssyncset.done $0x0  }
0x30: {  	s0 =	rddreg [dreg:$0x4];
	[sflag:s16] =	ssyncadd.s32 $0xFFFFC000  }
0x31: {  	[spmem:s0] =	stream.linear.scatter [tilespmem:s15], [sflag:$0x3], $0x4000, $0x38;
	[tilespmem:$0x1FD00] =	vst v63  }
0x32: {  	_ =	swait.ge [sflag:s16], $0x4000  }
0x33: {  	[sflag:s16] =	ssyncset.done $0x0  }
0x34: {  	s28 =	rddreg [dreg:$0x5];
	[sflag:s16] =	ssyncadd.s32 $0xFFFFC000  }
0x35: {  	[spmem:s28] =	stream.linear.scatter [tilespmem:s15], [sflag:$0x3], $0x1C00, $0x38;
	[tilespmem:$0x1FD00] =	vst v63  }
0x36: {  	_ =	swait.ge [sflag:s16], $0x1C00  }
0x37: {  	[sflag:s16] =	ssyncset.done $0x0  }
0x38: {  	s23 =	simm.s32 @!p0 $0x3;
	s0 =	simm.s32 @!p0 $0xA000;
	[sflag:s16] =	ssyncadd.s32 $0xFFFFE400  }
0x39: {  	[spmem:s8] =	stream.linear.scatter @!p0 [tilespmem:s0], [sflag:$0x3], $0x400, $0x38;
	[tilespmem:$0x1FD00] =	vst v63  }
0x3a: {  	_ =	swait.ge @!p0 [sflag:s23], $0x400  }
0x3b: {  	[sflag:s23] =	ssyncset.done @!p0 $0x0  }
0x3c: {  	[sflag:s23] =	ssyncadd.s32 @!p0 $0xFFFFFC00  }
0x3d: {  	s29 =	simm.s32 $0x16000;
	[bflag:$0x0] =	sbarrier.arrive $0xFFFF  }
0x3e: {  	[tilespmem:s29], [sflag:$0x3] =	stream.linear.gather [hbm4b:s9+s4], $0x10, $0x38;
	[tilespmem:$0x1FD00] =	vst v63  }
0x3f: {  	_ =	swait.ge [sflag:s16], $0x10  }
0x40: {  	[sflag:s16] =	ssyncset.done $0x0  }
0x41: {  	[sflag:s16] =	ssyncadd.s32 $0xFFFFFFF0  }
0x42: {  	v1 =	vld [tilespmem:$0x16000];
	_ =	sdelay $0x4  }
0x43: {  	v1 =	vxor.u32 $0x80000000, v1  }
0x44: {  	(xrf0) =	vmax.scan.msk.u32 $0xffff, v1;
	_ =	sdelay $0x5  }
0x45: {  	v1, _, _ =	vpop (xrf0)  }
0x46: {  	(v2sf) =	vpush v1, $0xF;
	_ =	sdelay $0xd  }
0x47: {  	[tilespmem:s4], [sflag:$0x3] =	stream.linear.gather [hbm4b:s10+s4], $0x4F00, $0x38;
	[tilespmem:$0x1FD00] =	vst v63  }
0x48: {  	s30 =	spop (v2sf)  }
0x49: {  	s0 =	sadd.s32 $0x8000007F, s30  }
0x4a: {  	s31 =	sand.u32 $0x7F, s0  }
0x4b: {  	s2 =	sshra.s32 s0, $0x1F;
	p2 =	slt.s32 s0, $0x1;
	p1 =	sne.s32 s31, $0x0  }
0x4c: {  	s2 =	sshrl.u32 s2, $0x19;
	p1 =	por !p2, !p1  }
0x4d: {  	s0 =	sadd.s32 s2, s0;
	s2 =	simm.s32 $0x1;
	p1 =	por !p1, !p1  }
0x4e: {  	s0 =	sshra.s32 s0, $0x7;
	s2 =	simm.s32 @!p1 $0x0  }
0x4f: {  	_ =	swait.ge [sflag:s16], $0x4F00;
	s24 =	ssub.s32 s0, s2  }
0x50: {  	[sflag:s16] =	ssyncset.done $0x0;
	p1 =	slt.s32 s24, $0x1  }
.Ltmp3:
0x51: {  	s6 =	simm.s32 $0x5000;
	[sflag:s16] =	ssyncadd.s32 $0xFFFFB100;
	(pc) =	sbr.rel @p1 .LBB2_7-.Ltmp3, $4  }
0x52: {  	[tilespmem:s6], [sflag:$0x3] =	stream.linear.gather [hbm4b:s11+s4], $0x4F00, $0x38;
	[tilespmem:$0x1FD00] =	vst v63  }
0x53: {  	_ =	swait.ge [sflag:s16], $0x4F00  }
0x54: {  	[sflag:s16] =	ssyncset.done $0x0  }
0x55: {  	[sflag:s16] =	ssyncadd.s32 $0xFFFFB100  }
0x56: {  	[tilespmem:s15], [sflag:$0x1] =	stream.indirect.gather [hbm4b:s1+s20], $0x80, s4, s20, $0xb8;
	[tilespmem:$0x1FD00] =	vst v63  }
0x57: {  	p1 =	seq.s32 s24, $0x1;
	s7 =	simm.s32 $0x0;
	s31 =	simm.s32 $0x12000  }
0x58: {  	s0 =	simm.s32 @!p1 $0x80;
	s2 =	simm.s32 @!p1 $0xE000;
	p2 =	slt.u32 @!p1 s24, $0x3  }
0x59: {  	[tilespmem:s2], [sflag:$0x1] =	stream.indirect.gather @!p1 [hbm4b:s1+s0], $0x80, s0, s0, $0xb8;
	[tilespmem:$0x1FD00] =	vst v63  }
0x5a: {  	s25 =	simm.s32 $0x100;
	s19 =	simm.s32 $0x5000;
	p1 =	por p2, p1  }
0x5b: {  	s0 =	simm.s32 @!p1 $0x80;
	s2 =	simm.s32 @!p1 $0x100;
	s17 =	simm.s32 @!p1 $0x12000  }
0x5c: {  	[tilespmem:s17], [sflag:$0x1] =	stream.indirect.gather @!p1 [hbm4b:s1+s0], $0x80, s2, s0, $0xb8;
	[tilespmem:$0x1FD00] =	vst v63  }
0x5d: {  	s26 =	simm.s32 $0x1;
	s28 =	simm.s32 $0xE000;
	s0 =	smulhi.u32 $0xAAAAAAAB, s7  }
0x5e: {  	s29 =	simm.s32 $0x180;
	s30 =	simm.s32 $0x5080;
	s17 =	simm.s32 $0x2  }
0x5f: {  	p2 =	sne.s32 s24, $0x1;
	s21 =	smulhi.u32 $0xAAAAAAAB, s17;
	s0 =	sshrl.u32 s0, $0x1  }
0x60: {  	p1 =	por $0x1, $0x1;
	_ =	swait.ge [sflag:s18], $0x4000;
	s0 =	smul.u32 $0xFFFD0000, s0  }
0x61: {  	p3 =	sle.s32 @!p1 s24, $0x2;
	[sflag:s18] =	ssyncset.done $0x0;
	s17 =	sshrl.u32 s21, $0x1  }
.Ltmp4:
0x62: {  	[sflag:s18] =	ssyncadd.s32 $0xFFFFC000;
	s0 =	sshra.s32 s0, $0x2;
	(pc) =	sbr.rel @!p2 .LBB2_6-.Ltmp4, $4  }
0x63: {  	s6 =	smul.u32 $0xFFFD0000, s17;
	s17 =	simm.s32 @!p1 $0x2;
	s0 =	sadd.s32 $0xA000, s0  }
0x64: {  	[spmem:s3] =	stream.indirect.scatter.add.f32 [tilespmem:s0], [sflag:$0x2], $0x80, s19, s20, $0xb8;
	[tilespmem:$0x1FD00] =	vst v63  }
0x65: {  	s2 =	simm.s32 $0x3;
	p3 =	por p3, p1;
	_ =	swait.ge @!p1 [sflag:s17], $0x4000  }
0x66: {  	s0 =	simm.s32 $0x16000;
	s19 =	sshra.s32 s6, $0x2;
	[sflag:s17] =	ssyncset.done @!p1 $0x0  }
.LBB2_5:
0x67: {  	s6 =	sadd.s32 s19, s31;
	[sflag:s17] =	ssyncadd.s32 @!p1 $0xFFFFC000;
	s17 =	simm.s32 @!p3 $0x80  }
0x68: {  	s19 =	smov.u32 s26;
	s7 =	smov.u32 s28;
	s21 =	smov.u32 s30  }
0x69: {  	[tilespmem:s6], [sflag:$0x1] =	stream.indirect.gather @!p3 [hbm4b:s1+s17], $0x80, s25, s17, $0xb8;
	[tilespmem:$0x1FD00] =	vst v63  }
0x6a: {  	s26 =	sadd.s32 $0x1, s26;
	s6 =	smulhi.u32 $0xAAAAAAAB, s19;
	s25 =	smov.u32 s29  }
0x6b: {  	s31 =	smov.u32 s0;
	p2 =	sne.s32 s24, s26  }
0x6c: {  	s28 =	sadd.s32 $0x4000, s28;
	s17 =	smulhi.u32 $0xAAAAAAAB, s2;
	s6 =	sshrl.u32 s6, $0x1  }
0x6d: {  	s30 =	sadd.s32 $0x80, s30;
	s29 =	sadd.s32 $0x80, s29;
	s6 =	smul.u32 $0xFFFD0000, s6  }
0x6e: {  	s2 =	sadd.s32 $0x1, s2;
	p1 =	seq.s32 s19, $0x0;
	_ =	swait.ge [sflag:s18], $0x4000  }
0x6f: {  	s17 =	sshrl.u32 s17, $0x1;
	s6 =	sshra.s32 s6, $0x2;
	[sflag:s18] =	ssyncset.done $0x0  }
.Ltmp5:
0x70: {  	s6 =	sadd.s32 s6, s7;
	[sflag:s18] =	ssyncadd.s32 $0xFFFFC000;
	(pc) =	sbr.rel @p2 .LBB2_5-.Ltmp5, $4  }
0x71: {  	s19 =	sadd.s32 @!p1 $0x2, s19;
	s7 =	smul.u32 $0xFFFD0000, s17;
	s17 =	simm.s32 @!p1 $0x2  }
0x72: {  	[spmem:s3] =	stream.indirect.scatter.add.f32 [tilespmem:s6], [sflag:$0x2], $0x80, s21, s20, $0xb8;
	[tilespmem:$0x1FD00] =	vst v63  }
0x73: {  	s0 =	sadd.s32 $0x4000, s0;
	p3 =	sge.s32 @!p1 s19, s24;
	_ =	swait.ge @!p1 [sflag:s17], $0x4000  }
0x74: {  	p3 =	por p3, p1;
	s19 =	sshra.s32 s7, $0x2;
	[sflag:s17] =	ssyncset.done @!p1 $0x0  }
.Ltmp6:
0x75: {  	_ = 	snop;
	(pc) =	sbr.rel .LBB2_6-.Ltmp6, $1  }
0x76: {  	_ =	sdelay $0x3  }
.LBB2_8:
0x77: {  	_ =	sfence.sel $0x180000  }
0x78: {  	[bflag:$0x0] =	sbarrier.arrive $0xFFFF  }
0x79: {  	_ =	strace $0x9000004A  }
0x7a: {  	s0 =	stileid.u32;
	[bflag:$0x2] =	sbarrier.arrive $0xFFFF  }
0x7b: {  	p0 =	sne.s32 s0, $0x0;
	s0 =	rddreg [dreg:$0x3]  }
0x7c: {  	s0 =	sadd.s32 @!p0 $0x100000, s0  }
0x7d: {  	[sflag:s0] =	ssyncadd.tile.s32 @!p0 $0x1;
	_ =	shalt  }
.Lfunc_end2:
_tile_overlayer_lowered:
.L_overlay_start_2:
0x7e: {  	(tag) =	ssettag $0x2  }
0x7f: {  	s0 =	rddreg [dreg:$0x0];
	s2 =	stileid.u32  }
0x80: {  	s1 =	rddreg [dreg:$0x1];
	p0 =	sne.s32 s2, $0x0  }
0x81: {  	s3 =	rddreg [dreg:$0x2];
	[bflag:$0x3] =	sbarrier.arrive $0xFFFF;
	s2 =	simm.s32 @!p0 $0x1C03  }
0x82: {  	[timem:s3], [sflag:s2] =	dma.local @!p0 [hbm:s0], s1  }
0x83: {  	s0 =	simm.s32 @!p0 $0x3  }
0x84: {  	_ =	swait.ge @!p0 [sflag:s0], s1  }
0x85: {  	s1 =	ssub.s32 @!p0 $0x0, s1;
	[sflag:s0] =	ssyncset.done @!p0 $0x0  }
0x86: {  	[sflag:s0] =	ssyncadd.s32 @!p0 s1  }
0x87: {  	[bflag:$0x3] =	sbarrier.arrive $0xFFFF  }
0x88: {  	_ =	shalt  }

// kernel: kernel.14.cloned.1.call-start
scs
__scs_entry_jumppad:
0x0: {  	(pc) =	sbr.rel $0x88, $3  }
0x1: {  	(tag) =	ssettag $0x0;
	lr =	simm.s32 $0x1  }
0x2: {  	[smem:$0x3F9B] =	sst lr;
	_ =	strace $0xD0000000  }
0x3: {  	_ = 	snop  }
0x4: {  	_ = 	snop  }
0x5: {  	_ = 	snop  }
0x6: {  	_ = 	snop  }
0x7: {  	_ = 	snop  }
__scs_overlays_trampoline_lowered:
0x8: {  	[smem:$0x3FAA] =	sst s0  }
0x9: {  	[smem:$0x3FAB] =	sst s1  }
0xa: {  	[smem:$0x3FAC] =	sst s2  }
0xb: {  	[smem:$0x3FAD] =	sst s3  }
0xc: {  	[smem:$0x3FAE] =	sst s4  }
0xd: {  	[smem:$0x3FAF] =	sst s5  }
0xe: {  	[smem:$0x3FB0] =	sst s6  }
0xf: {  	[smem:$0x3FB1] =	sst s7  }
0x10: {  	[smem:$0x3FB2] =	sst s8  }
0x11: {  	[smem:$0x3FB3] =	sst s9;
	s0 =	simm.s32 @!p0 $0x0  }
0x12: {  	s1 =	sld [smem:$0x3F99];
	s0 =	simm.s32 @p0 $0x1  }
0x13: {  	[smem:$0x3FB4] =	sst s0;
	s0 =	simm.s32 @!p1 $0x0  }
0x14: {  	s2 =	sld [smem:$0x3F98];
	s0 =	simm.s32 @p1 $0x1  }
0x15: {  	[smem:$0x3FB5] =	sst s0;
	s0 =	simm.s32 @!p2 $0x0  }
0x16: {  	s3 =	sld [smem:$0x3FDB];
	s0 =	simm.s32 @p2 $0x1  }
0x17: {  	s4 =	simm.s32 $0x1BF5;
	[smem:$0x3FB7] =	sst s0  }
0x18: {  	s0 =	sld [smem:$0x3F9A];
	_ =	swait.ge [sflag:s4], $0x0  }
0x19: {  	s7 =	sld [smem:$0x3F9B]  }
0x1a: {  	s8 =	sadd.s32 $0xFFFFE003, lr  }
0x1b: {  	s9 =	sadd.s32 $0xFFFFFEF7, lr;
	s5 =	simm.s32 $0xFFFFFFFF;
	p2 =	slt.u32 s8, $0xFFFFF086  }
0x1c: {  	p1 =	slt.u32 s9, $0xF7A;
	s5 =	simm.s32 @!p2 $0x0  }
0x1d: {  	s5 =	simm.s32 @p1 $0x1;
	p0 =	seq.s32 s7, s2  }
0x1e: {  	s7 =	smul.u32 @!p0 $0xF7A, s2;
	p2 =	seq.s32 @!p0 s5, $0x0  }
0x1f: {  	s9 =	smul.u32 $0xF7A, s1;
	s8 =	simm.s32 @!p0 $0x1BF5;
	p2 =	por !p2, p0  }
0x20: {  	[sflag:s8] =	ssyncset.s32 @!p0 $0xFFFFF086;
	s6 =	sadd.s32 @!p0 s3, s7;
	s7 =	simm.s32 @!p0 $0x108  }
0x21: {  	s3 =	sadd.s32 s3, s9;
	s6 =	sadd.s32 @!p0 $0x88, s6;
	s7 =	simm.s32 @p2 $0x1082  }
0x22: {  	[simem:s7], [sflag:s8] =	dma.local @!p0 [hbm:s6], $0xF7A  }
0x23: {  	s9 =	sor.u32 $0xD0000000, s2;
	s6 =	simm.s32 $0x108;
	_ =	swait.ge @!p0 [sflag:s8], $0x0  }
0x24: {  	s3 =	sadd.s32 $0x88, s3;
	s6 =	simm.s32 @!p1 $0x1082;
	[sflag:s4] =	ssyncset.s32 $0xFFFFF086  }
0x25: {  	[simem:s6], [sflag:s4] =	dma.local [hbm:s3], $0xF7A  }
0x26: {  	[smem:$0x3F9B] =	sst s1;
	(tag) =	ssettag s2;
	_ =	strace s9  }
0x27: {  	s1 =	sld [smem:$0x3FAB]  }
0x28: {  	s2 =	sld [smem:$0x3FAC]  }
0x29: {  	s4 =	sld [smem:$0x3FAE]  }
0x2a: {  	p0 =	seq.s32 s5, $0x0;
	s5 =	sld [smem:$0x3FAF]  }
0x2b: {  	s6 =	sld [smem:$0x3FB0]  }
0x2c: {  	s7 =	sld [smem:$0x3FB1]  }
0x2d: {  	s3 =	simm.s32 $0x108;
	s8 =	sld [smem:$0x3FB2]  }
0x2e: {  	s3 =	simm.s32 @!p0 $0x1082;
	s9 =	sld [smem:$0x3FB3]  }
0x2f: {  	lr =	sadd.s32 s0, s3;
	s0 =	sld [smem:$0x3FAA]  }
0x30: {  	s3 =	sld [smem:$0x3FAD]  }
0x31: {  	[smem:$0x3FB6] =	sst s10  }
0x32: {  	s10 =	sld [smem:$0x3FB4];
	_ =	sdelay $0x3  }
0x33: {  	p0 =	seq.s32 s10, $0x1;
	s10 =	sld [smem:$0x3FB6];
	_ =	sdelay $0x3  }
0x34: {  	[smem:$0x3FB6] =	sst s10  }
0x35: {  	s10 =	sld [smem:$0x3FB5];
	_ =	sdelay $0x3  }
0x36: {  	p1 =	seq.s32 s10, $0x1;
	s10 =	sld [smem:$0x3FB6];
	_ =	sdelay $0x3  }
0x37: {  	[smem:$0x3FB6] =	sst s10  }
0x38: {  	s10 =	sld [smem:$0x3FB7]  }
0x39: {  	_ = 	snop;
	(pc) =	sbr.ind lr, $3  }
0x3a: {  	_ = 	snop  }
0x3b: {  	_ = 	snop  }
0x3c: {  	p2 =	seq.s32 s10, $0x1;
	s10 =	sld [smem:$0x3FB6]  }
0x3d: {  	_ =	shalt  }
0x3e: {  	_ =	shalt  }
0x3f: {  	_ =	shalt  }
0x40: {  	_ =	shalt  }
0x41: {  	_ =	shalt  }
0x42: {  	_ =	shalt  }
0x43: {  	_ =	shalt  }
0x44: {  	_ =	shalt  }
0x45: {  	_ =	shalt  }
0x46: {  	_ =	shalt  }
0x47: {  	_ =	shalt  }
0x48: {  	_ =	shalt  }
0x49: {  	_ =	shalt  }
0x4a: {  	_ =	shalt  }
0x4b: {  	_ =	shalt  }
0x4c: {  	_ =	shalt  }
0x4d: {  	_ =	shalt  }
0x4e: {  	_ =	shalt  }
0x4f: {  	_ =	shalt  }
0x50: {  	_ =	shalt  }
0x51: {  	_ =	shalt  }
0x52: {  	_ =	shalt  }
0x53: {  	_ =	shalt  }
0x54: {  	_ =	shalt  }
0x55: {  	_ =	shalt  }
0x56: {  	_ =	shalt  }
0x57: {  	_ =	shalt  }
0x58: {  	_ =	shalt  }
0x59: {  	_ =	shalt  }
0x5a: {  	_ =	shalt  }
0x5b: {  	_ =	shalt  }
0x5c: {  	_ =	shalt  }
0x5d: {  	_ =	shalt  }
0x5e: {  	_ =	shalt  }
0x5f: {  	_ =	shalt  }
0x60: {  	_ =	shalt  }
0x61: {  	_ =	shalt  }
0x62: {  	_ =	shalt  }
0x63: {  	_ =	shalt  }
0x64: {  	_ =	shalt  }
0x65: {  	_ =	shalt  }
0x66: {  	_ =	shalt  }
0x67: {  	_ =	shalt  }
0x68: {  	_ =	shalt  }
0x69: {  	_ =	shalt  }
0x6a: {  	_ =	shalt  }
0x6b: {  	_ =	shalt  }
0x6c: {  	_ =	shalt  }
0x6d: {  	_ =	shalt  }
0x6e: {  	_ =	shalt  }
0x6f: {  	_ =	shalt  }
0x70: {  	_ =	shalt  }
0x71: {  	_ =	shalt  }
0x72: {  	_ =	shalt  }
0x73: {  	_ =	shalt  }
0x74: {  	_ =	shalt  }
0x75: {  	_ =	shalt  }
0x76: {  	_ =	shalt  }
0x77: {  	_ =	shalt  }
0x78: {  	_ =	shalt  }
0x79: {  	_ =	shalt  }
0x7a: {  	_ =	shalt  }
0x7b: {  	_ =	shalt  }
0x7c: {  	_ =	shalt  }
0x7d: {  	_ =	shalt  }
0x7e: {  	_ =	shalt  }
0x7f: {  	_ =	shalt  }
0x80: {  	_ =	shalt  }
0x81: {  	_ =	shalt  }
0x82: {  	_ =	shalt  }
0x83: {  	_ =	shalt  }
0x84: {  	_ =	shalt  }
0x85: {  	_ =	shalt  }
0x86: {  	_ =	shalt  }
0x87: {  	_ =	shalt  }
.Lfunc_end0:
.L_simem_size_0:
called_computation.2_lowered:
.L_overlay_start_0:
0x88: {  	s2 =	sld [smem:$0x3FD9]  }
0x89: {  	s3 =	sld [smem:$0x3FFE];
	_ =	sdelay $0x1  }
0x8a: {  	s1 =	srdreg.scid  }
0x8b: {  	s0 =	sand.u32 $0x1, s1  }
0x8c: {  	s17 =	sshll.u32 s0, $0xA;
	s2 =	sadd.s32 s3, s2  }
0x8d: {  	s2 =	sadd.s32 s2, s17  }
0x8e: {  	[smem:$0x3FC2] =	sst s2  }
0x8f: {  	_ = 	snop  }
0x90: {  	s2 =	sld [smem:$0x3FD0];
	(tm) =	ssettm $0x1  }
0x91: {  	s18 =	sld [smem:$0x3FFB];
	_ =	sdelay $0x3  }
0x92: {  	_ =	strace s18  }
0x93: {  	s3 =	sld [smem:$0x3FFC];
	_ =	sdelay $0x3  }
0x94: {  	_ =	strace s3  }
0x95: {  	s3 =	sld [smem:$0x3FFD];
	_ =	sdelay $0x3  }
0x96: {  	_ =	strace s3  }
0x97: {  	_ =	strace $0x8FFFFFFF  }
0x98: {  	s19 =	sld [smem:$0x3FDB];
	_ =	sdelay $0x1  }
0x99: {  	s4 =	simm.s32 $_scs_section_size  }
0x9a: {  	s5 =	simm.s32 $_size__tile_overlayer_lowered;
	s6 =	simm.s32 $_tile_overlayer_lowered  }
0x9b: {  	s22 =	simm.s32 $0x1BFF;
	s21 =	sshll.u32 s6, $0x1;
	s3 =	sadd.s32 s4, s19  }
0x9c: {  	s7 =	simm.s32 $0x0;
	s20 =	sshll.u32 s5, $0x1;
	s5 =	sadd.s32 s21, s3  }
0x9d: {  	[timem:s7], [sflag:s22] =	dma.local [hbm:s5], s20  }
0x9e: {  	_ =	swait.ge [sflag:s22], s20  }
0x9f: {  	s4 =	ssub.s32 $0x0, s20;
	[sflag:s22] =	ssyncset.done $0x0  }
0xa0: {  	[sflag:s22] =	ssyncadd.s32 s4;
	_ =	sdelay $0x1  }
0xa1: {  	s23 =	simm.s32 $0x1B8B  }
0xa2: {  	_ =	swait.ge [sflag:s23], $0x1  }
0xa3: {  	[sflag:s23] =	ssyncset.done $0x0  }
0xa4: {  	s25 =	simm.s32 $0x1B8E;
	s24 =	sld [smem:$0x3FFE];
	[sflag:s23] =	ssyncadd.s32 $0xFFFFFFFF  }
0xa5: {  	s26 =	simm.s32 $execute0_lowered;
	[smem:$0x3FD2] =	sst s25  }
0xa6: {  	s5 =	sshll.u32 s26, $0x1;
	_ =	strace $0x8000004C;
	[dreg:$0x1] =	wrdreg $0xFFFFFFFF  }
0xa7: {  	s28 =	simm.s32 $_size_execute0_lowered;
	s3 =	sadd.s32 s3, s5;
	[dreg:$0x0] =	wrdreg $0x0  }
0xa8: {  	s5 =	sshll.u32 s28, $0x1;
	[dreg:$0x2] =	wrdreg s3  }
0xa9: {  	[dreg:$0x3] =	wrdreg s5  }
0xaa: {  	[dreg:$0x4] =	wrdreg $0xC0  }
0xab: {  	_ =	task [dreg:s7], $0x5FFFF  }
0xac: {  	[dreg:$0x1] =	wrdreg $0xFFFFFFFF  }
0xad: {  	[dreg:$0x0] =	wrdreg $0x60  }
0xae: {  	[dreg:$0x2] =	wrdreg s2  }
0xaf: {  	[dreg:$0x3] =	wrdreg s24  }
0xb0: {  	[dreg:$0x4] =	wrdreg $0x160800  }
0xb1: {  	[dreg:$0x5] =	wrdreg $0x9  }
0xb2: {  	_ =	task.clear_ibuf [dreg:s7], $0x6FFFF;
	_ =	strace $0x9000004C  }
0xb3: {  	s29 =	simm.s32 $0x9;
	_ =	strace $0x8000004E  }
0xb4: {  	_ =	swait.ge [sflag:s29], $0x1  }
0xb5: {  	[sflag:s29] =	ssyncadd.s32 $0xFFFFFFFF  }
0xb6: {  	_ =	strace $0x9000004E  }
0xb7: {  	_ =	sfence  }
0xb8: {  	s30 =	sld [smem:$0x0];
	_ =	sdelay $0x2  }
0xb9: {  	s31 =	sshll.u32 s1, $0xD;
	s1 =	sshrl.u32 s1, $0x2  }
0xba: {  	s3 =	sand.u32 $0x4000, s31;
	s1 =	sadd.s32 s1, s30  }
0xbb: {  	s0 =	sor.u32 s3, s0;
	s1 =	sshll.u32 s1, $0x11  }
0xbc: {  	s0 =	sor.u32 s1, s0  }
0xbd: {  	s0 =	sadd.s32 $0x8F2B, s0  }
0xbe: {  	[sflag:s0] =	ssyncadd.remote.s32 $0x1  }
0xbf: {  	_ =	sfence.sel $0xFFFF  }
0xc0: {  	[dreg:$0x0] =	wrdreg $0xFFFFFFFF;
	(pc) =	sbr.abs _section_cstart, $3  }
0xc1: {  	[dreg:$0x1] =	wrdreg $0xFFFFFFFF  }
0xc2: {  	_ =	task.clear_ibuf [dreg:s7], $0x2FFFF;
	_ =	strace $0x9FFFFFFF  }
0xc3: {  	(tm) =	ssettm $0x7FFFFFFF  }
tec
execute0_lowered:
.L_overlay_start_1:
0x0: {  	(tag) =	ssettag $0x1  }
0x1: {  	s0 =	srdreg.scid;
	s1 =	rddreg [dreg:$0x0]  }
0x2: {  	s2 =	rddreg [dreg:$0x1];
	s15 =	stileid.u32  }
0x3: {  	s3 =	rddreg [dreg:$0x2];
	s16 =	simm.s32 $0x3;
	s18 =	simm.s32 $0x1  }
0x4: {  	s20 =	simm.s32 $0x80;
	s22 =	simm.s32 $0x0;
	s7 =	smul.u32 $0x27000, s15  }
0x5: {  	s0 =	sand.u32 $0x1, s0;
	s12 =	smul.u32 $0x1380, s15;
	s8 =	sadd.s32 $0x9C000, s3  }
0x6: {  	p0 =	sne.s32 s15, $0xF;
	s4 =	sshll.u32 s0, $0x4;
	s13 =	smul.u32 $0x9C400, s0  }
0x7: {  	s26 =	ssub.s32 $0x2, s0;
	s0 =	smul.u32 $0x13880, s0;
	s5 =	sor.u32 s15, s4  }
0x8: {  	s4 =	simm.s32 $0x0;
	s28 =	sshrl.u32 s7, $0x2;
	s29 =	sshrl.u32 s26, $0x1  }
0x9: {  	s15 =	simm.s32 $0xA000;
	s6 =	smul.u32 $0xA00, s5;
	[smem:$0x7FF] =	sst s4  }
0xa: {  	s5 =	sshll.u32 s5, $0x1;
	s14 =	ssub.s32 s26, s29;
	s13 =	sshrl.u32 s13, $0x3  }
0xb: {  	s0 =	sadd.s32 s12, s0;
	_ =	strace $0x8000004D;
	s9 =	sadd.s32 s5, s2  }
.Ltmp0:
0xc: {  	s5 =	sadd.s32 s28, s3;
	s14 =	smax.u32 s14, $0x1;
	(pc) =	sbr.rel .LBB2_1-.Ltmp0, $4  }
0xd: {  	s11 =	sadd.s32 s6, s2;
	s2 =	sadd.s32 $0x2BC00, s2;
	s30 =	sadd.s32 $0x4000, s5  }
0xe: {  	s31 =	sadd.s32 $0x8000, s5;
	s9 =	sadd.s32 $0x2BA00, s9;
	[dreg:$0x4] =	wrdreg s30  }
0xf: {  	[dreg:$0x5] =	wrdreg s31;
	s10 =	sadd.s32 $0x3A00, s11;
	s13 =	sadd.s32 s2, s13  }
0x10: {  	v0 =	vimm.f32 $0.0e+00;
	s11 =	sadd.s32 $0x17A00, s11;
	s12 =	sadd.s32 s2, s0;
	s13 =	sadd.s32 $0x13800, s13  }
.LBB2_6:
0x11: {  	s0 =	sadd.s32 s19, s31  }
0x12: {  	[sflag:s17] =	ssyncadd.s32 @!p1 $0xFFFFC000;
	s2 =	simm.s32 @!p3 $0x80;
	s31 =	simm.s32 $0x2  }
0x13: {  	[tilespmem:s0], [sflag:$0x1] =	stream.indirect.gather @!p3 [hbm4b:s1+s2], $0x80, s25, s2, $0xb8;
	[tilespmem:$0x1FD00] =	vst v63  }
0x14: {  	_ =	swait.ge [sflag:s31], $0x4000  }
0x15: {  	[sflag:s31] =	ssyncset.done $0x0  }
0x16: {  	[sflag:s31] =	ssyncadd.s32 $0xFFFFC000  }
.LBB2_7:
0x17: {  	s0 =	stileid.u32  }
0x18: {  	s0 =	sshll.u32 s0, $0x6  }
0x19: {  	[bflag:$0x0] =	sbarrier.arrive $0xFFFF;
	s2 =	sshrl.u32 s5, $0x3;
	s0 =	sor.u32 $0x1C03, s0  }
0x1a: {  	[hbm:s12], [sflag:s0] =	dma.local [spmem:s2], $0x1380  }
0x1b: {  	s22 =	sadd.s32 $0x1, s22;
	_ =	swait.ge [sflag:s16], $0x1380  }
0x1c: {  	p1 =	sne.s32 s22, s14;
	[sflag:s16] =	ssyncset.done $0x0  }
.Ltmp1:
0x1d: {  	s2 =	sshrl.u32 @!p0 s8, $0x3;
	[sflag:s16] =	ssyncadd.s32 $0xFFFFEC80;
	(pc) =	sbr.rel @!p1 .LBB2_8-.Ltmp1, $4  }
0x1e: {  	[hbm:s13], [sflag:s0] =	dma.local @!p0 [spmem:s2], $0x80  }
0x1f: {  	_ =	swait.ge @!p0 [sflag:s23], $0x80  }
0x20: {  	[sflag:s23] =	ssyncset.done @!p0 $0x0  }
0x21: {  	[sflag:s23] =	ssyncadd.s32 @!p0 $0xFFFFFF80  }
.LBB2_1:
0x22: {  	s0 =	sand.u32 $0xFE00, s4  }
0x23: {  	s2 =	sand.u32 $0x70, s4;
	s17 =	sshrl.u32 s0, $0x2  }
0x24: {  	s0 =	simm.s32 $0x40;
	s17 =	sor.u32 s2, s17;
	s2 =	simm.s32 $0x0  }
.LBB2_2:
0x25: {  	p1 =	sne.s32 s0, $0xFFC0  }
0x26: {  	[tilespmem:s17+$0xA000] =	vst v0;
	s2 =	sadd.s32 $0x10, s2;
	s17 =	smov.u32 s0;
	s0 =	sadd.s32 $0x40, s0  }
.Ltmp2:
0x27: {  	(pc) =	sbr.rel @p1 .LBB2_2-.Ltmp2, $4  }
0x28: {  	_ = 	snop  }
0x29: {  	s17 =	sand.u32 $0xFE00, s17  }
0x2a: {  	s19 =	sand.u32 $0x70, s2;
	s17 =	sshrl.u32 s17, $0x2  }
0x2b: {  	s17 =	sor.u32 s19, s17  }
0x2c: {  	[tilespmem:s17+$0xA000] =	vst v0  }
0x2d: {  	[spmem:s5] =	stream.linear.scatter [tilespmem:s15], [sflag:$0x3], $0x4000, $0x38;
	[tilespmem:$0x1FD00] =	vst v63  }
0x2e: {  	_ =	swait.ge [sflag:s16], $0x4000  }
0x2f: {  	[sflag:s16] =	ssyncset.done $0x0  }
0x30: {  	s0 =	rddreg [dreg:$0x4];
	[sflag:s16] =	ssyncadd.s32 $0xFFFFC000  }
0x31: {  	[spmem:s0] =	stream.linear.scatter [tilespmem:s15], [sflag:$0x3], $0x4000, $0x38;
	[tilespmem:$0x1FD00] =	vst v63  }
0x32: {  	_ =	swait.ge [sflag:s16], $0x4000  }
0x33: {  	[sflag:s16] =	ssyncset.done $0x0  }
0x34: {  	s28 =	rddreg [dreg:$0x5];
	[sflag:s16] =	ssyncadd.s32 $0xFFFFC000  }
0x35: {  	[spmem:s28] =	stream.linear.scatter [tilespmem:s15], [sflag:$0x3], $0x1C00, $0x38;
	[tilespmem:$0x1FD00] =	vst v63  }
0x36: {  	_ =	swait.ge [sflag:s16], $0x1C00  }
0x37: {  	[sflag:s16] =	ssyncset.done $0x0  }
0x38: {  	s23 =	simm.s32 @!p0 $0x3;
	s0 =	simm.s32 @!p0 $0xA000;
	[sflag:s16] =	ssyncadd.s32 $0xFFFFE400  }
0x39: {  	[spmem:s8] =	stream.linear.scatter @!p0 [tilespmem:s0], [sflag:$0x3], $0x400, $0x38;
	[tilespmem:$0x1FD00] =	vst v63  }
0x3a: {  	_ =	swait.ge @!p0 [sflag:s23], $0x400  }
0x3b: {  	[sflag:s23] =	ssyncset.done @!p0 $0x0  }
0x3c: {  	[sflag:s23] =	ssyncadd.s32 @!p0 $0xFFFFFC00  }
0x3d: {  	s29 =	simm.s32 $0x16000;
	[bflag:$0x0] =	sbarrier.arrive $0xFFFF  }
0x3e: {  	[tilespmem:s29], [sflag:$0x3] =	stream.linear.gather [hbm4b:s9+s4], $0x10, $0x38;
	[tilespmem:$0x1FD00] =	vst v63  }
0x3f: {  	_ =	swait.ge [sflag:s16], $0x10  }
0x40: {  	[sflag:s16] =	ssyncset.done $0x0  }
0x41: {  	[sflag:s16] =	ssyncadd.s32 $0xFFFFFFF0  }
0x42: {  	v1 =	vld [tilespmem:$0x16000];
	_ =	sdelay $0x4  }
0x43: {  	v1 =	vxor.u32 $0x80000000, v1  }
0x44: {  	(xrf0) =	vmax.scan.msk.u32 $0xffff, v1;
	_ =	sdelay $0x5  }
0x45: {  	v1, _, _ =	vpop (xrf0)  }
0x46: {  	(v2sf) =	vpush v1, $0xF;
	_ =	sdelay $0xd  }
0x47: {  	[tilespmem:s4], [sflag:$0x3] =	stream.linear.gather [hbm4b:s10+s4], $0x4F00, $0x38;
	[tilespmem:$0x1FD00] =	vst v63  }
0x48: {  	s30 =	spop (v2sf)  }
0x49: {  	s0 =	sadd.s32 $0x8000007F, s30  }
0x4a: {  	s31 =	sand.u32 $0x7F, s0  }
0x4b: {  	s2 =	sshra.s32 s0, $0x1F;
	p2 =	slt.s32 s0, $0x1;
	p1 =	sne.s32 s31, $0x0  }
0x4c: {  	s2 =	sshrl.u32 s2, $0x19;
	p1 =	por !p2, !p1  }
0x4d: {  	s0 =	sadd.s32 s2, s0;
	s2 =	simm.s32 $0x1;
	p1 =	por !p1, !p1  }
0x4e: {  	s0 =	sshra.s32 s0, $0x7;
	s2 =	simm.s32 @!p1 $0x0  }
0x4f: {  	_ =	swait.ge [sflag:s16], $0x4F00;
	s24 =	ssub.s32 s0, s2  }
0x50: {  	[sflag:s16] =	ssyncset.done $0x0;
	p1 =	slt.s32 s24, $0x1  }
.Ltmp3:
0x51: {  	s6 =	simm.s32 $0x5000;
	[sflag:s16] =	ssyncadd.s32 $0xFFFFB100;
	(pc) =	sbr.rel @p1 .LBB2_7-.Ltmp3, $4  }
0x52: {  	[tilespmem:s6], [sflag:$0x3] =	stream.linear.gather [hbm4b:s11+s4], $0x4F00, $0x38;
	[tilespmem:$0x1FD00] =	vst v63  }
0x53: {  	_ =	swait.ge [sflag:s16], $0x4F00  }
0x54: {  	[sflag:s16] =	ssyncset.done $0x0  }
0x55: {  	[sflag:s16] =	ssyncadd.s32 $0xFFFFB100  }
0x56: {  	[tilespmem:s15], [sflag:$0x1] =	stream.indirect.gather [hbm4b:s1+s20], $0x80, s4, s20, $0xb8;
	[tilespmem:$0x1FD00] =	vst v63  }
0x57: {  	p1 =	seq.s32 s24, $0x1;
	s7 =	simm.s32 $0x0;
	s31 =	simm.s32 $0x12000  }
0x58: {  	s0 =	simm.s32 @!p1 $0x80;
	s2 =	simm.s32 @!p1 $0xE000;
	p2 =	slt.u32 @!p1 s24, $0x3  }
0x59: {  	[tilespmem:s2], [sflag:$0x1] =	stream.indirect.gather @!p1 [hbm4b:s1+s0], $0x80, s0, s0, $0xb8;
	[tilespmem:$0x1FD00] =	vst v63  }
0x5a: {  	s25 =	simm.s32 $0x100;
	s19 =	simm.s32 $0x5000;
	p1 =	por p2, p1  }
0x5b: {  	s0 =	simm.s32 @!p1 $0x80;
	s2 =	simm.s32 @!p1 $0x100;
	s17 =	simm.s32 @!p1 $0x12000  }
0x5c: {  	[tilespmem:s17], [sflag:$0x1] =	stream.indirect.gather @!p1 [hbm4b:s1+s0], $0x80, s2, s0, $0xb8;
	[tilespmem:$0x1FD00] =	vst v63  }
0x5d: {  	s26 =	simm.s32 $0x1;
	s28 =	simm.s32 $0xE000;
	s0 =	smulhi.u32 $0xAAAAAAAB, s7  }
0x5e: {  	s29 =	simm.s32 $0x180;
	s30 =	simm.s32 $0x5080;
	s17 =	simm.s32 $0x2  }
0x5f: {  	p2 =	sne.s32 s24, $0x1;
	s21 =	smulhi.u32 $0xAAAAAAAB, s17;
	s0 =	sshrl.u32 s0, $0x1  }
0x60: {  	p1 =	por $0x1, $0x1;
	_ =	swait.ge [sflag:s18], $0x4000;
	s0 =	smul.u32 $0xFFFD0000, s0  }
0x61: {  	p3 =	sle.s32 @!p1 s24, $0x2;
	[sflag:s18] =	ssyncset.done $0x0;
	s17 =	sshrl.u32 s21, $0x1  }
.Ltmp4:
0x62: {  	[sflag:s18] =	ssyncadd.s32 $0xFFFFC000;
	s0 =	sshra.s32 s0, $0x2;
	(pc) =	sbr.rel @!p2 .LBB2_6-.Ltmp4, $4  }
0x63: {  	s6 =	smul.u32 $0xFFFD0000, s17;
	s17 =	simm.s32 @!p1 $0x2;
	s0 =	sadd.s32 $0xA000, s0  }
0x64: {  	[spmem:s3] =	stream.indirect.scatter.add.f32 [tilespmem:s0], [sflag:$0x2], $0x80, s19, s20, $0xb8;
	[tilespmem:$0x1FD00] =	vst v63  }
0x65: {  	s2 =	simm.s32 $0x3;
	p3 =	por p3, p1;
	_ =	swait.ge @!p1 [sflag:s17], $0x4000  }
0x66: {  	s0 =	simm.s32 $0x16000;
	s19 =	sshra.s32 s6, $0x2;
	[sflag:s17] =	ssyncset.done @!p1 $0x0  }
.LBB2_5:
0x67: {  	s6 =	sadd.s32 s19, s31;
	[sflag:s17] =	ssyncadd.s32 @!p1 $0xFFFFC000;
	s17 =	simm.s32 @!p3 $0x80  }
0x68: {  	s19 =	smov.u32 s26;
	s7 =	smov.u32 s28;
	s21 =	smov.u32 s30  }
0x69: {  	[tilespmem:s6], [sflag:$0x1] =	stream.indirect.gather @!p3 [hbm4b:s1+s17], $0x80, s25, s17, $0xb8;
	[tilespmem:$0x1FD00] =	vst v63  }
0x6a: {  	s26 =	sadd.s32 $0x1, s26;
	s6 =	smulhi.u32 $0xAAAAAAAB, s19;
	s25 =	smov.u32 s29  }
0x6b: {  	s31 =	smov.u32 s0;
	p2 =	sne.s32 s24, s26  }
0x6c: {  	s28 =	sadd.s32 $0x4000, s28;
	s17 =	smulhi.u32 $0xAAAAAAAB, s2;
	s6 =	sshrl.u32 s6, $0x1  }
0x6d: {  	s30 =	sadd.s32 $0x80, s30;
	s29 =	sadd.s32 $0x80, s29;
	s6 =	smul.u32 $0xFFFD0000, s6  }
0x6e: {  	s2 =	sadd.s32 $0x1, s2;
	p1 =	seq.s32 s19, $0x0;
	_ =	swait.ge [sflag:s18], $0x4000  }
0x6f: {  	s17 =	sshrl.u32 s17, $0x1;
	s6 =	sshra.s32 s6, $0x2;
	[sflag:s18] =	ssyncset.done $0x0  }
.Ltmp5:
0x70: {  	s6 =	sadd.s32 s6, s7;
	[sflag:s18] =	ssyncadd.s32 $0xFFFFC000;
	(pc) =	sbr.rel @p2 .LBB2_5-.Ltmp5, $4  }
0x71: {  	s19 =	sadd.s32 @!p1 $0x2, s19;
	s7 =	smul.u32 $0xFFFD0000, s17;
	s17 =	simm.s32 @!p1 $0x2  }
0x72: {  	[spmem:s3] =	stream.indirect.scatter.add.f32 [tilespmem:s6], [sflag:$0x2], $0x80, s21, s20, $0xb8;
	[tilespmem:$0x1FD00] =	vst v63  }
0x73: {  	s0 =	sadd.s32 $0x4000, s0;
	p3 =	sge.s32 @!p1 s19, s24;
	_ =	swait.ge @!p1 [sflag:s17], $0x4000  }
0x74: {  	p3 =	por p3, p1;
	s19 =	sshra.s32 s7, $0x2;
	[sflag:s17] =	ssyncset.done @!p1 $0x0  }
.Ltmp6:
0x75: {  	_ = 	snop;
	(pc) =	sbr.rel .LBB2_6-.Ltmp6, $1  }
0x76: {  	_ =	sdelay $0x3  }
.LBB2_8:
0x77: {  	_ =	sfence.sel $0x180000  }
0x78: {  	[bflag:$0x0] =	sbarrier.arrive $0xFFFF  }
0x79: {  	_ =	strace $0x9000004D  }
0x7a: {  	s0 =	stileid.u32;
	[bflag:$0x2] =	sbarrier.arrive $0xFFFF  }
0x7b: {  	p0 =	sne.s32 s0, $0x0;
	s0 =	rddreg [dreg:$0x3]  }
0x7c: {  	s0 =	sadd.s32 @!p0 $0x100000, s0  }
0x7d: {  	[sflag:s0] =	ssyncadd.tile.s32 @!p0 $0x1;
	_ =	shalt  }
.Lfunc_end2:
_tile_overlayer_lowered:
.L_overlay_start_2:
0x7e: {  	(tag) =	ssettag $0x2  }
0x7f: {  	s0 =	rddreg [dreg:$0x0];
	s2 =	stileid.u32  }
0x80: {  	s1 =	rddreg [dreg:$0x1];
	p0 =	sne.s32 s2, $0x0  }
0x81: {  	s3 =	rddreg [dreg:$0x2];
	[bflag:$0x3] =	sbarrier.arrive $0xFFFF;
	s2 =	simm.s32 @!p0 $0x1C03  }
0x82: {  	[timem:s3], [sflag:s2] =	dma.local @!p0 [hbm:s0], s1  }
0x83: {  	s0 =	simm.s32 @!p0 $0x3  }
0x84: {  	_ =	swait.ge @!p0 [sflag:s0], s1  }
0x85: {  	s1 =	ssub.s32 @!p0 $0x0, s1;
	[sflag:s0] =	ssyncset.done @!p0 $0x0  }
0x86: {  	[sflag:s0] =	ssyncadd.s32 @!p0 s1  }
0x87: {  	[bflag:$0x3] =	sbarrier.arrive $0xFFFF  }
0x88: {  	_ =	shalt  }

// kernel: kernel.8.cloned.1.call-start
scs
__scs_entry_jumppad:
0x0: {  	(pc) =	sbr.rel $0x88, $3  }
0x1: {  	(tag) =	ssettag $0x0;
	lr =	simm.s32 $0x1  }
0x2: {  	[smem:$0x3F9B] =	sst lr;
	_ =	strace $0xD0000000  }
0x3: {  	_ = 	snop  }
0x4: {  	_ = 	snop  }
0x5: {  	_ = 	snop  }
0x6: {  	_ = 	snop  }
0x7: {  	_ = 	snop  }
__scs_overlays_trampoline_lowered:
0x8: {  	[smem:$0x3FAA] =	sst s0  }
0x9: {  	[smem:$0x3FAB] =	sst s1  }
0xa: {  	[smem:$0x3FAC] =	sst s2  }
0xb: {  	[smem:$0x3FAD] =	sst s3  }
0xc: {  	[smem:$0x3FAE] =	sst s4  }
0xd: {  	[smem:$0x3FAF] =	sst s5  }
0xe: {  	[smem:$0x3FB0] =	sst s6  }
0xf: {  	[smem:$0x3FB1] =	sst s7  }
0x10: {  	[smem:$0x3FB2] =	sst s8  }
0x11: {  	[smem:$0x3FB3] =	sst s9;
	s0 =	simm.s32 @!p0 $0x0  }
0x12: {  	s1 =	sld [smem:$0x3F99];
	s0 =	simm.s32 @p0 $0x1  }
0x13: {  	[smem:$0x3FB4] =	sst s0;
	s0 =	simm.s32 @!p1 $0x0  }
0x14: {  	s2 =	sld [smem:$0x3F98];
	s0 =	simm.s32 @p1 $0x1  }
0x15: {  	[smem:$0x3FB5] =	sst s0;
	s0 =	simm.s32 @!p2 $0x0  }
0x16: {  	s3 =	sld [smem:$0x3FDB];
	s0 =	simm.s32 @p2 $0x1  }
0x17: {  	s4 =	simm.s32 $0x1BF5;
	[smem:$0x3FB7] =	sst s0  }
0x18: {  	s0 =	sld [smem:$0x3F9A];
	_ =	swait.ge [sflag:s4], $0x0  }
0x19: {  	s7 =	sld [smem:$0x3F9B]  }
0x1a: {  	s8 =	sadd.s32 $0xFFFFE003, lr  }
0x1b: {  	s9 =	sadd.s32 $0xFFFFFEF7, lr;
	s5 =	simm.s32 $0xFFFFFFFF;
	p2 =	slt.u32 s8, $0xFFFFF086  }
0x1c: {  	p1 =	slt.u32 s9, $0xF7A;
	s5 =	simm.s32 @!p2 $0x0  }
0x1d: {  	s5 =	simm.s32 @p1 $0x1;
	p0 =	seq.s32 s7, s2  }
0x1e: {  	s7 =	smul.u32 @!p0 $0xF7A, s2;
	p2 =	seq.s32 @!p0 s5, $0x0  }
0x1f: {  	s9 =	smul.u32 $0xF7A, s1;
	s8 =	simm.s32 @!p0 $0x1BF5;
	p2 =	por !p2, p0  }
0x20: {  	[sflag:s8] =	ssyncset.s32 @!p0 $0xFFFFF086;
	s6 =	sadd.s32 @!p0 s3, s7;
	s7 =	simm.s32 @!p0 $0x108  }
0x21: {  	s3 =	sadd.s32 s3, s9;
	s6 =	sadd.s32 @!p0 $0x88, s6;
	s7 =	simm.s32 @p2 $0x1082  }
0x22: {  	[simem:s7], [sflag:s8] =	dma.local @!p0 [hbm:s6], $0xF7A  }
0x23: {  	s9 =	sor.u32 $0xD0000000, s2;
	s6 =	simm.s32 $0x108;
	_ =	swait.ge @!p0 [sflag:s8], $0x0  }
0x24: {  	s3 =	sadd.s32 $0x88, s3;
	s6 =	simm.s32 @!p1 $0x1082;
	[sflag:s4] =	ssyncset.s32 $0xFFFFF086  }
0x25: {  	[simem:s6], [sflag:s4] =	dma.local [hbm:s3], $0xF7A  }
0x26: {  	[smem:$0x3F9B] =	sst s1;
	(tag) =	ssettag s2;
	_ =	strace s9  }
0x27: {  	s1 =	sld [smem:$0x3FAB]  }
0x28: {  	s2 =	sld [smem:$0x3FAC]  }
0x29: {  	s4 =	sld [smem:$0x3FAE]  }
0x2a: {  	p0 =	seq.s32 s5, $0x0;
	s5 =	sld [smem:$0x3FAF]  }
0x2b: {  	s6 =	sld [smem:$0x3FB0]  }
0x2c: {  	s7 =	sld [smem:$0x3FB1]  }
0x2d: {  	s3 =	simm.s32 $0x108;
	s8 =	sld [smem:$0x3FB2]  }
0x2e: {  	s3 =	simm.s32 @!p0 $0x1082;
	s9 =	sld [smem:$0x3FB3]  }
0x2f: {  	lr =	sadd.s32 s0, s3;
	s0 =	sld [smem:$0x3FAA]  }
0x30: {  	s3 =	sld [smem:$0x3FAD]  }
0x31: {  	[smem:$0x3FB6] =	sst s10  }
0x32: {  	s10 =	sld [smem:$0x3FB4];
	_ =	sdelay $0x3  }
0x33: {  	p0 =	seq.s32 s10, $0x1;
	s10 =	sld [smem:$0x3FB6];
	_ =	sdelay $0x3  }
0x34: {  	[smem:$0x3FB6] =	sst s10  }
0x35: {  	s10 =	sld [smem:$0x3FB5];
	_ =	sdelay $0x3  }
0x36: {  	p1 =	seq.s32 s10, $0x1;
	s10 =	sld [smem:$0x3FB6];
	_ =	sdelay $0x3  }
0x37: {  	[smem:$0x3FB6] =	sst s10  }
0x38: {  	s10 =	sld [smem:$0x3FB7]  }
0x39: {  	_ = 	snop;
	(pc) =	sbr.ind lr, $3  }
0x3a: {  	_ = 	snop  }
0x3b: {  	_ = 	snop  }
0x3c: {  	p2 =	seq.s32 s10, $0x1;
	s10 =	sld [smem:$0x3FB6]  }
0x3d: {  	_ =	shalt  }
0x3e: {  	_ =	shalt  }
0x3f: {  	_ =	shalt  }
0x40: {  	_ =	shalt  }
0x41: {  	_ =	shalt  }
0x42: {  	_ =	shalt  }
0x43: {  	_ =	shalt  }
0x44: {  	_ =	shalt  }
0x45: {  	_ =	shalt  }
0x46: {  	_ =	shalt  }
0x47: {  	_ =	shalt  }
0x48: {  	_ =	shalt  }
0x49: {  	_ =	shalt  }
0x4a: {  	_ =	shalt  }
0x4b: {  	_ =	shalt  }
0x4c: {  	_ =	shalt  }
0x4d: {  	_ =	shalt  }
0x4e: {  	_ =	shalt  }
0x4f: {  	_ =	shalt  }
0x50: {  	_ =	shalt  }
0x51: {  	_ =	shalt  }
0x52: {  	_ =	shalt  }
0x53: {  	_ =	shalt  }
0x54: {  	_ =	shalt  }
0x55: {  	_ =	shalt  }
0x56: {  	_ =	shalt  }
0x57: {  	_ =	shalt  }
0x58: {  	_ =	shalt  }
0x59: {  	_ =	shalt  }
0x5a: {  	_ =	shalt  }
0x5b: {  	_ =	shalt  }
0x5c: {  	_ =	shalt  }
0x5d: {  	_ =	shalt  }
0x5e: {  	_ =	shalt  }
0x5f: {  	_ =	shalt  }
0x60: {  	_ =	shalt  }
0x61: {  	_ =	shalt  }
0x62: {  	_ =	shalt  }
0x63: {  	_ =	shalt  }
0x64: {  	_ =	shalt  }
0x65: {  	_ =	shalt  }
0x66: {  	_ =	shalt  }
0x67: {  	_ =	shalt  }
0x68: {  	_ =	shalt  }
0x69: {  	_ =	shalt  }
0x6a: {  	_ =	shalt  }
0x6b: {  	_ =	shalt  }
0x6c: {  	_ =	shalt  }
0x6d: {  	_ =	shalt  }
0x6e: {  	_ =	shalt  }
0x6f: {  	_ =	shalt  }
0x70: {  	_ =	shalt  }
0x71: {  	_ =	shalt  }
0x72: {  	_ =	shalt  }
0x73: {  	_ =	shalt  }
0x74: {  	_ =	shalt  }
0x75: {  	_ =	shalt  }
0x76: {  	_ =	shalt  }
0x77: {  	_ =	shalt  }
0x78: {  	_ =	shalt  }
0x79: {  	_ =	shalt  }
0x7a: {  	_ =	shalt  }
0x7b: {  	_ =	shalt  }
0x7c: {  	_ =	shalt  }
0x7d: {  	_ =	shalt  }
0x7e: {  	_ =	shalt  }
0x7f: {  	_ =	shalt  }
0x80: {  	_ =	shalt  }
0x81: {  	_ =	shalt  }
0x82: {  	_ =	shalt  }
0x83: {  	_ =	shalt  }
0x84: {  	_ =	shalt  }
0x85: {  	_ =	shalt  }
0x86: {  	_ =	shalt  }
0x87: {  	_ =	shalt  }
.Lfunc_end0:
.L_simem_size_0:
called_computation_lowered:
.L_overlay_start_0:
0x88: {  	s2 =	sld [smem:$0x3FD9]  }
0x89: {  	s3 =	sld [smem:$0x3FFE];
	_ =	sdelay $0x1  }
0x8a: {  	s1 =	srdreg.scid  }
0x8b: {  	s0 =	sand.u32 $0x1, s1  }
0x8c: {  	s17 =	sshll.u32 s0, $0xA;
	s2 =	sadd.s32 s3, s2  }
0x8d: {  	s2 =	sadd.s32 s2, s17  }
0x8e: {  	[smem:$0x3FC2] =	sst s2  }
0x8f: {  	_ = 	snop  }
0x90: {  	s2 =	sld [smem:$0x3FD0];
	(tm) =	ssettm $0x1  }
0x91: {  	s18 =	sld [smem:$0x3FFB];
	_ =	sdelay $0x3  }
0x92: {  	_ =	strace s18  }
0x93: {  	s3 =	sld [smem:$0x3FFC];
	_ =	sdelay $0x3  }
0x94: {  	_ =	strace s3  }
0x95: {  	s3 =	sld [smem:$0x3FFD];
	_ =	sdelay $0x3  }
0x96: {  	_ =	strace s3  }
0x97: {  	_ =	strace $0x8FFFFFFF  }
0x98: {  	s19 =	sld [smem:$0x3FDB];
	_ =	sdelay $0x1  }
0x99: {  	s4 =	simm.s32 $_scs_section_size  }
0x9a: {  	s5 =	simm.s32 $_size__tile_overlayer_lowered;
	s6 =	simm.s32 $_tile_overlayer_lowered  }
0x9b: {  	s22 =	simm.s32 $0x1BFF;
	s21 =	sshll.u32 s6, $0x1;
	s3 =	sadd.s32 s4, s19  }
0x9c: {  	s7 =	simm.s32 $0x0;
	s20 =	sshll.u32 s5, $0x1;
	s5 =	sadd.s32 s21, s3  }
0x9d: {  	[timem:s7], [sflag:s22] =	dma.local [hbm:s5], s20  }
0x9e: {  	_ =	swait.ge [sflag:s22], s20  }
0x9f: {  	s4 =	ssub.s32 $0x0, s20;
	[sflag:s22] =	ssyncset.done $0x0  }
0xa0: {  	[sflag:s22] =	ssyncadd.s32 s4;
	_ =	sdelay $0x1  }
0xa1: {  	s23 =	simm.s32 $0x1B8B  }
0xa2: {  	_ =	swait.ge [sflag:s23], $0x1  }
0xa3: {  	[sflag:s23] =	ssyncset.done $0x0  }
0xa4: {  	s25 =	simm.s32 $0x1B8E;
	s24 =	sld [smem:$0x3FFE];
	[sflag:s23] =	ssyncadd.s32 $0xFFFFFFFF  }
0xa5: {  	s26 =	simm.s32 $execute0_lowered;
	[smem:$0x3FD2] =	sst s25  }
0xa6: {  	s5 =	sshll.u32 s26, $0x1;
	_ =	strace $0x80000046;
	[dreg:$0x1] =	wrdreg $0xFFFFFFFF  }
0xa7: {  	s28 =	simm.s32 $_size_execute0_lowered;
	s3 =	sadd.s32 s3, s5;
	[dreg:$0x0] =	wrdreg $0x0  }
0xa8: {  	s5 =	sshll.u32 s28, $0x1;
	[dreg:$0x2] =	wrdreg s3  }
0xa9: {  	[dreg:$0x3] =	wrdreg s5  }
0xaa: {  	[dreg:$0x4] =	wrdreg $0xC0  }
0xab: {  	_ =	task [dreg:s7], $0x5FFFF  }
0xac: {  	[dreg:$0x1] =	wrdreg $0xFFFFFFFF  }
0xad: {  	[dreg:$0x0] =	wrdreg $0x60  }
0xae: {  	[dreg:$0x2] =	wrdreg s2  }
0xaf: {  	[dreg:$0x3] =	wrdreg s24  }
0xb0: {  	[dreg:$0x4] =	wrdreg $0x185800  }
0xb1: {  	[dreg:$0x5] =	wrdreg $0x9  }
0xb2: {  	_ =	task.clear_ibuf [dreg:s7], $0x6FFFF;
	_ =	strace $0x90000046  }
0xb3: {  	s29 =	simm.s32 $0x9;
	_ =	strace $0x80000048  }
0xb4: {  	_ =	swait.ge [sflag:s29], $0x1  }
0xb5: {  	[sflag:s29] =	ssyncadd.s32 $0xFFFFFFFF  }
0xb6: {  	_ =	strace $0x90000048  }
0xb7: {  	_ =	sfence  }
0xb8: {  	s30 =	sld [smem:$0x0];
	_ =	sdelay $0x2  }
0xb9: {  	s31 =	sshll.u32 s1, $0xD;
	s1 =	sshrl.u32 s1, $0x2  }
0xba: {  	s3 =	sand.u32 $0x4000, s31;
	s1 =	sadd.s32 s1, s30  }
0xbb: {  	s0 =	sor.u32 s3, s0;
	s1 =	sshll.u32 s1, $0x11  }
0xbc: {  	s0 =	sor.u32 s1, s0  }
0xbd: {  	s0 =	sadd.s32 $0x8F2B, s0  }
0xbe: {  	[sflag:s0] =	ssyncadd.remote.s32 $0x1  }
0xbf: {  	_ =	sfence.sel $0xFFFF  }
0xc0: {  	[dreg:$0x0] =	wrdreg $0xFFFFFFFF;
	(pc) =	sbr.abs _section_cstart, $3  }
0xc1: {  	[dreg:$0x1] =	wrdreg $0xFFFFFFFF  }
0xc2: {  	_ =	task.clear_ibuf [dreg:s7], $0x2FFFF;
	_ =	strace $0x9FFFFFFF  }
0xc3: {  	(tm) =	ssettm $0x7FFFFFFF  }
tec
execute0_lowered:
.L_overlay_start_1:
0x0: {  	(tag) =	ssettag $0x1  }
0x1: {  	s0 =	rddreg [dreg:$0x0]  }
0x2: {  	s1 =	rddreg [dreg:$0x1];
	s2 =	srdreg.scid  }
0x3: {  	s4 =	rddreg [dreg:$0x2];
	s11 =	stileid.u32  }
0x4: {  	s28 =	simm.s32 $0x1;
	s30 =	simm.s32 $0x13D80;
	s31 =	simm.s32 $0x9D00  }
0x5: {  	s5 =	sand.u32 $0x1, s2;
	s6 =	sshll.u32 s11, $0xA;
	s9 =	smul.u32 $0x4E20, s11  }
0x6: {  	s26 =	sshll.u32 s11, $0xE;
	s2 =	sshll.u32 s5, $0x4;
	s3 =	sshll.u32 s5, $0xE  }
0x7: {  	s21 =	ssub.s32 $0x2, s5;
	s29 =	smul.u32 $0xFFFFEC78, s5;
	p0 =	seq.s32 s5, $0x0  }
0x8: {  	s7 =	sor.u32 s11, s2;
	s2 =	simm.s32 $0x0;
	s3 =	sor.u32 s6, s3  }
0x9: {  	s9 =	sshrl.u32 s9, $0x3;
	s10 =	sshrl.u32 s21, $0x1;
	s8 =	smul.u32 $0xA00, s7  }
0xa: {  	[smem:$0x7FF] =	sst s2;
	s3 =	sshrl.u32 s3, $0x3;
	s20 =	sshll.u32 s7, $0x1  }
0xb: {  	v0 =	vmov s29;
	s29 =	simm.s32 $0x18180;
	_ =	strace $0x80000047;
	s23 =	sadd.s32 s3, s1  }
0xc: {  	s3 =	sadd.s32 s0, s9;
	s0 =	ssub.s32 s21, s10;
	s9 =	sadd.s32 s6, s4  }
0xd: {  	s8 =	sadd.s32 s8, s1;
	s1 =	sadd.s32 s20, s1;
	s22 =	sadd.s32 $0x9C40, s3  }
0xe: {  	s10 =	sadd.s32 $0x4000, s9;
	s11 =	sadd.s32 $0x8000, s9;
	s12 =	sadd.s32 $0xC000, s9  }
0xf: {  	s13 =	sadd.s32 $0x10000, s9;
	s14 =	sadd.s32 $0x14000, s9;
	s15 =	sadd.s32 $0x18000, s9  }
0x10: {  	s16 =	sadd.s32 $0x1C000, s9;
	s17 =	sadd.s32 $0x20000, s9;
	s18 =	sadd.s32 $0x24000, s9  }
0x11: {  	s19 =	sadd.s32 $0x28000, s9;
	s20 =	sadd.s32 $0x2C000, s9;
	s21 =	sadd.s32 $0x30000, s9  }
0x12: {  	s23 =	sadd.s32 $0x2A00, s23;
	[dreg:$0x4] =	wrdreg s22;
	s24 =	sadd.s32 $0x3A00, s8  }
0x13: {  	s25 =	sadd.s32 $0x17A00, s8;
	s1 =	sadd.s32 $0x2BA00, s1;
	[dreg:$0x5] =	wrdreg s24  }
0x14: {  	s8 =	sadd.s32 s26, s4;
	s22 =	sadd.s32 $0x34000, s9;
	[dreg:$0x6] =	wrdreg s25  }
0x15: {  	v1 =	vimm.f32 $0.0e+00;
	v2 =	vimm.f32 $1.000000000e+00;
	s26 =	sadd.s32 $0x3C000, s9;
	[dreg:$0x7] =	wrdreg s1;
	s24 =	smax.u32 s0, $0x1  }
0x16: {  	v3 =	vimm.s32 $0x0;
	v4 =	vlaneseq.u32;
	v5 =	vimm.s32 $0x1388;
	s25 =	sadd.s32 $0x38000, s9;
	s0 =	simm.s32 $0xED00;
	s1 =	simm.s32 $0x0  }
.LBB2_1:
0x17: {  	[tilespmem:s2], [sflag:$0x1] =	stream.linear.gather [hbm4b:s3+s2], $0x4E20, $0x38;
	[tilespmem:$0x1C580] =	vst v63  }
0x18: {  	_ =	swait.ge [sflag:s28], $0x4E20  }
0x19: {  	[sflag:s28] =	ssyncset.done $0x0  }
0x1a: {  	s5 =	simm.s32 $0x4E80;
	s4 =	rddreg [dreg:$0x4];
	[sflag:s28] =	ssyncadd.s32 $0xFFFFB1E0  }
0x1b: {  	[tilespmem:s5], [sflag:$0x1] =	stream.linear.gather [hbm4b:s4+s2], $0x4E20, $0x38;
	[tilespmem:$0x1C580] =	vst v63  }
0x1c: {  	_ =	swait.ge [sflag:s28], $0x4E20  }
0x1d: {  	[sflag:s28] =	ssyncset.done $0x0  }
0x1e: {  	s4 =	simm.s32 $0x0;
	s5 =	simm.s32 $0x0;
	[sflag:s28] =	ssyncadd.s32 $0xFFFFB1E0  }
.LBB2_2:
0x1f: {  	p1 =	sne.s32 s5, $0xFFC0  }
.Ltmp0:
0x20: {  	_ = 	snop;
	(pc) =	sbr.rel @p1 .LBB2_2-.Ltmp0, $4  }
0x21: {  	s6 =	sand.u32 $0xFE00, s5  }
0x22: {  	s7 =	sand.u32 $0x70, s4;
	s6 =	sshrl.u32 s6, $0x2  }
0x23: {  	s6 =	sor.u32 s7, s6  }
0x24: {  	s4 =	sadd.s32 $0x10, s4;
	s5 =	sadd.s32 $0x40, s5;
	[tilespmem:s6+$0x13D80] =	vst v1  }
0x25: {  	s4 =	simm.s32 $0x0  }
0x26: {  	v6 =	vld [tilespmem:s4+$0x4E80];
	_ =	sdelay $0x4  }
0x27: {  	v7 =	vadd.s32 v0, v6  }
0x28: {  	vm0 =	vlt.u32 v7, $0x1388  }
0x29: {  	v8 =	vsel vm0, $0x1, v3  }
0x2a: {  	(xrf0) =	vadd.scan.msk.s32 $0xffff, v8  }
0x2b: {  	v8 =	vld [tilespmem:s4+$0x0]  }
0x2c: {  	s4 =	simm.s32 $0x0  }
0x2d: {  	v9 =	vmov s4  }
0x2e: {  	v9 =	vadd.s32 $0xFFFFFFFF, v9  }
0x2f: {  	v9 =	vbroadcast v9, $0x0  }
0x30: {  	v6 =	vpsel p0, v8, v6;
	v10, _, _ =	vpop (xrf0)  }
0x31: {  	v9 =	vadd.s32 v10, v9;
	(v2sf) =	vpush v10, $0xF;
	_ =	sdelay $0x3  }
0x32: {  	[tilespmem:v6+s30+$0x0] =	vst.idx.add.f32.msk $0xffff, v2  }
0x33: {  	[tilespmem:v9+s31+$0x0] =	vst.idx.msk vm0, v8  }
0x34: {  	s5 =	simm.s32 $0x10;
	[tilespmem:v9+s0+$0x0] =	vst.idx.msk vm0, v7  }
0x35: {  	v8 =	vld [tilespmem:s5+$0x4E80];
	_ =	sdelay $0x1  }
0x36: {  	v6 =	vld [tilespmem:s5+$0x0];
	_ =	sdelay $0x2  }
0x37: {  	v7 =	vadd.s32 v0, v8  }
0x38: {  	vm0 =	vlt.u32 v7, $0x1388  }
0x39: {  	v8 =	vpsel p0, v6, v8;
	v9 =	vsel vm0, $0x1, v3  }
0x3a: {  	s5 =	simm.s32 $0x80;
	(xrf0) =	vadd.scan.msk.s32 $0xffff, v9;
	s6 =	spop (v2sf)  }
.LBB2_4:
0x3b: {  	p1 =	sne.s32 s5, $0x13840  }
0x3c: {  	s4 =	sadd.s32 s4, s6;
	s6 =	smov.u32 s5;
	s5 =	sadd.s32 $0x40, s5  }
0x3d: {  	v9 =	vmov s4  }
0x3e: {  	[tilespmem:v8+s30+$0x0] =	vst.idx.add.f32.msk $0xffff, v2;
	v8 =	vadd.s32 $0xFFFFFFFF, v9;
	_ =	sdelay $0x1  }
0x3f: {  	v8 =	vbroadcast v8, $0x0  }
0x40: {  	v9, _, _ =	vpop (xrf0)  }
0x41: {  	v8 =	vadd.s32 v9, v8;
	(v2sf) =	vpush v9, $0xF;
	_ =	sdelay $0x4  }
0x42: {  	[tilespmem:v8+s31+$0x0] =	vst.idx.msk vm0, v6  }
0x43: {  	s6 =	sshra.s32 s6, $0x2;
	[tilespmem:v8+s0+$0x0] =	vst.idx.msk vm0, v7  }
0x44: {  	v8 =	vld [tilespmem:s6+$0x4E80]  }
0x45: {  	v6 =	vld [tilespmem:s6+$0x0];
	_ =	sdelay $0x2  }
.Ltmp1:
0x46: {  	(pc) =	sbr.rel @p1 .LBB2_4-.Ltmp1, $4  }
0x47: {  	v7 =	vadd.s32 v0, v8  }
0x48: {  	v8 =	vpsel p0, v6, v8;
	vm0 =	vlt.u32 v7, $0x1388  }
0x49: {  	v9 =	vsel vm0, $0x1, v3  }
0x4a: {  	(xrf0) =	vadd.scan.msk.s32 $0xffff, v9;
	s6 =	spop (v2sf)  }
0x4b: {  	_ =	sdelay $0x4  }
0x4c: {  	v9, _, _ =	vpop (xrf0)  }
0x4d: {  	(v2sf) =	vpush v9, $0xF;
	_ =	sdelay $0x9  }
0x4e: {  	s4 =	sadd.s32 s4, s6  }
0x4f: {  	v10 =	vmov s4  }
0x50: {  	v10 =	vadd.s32 $0xFFFFFFFF, v10  }
0x51: {  	v10 =	vbroadcast v10, $0x0;
	_ =	sdelay $0x1  }
0x52: {  	v9 =	vadd.s32 v9, v10;
	s5 =	spop (v2sf)  }
0x53: {  	s5 =	sadd.s32 s4, s5  }
0x54: {  	v60 =	vadd.s32 s5, v4  }
0x55: {  	s4 =	sadd.s32 $0x10, s5  }
0x56: {  	[tilespmem:v8+s30+$0x0] =	vst.idx.add.f32.msk $0xffff, v2;
	v61 =	vadd.s32 s4, v4  }
0x57: {  	[tilespmem:v9+s31+$0x0] =	vst.idx.msk vm0, v6;
	s7 =	sadd.s32 $0x20, s5  }
0x58: {  	[tilespmem:v9+s0+$0x0] =	vst.idx.msk vm0, v7;
	v6 =	vadd.s32 s7, v4  }
0x59: {  	s6 =	sadd.s32 $0x30, s5;
	[tilespmem:v60+s31+$0x0] =	vst.idx.msk $0xffff, v3  }
0x5a: {  	v7 =	vadd.s32 s6, v4;
	[tilespmem:v60+s0+$0x0] =	vst.idx.msk $0xffff, v5  }
0x5b: {  	s7 =	sadd.s32 $0x40, s5;
	[tilespmem:v61+s31+$0x0] =	vst.idx.msk $0xffff, v3  }
0x5c: {  	v62 =	vadd.s32 s7, v4;
	[tilespmem:v61+s0+$0x0] =	vst.idx.msk $0xffff, v5  }
0x5d: {  	s6 =	sadd.s32 $0x50, s5;
	[tilespmem:v6+s31+$0x0] =	vst.idx.msk $0xffff, v3  }
0x5e: {  	[tilespmem:v6+s0+$0x0] =	vst.idx.msk $0xffff, v5;
	v6 =	vadd.s32 s6, v4  }
0x5f: {  	s7 =	sadd.s32 $0x60, s5;
	[tilespmem:v7+s31+$0x0] =	vst.idx.msk $0xffff, v3  }
0x60: {  	[tilespmem:v7+s0+$0x0] =	vst.idx.msk $0xffff, v5;
	v7 =	vadd.s32 s7, v4  }
0x61: {  	s6 =	sadd.s32 $0x70, s5;
	[tilespmem:v62+s31+$0x0] =	vst.idx.msk $0xffff, v3  }
0x62: {  	v63 =	vadd.s32 s6, v4;
	[tilespmem:v62+s0+$0x0] =	vst.idx.msk $0xffff, v5  }
0x63: {  	[tilespmem:v6+s31+$0x0] =	vst.idx.msk $0xffff, v3  }
0x64: {  	[tilespmem:v6+s0+$0x0] =	vst.idx.msk $0xffff, v5  }
0x65: {  	[tilespmem:v7+s31+$0x0] =	vst.idx.msk $0xffff, v3  }
0x66: {  	[tilespmem:v7+s0+$0x0] =	vst.idx.msk $0xffff, v5  }
0x67: {  	[tilespmem:v63+s31+$0x0] =	vst.idx.msk $0xffff, v3  }
0x68: {  	s4 =	simm.s32 $0x0;
	s7 =	rddreg [dreg:$0x5];
	[tilespmem:v63+s0+$0x0] =	vst.idx.msk $0xffff, v5  }
0x69: {  	[hbm4b:s7+s4] =	stream.linear.scatter [tilespmem:s31], [sflag:$0x1], $0x4F00, $0x38;
	[tilespmem:$0x1C580] =	vst v63  }
0x6a: {  	_ =	swait.ge [sflag:s28], $0x4F00  }
0x6b: {  	[sflag:s28] =	ssyncset.done $0x0  }
0x6c: {  	s7 =	rddreg [dreg:$0x6];
	[sflag:s28] =	ssyncadd.s32 $0xFFFFB100  }
0x6d: {  	[hbm4b:s7+s4] =	stream.linear.scatter [tilespmem:s0], [sflag:$0x1], $0x4F00, $0x38;
	[tilespmem:$0x1C580] =	vst v63  }
0x6e: {  	_ =	swait.ge [sflag:s28], $0x4F00  }
0x6f: {  	[sflag:s28] =	ssyncset.done $0x0  }
0x70: {  	v6 =	vmov s5;
	[sflag:s28] =	ssyncadd.s32 $0xFFFFB100  }
0x71: {  	s7 =	simm.s32 $0x13D00;
	s6 =	rddreg [dreg:$0x7];
	[tilespmem:$0x13D00] =	vst v6  }
0x72: {  	[hbm4b:s6+s4] =	stream.linear.scatter [tilespmem:s7], [sflag:$0x1], $0x10, $0x38;
	[tilespmem:$0x1C580] =	vst v63  }
0x73: {  	_ =	swait.ge [sflag:s28], $0x10  }
0x74: {  	[sflag:s28] =	ssyncset.done $0x0  }
0x75: {  	[sflag:s28] =	ssyncadd.s32 $0xFFFFFFF0  }
0x76: {  	[spmem:s8] =	stream.linear.scatter [tilespmem:s30], [sflag:$0x1], $0x4000, $0x38;
	[tilespmem:$0x1C580] =	vst v63  }
0x77: {  	_ =	swait.ge [sflag:s28], $0x4000  }
0x78: {  	s7 =	sand.u32 $0xE00, s4;
	[sflag:s28] =	ssyncset.done $0x0  }
0x79: {  	s6 =	sand.u32 $0x70, s4;
	s7 =	sshrl.u32 s7, $0x2;
	[sflag:s28] =	ssyncadd.s32 $0xFFFFC000  }
0x7a: {  	s5 =	simm.s32 $0x40;
	s6 =	sor.u32 s6, s7;
	[bflag:$0x0] =	sbarrier.arrive $0xFFFF  }
.LBB2_6:
0x7b: {  	p1 =	sne.s32 s5, $0xFC0  }
0x7c: {  	[tilespmem:s6+$0x17D80] =	vst v1;
	s4 =	sadd.s32 $0x10, s4;
	s6 =	smov.u32 s5;
	s5 =	sadd.s32 $0x40, s5  }
.Ltmp2:
0x7d: {  	(pc) =	sbr.rel @p1 .LBB2_6-.Ltmp2, $4  }
0x7e: {  	_ = 	snop  }
0x7f: {  	s6 =	sand.u32 $0xE00, s6  }
0x80: {  	s7 =	sand.u32 $0x70, s4;
	s6 =	sshrl.u32 s6, $0x2  }
0x81: {  	s6 =	sor.u32 s7, s6  }
0x82: {  	[tilespmem:s6+$0x17D80] =	vst v1  }
0x83: {  	[tilespmem:s29], [sflag:$0x1] =	stream.linear.gather [spmem:s9], $0x400, $0x38;
	[tilespmem:$0x1C580] =	vst v63  }
0x84: {  	_ =	swait.ge [sflag:s28], $0x400  }
0x85: {  	[sflag:s28] =	ssyncset.done $0x0  }
0x86: {  	s4 =	simm.s32 $0x0;
	[sflag:s28] =	ssyncadd.s32 $0xFFFFFC00  }
0x87: {  	s5 =	simm.s32 $0x40;
	v6 =	vld [tilespmem:s4+$0x18180]  }
.LBB2_8:
0x88: {  	p1 =	sne.s32 s5, $0xFC0;
	v7 =	vld [tilespmem:s4+$0x17D80];
	_ =	sdelay $0x2  }
.Ltmp3:
0x89: {  	(pc) =	sbr.rel @p1 .LBB2_8-.Ltmp3, $4  }
0x8a: {  	_ = 	snop  }
0x8b: {  	v7 =	vadd.f32 v6, v7  }
0x8c: {  	s6 =	sshra.s32 s5, $0x2  }
0x8d: {  	s5 =	sadd.s32 $0x40, s5;
	v6 =	vld [tilespmem:s6+$0x18180];
	[tilespmem:s4+$0x17D80] =	vst v7;
	s4 =	smov.u32 s6  }
0x8e: {  	v7 =	vld [tilespmem:s4+$0x17D80];
	_ =	sdelay $0x4  }
0x8f: {  	v6 =	vadd.f32 v6, v7;
	_ =	sdelay $0x1  }
0x90: {  	[tilespmem:s4+$0x17D80] =	vst v6  }
0x91: {  	[tilespmem:s29], [sflag:$0x1] =	stream.linear.gather [spmem:s10], $0x400, $0x38;
	[tilespmem:$0x1C580] =	vst v63  }
0x92: {  	_ =	swait.ge [sflag:s28], $0x400  }
0x93: {  	[sflag:s28] =	ssyncset.done $0x0  }
0x94: {  	s4 =	simm.s32 $0x0;
	[sflag:s28] =	ssyncadd.s32 $0xFFFFFC00  }
0x95: {  	s5 =	simm.s32 $0x40;
	v6 =	vld [tilespmem:s4+$0x18180]  }
.LBB2_10:
0x96: {  	p1 =	sne.s32 s5, $0xFC0;
	v7 =	vld [tilespmem:s4+$0x17D80];
	_ =	sdelay $0x2  }
.Ltmp4:
0x97: {  	(pc) =	sbr.rel @p1 .LBB2_10-.Ltmp4, $4  }
0x98: {  	_ = 	snop  }
0x99: {  	v7 =	vadd.f32 v6, v7  }
0x9a: {  	s6 =	sshra.s32 s5, $0x2  }
0x9b: {  	s5 =	sadd.s32 $0x40, s5;
	v6 =	vld [tilespmem:s6+$0x18180];
	[tilespmem:s4+$0x17D80] =	vst v7;
	s4 =	smov.u32 s6  }
0x9c: {  	v7 =	vld [tilespmem:s4+$0x17D80];
	_ =	sdelay $0x4  }
0x9d: {  	v6 =	vadd.f32 v6, v7;
	_ =	sdelay $0x1  }
0x9e: {  	[tilespmem:s4+$0x17D80] =	vst v6  }
0x9f: {  	[tilespmem:s29], [sflag:$0x1] =	stream.linear.gather [spmem:s11], $0x400, $0x38;
	[tilespmem:$0x1C580] =	vst v63  }
0xa0: {  	_ =	swait.ge [sflag:s28], $0x400  }
0xa1: {  	[sflag:s28] =	ssyncset.done $0x0  }
0xa2: {  	s4 =	simm.s32 $0x0;
	[sflag:s28] =	ssyncadd.s32 $0xFFFFFC00  }
0xa3: {  	s5 =	simm.s32 $0x40;
	v6 =	vld [tilespmem:s4+$0x18180]  }
.LBB2_12:
0xa4: {  	p1 =	sne.s32 s5, $0xFC0;
	v7 =	vld [tilespmem:s4+$0x17D80];
	_ =	sdelay $0x2  }
.Ltmp5:
0xa5: {  	(pc) =	sbr.rel @p1 .LBB2_12-.Ltmp5, $4  }
0xa6: {  	_ = 	snop  }
0xa7: {  	v7 =	vadd.f32 v6, v7  }
0xa8: {  	s6 =	sshra.s32 s5, $0x2  }
0xa9: {  	s5 =	sadd.s32 $0x40, s5;
	v6 =	vld [tilespmem:s6+$0x18180];
	[tilespmem:s4+$0x17D80] =	vst v7;
	s4 =	smov.u32 s6  }
0xaa: {  	v7 =	vld [tilespmem:s4+$0x17D80];
	_ =	sdelay $0x4  }
0xab: {  	v6 =	vadd.f32 v6, v7;
	_ =	sdelay $0x1  }
0xac: {  	[tilespmem:s4+$0x17D80] =	vst v6  }
0xad: {  	[tilespmem:s29], [sflag:$0x1] =	stream.linear.gather [spmem:s12], $0x400, $0x38;
	[tilespmem:$0x1C580] =	vst v63  }
0xae: {  	_ =	swait.ge [sflag:s28], $0x400  }
0xaf: {  	[sflag:s28] =	ssyncset.done $0x0  }
0xb0: {  	s4 =	simm.s32 $0x0;
	[sflag:s28] =	ssyncadd.s32 $0xFFFFFC00  }
0xb1: {  	s5 =	simm.s32 $0x40;
	v6 =	vld [tilespmem:s4+$0x18180]  }
.LBB2_14:
0xb2: {  	p1 =	sne.s32 s5, $0xFC0;
	v7 =	vld [tilespmem:s4+$0x17D80];
	_ =	sdelay $0x2  }
.Ltmp6:
0xb3: {  	(pc) =	sbr.rel @p1 .LBB2_14-.Ltmp6, $4  }
0xb4: {  	_ = 	snop  }
0xb5: {  	v7 =	vadd.f32 v6, v7  }
0xb6: {  	s6 =	sshra.s32 s5, $0x2  }
0xb7: {  	s5 =	sadd.s32 $0x40, s5;
	v6 =	vld [tilespmem:s6+$0x18180];
	[tilespmem:s4+$0x17D80] =	vst v7;
	s4 =	smov.u32 s6  }
0xb8: {  	v7 =	vld [tilespmem:s4+$0x17D80];
	_ =	sdelay $0x4  }
0xb9: {  	v6 =	vadd.f32 v6, v7;
	_ =	sdelay $0x1  }
0xba: {  	[tilespmem:s4+$0x17D80] =	vst v6  }
0xbb: {  	[tilespmem:s29], [sflag:$0x1] =	stream.linear.gather [spmem:s13], $0x400, $0x38;
	[tilespmem:$0x1C580] =	vst v63  }
0xbc: {  	_ =	swait.ge [sflag:s28], $0x400  }
0xbd: {  	[sflag:s28] =	ssyncset.done $0x0  }
0xbe: {  	s4 =	simm.s32 $0x0;
	[sflag:s28] =	ssyncadd.s32 $0xFFFFFC00  }
0xbf: {  	s5 =	simm.s32 $0x40;
	v6 =	vld [tilespmem:s4+$0x18180]  }
.LBB2_16:
0xc0: {  	p1 =	sne.s32 s5, $0xFC0;
	v7 =	vld [tilespmem:s4+$0x17D80];
	_ =	sdelay $0x2  }
.Ltmp7:
0xc1: {  	(pc) =	sbr.rel @p1 .LBB2_16-.Ltmp7, $4  }
0xc2: {  	_ = 	snop  }
0xc3: {  	v7 =	vadd.f32 v6, v7  }
0xc4: {  	s6 =	sshra.s32 s5, $0x2  }
0xc5: {  	s5 =	sadd.s32 $0x40, s5;
	v6 =	vld [tilespmem:s6+$0x18180];
	[tilespmem:s4+$0x17D80] =	vst v7;
	s4 =	smov.u32 s6  }
0xc6: {  	v7 =	vld [tilespmem:s4+$0x17D80];
	_ =	sdelay $0x4  }
0xc7: {  	v6 =	vadd.f32 v6, v7;
	_ =	sdelay $0x1  }
0xc8: {  	[tilespmem:s4+$0x17D80] =	vst v6  }
0xc9: {  	[tilespmem:s29], [sflag:$0x1] =	stream.linear.gather [spmem:s14], $0x400, $0x38;
	[tilespmem:$0x1C580] =	vst v63  }
0xca: {  	_ =	swait.ge [sflag:s28], $0x400  }
0xcb: {  	[sflag:s28] =	ssyncset.done $0x0  }
0xcc: {  	s4 =	simm.s32 $0x0;
	[sflag:s28] =	ssyncadd.s32 $0xFFFFFC00  }
0xcd: {  	s5 =	simm.s32 $0x40;
	v6 =	vld [tilespmem:s4+$0x18180]  }
.LBB2_18:
0xce: {  	p1 =	sne.s32 s5, $0xFC0;
	v7 =	vld [tilespmem:s4+$0x17D80];
	_ =	sdelay $0x2  }
.Ltmp8:
0xcf: {  	(pc) =	sbr.rel @p1 .LBB2_18-.Ltmp8, $4  }
0xd0: {  	_ = 	snop  }
0xd1: {  	v7 =	vadd.f32 v6, v7  }
0xd2: {  	s6 =	sshra.s32 s5, $0x2  }
0xd3: {  	s5 =	sadd.s32 $0x40, s5;
	v6 =	vld [tilespmem:s6+$0x18180];
	[tilespmem:s4+$0x17D80] =	vst v7;
	s4 =	smov.u32 s6  }
0xd4: {  	v7 =	vld [tilespmem:s4+$0x17D80];
	_ =	sdelay $0x4  }
0xd5: {  	v6 =	vadd.f32 v6, v7;
	_ =	sdelay $0x1  }
0xd6: {  	[tilespmem:s4+$0x17D80] =	vst v6  }
0xd7: {  	[tilespmem:s29], [sflag:$0x1] =	stream.linear.gather [spmem:s15], $0x400, $0x38;
	[tilespmem:$0x1C580] =	vst v63  }
0xd8: {  	_ =	swait.ge [sflag:s28], $0x400  }
0xd9: {  	[sflag:s28] =	ssyncset.done $0x0  }
0xda: {  	s4 =	simm.s32 $0x0;
	[sflag:s28] =	ssyncadd.s32 $0xFFFFFC00  }
0xdb: {  	s5 =	simm.s32 $0x40;
	v6 =	vld [tilespmem:s4+$0x18180]  }
.LBB2_20:
0xdc: {  	p1 =	sne.s32 s5, $0xFC0;
	v7 =	vld [tilespmem:s4+$0x17D80];
	_ =	sdelay $0x2  }
.Ltmp9:
0xdd: {  	(pc) =	sbr.rel @p1 .LBB2_20-.Ltmp9, $4  }
0xde: {  	_ = 	snop  }
0xdf: {  	v7 =	vadd.f32 v6, v7  }
0xe0: {  	s6 =	sshra.s32 s5, $0x2  }
0xe1: {  	s5 =	sadd.s32 $0x40, s5;
	v6 =	vld [tilespmem:s6+$0x18180];
	[tilespmem:s4+$0x17D80] =	vst v7;
	s4 =	smov.u32 s6  }
0xe2: {  	v7 =	vld [tilespmem:s4+$0x17D80];
	_ =	sdelay $0x4  }
0xe3: {  	v6 =	vadd.f32 v6, v7;
	_ =	sdelay $0x1  }
0xe4: {  	[tilespmem:s4+$0x17D80] =	vst v6  }
0xe5: {  	[tilespmem:s29], [sflag:$0x1] =	stream.linear.gather [spmem:s16], $0x400, $0x38;
	[tilespmem:$0x1C580] =	vst v63  }
0xe6: {  	_ =	swait.ge [sflag:s28], $0x400  }
0xe7: {  	[sflag:s28] =	ssyncset.done $0x0  }
0xe8: {  	s4 =	simm.s32 $0x0;
	[sflag:s28] =	ssyncadd.s32 $0xFFFFFC00  }
0xe9: {  	s5 =	simm.s32 $0x40;
	v6 =	vld [tilespmem:s4+$0x18180]  }
.LBB2_22:
0xea: {  	p1 =	sne.s32 s5, $0xFC0;
	v7 =	vld [tilespmem:s4+$0x17D80];
	_ =	sdelay $0x2  }
.Ltmp10:
0xeb: {  	(pc) =	sbr.rel @p1 .LBB2_22-.Ltmp10, $4  }
0xec: {  	_ = 	snop  }
0xed: {  	v7 =	vadd.f32 v6, v7  }
0xee: {  	s6 =	sshra.s32 s5, $0x2  }
0xef: {  	s5 =	sadd.s32 $0x40, s5;
	v6 =	vld [tilespmem:s6+$0x18180];
	[tilespmem:s4+$0x17D80] =	vst v7;
	s4 =	smov.u32 s6  }
0xf0: {  	v7 =	vld [tilespmem:s4+$0x17D80];
	_ =	sdelay $0x4  }
0xf1: {  	v6 =	vadd.f32 v6, v7;
	_ =	sdelay $0x1  }
0xf2: {  	[tilespmem:s4+$0x17D80] =	vst v6  }
0xf3: {  	[tilespmem:s29], [sflag:$0x1] =	stream.linear.gather [spmem:s17], $0x400, $0x38;
	[tilespmem:$0x1C580] =	vst v63  }
0xf4: {  	_ =	swait.ge [sflag:s28], $0x400  }
0xf5: {  	[sflag:s28] =	ssyncset.done $0x0  }
0xf6: {  	s4 =	simm.s32 $0x0;
	[sflag:s28] =	ssyncadd.s32 $0xFFFFFC00  }
0xf7: {  	s5 =	simm.s32 $0x40;
	v6 =	vld [tilespmem:s4+$0x18180]  }
.LBB2_24:
0xf8: {  	p1 =	sne.s32 s5, $0xFC0;
	v7 =	vld [tilespmem:s4+$0x17D80];
	_ =	sdelay $0x2  }
.Ltmp11:
0xf9: {  	(pc) =	sbr.rel @p1 .LBB2_24-.Ltmp11, $4  }
0xfa: {  	_ = 	snop  }
0xfb: {  	v7 =	vadd.f32 v6, v7  }
0xfc: {  	s6 =	sshra.s32 s5, $0x2  }
0xfd: {  	s5 =	sadd.s32 $0x40, s5;
	v6 =	vld [tilespmem:s6+$0x18180];
	[tilespmem:s4+$0x17D80] =	vst v7;
	s4 =	smov.u32 s6  }
0xfe: {  	v7 =	vld [tilespmem:s4+$0x17D80];
	_ =	sdelay $0x4  }
0xff: {  	v6 =	vadd.f32 v6, v7;
	_ =	sdelay $0x1  }
0x100: {  	[tilespmem:s4+$0x17D80] =	vst v6  }
0x101: {  	[tilespmem:s29], [sflag:$0x1] =	stream.linear.gather [spmem:s18], $0x400, $0x38;
	[tilespmem:$0x1C580] =	vst v63  }
0x102: {  	_ =	swait.ge [sflag:s28], $0x400  }
0x103: {  	[sflag:s28] =	ssyncset.done $0x0  }
0x104: {  	s4 =	simm.s32 $0x0;
	[sflag:s28] =	ssyncadd.s32 $0xFFFFFC00  }
0x105: {  	s5 =	simm.s32 $0x40;
	v6 =	vld [tilespmem:s4+$0x18180]  }
.LBB2_26:
0x106: {  	p1 =	sne.s32 s5, $0xFC0;
	v7 =	vld [tilespmem:s4+$0x17D80];
	_ =	sdelay $0x2  }
.Ltmp12:
0x107: {  	(pc) =	sbr.rel @p1 .LBB2_26-.Ltmp12, $4  }
0x108: {  	_ = 	snop  }
0x109: {  	v7 =	vadd.f32 v6, v7  }
0x10a: {  	s6 =	sshra.s32 s5, $0x2  }
0x10b: {  	s5 =	sadd.s32 $0x40, s5;
	v6 =	vld [tilespmem:s6+$0x18180];
	[tilespmem:s4+$0x17D80] =	vst v7;
	s4 =	smov.u32 s6  }
0x10c: {  	v7 =	vld [tilespmem:s4+$0x17D80];
	_ =	sdelay $0x4  }
0x10d: {  	v6 =	vadd.f32 v6, v7;
	_ =	sdelay $0x1  }
0x10e: {  	[tilespmem:s4+$0x17D80] =	vst v6  }
0x10f: {  	[tilespmem:s29], [sflag:$0x1] =	stream.linear.gather [spmem:s19], $0x400, $0x38;
	[tilespmem:$0x1C580] =	vst v63  }
0x110: {  	_ =	swait.ge [sflag:s28], $0x400  }
0x111: {  	[sflag:s28] =	ssyncset.done $0x0  }
0x112: {  	s4 =	simm.s32 $0x0;
	[sflag:s28] =	ssyncadd.s32 $0xFFFFFC00  }
0x113: {  	s5 =	simm.s32 $0x40;
	v6 =	vld [tilespmem:s4+$0x18180]  }
.LBB2_28:
0x114: {  	p1 =	sne.s32 s5, $0xFC0;
	v7 =	vld [tilespmem:s4+$0x17D80];
	_ =	sdelay $0x2  }
.Ltmp13:
0x115: {  	(pc) =	sbr.rel @p1 .LBB2_28-.Ltmp13, $4  }
0x116: {  	_ = 	snop  }
0x117: {  	v7 =	vadd.f32 v6, v7  }
0x118: {  	s6 =	sshra.s32 s5, $0x2  }
0x119: {  	s5 =	sadd.s32 $0x40, s5;
	v6 =	vld [tilespmem:s6+$0x18180];
	[tilespmem:s4+$0x17D80] =	vst v7;
	s4 =	smov.u32 s6  }
0x11a: {  	v7 =	vld [tilespmem:s4+$0x17D80];
	_ =	sdelay $0x4  }
0x11b: {  	v6 =	vadd.f32 v6, v7;
	_ =	sdelay $0x1  }
0x11c: {  	[tilespmem:s4+$0x17D80] =	vst v6  }
0x11d: {  	[tilespmem:s29], [sflag:$0x1] =	stream.linear.gather [spmem:s20], $0x400, $0x38;
	[tilespmem:$0x1C580] =	vst v63  }
0x11e: {  	_ =	swait.ge [sflag:s28], $0x400  }
0x11f: {  	[sflag:s28] =	ssyncset.done $0x0  }
0x120: {  	s4 =	simm.s32 $0x0;
	[sflag:s28] =	ssyncadd.s32 $0xFFFFFC00  }
0x121: {  	s5 =	simm.s32 $0x40;
	v6 =	vld [tilespmem:s4+$0x18180]  }
.LBB2_30:
0x122: {  	p1 =	sne.s32 s5, $0xFC0;
	v7 =	vld [tilespmem:s4+$0x17D80];
	_ =	sdelay $0x2  }
.Ltmp14:
0x123: {  	(pc) =	sbr.rel @p1 .LBB2_30-.Ltmp14, $4  }
0x124: {  	_ = 	snop  }
0x125: {  	v7 =	vadd.f32 v6, v7  }
0x126: {  	s6 =	sshra.s32 s5, $0x2  }
0x127: {  	s5 =	sadd.s32 $0x40, s5;
	v6 =	vld [tilespmem:s6+$0x18180];
	[tilespmem:s4+$0x17D80] =	vst v7;
	s4 =	smov.u32 s6  }
0x128: {  	v7 =	vld [tilespmem:s4+$0x17D80];
	_ =	sdelay $0x4  }
0x129: {  	v6 =	vadd.f32 v6, v7;
	_ =	sdelay $0x1  }
0x12a: {  	[tilespmem:s4+$0x17D80] =	vst v6  }
0x12b: {  	[tilespmem:s29], [sflag:$0x1] =	stream.linear.gather [spmem:s21], $0x400, $0x38;
	[tilespmem:$0x1C580] =	vst v63  }
0x12c: {  	_ =	swait.ge [sflag:s28], $0x400  }
0x12d: {  	[sflag:s28] =	ssyncset.done $0x0  }
0x12e: {  	s4 =	simm.s32 $0x0;
	[sflag:s28] =	ssyncadd.s32 $0xFFFFFC00  }
0x12f: {  	s5 =	simm.s32 $0x40;
	v6 =	vld [tilespmem:s4+$0x18180]  }
.LBB2_32:
0x130: {  	p1 =	sne.s32 s5, $0xFC0;
	v7 =	vld [tilespmem:s4+$0x17D80];
	_ =	sdelay $0x2  }
.Ltmp15:
0x131: {  	(pc) =	sbr.rel @p1 .LBB2_32-.Ltmp15, $4  }
0x132: {  	_ = 	snop  }
0x133: {  	v7 =	vadd.f32 v6, v7  }
0x134: {  	s6 =	sshra.s32 s5, $0x2  }
0x135: {  	s5 =	sadd.s32 $0x40, s5;
	v6 =	vld [tilespmem:s6+$0x18180];
	[tilespmem:s4+$0x17D80] =	vst v7;
	s4 =	smov.u32 s6  }
0x136: {  	v7 =	vld [tilespmem:s4+$0x17D80];
	_ =	sdelay $0x4  }
0x137: {  	v6 =	vadd.f32 v6, v7;
	_ =	sdelay $0x1  }
0x138: {  	[tilespmem:s4+$0x17D80] =	vst v6  }
0x139: {  	[tilespmem:s29], [sflag:$0x1] =	stream.linear.gather [spmem:s22], $0x400, $0x38;
	[tilespmem:$0x1C580] =	vst v63  }
0x13a: {  	_ =	swait.ge [sflag:s28], $0x400  }
0x13b: {  	[sflag:s28] =	ssyncset.done $0x0  }
0x13c: {  	s4 =	simm.s32 $0x0;
	[sflag:s28] =	ssyncadd.s32 $0xFFFFFC00  }
0x13d: {  	s5 =	simm.s32 $0x40;
	v6 =	vld [tilespmem:s4+$0x18180]  }
.LBB2_34:
0x13e: {  	p1 =	sne.s32 s5, $0xFC0;
	v7 =	vld [tilespmem:s4+$0x17D80];
	_ =	sdelay $0x2  }
.Ltmp16:
0x13f: {  	(pc) =	sbr.rel @p1 .LBB2_34-.Ltmp16, $4  }
0x140: {  	_ = 	snop  }
0x141: {  	v7 =	vadd.f32 v6, v7  }
0x142: {  	s6 =	sshra.s32 s5, $0x2  }
0x143: {  	s5 =	sadd.s32 $0x40, s5;
	v6 =	vld [tilespmem:s6+$0x18180];
	[tilespmem:s4+$0x17D80] =	vst v7;
	s4 =	smov.u32 s6  }
0x144: {  	v7 =	vld [tilespmem:s4+$0x17D80];
	_ =	sdelay $0x4  }
0x145: {  	v6 =	vadd.f32 v6, v7;
	_ =	sdelay $0x1  }
0x146: {  	[tilespmem:s4+$0x17D80] =	vst v6  }
0x147: {  	[tilespmem:s29], [sflag:$0x1] =	stream.linear.gather [spmem:s25], $0x400, $0x38;
	[tilespmem:$0x1C580] =	vst v63  }
0x148: {  	_ =	swait.ge [sflag:s28], $0x400  }
0x149: {  	[sflag:s28] =	ssyncset.done $0x0  }
0x14a: {  	s4 =	simm.s32 $0x0;
	[sflag:s28] =	ssyncadd.s32 $0xFFFFFC00  }
0x14b: {  	s5 =	simm.s32 $0x40;
	v6 =	vld [tilespmem:s4+$0x18180]  }
.LBB2_36:
0x14c: {  	p1 =	sne.s32 s5, $0xFC0;
	v7 =	vld [tilespmem:s4+$0x17D80];
	_ =	sdelay $0x2  }
.Ltmp17:
0x14d: {  	(pc) =	sbr.rel @p1 .LBB2_36-.Ltmp17, $4  }
0x14e: {  	_ = 	snop  }
0x14f: {  	v7 =	vadd.f32 v6, v7  }
0x150: {  	s6 =	sshra.s32 s5, $0x2  }
0x151: {  	s5 =	sadd.s32 $0x40, s5;
	v6 =	vld [tilespmem:s6+$0x18180];
	[tilespmem:s4+$0x17D80] =	vst v7;
	s4 =	smov.u32 s6  }
0x152: {  	v7 =	vld [tilespmem:s4+$0x17D80];
	_ =	sdelay $0x4  }
0x153: {  	v6 =	vadd.f32 v6, v7;
	_ =	sdelay $0x1  }
0x154: {  	[tilespmem:s4+$0x17D80] =	vst v6  }
0x155: {  	[tilespmem:s29], [sflag:$0x1] =	stream.linear.gather [spmem:s26], $0x400, $0x38;
	[tilespmem:$0x1C580] =	vst v63  }
0x156: {  	_ =	swait.ge [sflag:s28], $0x400  }
0x157: {  	[sflag:s28] =	ssyncset.done $0x0  }
0x158: {  	s4 =	simm.s32 $0x0;
	[sflag:s28] =	ssyncadd.s32 $0xFFFFFC00  }
0x159: {  	s5 =	simm.s32 $0x40;
	v6 =	vld [tilespmem:s4+$0x18180]  }
.LBB2_38:
0x15a: {  	p1 =	sne.s32 s5, $0xFC0;
	v7 =	vld [tilespmem:s4+$0x17D80];
	_ =	sdelay $0x2  }
.Ltmp18:
0x15b: {  	(pc) =	sbr.rel @p1 .LBB2_38-.Ltmp18, $4  }
0x15c: {  	_ = 	snop  }
0x15d: {  	v7 =	vadd.f32 v6, v7  }
0x15e: {  	s6 =	sshra.s32 s5, $0x2  }
0x15f: {  	s5 =	sadd.s32 $0x40, s5;
	v6 =	vld [tilespmem:s6+$0x18180];
	[tilespmem:s4+$0x17D80] =	vst v7;
	s4 =	smov.u32 s6  }
0x160: {  	v7 =	vld [tilespmem:s4+$0x17D80];
	_ =	sdelay $0x4  }
0x161: {  	s1 =	sadd.s32 $0x1, s1;
	v6 =	vadd.f32 v6, v7  }
0x162: {  	p1 =	sne.s32 s1, s24  }
.Ltmp19:
0x163: {  	s7 =	simm.s32 $0x17D80;
	[tilespmem:s4+$0x17D80] =	vst v6;
	(pc) =	sbr.rel @p1 .LBB2_1-.Ltmp19, $4  }
0x164: {  	[hbm4b:s23+s2] =	stream.linear.scatter [tilespmem:s7], [sflag:$0x1], $0x400, $0x38;
	[tilespmem:$0x1C580] =	vst v63  }
0x165: {  	_ =	swait.ge [sflag:s28], $0x400  }
0x166: {  	[sflag:s28] =	ssyncset.done $0x0  }
0x167: {  	[sflag:s28] =	ssyncadd.s32 $0xFFFFFC00  }
0x168: {  	_ =	sfence.sel $0x180000  }
0x169: {  	[bflag:$0x0] =	sbarrier.arrive $0xFFFF  }
0x16a: {  	_ =	strace $0x90000047  }
0x16b: {  	s0 =	stileid.u32;
	[bflag:$0x2] =	sbarrier.arrive $0xFFFF  }
0x16c: {  	p0 =	sne.s32 s0, $0x0;
	s0 =	rddreg [dreg:$0x3]  }
0x16d: {  	s0 =	sadd.s32 @!p0 $0x100000, s0  }
0x16e: {  	[sflag:s0] =	ssyncadd.tile.s32 @!p0 $0x1;
	_ =	shalt  }
.Lfunc_end2:
_tile_overlayer_lowered:
.L_overlay_start_2:
0x16f: {  	(tag) =	ssettag $0x2  }
0x170: {  	s0 =	rddreg [dreg:$0x0];
	s2 =	stileid.u32  }
0x171: {  	s1 =	rddreg [dreg:$0x1];
	p0 =	sne.s32 s2, $0x0  }
0x172: {  	s3 =	rddreg [dreg:$0x2];
	[bflag:$0x3] =	sbarrier.arrive $0xFFFF;
	s2 =	simm.s32 @!p0 $0x1C01  }
0x173: {  	[timem:s3], [sflag:s2] =	dma.local @!p0 [hbm:s0], s1  }
0x174: {  	s0 =	simm.s32 @!p0 $0x1  }
0x175: {  	_ =	swait.ge @!p0 [sflag:s0], s1  }
0x176: {  	s1 =	ssub.s32 @!p0 $0x0, s1;
	[sflag:s0] =	ssyncset.done @!p0 $0x0  }
0x177: {  	[sflag:s0] =	ssyncadd.s32 @!p0 s1  }
0x178: {  	[bflag:$0x3] =	sbarrier.arrive $0xFFFF  }
0x179: {  	_ =	shalt  }

</sc_bundles>
